<compile_context>
chip_gen: v7x
topology: tpu7x:2x2x1
jax: 0.10.2.dev20260603
libtpu: 0.0.44.dev20260713+nightly
codegen_flags: <defaults>
</compile_context>

<pallas_src>
import functools

import jax
import jax.numpy as jnp
from jax import lax
from jax.experimental import pallas as pl
from jax.experimental.pallas import tpu as pltpu
from jax.experimental.pallas import tpu_sc as plsc

N = 10000
E = 640000
HC = 128
HALF = 64
NSUB = 16
B = 128
NBATCH = E // B
RT = 400
NPERS = 640
ACCN = NSUB * NPERS
EPS = 1e-16



def _prep_body(do_relu, x0_ref, x1_ref, wt_ref, b_ref, al_ref, ar_ref, g_ref, arr_ref):
    c = pl.program_id(0)
    xb = jnp.concatenate([x0_ref[...], x1_ref[...]], axis=1)
    if do_relu:
        xb = jnp.maximum(xb, 0.0)
    xl = jnp.dot(xb, wt_ref[...], preferred_element_type=jnp.float32) + b_ref[...]
    al = al_ref[...] * xl
    ar = ar_ref[...] * xl
    al_h = jnp.where(c == 0, al[:, :HALF], al[:, HALF:])
    xl_h = jnp.where(c == 0, xl[:, :HALF], xl[:, HALF:])
    ar_h = jnp.where(c == 0, ar[:, :HALF], ar[:, HALF:])
    g_ref[...] = jnp.concatenate([al_h, xl_h], axis=1)
    arr_ref[...] = ar_h


def _make_prep(do_relu):
    nb = N // RT
    return pl.pallas_call(
        functools.partial(_prep_body, do_relu),
        grid=(2, nb),
        in_specs=[
            pl.BlockSpec((RT, HALF), lambda c, i: (i, 0)),
            pl.BlockSpec((RT, HALF), lambda c, i: (i, 0)),
            pl.BlockSpec((HC, HC), lambda c, i: (0, 0)),
            pl.BlockSpec((1, HC), lambda c, i: (0, 0)),
            pl.BlockSpec((1, HC), lambda c, i: (0, 0)),
            pl.BlockSpec((1, HC), lambda c, i: (0, 0)),
        ],
        out_specs=[
            pl.BlockSpec((RT, HC), lambda c, i: (c * nb + i, 0)),
            pl.BlockSpec((RT, HALF), lambda c, i: (c * nb + i, 0)),
        ],
        out_shape=[
            jax.ShapeDtypeStruct((2 * N, HC), jnp.float32),
            jax.ShapeDtypeStruct((2 * N, HALF), jnp.float32),
        ],
    )


_prep_nr = _make_prep(False)
_prep_r = _make_prep(True)



def _edge_body(g_hbm, arr_hbm, src_hbm, dst_hbm, zero_hbm, out_hbm,
               src_v, dst_v, srcg_v, dstg_v, rows_v, ar_v, contrib_v,
               acc_sh, sem1, sem2):
    c = lax.axis_index("c")
    s = lax.axis_index("s")
    cn = c * N

    pltpu.sync_copy(zero_hbm, acc_sh.at[pl.ds(s * NPERS, NPERS)])
    plsc.subcore_barrier()

    def do_batch(b):
        eoff = pl.multiple_of(b * B, B)
        pltpu.sync_copy(src_hbm.at[pl.ds(eoff, B)], src_v)
        pltpu.sync_copy(dst_hbm.at[pl.ds(eoff, B)], dst_v)
        for k in range(B // 16):
            sl = pl.ds(k * 16, 16)
            srcg_v[sl] = src_v[sl] + cn
            dstg_v[sl] = dst_v[sl] + cn
        cp1 = pltpu.async_copy(g_hbm.at[srcg_v], rows_v, sem1)
        cp2 = pltpu.async_copy(arr_hbm.at[dstg_v], ar_v, sem2)
        cp1.wait()
        cp2.wait()

        def edge(e, carry):
            for k in range(HALF // 16):
                sl = pl.ds(k * 16, 16)
                sl2 = pl.ds(HALF + k * 16, 16)
                a = rows_v[e, sl] + ar_v[e, sl]
                ew = jnp.exp(jnp.maximum(a, 0.2 * a))
                contrib_v[e, sl] = rows_v[e, sl2] * ew
                contrib_v[e, sl2] = ew
            return carry

        lax.fori_loop(0, B, edge, 0, unroll=2)
        pltpu.sync_copy(contrib_v, acc_sh.at[dst_v], add=True)

    def loop_body(i, carry):
        do_batch(i * NSUB + s)
        return carry

    nfull = NBATCH // NSUB
    lax.fori_loop(0, nfull, loop_body, 0)
    rem = NBATCH - nfull * NSUB

    @pl.when(s < rem)
    def _():
        do_batch(nfull * NSUB + s)

    plsc.subcore_barrier()

    ch = 80

    def fin(j, carry):
        n0 = s * NPERS + j * ch

        @pl.when(n0 < N)
        def _():
            pltpu.sync_copy(acc_sh.at[pl.ds(n0, ch)], rows_v.at[pl.ds(0, ch)])

            def frow(r, carry2):
                for k in range(HALF // 16):
                    sl = pl.ds(k * 16, 16)
                    sl2 = pl.ds(HALF + k * 16, 16)
                    contrib_v[r, sl] = rows_v[r, sl] / (rows_v[r, sl2] + EPS)
                return carry2

            lax.fori_loop(0, ch, frow, 0, unroll=2)
            pltpu.sync_copy(contrib_v.at[pl.ds(0, ch), pl.ds(0, HALF)],
                            out_hbm.at[c, pl.ds(n0, ch), :])
        return carry

    lax.fori_loop(0, NPERS // ch, fin, 0)


_edge_call = pl.kernel(
    _edge_body,
    out_type=jax.ShapeDtypeStruct((2, N, HALF), jnp.float32),
    mesh=plsc.VectorSubcoreMesh(core_axis_name="c", subcore_axis_name="s"),
    compiler_params=pltpu.CompilerParams(use_tc_tiling_on_sc=False),
    scratch_types=[
        pltpu.VMEM((B,), jnp.int32),
        pltpu.VMEM((B,), jnp.int32),
        pltpu.VMEM((B,), jnp.int32),
        pltpu.VMEM((B,), jnp.int32),
        pltpu.VMEM((B, HC), jnp.float32),
        pltpu.VMEM((B, HALF), jnp.float32),
        pltpu.VMEM((B, HC), jnp.float32),
        pltpu.VMEM_SHARED((ACCN, HC), jnp.float32),
        pltpu.SemaphoreType.DMA,
        pltpu.SemaphoreType.DMA,
    ],
)



def _head_body(h0_ref, h1_ref, w1t_ref, b1_ref, w2t_ref, b2_ref, o_ref):
    hb = jnp.maximum(jnp.concatenate([h0_ref[...], h1_ref[...]], axis=1), 0.0)
    t = jnp.dot(hb, w1t_ref[...], preferred_element_type=jnp.float32) + b1_ref[...]
    t = jnp.dot(t, w2t_ref[...], preferred_element_type=jnp.float32) + b2_ref[...]
    m = jnp.max(t, axis=1, keepdims=True)
    u = t - m
    lse = jnp.log(jnp.sum(jnp.exp(u), axis=1, keepdims=True))
    o_ref[...] = u - lse


_head_call = pl.pallas_call(
    _head_body,
    grid=(N // RT,),
    in_specs=[
        pl.BlockSpec((RT, HALF), lambda i: (i, 0)),
        pl.BlockSpec((RT, HALF), lambda i: (i, 0)),
        pl.BlockSpec((HC, HALF), lambda i: (0, 0)),
        pl.BlockSpec((1, HALF), lambda i: (0, 0)),
        pl.BlockSpec((HALF, HC), lambda i: (0, 0)),
        pl.BlockSpec((1, HC), lambda i: (0, 0)),
    ],
    out_specs=pl.BlockSpec((RT, HC), lambda i: (i, 0)),
    out_shape=jax.ShapeDtypeStruct((N, HC), jnp.float32),
)



def kernel(x, edge_index, batch, W1, b1, attl1, attr1, W2, b2, attl2, attr2,
           pW1, pb1, pW2, pb2):
    src = edge_index[0].astype(jnp.int32)
    dst = edge_index[1].astype(jnp.int32)
    zeros = jnp.zeros((NPERS, HC), jnp.float32)

    g1, arr1 = _prep_nr(x[:, :HALF], x[:, HALF:], W1.T, b1[None, :],
                        attl1.reshape(1, HC), attr1.reshape(1, HC))
    h1 = _edge_call(g1, arr1, src, dst, zeros)
    g2, arr2 = _prep_r(h1[0], h1[1], W2.T, b2[None, :],
                       attl2.reshape(1, HC), attr2.reshape(1, HC))
    h2 = _edge_call(g2, arr2, src, dst, zeros)
    return _head_call(h2[0], h2[1], pW1.T, pb1[None, :], pW2.T, pb2[None, :])

# --- scband reference (transcript-rebuilt; emitter-appended) ---
"""Pipeline reference for scband-gnnstack-5506148073840 (READ-ONLY COPY).

The authoritative reference and input builder live on the scoring server;
editing this copy changes nothing except your own understanding.
"""

import jax, jax.numpy as jnp
import numpy as np

N = 10000
E = 640000
D_IN = 128
H = 2
C = 64
OUT = 128


def _gat_layer(x, W, b, att_l, att_r, src, dst, n_nodes, heads, ch):
    # lin_l and lin_r are the SAME module in the torch code
    xl = (x @ W.T + b).reshape(-1, heads, ch)
    xr = xl
    al = att_l[None, :, :] * xl
    ar = att_r[None, :, :] * xr
    x_j = xl[src]
    a_j = al[src]
    a_i = ar[dst]
    e = jax.nn.leaky_relu(a_i + a_j, negative_slope=0.2)
    # segment softmax over edges grouped by dst node
    m = jax.ops.segment_max(e, dst, num_segments=n_nodes)
    m = jnp.where(jnp.isfinite(m), m, 0.0)
    e = jnp.exp(e - m[dst])
    s = jax.ops.segment_sum(e, dst, num_segments=n_nodes)
    alpha = e / (s[dst] + 1e-16)
    msg = x_j * alpha
    out = jax.ops.segment_sum(msg, dst, num_segments=n_nodes)
    return out.reshape(-1, heads * ch)


def setup_inputs(seed: int = 0) -> dict:
    key = jax.random.key(seed)
    ks = jax.random.split(key, 16)
    x = jax.random.normal(ks[0], (N, D_IN), dtype=jnp.float32)
    edge_index = jax.random.randint(ks[1], (2, E), 0, N, dtype=jnp.int64)
    batch = jnp.zeros((N,), dtype=jnp.int64)
    # layer 1: in=128 -> heads*hidden = 2*64
    W1 = jax.random.normal(ks[2], (H * C, D_IN), dtype=jnp.float32) * (1.0 / np.sqrt(D_IN))
    b1 = jnp.zeros((H * C,), dtype=jnp.float32)
    attl1 = jax.random.normal(ks[3], (H, C), dtype=jnp.float32) * 0.1
    attr1 = jax.random.normal(ks[4], (H, C), dtype=jnp.float32) * 0.1
    # layer 2: in=heads*hidden=128 -> heads*hidden
    W2 = jax.random.normal(ks[5], (H * C, H * C), dtype=jnp.float32) * (1.0 / np.sqrt(H * C))
    b2 = jnp.zeros((H * C,), dtype=jnp.float32)
    attl2 = jax.random.normal(ks[6], (H, C), dtype=jnp.float32) * 0.1
    attr2 = jax.random.normal(ks[7], (H, C), dtype=jnp.float32) * 0.1
    # post_mp: Linear(H*C, hidden) -> Linear(hidden, output_dim)
    pW1 = jax.random.normal(ks[8], (C, H * C), dtype=jnp.float32) * (1.0 / np.sqrt(H * C))
    pb1 = jnp.zeros((C,), dtype=jnp.float32)
    pW2 = jax.random.normal(ks[9], (OUT, C), dtype=jnp.float32) * (1.0 / np.sqrt(C))
    pb2 = jnp.zeros((OUT,), dtype=jnp.float32)
    return {
        "x": x, "edge_index": edge_index, "batch": batch,
        "W1": W1, "b1": b1, "attl1": attl1, "attr1": attr1,
        "W2": W2, "b2": b2, "attl2": attl2, "attr2": attr2,
        "pW1": pW1, "pb1": pb1, "pW2": pW2, "pb2": pb2,
    }


def reference(x, edge_index, batch, W1, b1, attl1, attr1, W2, b2, attl2, attr2, pW1, pb1, pW2, pb2):
    src = edge_index[0]
    dst = edge_index[1]
    h = _gat_layer(x, W1, b1, attl1, attr1, src, dst, N, H, C)
    h = jax.nn.relu(h)
    h = _gat_layer(h, W2, b2, attl2, attr2, src, dst, N, H, C)
    h = jax.nn.relu(h)
    h = h @ pW1.T + pb1
    h = h @ pW2.T + pb2
    return jax.nn.log_softmax(h, axis=1)

if __name__ == "__main__":
    import jax
    _d = setup_inputs()
    print(jax.jit(kernel)(*tuple(_d.values())))

</pallas_src>

<mosaic_0001>
#map = affine_map<(d0, d1) -> (0, 0)>
#map1 = affine_map<(d0, d1) -> (0)>
#map2 = affine_map<(d0, d1) -> (0, 0, 0)>
module attributes {stable_mosaic.version = 14 : i64} {
  func.func @_edge_body(%arg0: i32, %arg1: i32, %arg2: memref<20000x128xf32, #tpu.memory_space<hbm>>, %arg3: memref<20000x64xf32, #tpu.memory_space<hbm>>, %arg4: memref<640000xi32, #tpu.memory_space<hbm>>, %arg5: memref<640000xi32, #tpu.memory_space<hbm>>, %arg6: memref<640x128xf32, #tpu.memory_space<hbm>>, %arg7: memref<2x10000x64xf32, #tpu.memory_space<hbm>>, %arg8: memref<128xi32, #tpu.memory_space<vmem>>, %arg9: memref<128xi32, #tpu.memory_space<vmem>>, %arg10: memref<128xi32, #tpu.memory_space<vmem>>, %arg11: memref<128xi32, #tpu.memory_space<vmem>>, %arg12: memref<128x128xf32, #tpu.memory_space<vmem>>, %arg13: memref<128x64xf32, #tpu.memory_space<vmem>>, %arg14: memref<128x128xf32, #tpu.memory_space<vmem>>, %arg15: memref<10240x128xf32, #tpu.memory_space<vmem_shared>>, %arg16: memref<!tpu.dma_semaphore, #tpu.memory_space<semaphore_mem>>, %arg17: memref<!tpu.dma_semaphore, #tpu.memory_space<semaphore_mem>>) attributes {dimension_semantics = [#tpu.dimension_semantics<core_parallel>, #tpu.dimension_semantics<subcore_parallel>], iteration_bounds = array<i64: 2, 16>, scalar_prefetch = 0 : i64, scratch_operands = 10 : i64, tpu.core_type = #tpu.core_type<sc_vector_subcore>, window_params = [{transform_indices = #map}, {transform_indices = #map}, {transform_indices = #map1}, {transform_indices = #map1}, {transform_indices = #map}, {transform_indices = #map2}]} {
    %mul3A = arith.constant 10000 : i32
    %mul3A_0 = arith.muli %arg0, %mul3A : i32
    %mul3A_1 = arith.constant 640 : i32
    %mul3A_2 = arith.muli %arg1, %mul3A_1 : i32
    "tpu.region"() ({
      %run_scoped3A = tpu.sem_alloc : memref<!tpu.dma_semaphore, #tpu.memory_space<semaphore_mem>>
      %dma_start3A = arith.constant 0 : i32
      %dma_start3A_17 = tpu.memref_slice %arg15[%mul3A_2, %dma_start3A] : memref<10240x128xf32, #tpu.memory_space<vmem_shared>> -> memref<640x128xf32, #tpu.memory_space<vmem_shared>>
      tpu.enqueue_dma source(%arg6 : memref<640x128xf32, #tpu.memory_space<hbm>>) target(%dma_start3A_17 : memref<640x128xf32, #tpu.memory_space<vmem_shared>>) target_semaphore(%run_scoped3A : memref<!tpu.dma_semaphore, #tpu.memory_space<semaphore_mem>>)
      %dma_wait3A = arith.constant 0 : i32
      %dma_wait3A_18 = tpu.memref_slice %arg15[%mul3A_2, %dma_wait3A] : memref<10240x128xf32, #tpu.memory_space<vmem_shared>> -> memref<640x128xf32, #tpu.memory_space<vmem_shared>>
      tpu.wait_dma2 semaphore(%run_scoped3A : memref<!tpu.dma_semaphore, #tpu.memory_space<semaphore_mem>>) src(%arg6 : memref<640x128xf32, #tpu.memory_space<hbm>>) dst(%dma_wait3A_18 : memref<640x128xf32, #tpu.memory_space<vmem_shared>>)
      tpu.yield
    }) : () -> ()
    %barrier3A = arith.constant 0 : index
    tpu.barrier barrier_id(%barrier3A)
    %scan3A = arith.constant 0 : i32
    %scan3A_3 = arith.constant 0 : i32
    %scan3A_4 = arith.constant 312 : i32
    %scan3A_5 = arith.addi %scan3A_3, %scan3A_4 : i32
    %scan3A_6 = arith.constant 1 : i32
    scf.for %scan3A_17 = %scan3A_3 to %scan3A_5 step %scan3A_6  : i32 {
      %mul3A_18 = arith.constant 16 : i32
      %mul3A_19 = arith.muli %scan3A_17, %mul3A_18 : i32
      %add3A = arith.addi %mul3A_19, %arg1 : i32
      %mul3A_20 = arith.constant 128 : i32
      %mul3A_21 = arith.muli %add3A, %mul3A_20 : i32
      %multiple_of3A = tpu.assume_multiple %mul3A_21, 128 : i32
      "tpu.region"() ({
        %run_scoped3A = tpu.sem_alloc : memref<!tpu.dma_semaphore, #tpu.memory_space<semaphore_mem>>
        %dma_start3A_180 = tpu.memref_slice %arg4[%multiple_of3A] : memref<640000xi32, #tpu.memory_space<hbm>> -> memref<128xi32, #tpu.memory_space<hbm>>
        %dma_start3A_181 = tpu.memref_slice %arg4[%multiple_of3A] : memref<640000xi32, #tpu.memory_space<hbm>> -> memref<128xi32, #tpu.memory_space<hbm>>
        tpu.enqueue_dma source(%dma_start3A_181 : memref<128xi32, #tpu.memory_space<hbm>>) target(%arg8 : memref<128xi32, #tpu.memory_space<vmem>>) target_semaphore(%run_scoped3A : memref<!tpu.dma_semaphore, #tpu.memory_space<semaphore_mem>>)
        %dma_wait3A_182 = tpu.memref_slice %arg4[%multiple_of3A] : memref<640000xi32, #tpu.memory_space<hbm>> -> memref<128xi32, #tpu.memory_space<hbm>>
        %dma_wait3A_183 = tpu.memref_slice %arg4[%multiple_of3A] : memref<640000xi32, #tpu.memory_space<hbm>> -> memref<128xi32, #tpu.memory_space<hbm>>
        tpu.wait_dma2 semaphore(%run_scoped3A : memref<!tpu.dma_semaphore, #tpu.memory_space<semaphore_mem>>) src(%dma_wait3A_183 : memref<128xi32, #tpu.memory_space<hbm>>) dst(%arg8 : memref<128xi32, #tpu.memory_space<vmem>>)
        tpu.yield
      }) : () -> ()
      "tpu.region"() ({
        %run_scoped3A = tpu.sem_alloc : memref<!tpu.dma_semaphore, #tpu.memory_space<semaphore_mem>>
        %dma_start3A_180 = tpu.memref_slice %arg5[%multiple_of3A] : memref<640000xi32, #tpu.memory_space<hbm>> -> memref<128xi32, #tpu.memory_space<hbm>>
        %dma_start3A_181 = tpu.memref_slice %arg5[%multiple_of3A] : memref<640000xi32, #tpu.memory_space<hbm>> -> memref<128xi32, #tpu.memory_space<hbm>>
        tpu.enqueue_dma source(%dma_start3A_181 : memref<128xi32, #tpu.memory_space<hbm>>) target(%arg9 : memref<128xi32, #tpu.memory_space<vmem>>) target_semaphore(%run_scoped3A : memref<!tpu.dma_semaphore, #tpu.memory_space<semaphore_mem>>)
        %dma_wait3A_182 = tpu.memref_slice %arg5[%multiple_of3A] : memref<640000xi32, #tpu.memory_space<hbm>> -> memref<128xi32, #tpu.memory_space<hbm>>
        %dma_wait3A_183 = tpu.memref_slice %arg5[%multiple_of3A] : memref<640000xi32, #tpu.memory_space<hbm>> -> memref<128xi32, #tpu.memory_space<hbm>>
        tpu.wait_dma2 semaphore(%run_scoped3A : memref<!tpu.dma_semaphore, #tpu.memory_space<semaphore_mem>>) src(%dma_wait3A_183 : memref<128xi32, #tpu.memory_space<hbm>>) dst(%arg9 : memref<128xi32, #tpu.memory_space<vmem>>)
        tpu.yield
      }) : () -> ()
      %get3A = arith.constant 0 : index
      %get3A_22 = tpu.vector_load %arg8[%get3A] {strides = array<i32>} : memref<128xi32, #tpu.memory_space<vmem>>, vector<16xi32>,
      %get3A_23 = vector.shape_cast %get3A_22 : vector<16xi32> to vector<16xi32>
      %add3A_24 = vector.broadcast %mul3A_0 : i32 to vector<16xi32>
      %add3A_25 = arith.addi %get3A_23, %add3A_24 : vector<16xi32>
      %swap3A = arith.constant 0 : index
      %swap3A_26 = tpu.vector_load %arg10[%swap3A] {strides = array<i32>} : memref<128xi32, #tpu.memory_space<vmem>>, vector<16xi32>,
      %swap3A_27 = vector.shape_cast %swap3A_26 : vector<16xi32> to vector<16xi32>
      %swap3A_28 = vector.shape_cast %add3A_25 : vector<16xi32> to vector<16xi32>
      tpu.vector_store %arg10[%swap3A], %swap3A_28 {strides = array<i32>} : memref<128xi32, #tpu.memory_space<vmem>>, vector<16xi32>,
      %get3A_29 = arith.constant 0 : index
      %get3A_30 = tpu.vector_load %arg9[%get3A_29] {strides = array<i32>} : memref<128xi32, #tpu.memory_space<vmem>>, vector<16xi32>,
      %get3A_31 = vector.shape_cast %get3A_30 : vector<16xi32> to vector<16xi32>
      %add3A_32 = vector.broadcast %mul3A_0 : i32 to vector<16xi32>
      %add3A_33 = arith.addi %get3A_31, %add3A_32 : vector<16xi32>
      %swap3A_34 = arith.constant 0 : index
      %swap3A_35 = tpu.vector_load %arg11[%swap3A_34] {strides = array<i32>} : memref<128xi32, #tpu.memory_space<vmem>>, vector<16xi32>,
      %swap3A_36 = vector.shape_cast %swap3A_35 : vector<16xi32> to vector<16xi32>
      %swap3A_37 = vector.shape_cast %add3A_33 : vector<16xi32> to vector<16xi32>
      tpu.vector_store %arg11[%swap3A_34], %swap3A_37 {strides = array<i32>} : memref<128xi32, #tpu.memory_space<vmem>>, vector<16xi32>,
      %get3A_38 = arith.constant 16 : index
      %get3A_39 = tpu.vector_load %arg8[%get3A_38] {strides = array<i32>} : memref<128xi32, #tpu.memory_space<vmem>>, vector<16xi32>,
      %get3A_40 = vector.shape_cast %get3A_39 : vector<16xi32> to vector<16xi32>
      %add3A_41 = vector.broadcast %mul3A_0 : i32 to vector<16xi32>
      %add3A_42 = arith.addi %get3A_40, %add3A_41 : vector<16xi32>
      %swap3A_43 = arith.constant 16 : index
      %swap3A_44 = tpu.vector_load %arg10[%swap3A_43] {strides = array<i32>} : memref<128xi32, #tpu.memory_space<vmem>>, vector<16xi32>,
      %swap3A_45 = vector.shape_cast %swap3A_44 : vector<16xi32> to vector<16xi32>
      %swap3A_46 = vector.shape_cast %add3A_42 : vector<16xi32> to vector<16xi32>
      tpu.vector_store %arg10[%swap3A_43], %swap3A_46 {strides = array<i32>} : memref<128xi32, #tpu.memory_space<vmem>>, vector<16xi32>,
      %get3A_47 = arith.constant 16 : index
      %get3A_48 = tpu.vector_load %arg9[%get3A_47] {strides = array<i32>} : memref<128xi32, #tpu.memory_space<vmem>>, vector<16xi32>,
      %get3A_49 = vector.shape_cast %get3A_48 : vector<16xi32> to vector<16xi32>
      %add3A_50 = vector.broadcast %mul3A_0 : i32 to vector<16xi32>
      %add3A_51 = arith.addi %get3A_49, %add3A_50 : vector<16xi32>
      %swap3A_52 = arith.constant 16 : index
      %swap3A_53 = tpu.vector_load %arg11[%swap3A_52] {strides = array<i32>} : memref<128xi32, #tpu.memory_space<vmem>>, vector<16xi32>,
      %swap3A_54 = vector.shape_cast %swap3A_53 : vector<16xi32> to vector<16xi32>
      %swap3A_55 = vector.shape_cast %add3A_51 : vector<16xi32> to vector<16xi32>
      tpu.vector_store %arg11[%swap3A_52], %swap3A_55 {strides = array<i32>} : memref<128xi32, #tpu.memory_space<vmem>>, vector<16xi32>,
      %get3A_56 = arith.constant 32 : index
      %get3A_57 = tpu.vector_load %arg8[%get3A_56] {strides = array<i32>} : memref<128xi32, #tpu.memory_space<vmem>>, vector<16xi32>,
      %get3A_58 = vector.shape_cast %get3A_57 : vector<16xi32> to vector<16xi32>
      %add3A_59 = vector.broadcast %mul3A_0 : i32 to vector<16xi32>
      %add3A_60 = arith.addi %get3A_58, %add3A_59 : vector<16xi32>
      %swap3A_61 = arith.constant 32 : index
      %swap3A_62 = tpu.vector_load %arg10[%swap3A_61] {strides = array<i32>} : memref<128xi32, #tpu.memory_space<vmem>>, vector<16xi32>,
      %swap3A_63 = vector.shape_cast %swap3A_62 : vector<16xi32> to vector<16xi32>
      %swap3A_64 = vector.shape_cast %add3A_60 : vector<16xi32> to vector<16xi32>
      tpu.vector_store %arg10[%swap3A_61], %swap3A_64 {strides = array<i32>} : memref<128xi32, #tpu.memory_space<vmem>>, vector<16xi32>,
      %get3A_65 = arith.constant 32 : index
      %get3A_66 = tpu.vector_load %arg9[%get3A_65] {strides = array<i32>} : memref<128xi32, #tpu.memory_space<vmem>>, vector<16xi32>,
      %get3A_67 = vector.shape_cast %get3A_66 : vector<16xi32> to vector<16xi32>
      %add3A_68 = vector.broadcast %mul3A_0 : i32 to vector<16xi32>
      %add3A_69 = arith.addi %get3A_67, %add3A_68 : vector<16xi32>
      %swap3A_70 = arith.constant 32 : index
      %swap3A_71 = tpu.vector_load %arg11[%swap3A_70] {strides = array<i32>} : memref<128xi32, #tpu.memory_space<vmem>>, vector<16xi32>,
      %swap3A_72 = vector.shape_cast %swap3A_71 : vector<16xi32> to vector<16xi32>
      %swap3A_73 = vector.shape_cast %add3A_69 : vector<16xi32> to vector<16xi32>
      tpu.vector_store %arg11[%swap3A_70], %swap3A_73 {strides = array<i32>} : memref<128xi32, #tpu.memory_space<vmem>>, vector<16xi32>,
      %get3A_74 = arith.constant 48 : index
      %get3A_75 = tpu.vector_load %arg8[%get3A_74] {strides = array<i32>} : memref<128xi32, #tpu.memory_space<vmem>>, vector<16xi32>,
      %get3A_76 = vector.shape_cast %get3A_75 : vector<16xi32> to vector<16xi32>
      %add3A_77 = vector.broadcast %mul3A_0 : i32 to vector<16xi32>
      %add3A_78 = arith.addi %get3A_76, %add3A_77 : vector<16xi32>
      %swap3A_79 = arith.constant 48 : index
      %swap3A_80 = tpu.vector_load %arg10[%swap3A_79] {strides = array<i32>} : memref<128xi32, #tpu.memory_space<vmem>>, vector<16xi32>,
      %swap3A_81 = vector.shape_cast %swap3A_80 : vector<16xi32> to vector<16xi32>
      %swap3A_82 = vector.shape_cast %add3A_78 : vector<16xi32> to vector<16xi32>
      tpu.vector_store %arg10[%swap3A_79], %swap3A_82 {strides = array<i32>} : memref<128xi32, #tpu.memory_space<vmem>>, vector<16xi32>,
      %get3A_83 = arith.constant 48 : index
      %get3A_84 = tpu.vector_load %arg9[%get3A_83] {strides = array<i32>} : memref<128xi32, #tpu.memory_space<vmem>>, vector<16xi32>,
      %get3A_85 = vector.shape_cast %get3A_84 : vector<16xi32> to vector<16xi32>
      %add3A_86 = vector.broadcast %mul3A_0 : i32 to vector<16xi32>
      %add3A_87 = arith.addi %get3A_85, %add3A_86 : vector<16xi32>
      %swap3A_88 = arith.constant 48 : index
      %swap3A_89 = tpu.vector_load %arg11[%swap3A_88] {strides = array<i32>} : memref<128xi32, #tpu.memory_space<vmem>>, vector<16xi32>,
      %swap3A_90 = vector.shape_cast %swap3A_89 : vector<16xi32> to vector<16xi32>
      %swap3A_91 = vector.shape_cast %add3A_87 : vector<16xi32> to vector<16xi32>
      tpu.vector_store %arg11[%swap3A_88], %swap3A_91 {strides = array<i32>} : memref<128xi32, #tpu.memory_space<vmem>>, vector<16xi32>,
      %get3A_92 = arith.constant 64 : index
      %get3A_93 = tpu.vector_load %arg8[%get3A_92] {strides = array<i32>} : memref<128xi32, #tpu.memory_space<vmem>>, vector<16xi32>,
      %get3A_94 = vector.shape_cast %get3A_93 : vector<16xi32> to vector<16xi32>
      %add3A_95 = vector.broadcast %mul3A_0 : i32 to vector<16xi32>
      %add3A_96 = arith.addi %get3A_94, %add3A_95 : vector<16xi32>
      %swap3A_97 = arith.constant 64 : index
      %swap3A_98 = tpu.vector_load %arg10[%swap3A_97] {strides = array<i32>} : memref<128xi32, #tpu.memory_space<vmem>>, vector<16xi32>,
      %swap3A_99 = vector.shape_cast %swap3A_98 : vector<16xi32> to vector<16xi32>
      %swap3A_100 = vector.shape_cast %add3A_96 : vector<16xi32> to vector<16xi32>
      tpu.vector_store %arg10[%swap3A_97], %swap3A_100 {strides = array<i32>} : memref<128xi32, #tpu.memory_space<vmem>>, vector<16xi32>,
      %get3A_101 = arith.constant 64 : index
      %get3A_102 = tpu.vector_load %arg9[%get3A_101] {strides = array<i32>} : memref<128xi32, #tpu.memory_space<vmem>>, vector<16xi32>,
      %get3A_103 = vector.shape_cast %get3A_102 : vector<16xi32> to vector<16xi32>
      %add3A_104 = vector.broadcast %mul3A_0 : i32 to vector<16xi32>
      %add3A_105 = arith.addi %get3A_103, %add3A_104 : vector<16xi32>
      %swap3A_106 = arith.constant 64 : index
      %swap3A_107 = tpu.vector_load %arg11[%swap3A_106] {strides = array<i32>} : memref<128xi32, #tpu.memory_space<vmem>>, vector<16xi32>,
      %swap3A_108 = vector.shape_cast %swap3A_107 : vector<16xi32> to vector<16xi32>
      %swap3A_109 = vector.shape_cast %add3A_105 : vector<16xi32> to vector<16xi32>
      tpu.vector_store %arg11[%swap3A_106], %swap3A_109 {strides = array<i32>} : memref<128xi32, #tpu.memory_space<vmem>>, vector<16xi32>,
      %get3A_110 = arith.constant 80 : index
      %get3A_111 = tpu.vector_load %arg8[%get3A_110] {strides = array<i32>} : memref<128xi32, #tpu.memory_space<vmem>>, vector<16xi32>,
      %get3A_112 = vector.shape_cast %get3A_111 : vector<16xi32> to vector<16xi32>
      %add3A_113 = vector.broadcast %mul3A_0 : i32 to vector<16xi32>
      %add3A_114 = arith.addi %get3A_112, %add3A_113 : vector<16xi32>
      %swap3A_115 = arith.constant 80 : index
      %swap3A_116 = tpu.vector_load %arg10[%swap3A_115] {strides = array<i32>} : memref<128xi32, #tpu.memory_space<vmem>>, vector<16xi32>,
      %swap3A_117 = vector.shape_cast %swap3A_116 : vector<16xi32> to vector<16xi32>
      %swap3A_118 = vector.shape_cast %add3A_114 : vector<16xi32> to vector<16xi32>
      tpu.vector_store %arg10[%swap3A_115], %swap3A_118 {strides = array<i32>} : memref<128xi32, #tpu.memory_space<vmem>>, vector<16xi32>,
      %get3A_119 = arith.constant 80 : index
      %get3A_120 = tpu.vector_load %arg9[%get3A_119] {strides = array<i32>} : memref<128xi32, #tpu.memory_space<vmem>>, vector<16xi32>,
      %get3A_121 = vector.shape_cast %get3A_120 : vector<16xi32> to vector<16xi32>
      %add3A_122 = vector.broadcast %mul3A_0 : i32 to vector<16xi32>
      %add3A_123 = arith.addi %get3A_121, %add3A_122 : vector<16xi32>
      %swap3A_124 = arith.constant 80 : index
      %swap3A_125 = tpu.vector_load %arg11[%swap3A_124] {strides = array<i32>} : memref<128xi32, #tpu.memory_space<vmem>>, vector<16xi32>,
      %swap3A_126 = vector.shape_cast %swap3A_125 : vector<16xi32> to vector<16xi32>
      %swap3A_127 = vector.shape_cast %add3A_123 : vector<16xi32> to vector<16xi32>
      tpu.vector_store %arg11[%swap3A_124], %swap3A_127 {strides = array<i32>} : memref<128xi32, #tpu.memory_space<vmem>>, vector<16xi32>,
      %get3A_128 = arith.constant 96 : index
      %get3A_129 = tpu.vector_load %arg8[%get3A_128] {strides = array<i32>} : memref<128xi32, #tpu.memory_space<vmem>>, vector<16xi32>,
      %get3A_130 = vector.shape_cast %get3A_129 : vector<16xi32> to vector<16xi32>
      %add3A_131 = vector.broadcast %mul3A_0 : i32 to vector<16xi32>
      %add3A_132 = arith.addi %get3A_130, %add3A_131 : vector<16xi32>
      %swap3A_133 = arith.constant 96 : index
      %swap3A_134 = tpu.vector_load %arg10[%swap3A_133] {strides = array<i32>} : memref<128xi32, #tpu.memory_space<vmem>>, vector<16xi32>,
      %swap3A_135 = vector.shape_cast %swap3A_134 : vector<16xi32> to vector<16xi32>
      %swap3A_136 = vector.shape_cast %add3A_132 : vector<16xi32> to vector<16xi32>
      tpu.vector_store %arg10[%swap3A_133], %swap3A_136 {strides = array<i32>} : memref<128xi32, #tpu.memory_space<vmem>>, vector<16xi32>,
      %get3A_137 = arith.constant 96 : index
      %get3A_138 = tpu.vector_load %arg9[%get3A_137] {strides = array<i32>} : memref<128xi32, #tpu.memory_space<vmem>>, vector<16xi32>,
      %get3A_139 = vector.shape_cast %get3A_138 : vector<16xi32> to vector<16xi32>
      %add3A_140 = vector.broadcast %mul3A_0 : i32 to vector<16xi32>
      %add3A_141 = arith.addi %get3A_139, %add3A_140 : vector<16xi32>
      %swap3A_142 = arith.constant 96 : index
      %swap3A_143 = tpu.vector_load %arg11[%swap3A_142] {strides = array<i32>} : memref<128xi32, #tpu.memory_space<vmem>>, vector<16xi32>,
      %swap3A_144 = vector.shape_cast %swap3A_143 : vector<16xi32> to vector<16xi32>
      %swap3A_145 = vector.shape_cast %add3A_141 : vector<16xi32> to vector<16xi32>
      tpu.vector_store %arg11[%swap3A_142], %swap3A_145 {strides = array<i32>} : memref<128xi32, #tpu.memory_space<vmem>>, vector<16xi32>,
      %get3A_146 = arith.constant 112 : index
      %get3A_147 = tpu.vector_load %arg8[%get3A_146] {strides = array<i32>} : memref<128xi32, #tpu.memory_space<vmem>>, vector<16xi32>,
      %get3A_148 = vector.shape_cast %get3A_147 : vector<16xi32> to vector<16xi32>
      %add3A_149 = vector.broadcast %mul3A_0 : i32 to vector<16xi32>
      %add3A_150 = arith.addi %get3A_148, %add3A_149 : vector<16xi32>
      %swap3A_151 = arith.constant 112 : index
      %swap3A_152 = tpu.vector_load %arg10[%swap3A_151] {strides = array<i32>} : memref<128xi32, #tpu.memory_space<vmem>>, vector<16xi32>,
      %swap3A_153 = vector.shape_cast %swap3A_152 : vector<16xi32> to vector<16xi32>
      %swap3A_154 = vector.shape_cast %add3A_150 : vector<16xi32> to vector<16xi32>
      tpu.vector_store %arg10[%swap3A_151], %swap3A_154 {strides = array<i32>} : memref<128xi32, #tpu.memory_space<vmem>>, vector<16xi32>,
      %get3A_155 = arith.constant 112 : index
      %get3A_156 = tpu.vector_load %arg9[%get3A_155] {strides = array<i32>} : memref<128xi32, #tpu.memory_space<vmem>>, vector<16xi32>,
      %get3A_157 = vector.shape_cast %get3A_156 : vector<16xi32> to vector<16xi32>
      %add3A_158 = vector.broadcast %mul3A_0 : i32 to vector<16xi32>
      %add3A_159 = arith.addi %get3A_157, %add3A_158 : vector<16xi32>
      %swap3A_160 = arith.constant 112 : index
      %swap3A_161 = tpu.vector_load %arg11[%swap3A_160] {strides = array<i32>} : memref<128xi32, #tpu.memory_space<vmem>>, vector<16xi32>,
      %swap3A_162 = vector.shape_cast %swap3A_161 : vector<16xi32> to vector<16xi32>
      %swap3A_163 = vector.shape_cast %add3A_159 : vector<16xi32> to vector<16xi32>
      tpu.vector_store %arg11[%swap3A_160], %swap3A_163 {strides = array<i32>} : memref<128xi32, #tpu.memory_space<vmem>>, vector<16xi32>,
      %dma_start3A = arith.constant 0 : i32
      %dma_start3A_164 = arith.constant 0 : i32
      %dma_start3A_165 = tpu.memref_slice %arg2[%dma_start3A, %dma_start3A_164] : memref<20000x128xf32, #tpu.memory_space<hbm>> -> memref<20000x128xf32, #tpu.memory_space<hbm>>
      tpu.enqueue_indirect_dma source(%dma_start3A_165 : memref<20000x128xf32, #tpu.memory_space<hbm>>) target(%arg12 : memref<128x128xf32, #tpu.memory_space<vmem>>) offsets(%arg10 : memref<128xi32, #tpu.memory_space<vmem>>) semaphore(%arg16 : memref<!tpu.dma_semaphore, #tpu.memory_space<semaphore_mem>>)
      %dma_start3A_166 = arith.constant 0 : i32
      %dma_start3A_167 = arith.constant 0 : i32
      %dma_start3A_168 = tpu.memref_slice %arg3[%dma_start3A_166, %dma_start3A_167] : memref<20000x64xf32, #tpu.memory_space<hbm>> -> memref<20000x64xf32, #tpu.memory_space<hbm>>
      tpu.enqueue_indirect_dma source(%dma_start3A_168 : memref<20000x64xf32, #tpu.memory_space<hbm>>) target(%arg13 : memref<128x64xf32, #tpu.memory_space<vmem>>) offsets(%arg11 : memref<128xi32, #tpu.memory_space<vmem>>) semaphore(%arg17 : memref<!tpu.dma_semaphore, #tpu.memory_space<semaphore_mem>>)
      %dma_wait3A = arith.constant 0 : i32
      %dma_wait3A_169 = arith.constant 0 : i32
      %dma_wait3A_170 = tpu.memref_slice %arg2[%dma_wait3A, %dma_wait3A_169] : memref<20000x128xf32, #tpu.memory_space<hbm>> -> memref<20000x128xf32, #tpu.memory_space<hbm>>
      tpu.wait_indirect_dma semaphore(%arg16 : memref<!tpu.dma_semaphore, #tpu.memory_space<semaphore_mem>>) src(%dma_wait3A_170 : memref<20000x128xf32, #tpu.memory_space<hbm>>) dst(%arg12 : memref<128x128xf32, #tpu.memory_space<vmem>>)
      %dma_wait3A_171 = arith.constant 0 : i32
      %dma_wait3A_172 = arith.constant 0 : i32
      %dma_wait3A_173 = tpu.memref_slice %arg3[%dma_wait3A_171, %dma_wait3A_172] : memref<20000x64xf32, #tpu.memory_space<hbm>> -> memref<20000x64xf32, #tpu.memory_space<hbm>>
      tpu.wait_indirect_dma semaphore(%arg17 : memref<!tpu.dma_semaphore, #tpu.memory_space<semaphore_mem>>) src(%dma_wait3A_173 : memref<20000x64xf32, #tpu.memory_space<hbm>>) dst(%arg13 : memref<128x64xf32, #tpu.memory_space<vmem>>)
      %scan3A_174 = arith.constant 0 : i32
      %scan3A_175 = arith.constant 0 : i32
      %scan3A_176 = arith.constant 128 : i32
      %scan3A_177 = arith.addi %scan3A_175, %scan3A_176 : i32
      %scan3A_178 = arith.constant 2 : i32
      scf.for %scan3A_180 = %scan3A_175 to %scan3A_177 step %scan3A_178  : i32 {
        %get3A_181 = arith.index_cast %scan3A_180 : i32 to index
        %get3A_182 = arith.constant 0 : index
        %get3A_183 = tpu.vector_load %arg12[%get3A_181, %get3A_182] {strides = array<i32>} : memref<128x128xf32, #tpu.memory_space<vmem>>, vector<1x16xf32>,
        %get3A_184 = vector.shape_cast %get3A_183 : vector<1x16xf32> to vector<16xf32>
        %get3A_185 = arith.index_cast %scan3A_180 : i32 to index
        %get3A_186 = arith.constant 0 : index
        %get3A_187 = tpu.vector_load %arg13[%get3A_185, %get3A_186] {strides = array<i32>} : memref<128x64xf32, #tpu.memory_space<vmem>>, vector<1x16xf32>,
        %get3A_188 = vector.shape_cast %get3A_187 : vector<1x16xf32> to vector<16xf32>
        %add3A_189 = arith.addf %get3A_184, %get3A_188 : vector<16xf32>
        %mul3A_190 = arith.constant 2.000000e-01 : f32
        %mul3A_191 = vector.broadcast %mul3A_190 : f32 to vector<16xf32>
        %mul3A_192 = arith.mulf %mul3A_191, %add3A_189 : vector<16xf32>
        %max3A = arith.maximumf %add3A_189, %mul3A_192 : vector<16xf32>
        %exp3A = math.exp %max3A : vector<16xf32>
        %get3A_193 = arith.index_cast %scan3A_180 : i32 to index
        %get3A_194 = arith.constant 64 : index
        %get3A_195 = tpu.vector_load %arg12[%get3A_193, %get3A_194] {strides = array<i32>} : memref<128x128xf32, #tpu.memory_space<vmem>>, vector<1x16xf32>,
        %get3A_196 = vector.shape_cast %get3A_195 : vector<1x16xf32> to vector<16xf32>
        %mul3A_197 = arith.mulf %get3A_196, %exp3A : vector<16xf32>
        %swap3A_198 = arith.index_cast %scan3A_180 : i32 to index
        %swap3A_199 = arith.constant 0 : index
        %swap3A_200 = tpu.vector_load %arg14[%swap3A_198, %swap3A_199] {strides = array<i32>} : memref<128x128xf32, #tpu.memory_space<vmem>>, vector<1x16xf32>,
        %swap3A_201 = vector.shape_cast %swap3A_200 : vector<1x16xf32> to vector<16xf32>
        %swap3A_202 = vector.shape_cast %mul3A_197 : vector<16xf32> to vector<1x16xf32>
        tpu.vector_store %arg14[%swap3A_198, %swap3A_199], %swap3A_202 {strides = array<i32>} : memref<128x128xf32, #tpu.memory_space<vmem>>, vector<1x16xf32>,
        %swap3A_203 = arith.index_cast %scan3A_180 : i32 to index
        %swap3A_204 = arith.constant 64 : index
        %swap3A_205 = tpu.vector_load %arg14[%swap3A_203, %swap3A_204] {strides = array<i32>} : memref<128x128xf32, #tpu.memory_space<vmem>>, vector<1x16xf32>,
        %swap3A_206 = vector.shape_cast %swap3A_205 : vector<1x16xf32> to vector<16xf32>
        %swap3A_207 = vector.shape_cast %exp3A : vector<16xf32> to vector<1x16xf32>
        tpu.vector_store %arg14[%swap3A_203, %swap3A_204], %swap3A_207 {strides = array<i32>} : memref<128x128xf32, #tpu.memory_space<vmem>>, vector<1x16xf32>,
        %get3A_208 = arith.index_cast %scan3A_180 : i32 to index
        %get3A_209 = arith.constant 16 : index
        %get3A_210 = tpu.vector_load %arg12[%get3A_208, %get3A_209] {strides = array<i32>} : memref<128x128xf32, #tpu.memory_space<vmem>>, vector<1x16xf32>,
        %get3A_211 = vector.shape_cast %get3A_210 : vector<1x16xf32> to vector<16xf32>
        %get3A_212 = arith.index_cast %scan3A_180 : i32 to index
        %get3A_213 = arith.constant 16 : index
        %get3A_214 = tpu.vector_load %arg13[%get3A_212, %get3A_213] {strides = array<i32>} : memref<128x64xf32, #tpu.memory_space<vmem>>, vector<1x16xf32>,
        %get3A_215 = vector.shape_cast %get3A_214 : vector<1x16xf32> to vector<16xf32>
        %add3A_216 = arith.addf %get3A_211, %get3A_215 : vector<16xf32>
        %mul3A_217 = arith.constant 2.000000e-01 : f32
        %mul3A_218 = vector.broadcast %mul3A_217 : f32 to vector<16xf32>
        %mul3A_219 = arith.mulf %mul3A_218, %add3A_216 : vector<16xf32>
        %max3A_220 = arith.maximumf %add3A_216, %mul3A_219 : vector<16xf32>
        %exp3A_221 = math.exp %max3A_220 : vector<16xf32>
        %get3A_222 = arith.index_cast %scan3A_180 : i32 to index
        %get3A_223 = arith.constant 80 : index
        %get3A_224 = tpu.vector_load %arg12[%get3A_222, %get3A_223] {strides = array<i32>} : memref<128x128xf32, #tpu.memory_space<vmem>>, vector<1x16xf32>,
        %get3A_225 = vector.shape_cast %get3A_224 : vector<1x16xf32> to vector<16xf32>
        %mul3A_226 = arith.mulf %get3A_225, %exp3A_221 : vector<16xf32>
        %swap3A_227 = arith.index_cast %scan3A_180 : i32 to index
        %swap3A_228 = arith.constant 16 : index
        %swap3A_229 = tpu.vector_load %arg14[%swap3A_227, %swap3A_228] {strides = array<i32>} : memref<128x128xf32, #tpu.memory_space<vmem>>, vector<1x16xf32>,
        %swap3A_230 = vector.shape_cast %swap3A_229 : vector<1x16xf32> to vector<16xf32>
        %swap3A_231 = vector.shape_cast %mul3A_226 : vector<16xf32> to vector<1x16xf32>
        tpu.vector_store %arg14[%swap3A_227, %swap3A_228], %swap3A_231 {strides = array<i32>} : memref<128x128xf32, #tpu.memory_space<vmem>>, vector<1x16xf32>,
        %swap3A_232 = arith.index_cast %scan3A_180 : i32 to index
        %swap3A_233 = arith.constant 80 : index
        %swap3A_234 = tpu.vector_load %arg14[%swap3A_232, %swap3A_233] {strides = array<i32>} : memref<128x128xf32, #tpu.memory_space<vmem>>, vector<1x16xf32>,
        %swap3A_235 = vector.shape_cast %swap3A_234 : vector<1x16xf32> to vector<16xf32>
        %swap3A_236 = vector.shape_cast %exp3A_221 : vector<16xf32> to vector<1x16xf32>
        tpu.vector_store %arg14[%swap3A_232, %swap3A_233], %swap3A_236 {strides = array<i32>} : memref<128x128xf32, #tpu.memory_space<vmem>>, vector<1x16xf32>,
        %get3A_237 = arith.index_cast %scan3A_180 : i32 to index
        %get3A_238 = arith.constant 32 : index
        %get3A_239 = tpu.vector_load %arg12[%get3A_237, %get3A_238] {strides = array<i32>} : memref<128x128xf32, #tpu.memory_space<vmem>>, vector<1x16xf32>,
        %get3A_240 = vector.shape_cast %get3A_239 : vector<1x16xf32> to vector<16xf32>
        %get3A_241 = arith.index_cast %scan3A_180 : i32 to index
        %get3A_242 = arith.constant 32 : index
        %get3A_243 = tpu.vector_load %arg13[%get3A_241, %get3A_242] {strides = array<i32>} : memref<128x64xf32, #tpu.memory_space<vmem>>, vector<1x16xf32>,
        %get3A_244 = vector.shape_cast %get3A_243 : vector<1x16xf32> to vector<16xf32>
        %add3A_245 = arith.addf %get3A_240, %get3A_244 : vector<16xf32>
        %mul3A_246 = arith.constant 2.000000e-01 : f32
        %mul3A_247 = vector.broadcast %mul3A_246 : f32 to vector<16xf32>
        %mul3A_248 = arith.mulf %mul3A_247, %add3A_245 : vector<16xf32>
        %max3A_249 = arith.maximumf %add3A_245, %mul3A_248 : vector<16xf32>
        %exp3A_250 = math.exp %max3A_249 : vector<16xf32>
        %get3A_251 = arith.index_cast %scan3A_180 : i32 to index
        %get3A_252 = arith.constant 96 : index
        %get3A_253 = tpu.vector_load %arg12[%get3A_251, %get3A_252] {strides = array<i32>} : memref<128x128xf32, #tpu.memory_space<vmem>>, vector<1x16xf32>,
        %get3A_254 = vector.shape_cast %get3A_253 : vector<1x16xf32> to vector<16xf32>
        %mul3A_255 = arith.mulf %get3A_254, %exp3A_250 : vector<16xf32>
        %swap3A_256 = arith.index_cast %scan3A_180 : i32 to index
        %swap3A_257 = arith.constant 32 : index
        %swap3A_258 = tpu.vector_load %arg14[%swap3A_256, %swap3A_257] {strides = array<i32>} : memref<128x128xf32, #tpu.memory_space<vmem>>, vector<1x16xf32>,
        %swap3A_259 = vector.shape_cast %swap3A_258 : vector<1x16xf32> to vector<16xf32>
        %swap3A_260 = vector.shape_cast %mul3A_255 : vector<16xf32> to vector<1x16xf32>
        tpu.vector_store %arg14[%swap3A_256, %swap3A_257], %swap3A_260 {strides = array<i32>} : memref<128x128xf32, #tpu.memory_space<vmem>>, vector<1x16xf32>,
        %swap3A_261 = arith.index_cast %scan3A_180 : i32 to index
        %swap3A_262 = arith.constant 96 : index
        %swap3A_263 = tpu.vector_load %arg14[%swap3A_261, %swap3A_262] {strides = array<i32>} : memref<128x128xf32, #tpu.memory_space<vmem>>, vector<1x16xf32>,
        %swap3A_264 = vector.shape_cast %swap3A_263 : vector<1x16xf32> to vector<16xf32>
        %swap3A_265 = vector.shape_cast %exp3A_250 : vector<16xf32> to vector<1x16xf32>
        tpu.vector_store %arg14[%swap3A_261, %swap3A_262], %swap3A_265 {strides = array<i32>} : memref<128x128xf32, #tpu.memory_space<vmem>>, vector<1x16xf32>,
        %get3A_266 = arith.index_cast %scan3A_180 : i32 to index
        %get3A_267 = arith.constant 48 : index
        %get3A_268 = tpu.vector_load %arg12[%get3A_266, %get3A_267] {strides = array<i32>} : memref<128x128xf32, #tpu.memory_space<vmem>>, vector<1x16xf32>,
        %get3A_269 = vector.shape_cast %get3A_268 : vector<1x16xf32> to vector<16xf32>
        %get3A_270 = arith.index_cast %scan3A_180 : i32 to index
        %get3A_271 = arith.constant 48 : index
        %get3A_272 = tpu.vector_load %arg13[%get3A_270, %get3A_271] {strides = array<i32>} : memref<128x64xf32, #tpu.memory_space<vmem>>, vector<1x16xf32>,
        %get3A_273 = vector.shape_cast %get3A_272 : vector<1x16xf32> to vector<16xf32>
        %add3A_274 = arith.addf %get3A_269, %get3A_273 : vector<16xf32>
        %mul3A_275 = arith.constant 2.000000e-01 : f32
        %mul3A_276 = vector.broadcast %mul3A_275 : f32 to vector<16xf32>
        %mul3A_277 = arith.mulf %mul3A_276, %add3A_274 : vector<16xf32>
        %max3A_278 = arith.maximumf %add3A_274, %mul3A_277 : vector<16xf32>
        %exp3A_279 = math.exp %max3A_278 : vector<16xf32>
        %get3A_280 = arith.index_cast %scan3A_180 : i32 to index
        %get3A_281 = arith.constant 112 : index
        %get3A_282 = tpu.vector_load %arg12[%get3A_280, %get3A_281] {strides = array<i32>} : memref<128x128xf32, #tpu.memory_space<vmem>>, vector<1x16xf32>,
        %get3A_283 = vector.shape_cast %get3A_282 : vector<1x16xf32> to vector<16xf32>
        %mul3A_284 = arith.mulf %get3A_283, %exp3A_279 : vector<16xf32>
        %swap3A_285 = arith.index_cast %scan3A_180 : i32 to index
        %swap3A_286 = arith.constant 48 : index
        %swap3A_287 = tpu.vector_load %arg14[%swap3A_285, %swap3A_286] {strides = array<i32>} : memref<128x128xf32, #tpu.memory_space<vmem>>, vector<1x16xf32>,
        %swap3A_288 = vector.shape_cast %swap3A_287 : vector<1x16xf32> to vector<16xf32>
        %swap3A_289 = vector.shape_cast %mul3A_284 : vector<16xf32> to vector<1x16xf32>
        tpu.vector_store %arg14[%swap3A_285, %swap3A_286], %swap3A_289 {strides = array<i32>} : memref<128x128xf32, #tpu.memory_space<vmem>>, vector<1x16xf32>,
        %swap3A_290 = arith.index_cast %scan3A_180 : i32 to index
        %swap3A_291 = arith.constant 112 : index
        %swap3A_292 = tpu.vector_load %arg14[%swap3A_290, %swap3A_291] {strides = array<i32>} : memref<128x128xf32, #tpu.memory_space<vmem>>, vector<1x16xf32>,
        %swap3A_293 = vector.shape_cast %swap3A_292 : vector<1x16xf32> to vector<16xf32>
        %swap3A_294 = vector.shape_cast %exp3A_279 : vector<16xf32> to vector<1x16xf32>
        tpu.vector_store %arg14[%swap3A_290, %swap3A_291], %swap3A_294 {strides = array<i32>} : memref<128x128xf32, #tpu.memory_space<vmem>>, vector<1x16xf32>,
        %scan3A_295 = arith.constant 1 : i32
        %scan3A_296 = arith.addi %scan3A_180, %scan3A_295 : i32
        %get3A_297 = arith.index_cast %scan3A_296 : i32 to index
        %get3A_298 = arith.constant 0 : index
        %get3A_299 = tpu.vector_load %arg12[%get3A_297, %get3A_298] {strides = array<i32>} : memref<128x128xf32, #tpu.memory_space<vmem>>, vector<1x16xf32>,
        %get3A_300 = vector.shape_cast %get3A_299 : vector<1x16xf32> to vector<16xf32>
        %get3A_301 = arith.index_cast %scan3A_296 : i32 to index
        %get3A_302 = arith.constant 0 : index
        %get3A_303 = tpu.vector_load %arg13[%get3A_301, %get3A_302] {strides = array<i32>} : memref<128x64xf32, #tpu.memory_space<vmem>>, vector<1x16xf32>,
        %get3A_304 = vector.shape_cast %get3A_303 : vector<1x16xf32> to vector<16xf32>
        %add3A_305 = arith.addf %get3A_300, %get3A_304 : vector<16xf32>
        %mul3A_306 = arith.constant 2.000000e-01 : f32
        %mul3A_307 = vector.broadcast %mul3A_306 : f32 to vector<16xf32>
        %mul3A_308 = arith.mulf %mul3A_307, %add3A_305 : vector<16xf32>
        %max3A_309 = arith.maximumf %add3A_305, %mul3A_308 : vector<16xf32>
        %exp3A_310 = math.exp %max3A_309 : vector<16xf32>
        %get3A_311 = arith.index_cast %scan3A_296 : i32 to index
        %get3A_312 = arith.constant 64 : index
        %get3A_313 = tpu.vector_load %arg12[%get3A_311, %get3A_312] {strides = array<i32>} : memref<128x128xf32, #tpu.memory_space<vmem>>, vector<1x16xf32>,
        %get3A_314 = vector.shape_cast %get3A_313 : vector<1x16xf32> to vector<16xf32>
        %mul3A_315 = arith.mulf %get3A_314, %exp3A_310 : vector<16xf32>
        %swap3A_316 = arith.index_cast %scan3A_296 : i32 to index
        %swap3A_317 = arith.constant 0 : index
        %swap3A_318 = tpu.vector_load %arg14[%swap3A_316, %swap3A_317] {strides = array<i32>} : memref<128x128xf32, #tpu.memory_space<vmem>>, vector<1x16xf32>,
        %swap3A_319 = vector.shape_cast %swap3A_318 : vector<1x16xf32> to vector<16xf32>
        %swap3A_320 = vector.shape_cast %mul3A_315 : vector<16xf32> to vector<1x16xf32>
        tpu.vector_store %arg14[%swap3A_316, %swap3A_317], %swap3A_320 {strides = array<i32>} : memref<128x128xf32, #tpu.memory_space<vmem>>, vector<1x16xf32>,
        %swap3A_321 = arith.index_cast %scan3A_296 : i32 to index
        %swap3A_322 = arith.constant 64 : index
        %swap3A_323 = tpu.vector_load %arg14[%swap3A_321, %swap3A_322] {strides = array<i32>} : memref<128x128xf32, #tpu.memory_space<vmem>>, vector<1x16xf32>,
        %swap3A_324 = vector.shape_cast %swap3A_323 : vector<1x16xf32> to vector<16xf32>
        %swap3A_325 = vector.shape_cast %exp3A_310 : vector<16xf32> to vector<1x16xf32>
        tpu.vector_store %arg14[%swap3A_321, %swap3A_322], %swap3A_325 {strides = array<i32>} : memref<128x128xf32, #tpu.memory_space<vmem>>, vector<1x16xf32>,
        %get3A_326 = arith.index_cast %scan3A_296 : i32 to index
        %get3A_327 = arith.constant 16 : index
        %get3A_328 = tpu.vector_load %arg12[%get3A_326, %get3A_327] {strides = array<i32>} : memref<128x128xf32, #tpu.memory_space<vmem>>, vector<1x16xf32>,
        %get3A_329 = vector.shape_cast %get3A_328 : vector<1x16xf32> to vector<16xf32>
        %get3A_330 = arith.index_cast %scan3A_296 : i32 to index
        %get3A_331 = arith.constant 16 : index
        %get3A_332 = tpu.vector_load %arg13[%get3A_330, %get3A_331] {strides = array<i32>} : memref<128x64xf32, #tpu.memory_space<vmem>>, vector<1x16xf32>,
        %get3A_333 = vector.shape_cast %get3A_332 : vector<1x16xf32> to vector<16xf32>
        %add3A_334 = arith.addf %get3A_329, %get3A_333 : vector<16xf32>
        %mul3A_335 = arith.constant 2.000000e-01 : f32
        %mul3A_336 = vector.broadcast %mul3A_335 : f32 to vector<16xf32>
        %mul3A_337 = arith.mulf %mul3A_336, %add3A_334 : vector<16xf32>
        %max3A_338 = arith.maximumf %add3A_334, %mul3A_337 : vector<16xf32>
        %exp3A_339 = math.exp %max3A_338 : vector<16xf32>
        %get3A_340 = arith.index_cast %scan3A_296 : i32 to index
        %get3A_341 = arith.constant 80 : index
        %get3A_342 = tpu.vector_load %arg12[%get3A_340, %get3A_341] {strides = array<i32>} : memref<128x128xf32, #tpu.memory_space<vmem>>, vector<1x16xf32>,
        %get3A_343 = vector.shape_cast %get3A_342 : vector<1x16xf32> to vector<16xf32>
        %mul3A_344 = arith.mulf %get3A_343, %exp3A_339 : vector<16xf32>
        %swap3A_345 = arith.index_cast %scan3A_296 : i32 to index
        %swap3A_346 = arith.constant 16 : index
        %swap3A_347 = tpu.vector_load %arg14[%swap3A_345, %swap3A_346] {strides = array<i32>} : memref<128x128xf32, #tpu.memory_space<vmem>>, vector<1x16xf32>,
        %swap3A_348 = vector.shape_cast %swap3A_347 : vector<1x16xf32> to vector<16xf32>
        %swap3A_349 = vector.shape_cast %mul3A_344 : vector<16xf32> to vector<1x16xf32>
        tpu.vector_store %arg14[%swap3A_345, %swap3A_346], %swap3A_349 {strides = array<i32>} : memref<128x128xf32, #tpu.memory_space<vmem>>, vector<1x16xf32>,
        %swap3A_350 = arith.index_cast %scan3A_296 : i32 to index
        %swap3A_351 = arith.constant 80 : index
        %swap3A_352 = tpu.vector_load %arg14[%swap3A_350, %swap3A_351] {strides = array<i32>} : memref<128x128xf32, #tpu.memory_space<vmem>>, vector<1x16xf32>,
        %swap3A_353 = vector.shape_cast %swap3A_352 : vector<1x16xf32> to vector<16xf32>
        %swap3A_354 = vector.shape_cast %exp3A_339 : vector<16xf32> to vector<1x16xf32>
        tpu.vector_store %arg14[%swap3A_350, %swap3A_351], %swap3A_354 {strides = array<i32>} : memref<128x128xf32, #tpu.memory_space<vmem>>, vector<1x16xf32>,
        %get3A_355 = arith.index_cast %scan3A_296 : i32 to index
        %get3A_356 = arith.constant 32 : index
        %get3A_357 = tpu.vector_load %arg12[%get3A_355, %get3A_356] {strides = array<i32>} : memref<128x128xf32, #tpu.memory_space<vmem>>, vector<1x16xf32>,
        %get3A_358 = vector.shape_cast %get3A_357 : vector<1x16xf32> to vector<16xf32>
        %get3A_359 = arith.index_cast %scan3A_296 : i32 to index
        %get3A_360 = arith.constant 32 : index
        %get3A_361 = tpu.vector_load %arg13[%get3A_359, %get3A_360] {strides = array<i32>} : memref<128x64xf32, #tpu.memory_space<vmem>>, vector<1x16xf32>,
        %get3A_362 = vector.shape_cast %get3A_361 : vector<1x16xf32> to vector<16xf32>
        %add3A_363 = arith.addf %get3A_358, %get3A_362 : vector<16xf32>
        %mul3A_364 = arith.constant 2.000000e-01 : f32
        %mul3A_365 = vector.broadcast %mul3A_364 : f32 to vector<16xf32>
        %mul3A_366 = arith.mulf %mul3A_365, %add3A_363 : vector<16xf32>
        %max3A_367 = arith.maximumf %add3A_363, %mul3A_366 : vector<16xf32>
        %exp3A_368 = math.exp %max3A_367 : vector<16xf32>
        %get3A_369 = arith.index_cast %scan3A_296 : i32 to index
        %get3A_370 = arith.constant 96 : index
        %get3A_371 = tpu.vector_load %arg12[%get3A_369, %get3A_370] {strides = array<i32>} : memref<128x128xf32, #tpu.memory_space<vmem>>, vector<1x16xf32>,
        %get3A_372 = vector.shape_cast %get3A_371 : vector<1x16xf32> to vector<16xf32>
        %mul3A_373 = arith.mulf %get3A_372, %exp3A_368 : vector<16xf32>
        %swap3A_374 = arith.index_cast %scan3A_296 : i32 to index
        %swap3A_375 = arith.constant 32 : index
        %swap3A_376 = tpu.vector_load %arg14[%swap3A_374, %swap3A_375] {strides = array<i32>} : memref<128x128xf32, #tpu.memory_space<vmem>>, vector<1x16xf32>,
        %swap3A_377 = vector.shape_cast %swap3A_376 : vector<1x16xf32> to vector<16xf32>
        %swap3A_378 = vector.shape_cast %mul3A_373 : vector<16xf32> to vector<1x16xf32>
        tpu.vector_store %arg14[%swap3A_374, %swap3A_375], %swap3A_378 {strides = array<i32>} : memref<128x128xf32, #tpu.memory_space<vmem>>, vector<1x16xf32>,
        %swap3A_379 = arith.index_cast %scan3A_296 : i32 to index
        %swap3A_380 = arith.constant 96 : index
        %swap3A_381 = tpu.vector_load %arg14[%swap3A_379, %swap3A_380] {strides = array<i32>} : memref<128x128xf32, #tpu.memory_space<vmem>>, vector<1x16xf32>,
        %swap3A_382 = vector.shape_cast %swap3A_381 : vector<1x16xf32> to vector<16xf32>
        %swap3A_383 = vector.shape_cast %exp3A_368 : vector<16xf32> to vector<1x16xf32>
        tpu.vector_store %arg14[%swap3A_379, %swap3A_380], %swap3A_383 {strides = array<i32>} : memref<128x128xf32, #tpu.memory_space<vmem>>, vector<1x16xf32>,
        %get3A_384 = arith.index_cast %scan3A_296 : i32 to index
        %get3A_385 = arith.constant 48 : index
        %get3A_386 = tpu.vector_load %arg12[%get3A_384, %get3A_385] {strides = array<i32>} : memref<128x128xf32, #tpu.memory_space<vmem>>, vector<1x16xf32>,
        %get3A_387 = vector.shape_cast %get3A_386 : vector<1x16xf32> to vector<16xf32>
        %get3A_388 = arith.index_cast %scan3A_296 : i32 to index
        %get3A_389 = arith.constant 48 : index
        %get3A_390 = tpu.vector_load %arg13[%get3A_388, %get3A_389] {strides = array<i32>} : memref<128x64xf32, #tpu.memory_space<vmem>>, vector<1x16xf32>,
        %get3A_391 = vector.shape_cast %get3A_390 : vector<1x16xf32> to vector<16xf32>
        %add3A_392 = arith.addf %get3A_387, %get3A_391 : vector<16xf32>
        %mul3A_393 = arith.constant 2.000000e-01 : f32
        %mul3A_394 = vector.broadcast %mul3A_393 : f32 to vector<16xf32>
        %mul3A_395 = arith.mulf %mul3A_394, %add3A_392 : vector<16xf32>
        %max3A_396 = arith.maximumf %add3A_392, %mul3A_395 : vector<16xf32>
        %exp3A_397 = math.exp %max3A_396 : vector<16xf32>
        %get3A_398 = arith.index_cast %scan3A_296 : i32 to index
        %get3A_399 = arith.constant 112 : index
        %get3A_400 = tpu.vector_load %arg12[%get3A_398, %get3A_399] {strides = array<i32>} : memref<128x128xf32, #tpu.memory_space<vmem>>, vector<1x16xf32>,
        %get3A_401 = vector.shape_cast %get3A_400 : vector<1x16xf32> to vector<16xf32>
        %mul3A_402 = arith.mulf %get3A_401, %exp3A_397 : vector<16xf32>
        %swap3A_403 = arith.index_cast %scan3A_296 : i32 to index
        %swap3A_404 = arith.constant 48 : index
        %swap3A_405 = tpu.vector_load %arg14[%swap3A_403, %swap3A_404] {strides = array<i32>} : memref<128x128xf32, #tpu.memory_space<vmem>>, vector<1x16xf32>,
        %swap3A_406 = vector.shape_cast %swap3A_405 : vector<1x16xf32> to vector<16xf32>
        %swap3A_407 = vector.shape_cast %mul3A_402 : vector<16xf32> to vector<1x16xf32>
        tpu.vector_store %arg14[%swap3A_403, %swap3A_404], %swap3A_407 {strides = array<i32>} : memref<128x128xf32, #tpu.memory_space<vmem>>, vector<1x16xf32>,
        %swap3A_408 = arith.index_cast %scan3A_296 : i32 to index
        %swap3A_409 = arith.constant 112 : index
        %swap3A_410 = tpu.vector_load %arg14[%swap3A_408, %swap3A_409] {strides = array<i32>} : memref<128x128xf32, #tpu.memory_space<vmem>>, vector<1x16xf32>,
        %swap3A_411 = vector.shape_cast %swap3A_410 : vector<1x16xf32> to vector<16xf32>
        %swap3A_412 = vector.shape_cast %exp3A_397 : vector<16xf32> to vector<1x16xf32>
        tpu.vector_store %arg14[%swap3A_408, %swap3A_409], %swap3A_412 {strides = array<i32>} : memref<128x128xf32, #tpu.memory_space<vmem>>, vector<1x16xf32>,
      }
      %scan3A_179 = arith.constant 128 : i32
      "tpu.region"() ({
        %run_scoped3A = tpu.sem_alloc : memref<!tpu.dma_semaphore, #tpu.memory_space<semaphore_mem>>
        %dma_start3A_180 = arith.constant 0 : i32
        %dma_start3A_181 = arith.constant 0 : i32
        %dma_start3A_182 = tpu.memref_slice %arg15[%dma_start3A_180, %dma_start3A_181] : memref<10240x128xf32, #tpu.memory_space<vmem_shared>> -> memref<10240x128xf32, #tpu.memory_space<vmem_shared>>
        tpu.enqueue_indirect_dma source(%arg14 : memref<128x128xf32, #tpu.memory_space<vmem>>) target(%dma_start3A_182 : memref<10240x128xf32, #tpu.memory_space<vmem_shared>>) offsets(%arg9 : memref<128xi32, #tpu.memory_space<vmem>>) semaphore(%run_scoped3A : memref<!tpu.dma_semaphore, #tpu.memory_space<semaphore_mem>>) {add = true}
        %dma_wait3A_183 = arith.constant 0 : i32
        %dma_wait3A_184 = arith.constant 0 : i32
        %dma_wait3A_185 = tpu.memref_slice %arg15[%dma_wait3A_183, %dma_wait3A_184] : memref<10240x128xf32, #tpu.memory_space<vmem_shared>> -> memref<10240x128xf32, #tpu.memory_space<vmem_shared>>
        tpu.wait_indirect_dma semaphore(%run_scoped3A : memref<!tpu.dma_semaphore, #tpu.memory_space<semaphore_mem>>) src(%arg14 : memref<128x128xf32, #tpu.memory_space<vmem>>) dst(%dma_wait3A_185 : memref<10240x128xf32, #tpu.memory_space<vmem_shared>>)
        tpu.yield
      }) : () -> ()
    }
    %scan3A_7 = arith.constant 312 : i32
    %lt3A = arith.constant 8 : i32
    %lt3A_8 = arith.cmpi slt, %arg1, %lt3A : i32
    %convert_element_type3A = arith.extui %lt3A_8 : i1 to i32
    %cond3A = arith.constant 0 : i32
    %cond3A_9 = arith.cmpi ne, %convert_element_type3A, %cond3A : i32
    scf.if %cond3A_9 {
      %add3A = arith.constant 4992 : i32
      %add3A_17 = arith.addi %add3A, %arg1 : i32
      %mul3A_18 = arith.constant 128 : i32
      %mul3A_19 = arith.muli %add3A_17, %mul3A_18 : i32
      %multiple_of3A = tpu.assume_multiple %mul3A_19, 128 : i32
      "tpu.region"() ({
        %run_scoped3A = tpu.sem_alloc : memref<!tpu.dma_semaphore, #tpu.memory_space<semaphore_mem>>
        %dma_start3A_178 = tpu.memref_slice %arg4[%multiple_of3A] : memref<640000xi32, #tpu.memory_space<hbm>> -> memref<128xi32, #tpu.memory_space<hbm>>
        %dma_start3A_179 = tpu.memref_slice %arg4[%multiple_of3A] : memref<640000xi32, #tpu.memory_space<hbm>> -> memref<128xi32, #tpu.memory_space<hbm>>
        tpu.enqueue_dma source(%dma_start3A_179 : memref<128xi32, #tpu.memory_space<hbm>>) target(%arg8 : memref<128xi32, #tpu.memory_space<vmem>>) target_semaphore(%run_scoped3A : memref<!tpu.dma_semaphore, #tpu.memory_space<semaphore_mem>>)
        %dma_wait3A_180 = tpu.memref_slice %arg4[%multiple_of3A] : memref<640000xi32, #tpu.memory_space<hbm>> -> memref<128xi32, #tpu.memory_space<hbm>>
        %dma_wait3A_181 = tpu.memref_slice %arg4[%multiple_of3A] : memref<640000xi32, #tpu.memory_space<hbm>> -> memref<128xi32, #tpu.memory_space<hbm>>
        tpu.wait_dma2 semaphore(%run_scoped3A : memref<!tpu.dma_semaphore, #tpu.memory_space<semaphore_mem>>) src(%dma_wait3A_181 : memref<128xi32, #tpu.memory_space<hbm>>) dst(%arg8 : memref<128xi32, #tpu.memory_space<vmem>>)
        tpu.yield
      }) : () -> ()
      "tpu.region"() ({
        %run_scoped3A = tpu.sem_alloc : memref<!tpu.dma_semaphore, #tpu.memory_space<semaphore_mem>>
        %dma_start3A_178 = tpu.memref_slice %arg5[%multiple_of3A] : memref<640000xi32, #tpu.memory_space<hbm>> -> memref<128xi32, #tpu.memory_space<hbm>>
        %dma_start3A_179 = tpu.memref_slice %arg5[%multiple_of3A] : memref<640000xi32, #tpu.memory_space<hbm>> -> memref<128xi32, #tpu.memory_space<hbm>>
        tpu.enqueue_dma source(%dma_start3A_179 : memref<128xi32, #tpu.memory_space<hbm>>) target(%arg9 : memref<128xi32, #tpu.memory_space<vmem>>) target_semaphore(%run_scoped3A : memref<!tpu.dma_semaphore, #tpu.memory_space<semaphore_mem>>)
        %dma_wait3A_180 = tpu.memref_slice %arg5[%multiple_of3A] : memref<640000xi32, #tpu.memory_space<hbm>> -> memref<128xi32, #tpu.memory_space<hbm>>
        %dma_wait3A_181 = tpu.memref_slice %arg5[%multiple_of3A] : memref<640000xi32, #tpu.memory_space<hbm>> -> memref<128xi32, #tpu.memory_space<hbm>>
        tpu.wait_dma2 semaphore(%run_scoped3A : memref<!tpu.dma_semaphore, #tpu.memory_space<semaphore_mem>>) src(%dma_wait3A_181 : memref<128xi32, #tpu.memory_space<hbm>>) dst(%arg9 : memref<128xi32, #tpu.memory_space<vmem>>)
        tpu.yield
      }) : () -> ()
      %get3A = arith.constant 0 : index
      %get3A_20 = tpu.vector_load %arg8[%get3A] {strides = array<i32>} : memref<128xi32, #tpu.memory_space<vmem>>, vector<16xi32>,
      %get3A_21 = vector.shape_cast %get3A_20 : vector<16xi32> to vector<16xi32>
      %add3A_22 = vector.broadcast %mul3A_0 : i32 to vector<16xi32>
      %add3A_23 = arith.addi %get3A_21, %add3A_22 : vector<16xi32>
      %swap3A = arith.constant 0 : index
      %swap3A_24 = tpu.vector_load %arg10[%swap3A] {strides = array<i32>} : memref<128xi32, #tpu.memory_space<vmem>>, vector<16xi32>,
      %swap3A_25 = vector.shape_cast %swap3A_24 : vector<16xi32> to vector<16xi32>
      %swap3A_26 = vector.shape_cast %add3A_23 : vector<16xi32> to vector<16xi32>
      tpu.vector_store %arg10[%swap3A], %swap3A_26 {strides = array<i32>} : memref<128xi32, #tpu.memory_space<vmem>>, vector<16xi32>,
      %get3A_27 = arith.constant 0 : index
      %get3A_28 = tpu.vector_load %arg9[%get3A_27] {strides = array<i32>} : memref<128xi32, #tpu.memory_space<vmem>>, vector<16xi32>,
      %get3A_29 = vector.shape_cast %get3A_28 : vector<16xi32> to vector<16xi32>
      %add3A_30 = vector.broadcast %mul3A_0 : i32 to vector<16xi32>
      %add3A_31 = arith.addi %get3A_29, %add3A_30 : vector<16xi32>
      %swap3A_32 = arith.constant 0 : index
      %swap3A_33 = tpu.vector_load %arg11[%swap3A_32] {strides = array<i32>} : memref<128xi32, #tpu.memory_space<vmem>>, vector<16xi32>,
      %swap3A_34 = vector.shape_cast %swap3A_33 : vector<16xi32> to vector<16xi32>
      %swap3A_35 = vector.shape_cast %add3A_31 : vector<16xi32> to vector<16xi32>
      tpu.vector_store %arg11[%swap3A_32], %swap3A_35 {strides = array<i32>} : memref<128xi32, #tpu.memory_space<vmem>>, vector<16xi32>,
      %get3A_36 = arith.constant 16 : index
      %get3A_37 = tpu.vector_load %arg8[%get3A_36] {strides = array<i32>} : memref<128xi32, #tpu.memory_space<vmem>>, vector<16xi32>,
      %get3A_38 = vector.shape_cast %get3A_37 : vector<16xi32> to vector<16xi32>
      %add3A_39 = vector.broadcast %mul3A_0 : i32 to vector<16xi32>
      %add3A_40 = arith.addi %get3A_38, %add3A_39 : vector<16xi32>
      %swap3A_41 = arith.constant 16 : index
      %swap3A_42 = tpu.vector_load %arg10[%swap3A_41] {strides = array<i32>} : memref<128xi32, #tpu.memory_space<vmem>>, vector<16xi32>,
      %swap3A_43 = vector.shape_cast %swap3A_42 : vector<16xi32> to vector<16xi32>
      %swap3A_44 = vector.shape_cast %add3A_40 : vector<16xi32> to vector<16xi32>
      tpu.vector_store %arg10[%swap3A_41], %swap3A_44 {strides = array<i32>} : memref<128xi32, #tpu.memory_space<vmem>>, vector<16xi32>,
      %get3A_45 = arith.constant 16 : index
      %get3A_46 = tpu.vector_load %arg9[%get3A_45] {strides = array<i32>} : memref<128xi32, #tpu.memory_space<vmem>>, vector<16xi32>,
      %get3A_47 = vector.shape_cast %get3A_46 : vector<16xi32> to vector<16xi32>
      %add3A_48 = vector.broadcast %mul3A_0 : i32 to vector<16xi32>
      %add3A_49 = arith.addi %get3A_47, %add3A_48 : vector<16xi32>
      %swap3A_50 = arith.constant 16 : index
      %swap3A_51 = tpu.vector_load %arg11[%swap3A_50] {strides = array<i32>} : memref<128xi32, #tpu.memory_space<vmem>>, vector<16xi32>,
      %swap3A_52 = vector.shape_cast %swap3A_51 : vector<16xi32> to vector<16xi32>
      %swap3A_53 = vector.shape_cast %add3A_49 : vector<16xi32> to vector<16xi32>
      tpu.vector_store %arg11[%swap3A_50], %swap3A_53 {strides = array<i32>} : memref<128xi32, #tpu.memory_space<vmem>>, vector<16xi32>,
      %get3A_54 = arith.constant 32 : index
      %get3A_55 = tpu.vector_load %arg8[%get3A_54] {strides = array<i32>} : memref<128xi32, #tpu.memory_space<vmem>>, vector<16xi32>,
      %get3A_56 = vector.shape_cast %get3A_55 : vector<16xi32> to vector<16xi32>
      %add3A_57 = vector.broadcast %mul3A_0 : i32 to vector<16xi32>
      %add3A_58 = arith.addi %get3A_56, %add3A_57 : vector<16xi32>
      %swap3A_59 = arith.constant 32 : index
      %swap3A_60 = tpu.vector_load %arg10[%swap3A_59] {strides = array<i32>} : memref<128xi32, #tpu.memory_space<vmem>>, vector<16xi32>,
      %swap3A_61 = vector.shape_cast %swap3A_60 : vector<16xi32> to vector<16xi32>
      %swap3A_62 = vector.shape_cast %add3A_58 : vector<16xi32> to vector<16xi32>
      tpu.vector_store %arg10[%swap3A_59], %swap3A_62 {strides = array<i32>} : memref<128xi32, #tpu.memory_space<vmem>>, vector<16xi32>,
      %get3A_63 = arith.constant 32 : index
      %get3A_64 = tpu.vector_load %arg9[%get3A_63] {strides = array<i32>} : memref<128xi32, #tpu.memory_space<vmem>>, vector<16xi32>,
      %get3A_65 = vector.shape_cast %get3A_64 : vector<16xi32> to vector<16xi32>
      %add3A_66 = vector.broadcast %mul3A_0 : i32 to vector<16xi32>
      %add3A_67 = arith.addi %get3A_65, %add3A_66 : vector<16xi32>
      %swap3A_68 = arith.constant 32 : index
      %swap3A_69 = tpu.vector_load %arg11[%swap3A_68] {strides = array<i32>} : memref<128xi32, #tpu.memory_space<vmem>>, vector<16xi32>,
      %swap3A_70 = vector.shape_cast %swap3A_69 : vector<16xi32> to vector<16xi32>
      %swap3A_71 = vector.shape_cast %add3A_67 : vector<16xi32> to vector<16xi32>
      tpu.vector_store %arg11[%swap3A_68], %swap3A_71 {strides = array<i32>} : memref<128xi32, #tpu.memory_space<vmem>>, vector<16xi32>,
      %get3A_72 = arith.constant 48 : index
      %get3A_73 = tpu.vector_load %arg8[%get3A_72] {strides = array<i32>} : memref<128xi32, #tpu.memory_space<vmem>>, vector<16xi32>,
      %get3A_74 = vector.shape_cast %get3A_73 : vector<16xi32> to vector<16xi32>
      %add3A_75 = vector.broadcast %mul3A_0 : i32 to vector<16xi32>
      %add3A_76 = arith.addi %get3A_74, %add3A_75 : vector<16xi32>
      %swap3A_77 = arith.constant 48 : index
      %swap3A_78 = tpu.vector_load %arg10[%swap3A_77] {strides = array<i32>} : memref<128xi32, #tpu.memory_space<vmem>>, vector<16xi32>,
      %swap3A_79 = vector.shape_cast %swap3A_78 : vector<16xi32> to vector<16xi32>
      %swap3A_80 = vector.shape_cast %add3A_76 : vector<16xi32> to vector<16xi32>
      tpu.vector_store %arg10[%swap3A_77], %swap3A_80 {strides = array<i32>} : memref<128xi32, #tpu.memory_space<vmem>>, vector<16xi32>,
      %get3A_81 = arith.constant 48 : index
      %get3A_82 = tpu.vector_load %arg9[%get3A_81] {strides = array<i32>} : memref<128xi32, #tpu.memory_space<vmem>>, vector<16xi32>,
      %get3A_83 = vector.shape_cast %get3A_82 : vector<16xi32> to vector<16xi32>
      %add3A_84 = vector.broadcast %mul3A_0 : i32 to vector<16xi32>
      %add3A_85 = arith.addi %get3A_83, %add3A_84 : vector<16xi32>
      %swap3A_86 = arith.constant 48 : index
      %swap3A_87 = tpu.vector_load %arg11[%swap3A_86] {strides = array<i32>} : memref<128xi32, #tpu.memory_space<vmem>>, vector<16xi32>,
      %swap3A_88 = vector.shape_cast %swap3A_87 : vector<16xi32> to vector<16xi32>
      %swap3A_89 = vector.shape_cast %add3A_85 : vector<16xi32> to vector<16xi32>
      tpu.vector_store %arg11[%swap3A_86], %swap3A_89 {strides = array<i32>} : memref<128xi32, #tpu.memory_space<vmem>>, vector<16xi32>,
      %get3A_90 = arith.constant 64 : index
      %get3A_91 = tpu.vector_load %arg8[%get3A_90] {strides = array<i32>} : memref<128xi32, #tpu.memory_space<vmem>>, vector<16xi32>,
      %get3A_92 = vector.shape_cast %get3A_91 : vector<16xi32> to vector<16xi32>
      %add3A_93 = vector.broadcast %mul3A_0 : i32 to vector<16xi32>
      %add3A_94 = arith.addi %get3A_92, %add3A_93 : vector<16xi32>
      %swap3A_95 = arith.constant 64 : index
      %swap3A_96 = tpu.vector_load %arg10[%swap3A_95] {strides = array<i32>} : memref<128xi32, #tpu.memory_space<vmem>>, vector<16xi32>,
      %swap3A_97 = vector.shape_cast %swap3A_96 : vector<16xi32> to vector<16xi32>
      %swap3A_98 = vector.shape_cast %add3A_94 : vector<16xi32> to vector<16xi32>
      tpu.vector_store %arg10[%swap3A_95], %swap3A_98 {strides = array<i32>} : memref<128xi32, #tpu.memory_space<vmem>>, vector<16xi32>,
      %get3A_99 = arith.constant 64 : index
      %get3A_100 = tpu.vector_load %arg9[%get3A_99] {strides = array<i32>} : memref<128xi32, #tpu.memory_space<vmem>>, vector<16xi32>,
      %get3A_101 = vector.shape_cast %get3A_100 : vector<16xi32> to vector<16xi32>
      %add3A_102 = vector.broadcast %mul3A_0 : i32 to vector<16xi32>
      %add3A_103 = arith.addi %get3A_101, %add3A_102 : vector<16xi32>
      %swap3A_104 = arith.constant 64 : index
      %swap3A_105 = tpu.vector_load %arg11[%swap3A_104] {strides = array<i32>} : memref<128xi32, #tpu.memory_space<vmem>>, vector<16xi32>,
      %swap3A_106 = vector.shape_cast %swap3A_105 : vector<16xi32> to vector<16xi32>
      %swap3A_107 = vector.shape_cast %add3A_103 : vector<16xi32> to vector<16xi32>
      tpu.vector_store %arg11[%swap3A_104], %swap3A_107 {strides = array<i32>} : memref<128xi32, #tpu.memory_space<vmem>>, vector<16xi32>,
      %get3A_108 = arith.constant 80 : index
      %get3A_109 = tpu.vector_load %arg8[%get3A_108] {strides = array<i32>} : memref<128xi32, #tpu.memory_space<vmem>>, vector<16xi32>,
      %get3A_110 = vector.shape_cast %get3A_109 : vector<16xi32> to vector<16xi32>
      %add3A_111 = vector.broadcast %mul3A_0 : i32 to vector<16xi32>
      %add3A_112 = arith.addi %get3A_110, %add3A_111 : vector<16xi32>
      %swap3A_113 = arith.constant 80 : index
      %swap3A_114 = tpu.vector_load %arg10[%swap3A_113] {strides = array<i32>} : memref<128xi32, #tpu.memory_space<vmem>>, vector<16xi32>,
      %swap3A_115 = vector.shape_cast %swap3A_114 : vector<16xi32> to vector<16xi32>
      %swap3A_116 = vector.shape_cast %add3A_112 : vector<16xi32> to vector<16xi32>
      tpu.vector_store %arg10[%swap3A_113], %swap3A_116 {strides = array<i32>} : memref<128xi32, #tpu.memory_space<vmem>>, vector<16xi32>,
      %get3A_117 = arith.constant 80 : index
      %get3A_118 = tpu.vector_load %arg9[%get3A_117] {strides = array<i32>} : memref<128xi32, #tpu.memory_space<vmem>>, vector<16xi32>,
      %get3A_119 = vector.shape_cast %get3A_118 : vector<16xi32> to vector<16xi32>
      %add3A_120 = vector.broadcast %mul3A_0 : i32 to vector<16xi32>
      %add3A_121 = arith.addi %get3A_119, %add3A_120 : vector<16xi32>
      %swap3A_122 = arith.constant 80 : index
      %swap3A_123 = tpu.vector_load %arg11[%swap3A_122] {strides = array<i32>} : memref<128xi32, #tpu.memory_space<vmem>>, vector<16xi32>,
      %swap3A_124 = vector.shape_cast %swap3A_123 : vector<16xi32> to vector<16xi32>
      %swap3A_125 = vector.shape_cast %add3A_121 : vector<16xi32> to vector<16xi32>
      tpu.vector_store %arg11[%swap3A_122], %swap3A_125 {strides = array<i32>} : memref<128xi32, #tpu.memory_space<vmem>>, vector<16xi32>,
      %get3A_126 = arith.constant 96 : index
      %get3A_127 = tpu.vector_load %arg8[%get3A_126] {strides = array<i32>} : memref<128xi32, #tpu.memory_space<vmem>>, vector<16xi32>,
      %get3A_128 = vector.shape_cast %get3A_127 : vector<16xi32> to vector<16xi32>
      %add3A_129 = vector.broadcast %mul3A_0 : i32 to vector<16xi32>
      %add3A_130 = arith.addi %get3A_128, %add3A_129 : vector<16xi32>
      %swap3A_131 = arith.constant 96 : index
      %swap3A_132 = tpu.vector_load %arg10[%swap3A_131] {strides = array<i32>} : memref<128xi32, #tpu.memory_space<vmem>>, vector<16xi32>,
      %swap3A_133 = vector.shape_cast %swap3A_132 : vector<16xi32> to vector<16xi32>
      %swap3A_134 = vector.shape_cast %add3A_130 : vector<16xi32> to vector<16xi32>
      tpu.vector_store %arg10[%swap3A_131], %swap3A_134 {strides = array<i32>} : memref<128xi32, #tpu.memory_space<vmem>>, vector<16xi32>,
      %get3A_135 = arith.constant 96 : index
      %get3A_136 = tpu.vector_load %arg9[%get3A_135] {strides = array<i32>} : memref<128xi32, #tpu.memory_space<vmem>>, vector<16xi32>,
      %get3A_137 = vector.shape_cast %get3A_136 : vector<16xi32> to vector<16xi32>
      %add3A_138 = vector.broadcast %mul3A_0 : i32 to vector<16xi32>
      %add3A_139 = arith.addi %get3A_137, %add3A_138 : vector<16xi32>
      %swap3A_140 = arith.constant 96 : index
      %swap3A_141 = tpu.vector_load %arg11[%swap3A_140] {strides = array<i32>} : memref<128xi32, #tpu.memory_space<vmem>>, vector<16xi32>,
      %swap3A_142 = vector.shape_cast %swap3A_141 : vector<16xi32> to vector<16xi32>
      %swap3A_143 = vector.shape_cast %add3A_139 : vector<16xi32> to vector<16xi32>
      tpu.vector_store %arg11[%swap3A_140], %swap3A_143 {strides = array<i32>} : memref<128xi32, #tpu.memory_space<vmem>>, vector<16xi32>,
      %get3A_144 = arith.constant 112 : index
      %get3A_145 = tpu.vector_load %arg8[%get3A_144] {strides = array<i32>} : memref<128xi32, #tpu.memory_space<vmem>>, vector<16xi32>,
      %get3A_146 = vector.shape_cast %get3A_145 : vector<16xi32> to vector<16xi32>
      %add3A_147 = vector.broadcast %mul3A_0 : i32 to vector<16xi32>
      %add3A_148 = arith.addi %get3A_146, %add3A_147 : vector<16xi32>
      %swap3A_149 = arith.constant 112 : index
      %swap3A_150 = tpu.vector_load %arg10[%swap3A_149] {strides = array<i32>} : memref<128xi32, #tpu.memory_space<vmem>>, vector<16xi32>,
      %swap3A_151 = vector.shape_cast %swap3A_150 : vector<16xi32> to vector<16xi32>
      %swap3A_152 = vector.shape_cast %add3A_148 : vector<16xi32> to vector<16xi32>
      tpu.vector_store %arg10[%swap3A_149], %swap3A_152 {strides = array<i32>} : memref<128xi32, #tpu.memory_space<vmem>>, vector<16xi32>,
      %get3A_153 = arith.constant 112 : index
      %get3A_154 = tpu.vector_load %arg9[%get3A_153] {strides = array<i32>} : memref<128xi32, #tpu.memory_space<vmem>>, vector<16xi32>,
      %get3A_155 = vector.shape_cast %get3A_154 : vector<16xi32> to vector<16xi32>
      %add3A_156 = vector.broadcast %mul3A_0 : i32 to vector<16xi32>
      %add3A_157 = arith.addi %get3A_155, %add3A_156 : vector<16xi32>
      %swap3A_158 = arith.constant 112 : index
      %swap3A_159 = tpu.vector_load %arg11[%swap3A_158] {strides = array<i32>} : memref<128xi32, #tpu.memory_space<vmem>>, vector<16xi32>,
      %swap3A_160 = vector.shape_cast %swap3A_159 : vector<16xi32> to vector<16xi32>
      %swap3A_161 = vector.shape_cast %add3A_157 : vector<16xi32> to vector<16xi32>
      tpu.vector_store %arg11[%swap3A_158], %swap3A_161 {strides = array<i32>} : memref<128xi32, #tpu.memory_space<vmem>>, vector<16xi32>,
      %dma_start3A = arith.constant 0 : i32
      %dma_start3A_162 = arith.constant 0 : i32
      %dma_start3A_163 = tpu.memref_slice %arg2[%dma_start3A, %dma_start3A_162] : memref<20000x128xf32, #tpu.memory_space<hbm>> -> memref<20000x128xf32, #tpu.memory_space<hbm>>
      tpu.enqueue_indirect_dma source(%dma_start3A_163 : memref<20000x128xf32, #tpu.memory_space<hbm>>) target(%arg12 : memref<128x128xf32, #tpu.memory_space<vmem>>) offsets(%arg10 : memref<128xi32, #tpu.memory_space<vmem>>) semaphore(%arg16 : memref<!tpu.dma_semaphore, #tpu.memory_space<semaphore_mem>>)
      %dma_start3A_164 = arith.constant 0 : i32
      %dma_start3A_165 = arith.constant 0 : i32
      %dma_start3A_166 = tpu.memref_slice %arg3[%dma_start3A_164, %dma_start3A_165] : memref<20000x64xf32, #tpu.memory_space<hbm>> -> memref<20000x64xf32, #tpu.memory_space<hbm>>
      tpu.enqueue_indirect_dma source(%dma_start3A_166 : memref<20000x64xf32, #tpu.memory_space<hbm>>) target(%arg13 : memref<128x64xf32, #tpu.memory_space<vmem>>) offsets(%arg11 : memref<128xi32, #tpu.memory_space<vmem>>) semaphore(%arg17 : memref<!tpu.dma_semaphore, #tpu.memory_space<semaphore_mem>>)
      %dma_wait3A = arith.constant 0 : i32
      %dma_wait3A_167 = arith.constant 0 : i32
      %dma_wait3A_168 = tpu.memref_slice %arg2[%dma_wait3A, %dma_wait3A_167] : memref<20000x128xf32, #tpu.memory_space<hbm>> -> memref<20000x128xf32, #tpu.memory_space<hbm>>
      tpu.wait_indirect_dma semaphore(%arg16 : memref<!tpu.dma_semaphore, #tpu.memory_space<semaphore_mem>>) src(%dma_wait3A_168 : memref<20000x128xf32, #tpu.memory_space<hbm>>) dst(%arg12 : memref<128x128xf32, #tpu.memory_space<vmem>>)
      %dma_wait3A_169 = arith.constant 0 : i32
      %dma_wait3A_170 = arith.constant 0 : i32
      %dma_wait3A_171 = tpu.memref_slice %arg3[%dma_wait3A_169, %dma_wait3A_170] : memref<20000x64xf32, #tpu.memory_space<hbm>> -> memref<20000x64xf32, #tpu.memory_space<hbm>>
      tpu.wait_indirect_dma semaphore(%arg17 : memref<!tpu.dma_semaphore, #tpu.memory_space<semaphore_mem>>) src(%dma_wait3A_171 : memref<20000x64xf32, #tpu.memory_space<hbm>>) dst(%arg13 : memref<128x64xf32, #tpu.memory_space<vmem>>)
      %scan3A_172 = arith.constant 0 : i32
      %scan3A_173 = arith.constant 0 : i32
      %scan3A_174 = arith.constant 128 : i32
      %scan3A_175 = arith.addi %scan3A_173, %scan3A_174 : i32
      %scan3A_176 = arith.constant 2 : i32
      scf.for %scan3A_178 = %scan3A_173 to %scan3A_175 step %scan3A_176  : i32 {
        %get3A_179 = arith.index_cast %scan3A_178 : i32 to index
        %get3A_180 = arith.constant 0 : index
        %get3A_181 = tpu.vector_load %arg12[%get3A_179, %get3A_180] {strides = array<i32>} : memref<128x128xf32, #tpu.memory_space<vmem>>, vector<1x16xf32>,
        %get3A_182 = vector.shape_cast %get3A_181 : vector<1x16xf32> to vector<16xf32>
        %get3A_183 = arith.index_cast %scan3A_178 : i32 to index
        %get3A_184 = arith.constant 0 : index
        %get3A_185 = tpu.vector_load %arg13[%get3A_183, %get3A_184] {strides = array<i32>} : memref<128x64xf32, #tpu.memory_space<vmem>>, vector<1x16xf32>,
        %get3A_186 = vector.shape_cast %get3A_185 : vector<1x16xf32> to vector<16xf32>
        %add3A_187 = arith.addf %get3A_182, %get3A_186 : vector<16xf32>
        %mul3A_188 = arith.constant 2.000000e-01 : f32
        %mul3A_189 = vector.broadcast %mul3A_188 : f32 to vector<16xf32>
        %mul3A_190 = arith.mulf %mul3A_189, %add3A_187 : vector<16xf32>
        %max3A = arith.maximumf %add3A_187, %mul3A_190 : vector<16xf32>
        %exp3A = math.exp %max3A : vector<16xf32>
        %get3A_191 = arith.index_cast %scan3A_178 : i32 to index
        %get3A_192 = arith.constant 64 : index
        %get3A_193 = tpu.vector_load %arg12[%get3A_191, %get3A_192] {strides = array<i32>} : memref<128x128xf32, #tpu.memory_space<vmem>>, vector<1x16xf32>,
        %get3A_194 = vector.shape_cast %get3A_193 : vector<1x16xf32> to vector<16xf32>
        %mul3A_195 = arith.mulf %get3A_194, %exp3A : vector<16xf32>
        %swap3A_196 = arith.index_cast %scan3A_178 : i32 to index
        %swap3A_197 = arith.constant 0 : index
        %swap3A_198 = tpu.vector_load %arg14[%swap3A_196, %swap3A_197] {strides = array<i32>} : memref<128x128xf32, #tpu.memory_space<vmem>>, vector<1x16xf32>,
        %swap3A_199 = vector.shape_cast %swap3A_198 : vector<1x16xf32> to vector<16xf32>
        %swap3A_200 = vector.shape_cast %mul3A_195 : vector<16xf32> to vector<1x16xf32>
        tpu.vector_store %arg14[%swap3A_196, %swap3A_197], %swap3A_200 {strides = array<i32>} : memref<128x128xf32, #tpu.memory_space<vmem>>, vector<1x16xf32>,
        %swap3A_201 = arith.index_cast %scan3A_178 : i32 to index
        %swap3A_202 = arith.constant 64 : index
        %swap3A_203 = tpu.vector_load %arg14[%swap3A_201, %swap3A_202] {strides = array<i32>} : memref<128x128xf32, #tpu.memory_space<vmem>>, vector<1x16xf32>,
        %swap3A_204 = vector.shape_cast %swap3A_203 : vector<1x16xf32> to vector<16xf32>
        %swap3A_205 = vector.shape_cast %exp3A : vector<16xf32> to vector<1x16xf32>
        tpu.vector_store %arg14[%swap3A_201, %swap3A_202], %swap3A_205 {strides = array<i32>} : memref<128x128xf32, #tpu.memory_space<vmem>>, vector<1x16xf32>,
        %get3A_206 = arith.index_cast %scan3A_178 : i32 to index
        %get3A_207 = arith.constant 16 : index
        %get3A_208 = tpu.vector_load %arg12[%get3A_206, %get3A_207] {strides = array<i32>} : memref<128x128xf32, #tpu.memory_space<vmem>>, vector<1x16xf32>,
        %get3A_209 = vector.shape_cast %get3A_208 : vector<1x16xf32> to vector<16xf32>
        %get3A_210 = arith.index_cast %scan3A_178 : i32 to index
        %get3A_211 = arith.constant 16 : index
        %get3A_212 = tpu.vector_load %arg13[%get3A_210, %get3A_211] {strides = array<i32>} : memref<128x64xf32, #tpu.memory_space<vmem>>, vector<1x16xf32>,
        %get3A_213 = vector.shape_cast %get3A_212 : vector<1x16xf32> to vector<16xf32>
        %add3A_214 = arith.addf %get3A_209, %get3A_213 : vector<16xf32>
        %mul3A_215 = arith.constant 2.000000e-01 : f32
        %mul3A_216 = vector.broadcast %mul3A_215 : f32 to vector<16xf32>
        %mul3A_217 = arith.mulf %mul3A_216, %add3A_214 : vector<16xf32>
        %max3A_218 = arith.maximumf %add3A_214, %mul3A_217 : vector<16xf32>
        %exp3A_219 = math.exp %max3A_218 : vector<16xf32>
        %get3A_220 = arith.index_cast %scan3A_178 : i32 to index
        %get3A_221 = arith.constant 80 : index
        %get3A_222 = tpu.vector_load %arg12[%get3A_220, %get3A_221] {strides = array<i32>} : memref<128x128xf32, #tpu.memory_space<vmem>>, vector<1x16xf32>,
        %get3A_223 = vector.shape_cast %get3A_222 : vector<1x16xf32> to vector<16xf32>
        %mul3A_224 = arith.mulf %get3A_223, %exp3A_219 : vector<16xf32>
        %swap3A_225 = arith.index_cast %scan3A_178 : i32 to index
        %swap3A_226 = arith.constant 16 : index
        %swap3A_227 = tpu.vector_load %arg14[%swap3A_225, %swap3A_226] {strides = array<i32>} : memref<128x128xf32, #tpu.memory_space<vmem>>, vector<1x16xf32>,
        %swap3A_228 = vector.shape_cast %swap3A_227 : vector<1x16xf32> to vector<16xf32>
        %swap3A_229 = vector.shape_cast %mul3A_224 : vector<16xf32> to vector<1x16xf32>
        tpu.vector_store %arg14[%swap3A_225, %swap3A_226], %swap3A_229 {strides = array<i32>} : memref<128x128xf32, #tpu.memory_space<vmem>>, vector<1x16xf32>,
        %swap3A_230 = arith.index_cast %scan3A_178 : i32 to index
        %swap3A_231 = arith.constant 80 : index
        %swap3A_232 = tpu.vector_load %arg14[%swap3A_230, %swap3A_231] {strides = array<i32>} : memref<128x128xf32, #tpu.memory_space<vmem>>, vector<1x16xf32>,
        %swap3A_233 = vector.shape_cast %swap3A_232 : vector<1x16xf32> to vector<16xf32>
        %swap3A_234 = vector.shape_cast %exp3A_219 : vector<16xf32> to vector<1x16xf32>
        tpu.vector_store %arg14[%swap3A_230, %swap3A_231], %swap3A_234 {strides = array<i32>} : memref<128x128xf32, #tpu.memory_space<vmem>>, vector<1x16xf32>,
        %get3A_235 = arith.index_cast %scan3A_178 : i32 to index
        %get3A_236 = arith.constant 32 : index
        %get3A_237 = tpu.vector_load %arg12[%get3A_235, %get3A_236] {strides = array<i32>} : memref<128x128xf32, #tpu.memory_space<vmem>>, vector<1x16xf32>,
        %get3A_238 = vector.shape_cast %get3A_237 : vector<1x16xf32> to vector<16xf32>
        %get3A_239 = arith.index_cast %scan3A_178 : i32 to index
        %get3A_240 = arith.constant 32 : index
        %get3A_241 = tpu.vector_load %arg13[%get3A_239, %get3A_240] {strides = array<i32>} : memref<128x64xf32, #tpu.memory_space<vmem>>, vector<1x16xf32>,
        %get3A_242 = vector.shape_cast %get3A_241 : vector<1x16xf32> to vector<16xf32>
        %add3A_243 = arith.addf %get3A_238, %get3A_242 : vector<16xf32>
        %mul3A_244 = arith.constant 2.000000e-01 : f32
        %mul3A_245 = vector.broadcast %mul3A_244 : f32 to vector<16xf32>
        %mul3A_246 = arith.mulf %mul3A_245, %add3A_243 : vector<16xf32>
        %max3A_247 = arith.maximumf %add3A_243, %mul3A_246 : vector<16xf32>
        %exp3A_248 = math.exp %max3A_247 : vector<16xf32>
        %get3A_249 = arith.index_cast %scan3A_178 : i32 to index
        %get3A_250 = arith.constant 96 : index
        %get3A_251 = tpu.vector_load %arg12[%get3A_249, %get3A_250] {strides = array<i32>} : memref<128x128xf32, #tpu.memory_space<vmem>>, vector<1x16xf32>,
        %get3A_252 = vector.shape_cast %get3A_251 : vector<1x16xf32> to vector<16xf32>
        %mul3A_253 = arith.mulf %get3A_252, %exp3A_248 : vector<16xf32>
        %swap3A_254 = arith.index_cast %scan3A_178 : i32 to index
        %swap3A_255 = arith.constant 32 : index
        %swap3A_256 = tpu.vector_load %arg14[%swap3A_254, %swap3A_255] {strides = array<i32>} : memref<128x128xf32, #tpu.memory_space<vmem>>, vector<1x16xf32>,
        %swap3A_257 = vector.shape_cast %swap3A_256 : vector<1x16xf32> to vector<16xf32>
        %swap3A_258 = vector.shape_cast %mul3A_253 : vector<16xf32> to vector<1x16xf32>
        tpu.vector_store %arg14[%swap3A_254, %swap3A_255], %swap3A_258 {strides = array<i32>} : memref<128x128xf32, #tpu.memory_space<vmem>>, vector<1x16xf32>,
        %swap3A_259 = arith.index_cast %scan3A_178 : i32 to index
        %swap3A_260 = arith.constant 96 : index
        %swap3A_261 = tpu.vector_load %arg14[%swap3A_259, %swap3A_260] {strides = array<i32>} : memref<128x128xf32, #tpu.memory_space<vmem>>, vector<1x16xf32>,
        %swap3A_262 = vector.shape_cast %swap3A_261 : vector<1x16xf32> to vector<16xf32>
        %swap3A_263 = vector.shape_cast %exp3A_248 : vector<16xf32> to vector<1x16xf32>
        tpu.vector_store %arg14[%swap3A_259, %swap3A_260], %swap3A_263 {strides = array<i32>} : memref<128x128xf32, #tpu.memory_space<vmem>>, vector<1x16xf32>,
        %get3A_264 = arith.index_cast %scan3A_178 : i32 to index
        %get3A_265 = arith.constant 48 : index
        %get3A_266 = tpu.vector_load %arg12[%get3A_264, %get3A_265] {strides = array<i32>} : memref<128x128xf32, #tpu.memory_space<vmem>>, vector<1x16xf32>,
        %get3A_267 = vector.shape_cast %get3A_266 : vector<1x16xf32> to vector<16xf32>
        %get3A_268 = arith.index_cast %scan3A_178 : i32 to index
        %get3A_269 = arith.constant 48 : index
        %get3A_270 = tpu.vector_load %arg13[%get3A_268, %get3A_269] {strides = array<i32>} : memref<128x64xf32, #tpu.memory_space<vmem>>, vector<1x16xf32>,
        %get3A_271 = vector.shape_cast %get3A_270 : vector<1x16xf32> to vector<16xf32>
        %add3A_272 = arith.addf %get3A_267, %get3A_271 : vector<16xf32>
        %mul3A_273 = arith.constant 2.000000e-01 : f32
        %mul3A_274 = vector.broadcast %mul3A_273 : f32 to vector<16xf32>
        %mul3A_275 = arith.mulf %mul3A_274, %add3A_272 : vector<16xf32>
        %max3A_276 = arith.maximumf %add3A_272, %mul3A_275 : vector<16xf32>
        %exp3A_277 = math.exp %max3A_276 : vector<16xf32>
        %get3A_278 = arith.index_cast %scan3A_178 : i32 to index
        %get3A_279 = arith.constant 112 : index
        %get3A_280 = tpu.vector_load %arg12[%get3A_278, %get3A_279] {strides = array<i32>} : memref<128x128xf32, #tpu.memory_space<vmem>>, vector<1x16xf32>,
        %get3A_281 = vector.shape_cast %get3A_280 : vector<1x16xf32> to vector<16xf32>
        %mul3A_282 = arith.mulf %get3A_281, %exp3A_277 : vector<16xf32>
        %swap3A_283 = arith.index_cast %scan3A_178 : i32 to index
        %swap3A_284 = arith.constant 48 : index
        %swap3A_285 = tpu.vector_load %arg14[%swap3A_283, %swap3A_284] {strides = array<i32>} : memref<128x128xf32, #tpu.memory_space<vmem>>, vector<1x16xf32>,
        %swap3A_286 = vector.shape_cast %swap3A_285 : vector<1x16xf32> to vector<16xf32>
        %swap3A_287 = vector.shape_cast %mul3A_282 : vector<16xf32> to vector<1x16xf32>
        tpu.vector_store %arg14[%swap3A_283, %swap3A_284], %swap3A_287 {strides = array<i32>} : memref<128x128xf32, #tpu.memory_space<vmem>>, vector<1x16xf32>,
        %swap3A_288 = arith.index_cast %scan3A_178 : i32 to index
        %swap3A_289 = arith.constant 112 : index
        %swap3A_290 = tpu.vector_load %arg14[%swap3A_288, %swap3A_289] {strides = array<i32>} : memref<128x128xf32, #tpu.memory_space<vmem>>, vector<1x16xf32>,
        %swap3A_291 = vector.shape_cast %swap3A_290 : vector<1x16xf32> to vector<16xf32>
        %swap3A_292 = vector.shape_cast %exp3A_277 : vector<16xf32> to vector<1x16xf32>
        tpu.vector_store %arg14[%swap3A_288, %swap3A_289], %swap3A_292 {strides = array<i32>} : memref<128x128xf32, #tpu.memory_space<vmem>>, vector<1x16xf32>,
        %scan3A_293 = arith.constant 1 : i32
        %scan3A_294 = arith.addi %scan3A_178, %scan3A_293 : i32
        %get3A_295 = arith.index_cast %scan3A_294 : i32 to index
        %get3A_296 = arith.constant 0 : index
        %get3A_297 = tpu.vector_load %arg12[%get3A_295, %get3A_296] {strides = array<i32>} : memref<128x128xf32, #tpu.memory_space<vmem>>, vector<1x16xf32>,
        %get3A_298 = vector.shape_cast %get3A_297 : vector<1x16xf32> to vector<16xf32>
        %get3A_299 = arith.index_cast %scan3A_294 : i32 to index
        %get3A_300 = arith.constant 0 : index
        %get3A_301 = tpu.vector_load %arg13[%get3A_299, %get3A_300] {strides = array<i32>} : memref<128x64xf32, #tpu.memory_space<vmem>>, vector<1x16xf32>,
        %get3A_302 = vector.shape_cast %get3A_301 : vector<1x16xf32> to vector<16xf32>
        %add3A_303 = arith.addf %get3A_298, %get3A_302 : vector<16xf32>
        %mul3A_304 = arith.constant 2.000000e-01 : f32
        %mul3A_305 = vector.broadcast %mul3A_304 : f32 to vector<16xf32>
        %mul3A_306 = arith.mulf %mul3A_305, %add3A_303 : vector<16xf32>
        %max3A_307 = arith.maximumf %add3A_303, %mul3A_306 : vector<16xf32>
        %exp3A_308 = math.exp %max3A_307 : vector<16xf32>
        %get3A_309 = arith.index_cast %scan3A_294 : i32 to index
        %get3A_310 = arith.constant 64 : index
        %get3A_311 = tpu.vector_load %arg12[%get3A_309, %get3A_310] {strides = array<i32>} : memref<128x128xf32, #tpu.memory_space<vmem>>, vector<1x16xf32>,
        %get3A_312 = vector.shape_cast %get3A_311 : vector<1x16xf32> to vector<16xf32>
        %mul3A_313 = arith.mulf %get3A_312, %exp3A_308 : vector<16xf32>
        %swap3A_314 = arith.index_cast %scan3A_294 : i32 to index
        %swap3A_315 = arith.constant 0 : index
        %swap3A_316 = tpu.vector_load %arg14[%swap3A_314, %swap3A_315] {strides = array<i32>} : memref<128x128xf32, #tpu.memory_space<vmem>>, vector<1x16xf32>,
        %swap3A_317 = vector.shape_cast %swap3A_316 : vector<1x16xf32> to vector<16xf32>
        %swap3A_318 = vector.shape_cast %mul3A_313 : vector<16xf32> to vector<1x16xf32>
        tpu.vector_store %arg14[%swap3A_314, %swap3A_315], %swap3A_318 {strides = array<i32>} : memref<128x128xf32, #tpu.memory_space<vmem>>, vector<1x16xf32>,
        %swap3A_319 = arith.index_cast %scan3A_294 : i32 to index
        %swap3A_320 = arith.constant 64 : index
        %swap3A_321 = tpu.vector_load %arg14[%swap3A_319, %swap3A_320] {strides = array<i32>} : memref<128x128xf32, #tpu.memory_space<vmem>>, vector<1x16xf32>,
        %swap3A_322 = vector.shape_cast %swap3A_321 : vector<1x16xf32> to vector<16xf32>
        %swap3A_323 = vector.shape_cast %exp3A_308 : vector<16xf32> to vector<1x16xf32>
        tpu.vector_store %arg14[%swap3A_319, %swap3A_320], %swap3A_323 {strides = array<i32>} : memref<128x128xf32, #tpu.memory_space<vmem>>, vector<1x16xf32>,
        %get3A_324 = arith.index_cast %scan3A_294 : i32 to index
        %get3A_325 = arith.constant 16 : index
        %get3A_326 = tpu.vector_load %arg12[%get3A_324, %get3A_325] {strides = array<i32>} : memref<128x128xf32, #tpu.memory_space<vmem>>, vector<1x16xf32>,
        %get3A_327 = vector.shape_cast %get3A_326 : vector<1x16xf32> to vector<16xf32>
        %get3A_328 = arith.index_cast %scan3A_294 : i32 to index
        %get3A_329 = arith.constant 16 : index
        %get3A_330 = tpu.vector_load %arg13[%get3A_328, %get3A_329] {strides = array<i32>} : memref<128x64xf32, #tpu.memory_space<vmem>>, vector<1x16xf32>,
        %get3A_331 = vector.shape_cast %get3A_330 : vector<1x16xf32> to vector<16xf32>
        %add3A_332 = arith.addf %get3A_327, %get3A_331 : vector<16xf32>
        %mul3A_333 = arith.constant 2.000000e-01 : f32
        %mul3A_334 = vector.broadcast %mul3A_333 : f32 to vector<16xf32>
        %mul3A_335 = arith.mulf %mul3A_334, %add3A_332 : vector<16xf32>
        %max3A_336 = arith.maximumf %add3A_332, %mul3A_335 : vector<16xf32>
        %exp3A_337 = math.exp %max3A_336 : vector<16xf32>
        %get3A_338 = arith.index_cast %scan3A_294 : i32 to index
        %get3A_339 = arith.constant 80 : index
        %get3A_340 = tpu.vector_load %arg12[%get3A_338, %get3A_339] {strides = array<i32>} : memref<128x128xf32, #tpu.memory_space<vmem>>, vector<1x16xf32>,
        %get3A_341 = vector.shape_cast %get3A_340 : vector<1x16xf32> to vector<16xf32>
        %mul3A_342 = arith.mulf %get3A_341, %exp3A_337 : vector<16xf32>
        %swap3A_343 = arith.index_cast %scan3A_294 : i32 to index
        %swap3A_344 = arith.constant 16 : index
        %swap3A_345 = tpu.vector_load %arg14[%swap3A_343, %swap3A_344] {strides = array<i32>} : memref<128x128xf32, #tpu.memory_space<vmem>>, vector<1x16xf32>,
        %swap3A_346 = vector.shape_cast %swap3A_345 : vector<1x16xf32> to vector<16xf32>
        %swap3A_347 = vector.shape_cast %mul3A_342 : vector<16xf32> to vector<1x16xf32>
        tpu.vector_store %arg14[%swap3A_343, %swap3A_344], %swap3A_347 {strides = array<i32>} : memref<128x128xf32, #tpu.memory_space<vmem>>, vector<1x16xf32>,
        %swap3A_348 = arith.index_cast %scan3A_294 : i32 to index
        %swap3A_349 = arith.constant 80 : index
        %swap3A_350 = tpu.vector_load %arg14[%swap3A_348, %swap3A_349] {strides = array<i32>} : memref<128x128xf32, #tpu.memory_space<vmem>>, vector<1x16xf32>,
        %swap3A_351 = vector.shape_cast %swap3A_350 : vector<1x16xf32> to vector<16xf32>
        %swap3A_352 = vector.shape_cast %exp3A_337 : vector<16xf32> to vector<1x16xf32>
        tpu.vector_store %arg14[%swap3A_348, %swap3A_349], %swap3A_352 {strides = array<i32>} : memref<128x128xf32, #tpu.memory_space<vmem>>, vector<1x16xf32>,
        %get3A_353 = arith.index_cast %scan3A_294 : i32 to index
        %get3A_354 = arith.constant 32 : index
        %get3A_355 = tpu.vector_load %arg12[%get3A_353, %get3A_354] {strides = array<i32>} : memref<128x128xf32, #tpu.memory_space<vmem>>, vector<1x16xf32>,
        %get3A_356 = vector.shape_cast %get3A_355 : vector<1x16xf32> to vector<16xf32>
        %get3A_357 = arith.index_cast %scan3A_294 : i32 to index
        %get3A_358 = arith.constant 32 : index
        %get3A_359 = tpu.vector_load %arg13[%get3A_357, %get3A_358] {strides = array<i32>} : memref<128x64xf32, #tpu.memory_space<vmem>>, vector<1x16xf32>,
        %get3A_360 = vector.shape_cast %get3A_359 : vector<1x16xf32> to vector<16xf32>
        %add3A_361 = arith.addf %get3A_356, %get3A_360 : vector<16xf32>
        %mul3A_362 = arith.constant 2.000000e-01 : f32
        %mul3A_363 = vector.broadcast %mul3A_362 : f32 to vector<16xf32>
        %mul3A_364 = arith.mulf %mul3A_363, %add3A_361 : vector<16xf32>
        %max3A_365 = arith.maximumf %add3A_361, %mul3A_364 : vector<16xf32>
        %exp3A_366 = math.exp %max3A_365 : vector<16xf32>
        %get3A_367 = arith.index_cast %scan3A_294 : i32 to index
        %get3A_368 = arith.constant 96 : index
        %get3A_369 = tpu.vector_load %arg12[%get3A_367, %get3A_368] {strides = array<i32>} : memref<128x128xf32, #tpu.memory_space<vmem>>, vector<1x16xf32>,
        %get3A_370 = vector.shape_cast %get3A_369 : vector<1x16xf32> to vector<16xf32>
        %mul3A_371 = arith.mulf %get3A_370, %exp3A_366 : vector<16xf32>
        %swap3A_372 = arith.index_cast %scan3A_294 : i32 to index
        %swap3A_373 = arith.constant 32 : index
        %swap3A_374 = tpu.vector_load %arg14[%swap3A_372, %swap3A_373] {strides = array<i32>} : memref<128x128xf32, #tpu.memory_space<vmem>>, vector<1x16xf32>,
        %swap3A_375 = vector.shape_cast %swap3A_374 : vector<1x16xf32> to vector<16xf32>
        %swap3A_376 = vector.shape_cast %mul3A_371 : vector<16xf32> to vector<1x16xf32>
        tpu.vector_store %arg14[%swap3A_372, %swap3A_373], %swap3A_376 {strides = array<i32>} : memref<128x128xf32, #tpu.memory_space<vmem>>, vector<1x16xf32>,
        %swap3A_377 = arith.index_cast %scan3A_294 : i32 to index
        %swap3A_378 = arith.constant 96 : index
        %swap3A_379 = tpu.vector_load %arg14[%swap3A_377, %swap3A_378] {strides = array<i32>} : memref<128x128xf32, #tpu.memory_space<vmem>>, vector<1x16xf32>,
        %swap3A_380 = vector.shape_cast %swap3A_379 : vector<1x16xf32> to vector<16xf32>
        %swap3A_381 = vector.shape_cast %exp3A_366 : vector<16xf32> to vector<1x16xf32>
        tpu.vector_store %arg14[%swap3A_377, %swap3A_378], %swap3A_381 {strides = array<i32>} : memref<128x128xf32, #tpu.memory_space<vmem>>, vector<1x16xf32>,
        %get3A_382 = arith.index_cast %scan3A_294 : i32 to index
        %get3A_383 = arith.constant 48 : index
        %get3A_384 = tpu.vector_load %arg12[%get3A_382, %get3A_383] {strides = array<i32>} : memref<128x128xf32, #tpu.memory_space<vmem>>, vector<1x16xf32>,
        %get3A_385 = vector.shape_cast %get3A_384 : vector<1x16xf32> to vector<16xf32>
        %get3A_386 = arith.index_cast %scan3A_294 : i32 to index
        %get3A_387 = arith.constant 48 : index
        %get3A_388 = tpu.vector_load %arg13[%get3A_386, %get3A_387] {strides = array<i32>} : memref<128x64xf32, #tpu.memory_space<vmem>>, vector<1x16xf32>,
        %get3A_389 = vector.shape_cast %get3A_388 : vector<1x16xf32> to vector<16xf32>
        %add3A_390 = arith.addf %get3A_385, %get3A_389 : vector<16xf32>
        %mul3A_391 = arith.constant 2.000000e-01 : f32
        %mul3A_392 = vector.broadcast %mul3A_391 : f32 to vector<16xf32>
        %mul3A_393 = arith.mulf %mul3A_392, %add3A_390 : vector<16xf32>
        %max3A_394 = arith.maximumf %add3A_390, %mul3A_393 : vector<16xf32>
        %exp3A_395 = math.exp %max3A_394 : vector<16xf32>
        %get3A_396 = arith.index_cast %scan3A_294 : i32 to index
        %get3A_397 = arith.constant 112 : index
        %get3A_398 = tpu.vector_load %arg12[%get3A_396, %get3A_397] {strides = array<i32>} : memref<128x128xf32, #tpu.memory_space<vmem>>, vector<1x16xf32>,
        %get3A_399 = vector.shape_cast %get3A_398 : vector<1x16xf32> to vector<16xf32>
        %mul3A_400 = arith.mulf %get3A_399, %exp3A_395 : vector<16xf32>
        %swap3A_401 = arith.index_cast %scan3A_294 : i32 to index
        %swap3A_402 = arith.constant 48 : index
        %swap3A_403 = tpu.vector_load %arg14[%swap3A_401, %swap3A_402] {strides = array<i32>} : memref<128x128xf32, #tpu.memory_space<vmem>>, vector<1x16xf32>,
        %swap3A_404 = vector.shape_cast %swap3A_403 : vector<1x16xf32> to vector<16xf32>
        %swap3A_405 = vector.shape_cast %mul3A_400 : vector<16xf32> to vector<1x16xf32>
        tpu.vector_store %arg14[%swap3A_401, %swap3A_402], %swap3A_405 {strides = array<i32>} : memref<128x128xf32, #tpu.memory_space<vmem>>, vector<1x16xf32>,
        %swap3A_406 = arith.index_cast %scan3A_294 : i32 to index
        %swap3A_407 = arith.constant 112 : index
        %swap3A_408 = tpu.vector_load %arg14[%swap3A_406, %swap3A_407] {strides = array<i32>} : memref<128x128xf32, #tpu.memory_space<vmem>>, vector<1x16xf32>,
        %swap3A_409 = vector.shape_cast %swap3A_408 : vector<1x16xf32> to vector<16xf32>
        %swap3A_410 = vector.shape_cast %exp3A_395 : vector<16xf32> to vector<1x16xf32>
        tpu.vector_store %arg14[%swap3A_406, %swap3A_407], %swap3A_410 {strides = array<i32>} : memref<128x128xf32, #tpu.memory_space<vmem>>, vector<1x16xf32>,
      }
      %scan3A_177 = arith.constant 128 : i32
      "tpu.region"() ({
        %run_scoped3A = tpu.sem_alloc : memref<!tpu.dma_semaphore, #tpu.memory_space<semaphore_mem>>
        %dma_start3A_178 = arith.constant 0 : i32
        %dma_start3A_179 = arith.constant 0 : i32
        %dma_start3A_180 = tpu.memref_slice %arg15[%dma_start3A_178, %dma_start3A_179] : memref<10240x128xf32, #tpu.memory_space<vmem_shared>> -> memref<10240x128xf32, #tpu.memory_space<vmem_shared>>
        tpu.enqueue_indirect_dma source(%arg14 : memref<128x128xf32, #tpu.memory_space<vmem>>) target(%dma_start3A_180 : memref<10240x128xf32, #tpu.memory_space<vmem_shared>>) offsets(%arg9 : memref<128xi32, #tpu.memory_space<vmem>>) semaphore(%run_scoped3A : memref<!tpu.dma_semaphore, #tpu.memory_space<semaphore_mem>>) {add = true}
        %dma_wait3A_181 = arith.constant 0 : i32
        %dma_wait3A_182 = arith.constant 0 : i32
        %dma_wait3A_183 = tpu.memref_slice %arg15[%dma_wait3A_181, %dma_wait3A_182] : memref<10240x128xf32, #tpu.memory_space<vmem_shared>> -> memref<10240x128xf32, #tpu.memory_space<vmem_shared>>
        tpu.wait_indirect_dma semaphore(%run_scoped3A : memref<!tpu.dma_semaphore, #tpu.memory_space<semaphore_mem>>) src(%arg14 : memref<128x128xf32, #tpu.memory_space<vmem>>) dst(%dma_wait3A_183 : memref<10240x128xf32, #tpu.memory_space<vmem_shared>>)
        tpu.yield
      }) : () -> ()
    } else {
    }
    %barrier3A_10 = arith.constant 0 : index
    tpu.barrier barrier_id(%barrier3A_10)
    %scan3A_11 = arith.constant 0 : i32
    %scan3A_12 = arith.constant 0 : i32
    %scan3A_13 = arith.constant 8 : i32
    %scan3A_14 = arith.addi %scan3A_12, %scan3A_13 : i32
    %scan3A_15 = arith.constant 1 : i32
    scf.for %scan3A_17 = %scan3A_12 to %scan3A_14 step %scan3A_15  : i32 {
      %mul3A_18 = arith.constant 640 : i32
      %mul3A_19 = arith.muli %arg1, %mul3A_18 : i32
      %mul3A_20 = arith.constant 80 : i32
      %mul3A_21 = arith.muli %scan3A_17, %mul3A_20 : i32
      %add3A = arith.addi %mul3A_19, %mul3A_21 : i32
      %lt3A_22 = arith.constant 10000 : i32
      %lt3A_23 = arith.cmpi slt, %add3A, %lt3A_22 : i32
      %convert_element_type3A_24 = arith.extui %lt3A_23 : i1 to i32
      %cond3A_25 = arith.constant 0 : i32
      %cond3A_26 = arith.cmpi ne, %convert_element_type3A_24, %cond3A_25 : i32
      scf.if %cond3A_26 {
        "tpu.region"() ({
          %run_scoped3A = tpu.sem_alloc : memref<!tpu.dma_semaphore, #tpu.memory_space<semaphore_mem>>
          %dma_start3A = arith.constant 0 : i32
          %dma_start3A_33 = arith.constant 0 : i32
          %dma_start3A_34 = tpu.memref_slice %arg12[%dma_start3A, %dma_start3A_33] : memref<128x128xf32, #tpu.memory_space<vmem>> -> memref<80x128xf32, #tpu.memory_space<vmem>>
          %dma_start3A_35 = arith.constant 0 : i32
          %dma_start3A_36 = tpu.memref_slice %arg15[%add3A, %dma_start3A_35] : memref<10240x128xf32, #tpu.memory_space<vmem_shared>> -> memref<80x128xf32, #tpu.memory_space<vmem_shared>>
          %dma_start3A_37 = arith.constant 0 : i32
          %dma_start3A_38 = arith.constant 0 : i32
          %dma_start3A_39 = tpu.memref_slice %arg12[%dma_start3A_37, %dma_start3A_38] : memref<128x128xf32, #tpu.memory_space<vmem>> -> memref<80x128xf32, #tpu.memory_space<vmem>>
          %dma_start3A_40 = arith.constant 0 : i32
          %dma_start3A_41 = tpu.memref_slice %arg15[%add3A, %dma_start3A_40] : memref<10240x128xf32, #tpu.memory_space<vmem_shared>> -> memref<80x128xf32, #tpu.memory_space<vmem_shared>>
          tpu.enqueue_dma source(%dma_start3A_41 : memref<80x128xf32, #tpu.memory_space<vmem_shared>>) target(%dma_start3A_39 : memref<80x128xf32, #tpu.memory_space<vmem>>) target_semaphore(%run_scoped3A : memref<!tpu.dma_semaphore, #tpu.memory_space<semaphore_mem>>)
          %dma_wait3A = arith.constant 0 : i32
          %dma_wait3A_42 = arith.constant 0 : i32
          %dma_wait3A_43 = tpu.memref_slice %arg12[%dma_wait3A, %dma_wait3A_42] : memref<128x128xf32, #tpu.memory_space<vmem>> -> memref<80x128xf32, #tpu.memory_space<vmem>>
          %dma_wait3A_44 = arith.constant 0 : i32
          %dma_wait3A_45 = tpu.memref_slice %arg15[%add3A, %dma_wait3A_44] : memref<10240x128xf32, #tpu.memory_space<vmem_shared>> -> memref<80x128xf32, #tpu.memory_space<vmem_shared>>
          %dma_wait3A_46 = arith.constant 0 : i32
          %dma_wait3A_47 = arith.constant 0 : i32
          %dma_wait3A_48 = tpu.memref_slice %arg12[%dma_wait3A_46, %dma_wait3A_47] : memref<128x128xf32, #tpu.memory_space<vmem>> -> memref<80x128xf32, #tpu.memory_space<vmem>>
          %dma_wait3A_49 = arith.constant 0 : i32
          %dma_wait3A_50 = tpu.memref_slice %arg15[%add3A, %dma_wait3A_49] : memref<10240x128xf32, #tpu.memory_space<vmem_shared>> -> memref<80x128xf32, #tpu.memory_space<vmem_shared>>
          tpu.wait_dma2 semaphore(%run_scoped3A : memref<!tpu.dma_semaphore, #tpu.memory_space<semaphore_mem>>) src(%dma_wait3A_50 : memref<80x128xf32, #tpu.memory_space<vmem_shared>>) dst(%dma_wait3A_48 : memref<80x128xf32, #tpu.memory_space<vmem>>)
          tpu.yield
        }) : () -> ()
        %scan3A_27 = arith.constant 0 : i32
        %scan3A_28 = arith.constant 0 : i32
        %scan3A_29 = arith.constant 80 : i32
        %scan3A_30 = arith.addi %scan3A_28, %scan3A_29 : i32
        %scan3A_31 = arith.constant 2 : i32
        scf.for %scan3A_33 = %scan3A_28 to %scan3A_30 step %scan3A_31  : i32 {
          %get3A = arith.index_cast %scan3A_33 : i32 to index
          %get3A_34 = arith.constant 0 : index
          %get3A_35 = tpu.vector_load %arg12[%get3A, %get3A_34] {strides = array<i32>} : memref<128x128xf32, #tpu.memory_space<vmem>>, vector<1x16xf32>,
          %get3A_36 = vector.shape_cast %get3A_35 : vector<1x16xf32> to vector<16xf32>
          %get3A_37 = arith.index_cast %scan3A_33 : i32 to index
          %get3A_38 = arith.constant 64 : index
          %get3A_39 = tpu.vector_load %arg12[%get3A_37, %get3A_38] {strides = array<i32>} : memref<128x128xf32, #tpu.memory_space<vmem>>, vector<1x16xf32>,
          %get3A_40 = vector.shape_cast %get3A_39 : vector<1x16xf32> to vector<16xf32>
          %add3A_41 = arith.constant 1.000000e-16 : f32
          %add3A_42 = vector.broadcast %add3A_41 : f32 to vector<16xf32>
          %add3A_43 = arith.addf %get3A_40, %add3A_42 : vector<16xf32>
          %div3A = arith.divf %get3A_36, %add3A_43 : vector<16xf32>
          %swap3A = arith.index_cast %scan3A_33 : i32 to index
          %swap3A_44 = arith.constant 0 : index
          %swap3A_45 = tpu.vector_load %arg14[%swap3A, %swap3A_44] {strides = array<i32>} : memref<128x128xf32, #tpu.memory_space<vmem>>, vector<1x16xf32>,
          %swap3A_46 = vector.shape_cast %swap3A_45 : vector<1x16xf32> to vector<16xf32>
          %swap3A_47 = vector.shape_cast %div3A : vector<16xf32> to vector<1x16xf32>
          tpu.vector_store %arg14[%swap3A, %swap3A_44], %swap3A_47 {strides = array<i32>} : memref<128x128xf32, #tpu.memory_space<vmem>>, vector<1x16xf32>,
          %get3A_48 = arith.index_cast %scan3A_33 : i32 to index
          %get3A_49 = arith.constant 16 : index
          %get3A_50 = tpu.vector_load %arg12[%get3A_48, %get3A_49] {strides = array<i32>} : memref<128x128xf32, #tpu.memory_space<vmem>>, vector<1x16xf32>,
          %get3A_51 = vector.shape_cast %get3A_50 : vector<1x16xf32> to vector<16xf32>
          %get3A_52 = arith.index_cast %scan3A_33 : i32 to index
          %get3A_53 = arith.constant 80 : index
          %get3A_54 = tpu.vector_load %arg12[%get3A_52, %get3A_53] {strides = array<i32>} : memref<128x128xf32, #tpu.memory_space<vmem>>, vector<1x16xf32>,
          %get3A_55 = vector.shape_cast %get3A_54 : vector<1x16xf32> to vector<16xf32>
          %add3A_56 = arith.constant 1.000000e-16 : f32
          %add3A_57 = vector.broadcast %add3A_56 : f32 to vector<16xf32>
          %add3A_58 = arith.addf %get3A_55, %add3A_57 : vector<16xf32>
          %div3A_59 = arith.divf %get3A_51, %add3A_58 : vector<16xf32>
          %swap3A_60 = arith.index_cast %scan3A_33 : i32 to index
          %swap3A_61 = arith.constant 16 : index
          %swap3A_62 = tpu.vector_load %arg14[%swap3A_60, %swap3A_61] {strides = array<i32>} : memref<128x128xf32, #tpu.memory_space<vmem>>, vector<1x16xf32>,
          %swap3A_63 = vector.shape_cast %swap3A_62 : vector<1x16xf32> to vector<16xf32>
          %swap3A_64 = vector.shape_cast %div3A_59 : vector<16xf32> to vector<1x16xf32>
          tpu.vector_store %arg14[%swap3A_60, %swap3A_61], %swap3A_64 {strides = array<i32>} : memref<128x128xf32, #tpu.memory_space<vmem>>, vector<1x16xf32>,
          %get3A_65 = arith.index_cast %scan3A_33 : i32 to index
          %get3A_66 = arith.constant 32 : index
          %get3A_67 = tpu.vector_load %arg12[%get3A_65, %get3A_66] {strides = array<i32>} : memref<128x128xf32, #tpu.memory_space<vmem>>, vector<1x16xf32>,
          %get3A_68 = vector.shape_cast %get3A_67 : vector<1x16xf32> to vector<16xf32>
          %get3A_69 = arith.index_cast %scan3A_33 : i32 to index
          %get3A_70 = arith.constant 96 : index
          %get3A_71 = tpu.vector_load %arg12[%get3A_69, %get3A_70] {strides = array<i32>} : memref<128x128xf32, #tpu.memory_space<vmem>>, vector<1x16xf32>,
          %get3A_72 = vector.shape_cast %get3A_71 : vector<1x16xf32> to vector<16xf32>
          %add3A_73 = arith.constant 1.000000e-16 : f32
          %add3A_74 = vector.broadcast %add3A_73 : f32 to vector<16xf32>
          %add3A_75 = arith.addf %get3A_72, %add3A_74 : vector<16xf32>
          %div3A_76 = arith.divf %get3A_68, %add3A_75 : vector<16xf32>
          %swap3A_77 = arith.index_cast %scan3A_33 : i32 to index
          %swap3A_78 = arith.constant 32 : index
          %swap3A_79 = tpu.vector_load %arg14[%swap3A_77, %swap3A_78] {strides = array<i32>} : memref<128x128xf32, #tpu.memory_space<vmem>>, vector<1x16xf32>,
          %swap3A_80 = vector.shape_cast %swap3A_79 : vector<1x16xf32> to vector<16xf32>
          %swap3A_81 = vector.shape_cast %div3A_76 : vector<16xf32> to vector<1x16xf32>
          tpu.vector_store %arg14[%swap3A_77, %swap3A_78], %swap3A_81 {strides = array<i32>} : memref<128x128xf32, #tpu.memory_space<vmem>>, vector<1x16xf32>,
          %get3A_82 = arith.index_cast %scan3A_33 : i32 to index
          %get3A_83 = arith.constant 48 : index
          %get3A_84 = tpu.vector_load %arg12[%get3A_82, %get3A_83] {strides = array<i32>} : memref<128x128xf32, #tpu.memory_space<vmem>>, vector<1x16xf32>,
          %get3A_85 = vector.shape_cast %get3A_84 : vector<1x16xf32> to vector<16xf32>
          %get3A_86 = arith.index_cast %scan3A_33 : i32 to index
          %get3A_87 = arith.constant 112 : index
          %get3A_88 = tpu.vector_load %arg12[%get3A_86, %get3A_87] {strides = array<i32>} : memref<128x128xf32, #tpu.memory_space<vmem>>, vector<1x16xf32>,
          %get3A_89 = vector.shape_cast %get3A_88 : vector<1x16xf32> to vector<16xf32>
          %add3A_90 = arith.constant 1.000000e-16 : f32
          %add3A_91 = vector.broadcast %add3A_90 : f32 to vector<16xf32>
          %add3A_92 = arith.addf %get3A_89, %add3A_91 : vector<16xf32>
          %div3A_93 = arith.divf %get3A_85, %add3A_92 : vector<16xf32>
          %swap3A_94 = arith.index_cast %scan3A_33 : i32 to index
          %swap3A_95 = arith.constant 48 : index
          %swap3A_96 = tpu.vector_load %arg14[%swap3A_94, %swap3A_95] {strides = array<i32>} : memref<128x128xf32, #tpu.memory_space<vmem>>, vector<1x16xf32>,
          %swap3A_97 = vector.shape_cast %swap3A_96 : vector<1x16xf32> to vector<16xf32>
          %swap3A_98 = vector.shape_cast %div3A_93 : vector<16xf32> to vector<1x16xf32>
          tpu.vector_store %arg14[%swap3A_94, %swap3A_95], %swap3A_98 {strides = array<i32>} : memref<128x128xf32, #tpu.memory_space<vmem>>, vector<1x16xf32>,
          %scan3A_99 = arith.constant 1 : i32
          %scan3A_100 = arith.addi %scan3A_33, %scan3A_99 : i32
          %get3A_101 = arith.index_cast %scan3A_100 : i32 to index
          %get3A_102 = arith.constant 0 : index
          %get3A_103 = tpu.vector_load %arg12[%get3A_101, %get3A_102] {strides = array<i32>} : memref<128x128xf32, #tpu.memory_space<vmem>>, vector<1x16xf32>,
          %get3A_104 = vector.shape_cast %get3A_103 : vector<1x16xf32> to vector<16xf32>
          %get3A_105 = arith.index_cast %scan3A_100 : i32 to index
          %get3A_106 = arith.constant 64 : index
          %get3A_107 = tpu.vector_load %arg12[%get3A_105, %get3A_106] {strides = array<i32>} : memref<128x128xf32, #tpu.memory_space<vmem>>, vector<1x16xf32>,
          %get3A_108 = vector.shape_cast %get3A_107 : vector<1x16xf32> to vector<16xf32>
          %add3A_109 = arith.constant 1.000000e-16 : f32
          %add3A_110 = vector.broadcast %add3A_109 : f32 to vector<16xf32>
          %add3A_111 = arith.addf %get3A_108, %add3A_110 : vector<16xf32>
          %div3A_112 = arith.divf %get3A_104, %add3A_111 : vector<16xf32>
          %swap3A_113 = arith.index_cast %scan3A_100 : i32 to index
          %swap3A_114 = arith.constant 0 : index
          %swap3A_115 = tpu.vector_load %arg14[%swap3A_113, %swap3A_114] {strides = array<i32>} : memref<128x128xf32, #tpu.memory_space<vmem>>, vector<1x16xf32>,
          %swap3A_116 = vector.shape_cast %swap3A_115 : vector<1x16xf32> to vector<16xf32>
          %swap3A_117 = vector.shape_cast %div3A_112 : vector<16xf32> to vector<1x16xf32>
          tpu.vector_store %arg14[%swap3A_113, %swap3A_114], %swap3A_117 {strides = array<i32>} : memref<128x128xf32, #tpu.memory_space<vmem>>, vector<1x16xf32>,
          %get3A_118 = arith.index_cast %scan3A_100 : i32 to index
          %get3A_119 = arith.constant 16 : index
          %get3A_120 = tpu.vector_load %arg12[%get3A_118, %get3A_119] {strides = array<i32>} : memref<128x128xf32, #tpu.memory_space<vmem>>, vector<1x16xf32>,
          %get3A_121 = vector.shape_cast %get3A_120 : vector<1x16xf32> to vector<16xf32>
          %get3A_122 = arith.index_cast %scan3A_100 : i32 to index
          %get3A_123 = arith.constant 80 : index
          %get3A_124 = tpu.vector_load %arg12[%get3A_122, %get3A_123] {strides = array<i32>} : memref<128x128xf32, #tpu.memory_space<vmem>>, vector<1x16xf32>,
          %get3A_125 = vector.shape_cast %get3A_124 : vector<1x16xf32> to vector<16xf32>
          %add3A_126 = arith.constant 1.000000e-16 : f32
          %add3A_127 = vector.broadcast %add3A_126 : f32 to vector<16xf32>
          %add3A_128 = arith.addf %get3A_125, %add3A_127 : vector<16xf32>
          %div3A_129 = arith.divf %get3A_121, %add3A_128 : vector<16xf32>
          %swap3A_130 = arith.index_cast %scan3A_100 : i32 to index
          %swap3A_131 = arith.constant 16 : index
          %swap3A_132 = tpu.vector_load %arg14[%swap3A_130, %swap3A_131] {strides = array<i32>} : memref<128x128xf32, #tpu.memory_space<vmem>>, vector<1x16xf32>,
          %swap3A_133 = vector.shape_cast %swap3A_132 : vector<1x16xf32> to vector<16xf32>
          %swap3A_134 = vector.shape_cast %div3A_129 : vector<16xf32> to vector<1x16xf32>
          tpu.vector_store %arg14[%swap3A_130, %swap3A_131], %swap3A_134 {strides = array<i32>} : memref<128x128xf32, #tpu.memory_space<vmem>>, vector<1x16xf32>,
          %get3A_135 = arith.index_cast %scan3A_100 : i32 to index
          %get3A_136 = arith.constant 32 : index
          %get3A_137 = tpu.vector_load %arg12[%get3A_135, %get3A_136] {strides = array<i32>} : memref<128x128xf32, #tpu.memory_space<vmem>>, vector<1x16xf32>,
          %get3A_138 = vector.shape_cast %get3A_137 : vector<1x16xf32> to vector<16xf32>
          %get3A_139 = arith.index_cast %scan3A_100 : i32 to index
          %get3A_140 = arith.constant 96 : index
          %get3A_141 = tpu.vector_load %arg12[%get3A_139, %get3A_140] {strides = array<i32>} : memref<128x128xf32, #tpu.memory_space<vmem>>, vector<1x16xf32>,
          %get3A_142 = vector.shape_cast %get3A_141 : vector<1x16xf32> to vector<16xf32>
          %add3A_143 = arith.constant 1.000000e-16 : f32
          %add3A_144 = vector.broadcast %add3A_143 : f32 to vector<16xf32>
          %add3A_145 = arith.addf %get3A_142, %add3A_144 : vector<16xf32>
          %div3A_146 = arith.divf %get3A_138, %add3A_145 : vector<16xf32>
          %swap3A_147 = arith.index_cast %scan3A_100 : i32 to index
          %swap3A_148 = arith.constant 32 : index
          %swap3A_149 = tpu.vector_load %arg14[%swap3A_147, %swap3A_148] {strides = array<i32>} : memref<128x128xf32, #tpu.memory_space<vmem>>, vector<1x16xf32>,
          %swap3A_150 = vector.shape_cast %swap3A_149 : vector<1x16xf32> to vector<16xf32>
          %swap3A_151 = vector.shape_cast %div3A_146 : vector<16xf32> to vector<1x16xf32>
          tpu.vector_store %arg14[%swap3A_147, %swap3A_148], %swap3A_151 {strides = array<i32>} : memref<128x128xf32, #tpu.memory_space<vmem>>, vector<1x16xf32>,
          %get3A_152 = arith.index_cast %scan3A_100 : i32 to index
          %get3A_153 = arith.constant 48 : index
          %get3A_154 = tpu.vector_load %arg12[%get3A_152, %get3A_153] {strides = array<i32>} : memref<128x128xf32, #tpu.memory_space<vmem>>, vector<1x16xf32>,
          %get3A_155 = vector.shape_cast %get3A_154 : vector<1x16xf32> to vector<16xf32>
          %get3A_156 = arith.index_cast %scan3A_100 : i32 to index
          %get3A_157 = arith.constant 112 : index
          %get3A_158 = tpu.vector_load %arg12[%get3A_156, %get3A_157] {strides = array<i32>} : memref<128x128xf32, #tpu.memory_space<vmem>>, vector<1x16xf32>,
          %get3A_159 = vector.shape_cast %get3A_158 : vector<1x16xf32> to vector<16xf32>
          %add3A_160 = arith.constant 1.000000e-16 : f32
          %add3A_161 = vector.broadcast %add3A_160 : f32 to vector<16xf32>
          %add3A_162 = arith.addf %get3A_159, %add3A_161 : vector<16xf32>
          %div3A_163 = arith.divf %get3A_155, %add3A_162 : vector<16xf32>
          %swap3A_164 = arith.index_cast %scan3A_100 : i32 to index
          %swap3A_165 = arith.constant 48 : index
          %swap3A_166 = tpu.vector_load %arg14[%swap3A_164, %swap3A_165] {strides = array<i32>} : memref<128x128xf32, #tpu.memory_space<vmem>>, vector<1x16xf32>,
          %swap3A_167 = vector.shape_cast %swap3A_166 : vector<1x16xf32> to vector<16xf32>
          %swap3A_168 = vector.shape_cast %div3A_163 : vector<16xf32> to vector<1x16xf32>
          tpu.vector_store %arg14[%swap3A_164, %swap3A_165], %swap3A_168 {strides = array<i32>} : memref<128x128xf32, #tpu.memory_space<vmem>>, vector<1x16xf32>,
        }
        %scan3A_32 = arith.constant 80 : i32
        "tpu.region"() ({
          %run_scoped3A = tpu.sem_alloc : memref<!tpu.dma_semaphore, #tpu.memory_space<semaphore_mem>>
          %dma_start3A = arith.constant 0 : i32
          %dma_start3A_33 = arith.constant 0 : i32
          %dma_start3A_34 = tpu.memref_slice %arg14[%dma_start3A, %dma_start3A_33] : memref<128x128xf32, #tpu.memory_space<vmem>> -> memref<80x64xf32, #tpu.memory_space<vmem>>
          %dma_start3A_35 = arith.constant 0 : i32
          %dma_start3A_36 = tpu.memref_slice %arg7[%arg0, %add3A, %dma_start3A_35] : memref<2x10000x64xf32, #tpu.memory_space<hbm>> -> memref<1x80x64xf32, #tpu.memory_space<hbm>>
          %dma_start3A_37 = tpu.memref_squeeze %dma_start3A_36 : memref<1x80x64xf32, #tpu.memory_space<hbm>> -> memref<80x64xf32, #tpu.memory_space<hbm>>
          %dma_start3A_38 = arith.constant 0 : i32
          %dma_start3A_39 = tpu.memref_slice %arg7[%arg0, %add3A, %dma_start3A_38] : memref<2x10000x64xf32, #tpu.memory_space<hbm>> -> memref<1x80x64xf32, #tpu.memory_space<hbm>>
          %dma_start3A_40 = tpu.memref_squeeze %dma_start3A_39 : memref<1x80x64xf32, #tpu.memory_space<hbm>> -> memref<80x64xf32, #tpu.memory_space<hbm>>
          %dma_start3A_41 = arith.constant 0 : i32
          %dma_start3A_42 = arith.constant 0 : i32
          %dma_start3A_43 = tpu.memref_slice %arg14[%dma_start3A_41, %dma_start3A_42] : memref<128x128xf32, #tpu.memory_space<vmem>> -> memref<80x64xf32, #tpu.memory_space<vmem>>
          tpu.enqueue_dma source(%dma_start3A_43 : memref<80x64xf32, #tpu.memory_space<vmem>>) target(%dma_start3A_40 : memref<80x64xf32, #tpu.memory_space<hbm>>) target_semaphore(%run_scoped3A : memref<!tpu.dma_semaphore, #tpu.memory_space<semaphore_mem>>)
          %dma_wait3A = arith.constant 0 : i32
          %dma_wait3A_44 = arith.constant 0 : i32
          %dma_wait3A_45 = tpu.memref_slice %arg14[%dma_wait3A, %dma_wait3A_44] : memref<128x128xf32, #tpu.memory_space<vmem>> -> memref<80x64xf32, #tpu.memory_space<vmem>>
          %dma_wait3A_46 = arith.constant 0 : i32
          %dma_wait3A_47 = tpu.memref_slice %arg7[%arg0, %add3A, %dma_wait3A_46] : memref<2x10000x64xf32, #tpu.memory_space<hbm>> -> memref<1x80x64xf32, #tpu.memory_space<hbm>>
          %dma_wait3A_48 = tpu.memref_squeeze %dma_wait3A_47 : memref<1x80x64xf32, #tpu.memory_space<hbm>> -> memref<80x64xf32, #tpu.memory_space<hbm>>
          %dma_wait3A_49 = arith.constant 0 : i32
          %dma_wait3A_50 = tpu.memref_slice %arg7[%arg0, %add3A, %dma_wait3A_49] : memref<2x10000x64xf32, #tpu.memory_space<hbm>> -> memref<1x80x64xf32, #tpu.memory_space<hbm>>
          %dma_wait3A_51 = tpu.memref_squeeze %dma_wait3A_50 : memref<1x80x64xf32, #tpu.memory_space<hbm>> -> memref<80x64xf32, #tpu.memory_space<hbm>>
          %dma_wait3A_52 = arith.constant 0 : i32
          %dma_wait3A_53 = arith.constant 0 : i32
          %dma_wait3A_54 = tpu.memref_slice %arg14[%dma_wait3A_52, %dma_wait3A_53] : memref<128x128xf32, #tpu.memory_space<vmem>> -> memref<80x64xf32, #tpu.memory_space<vmem>>
          tpu.wait_dma2 semaphore(%run_scoped3A : memref<!tpu.dma_semaphore, #tpu.memory_space<semaphore_mem>>) src(%dma_wait3A_54 : memref<80x64xf32, #tpu.memory_space<vmem>>) dst(%dma_wait3A_51 : memref<80x64xf32, #tpu.memory_space<hbm>>)
          tpu.yield
        }) : () -> ()
      } else {
      }
    }
    %scan3A_16 = arith.constant 8 : i32
    return
  }
}

#map = affine_map<(d0, d1) -> (0, 0)>
#map1 = affine_map<(d0, d1) -> (0)>
#map2 = affine_map<(d0, d1) -> (0, 0, 0)>
module attributes {stable_mosaic.version = 14 : i64} {
  func.func @_edge_body(%arg0: i32, %arg1: i32, %arg2: memref<20000x128xf32, #tpu.memory_space<hbm>>, %arg3: memref<20000x64xf32, #tpu.memory_space<hbm>>, %arg4: memref<640000xi32, #tpu.memory_space<hbm>>, %arg5: memref<640000xi32, #tpu.memory_space<hbm>>, %arg6: memref<640x128xf32, #tpu.memory_space<hbm>>, %arg7: memref<2x10000x64xf32, #tpu.memory_space<hbm>>, %arg8: memref<128xi32, #tpu.memory_space<vmem>>, %arg9: memref<128xi32, #tpu.memory_space<vmem>>, %arg10: memref<128xi32, #tpu.memory_space<vmem>>, %arg11: memref<128xi32, #tpu.memory_space<vmem>>, %arg12: memref<128x128xf32, #tpu.memory_space<vmem>>, %arg13: memref<128x64xf32, #tpu.memory_space<vmem>>, %arg14: memref<128x128xf32, #tpu.memory_space<vmem>>, %arg15: memref<10240x128xf32, #tpu.memory_space<vmem_shared>>, %arg16: memref<!tpu.dma_semaphore, #tpu.memory_space<semaphore_mem>>, %arg17: memref<!tpu.dma_semaphore, #tpu.memory_space<semaphore_mem>>) attributes {dimension_semantics = [#tpu.dimension_semantics<core_parallel>, #tpu.dimension_semantics<subcore_parallel>], iteration_bounds = array<i64: 2, 16>, scalar_prefetch = 0 : i64, scratch_operands = 10 : i64, tpu.core_type = #tpu.core_type<sc_vector_subcore>, window_params = [{transform_indices = #map}, {transform_indices = #map}, {transform_indices = #map1}, {transform_indices = #map1}, {transform_indices = #map}, {transform_indices = #map2}]} {
    %mul3A = arith.constant 10000 : i32
    %mul3A_0 = arith.muli %arg0, %mul3A : i32
    %mul3A_1 = arith.constant 640 : i32
    %mul3A_2 = arith.muli %arg1, %mul3A_1 : i32
    "tpu.region"() ({
      %run_scoped3A = tpu.sem_alloc : memref<!tpu.dma_semaphore, #tpu.memory_space<semaphore_mem>>
      %dma_start3A = arith.constant 0 : i32
      %dma_start3A_17 = tpu.memref_slice %arg15[%mul3A_2, %dma_start3A] : memref<10240x128xf32, #tpu.memory_space<vmem_shared>> -> memref<640x128xf32, #tpu.memory_space<vmem_shared>>
      tpu.enqueue_dma source(%arg6 : memref<640x128xf32, #tpu.memory_space<hbm>>) target(%dma_start3A_17 : memref<640x128xf32, #tpu.memory_space<vmem_shared>>) target_semaphore(%run_scoped3A : memref<!tpu.dma_semaphore, #tpu.memory_space<semaphore_mem>>)
      %dma_wait3A = arith.constant 0 : i32
      %dma_wait3A_18 = tpu.memref_slice %arg15[%mul3A_2, %dma_wait3A] : memref<10240x128xf32, #tpu.memory_space<vmem_shared>> -> memref<640x128xf32, #tpu.memory_space<vmem_shared>>
      tpu.wait_dma2 semaphore(%run_scoped3A : memref<!tpu.dma_semaphore, #tpu.memory_space<semaphore_mem>>) src(%arg6 : memref<640x128xf32, #tpu.memory_space<hbm>>) dst(%dma_wait3A_18 : memref<640x128xf32, #tpu.memory_space<vmem_shared>>)
      tpu.yield
    }) : () -> ()
    %barrier3A = arith.constant 0 : index
    tpu.barrier barrier_id(%barrier3A)
    %scan3A = arith.constant 0 : i32
    %scan3A_3 = arith.constant 0 : i32
    %scan3A_4 = arith.constant 312 : i32
    %scan3A_5 = arith.addi %scan3A_3, %scan3A_4 : i32
    %scan3A_6 = arith.constant 1 : i32
    scf.for %scan3A_17 = %scan3A_3 to %scan3A_5 step %scan3A_6  : i32 {
      %mul3A_18 = arith.constant 16 : i32
      %mul3A_19 = arith.muli %scan3A_17, %mul3A_18 : i32
      %add3A = arith.addi %mul3A_19, %arg1 : i32
      %mul3A_20 = arith.constant 128 : i32
      %mul3A_21 = arith.muli %add3A, %mul3A_20 : i32
      %multiple_of3A = tpu.assume_multiple %mul3A_21, 128 : i32
      "tpu.region"() ({
        %run_scoped3A = tpu.sem_alloc : memref<!tpu.dma_semaphore, #tpu.memory_space<semaphore_mem>>
        %dma_start3A_180 = tpu.memref_slice %arg4[%multiple_of3A] : memref<640000xi32, #tpu.memory_space<hbm>> -> memref<128xi32, #tpu.memory_space<hbm>>
        %dma_start3A_181 = tpu.memref_slice %arg4[%multiple_of3A] : memref<640000xi32, #tpu.memory_space<hbm>> -> memref<128xi32, #tpu.memory_space<hbm>>
        tpu.enqueue_dma source(%dma_start3A_181 : memref<128xi32, #tpu.memory_space<hbm>>) target(%arg8 : memref<128xi32, #tpu.memory_space<vmem>>) target_semaphore(%run_scoped3A : memref<!tpu.dma_semaphore, #tpu.memory_space<semaphore_mem>>)
        %dma_wait3A_182 = tpu.memref_slice %arg4[%multiple_of3A] : memref<640000xi32, #tpu.memory_space<hbm>> -> memref<128xi32, #tpu.memory_space<hbm>>
        %dma_wait3A_183 = tpu.memref_slice %arg4[%multiple_of3A] : memref<640000xi32, #tpu.memory_space<hbm>> -> memref<128xi32, #tpu.memory_space<hbm>>
        tpu.wait_dma2 semaphore(%run_scoped3A : memref<!tpu.dma_semaphore, #tpu.memory_space<semaphore_mem>>) src(%dma_wait3A_183 : memref<128xi32, #tpu.memory_space<hbm>>) dst(%arg8 : memref<128xi32, #tpu.memory_space<vmem>>)
        tpu.yield
      }) : () -> ()
      "tpu.region"() ({
        %run_scoped3A = tpu.sem_alloc : memref<!tpu.dma_semaphore, #tpu.memory_space<semaphore_mem>>
        %dma_start3A_180 = tpu.memref_slice %arg5[%multiple_of3A] : memref<640000xi32, #tpu.memory_space<hbm>> -> memref<128xi32, #tpu.memory_space<hbm>>
        %dma_start3A_181 = tpu.memref_slice %arg5[%multiple_of3A] : memref<640000xi32, #tpu.memory_space<hbm>> -> memref<128xi32, #tpu.memory_space<hbm>>
        tpu.enqueue_dma source(%dma_start3A_181 : memref<128xi32, #tpu.memory_space<hbm>>) target(%arg9 : memref<128xi32, #tpu.memory_space<vmem>>) target_semaphore(%run_scoped3A : memref<!tpu.dma_semaphore, #tpu.memory_space<semaphore_mem>>)
        %dma_wait3A_182 = tpu.memref_slice %arg5[%multiple_of3A] : memref<640000xi32, #tpu.memory_space<hbm>> -> memref<128xi32, #tpu.memory_space<hbm>>
        %dma_wait3A_183 = tpu.memref_slice %arg5[%multiple_of3A] : memref<640000xi32, #tpu.memory_space<hbm>> -> memref<128xi32, #tpu.memory_space<hbm>>
        tpu.wait_dma2 semaphore(%run_scoped3A : memref<!tpu.dma_semaphore, #tpu.memory_space<semaphore_mem>>) src(%dma_wait3A_183 : memref<128xi32, #tpu.memory_space<hbm>>) dst(%arg9 : memref<128xi32, #tpu.memory_space<vmem>>)
        tpu.yield
      }) : () -> ()
      %get3A = arith.constant 0 : index
      %get3A_22 = tpu.vector_load %arg8[%get3A] {strides = array<i32>} : memref<128xi32, #tpu.memory_space<vmem>>, vector<16xi32>,
      %get3A_23 = vector.shape_cast %get3A_22 : vector<16xi32> to vector<16xi32>
      %add3A_24 = vector.broadcast %mul3A_0 : i32 to vector<16xi32>
      %add3A_25 = arith.addi %get3A_23, %add3A_24 : vector<16xi32>
      %swap3A = arith.constant 0 : index
      %swap3A_26 = tpu.vector_load %arg10[%swap3A] {strides = array<i32>} : memref<128xi32, #tpu.memory_space<vmem>>, vector<16xi32>,
      %swap3A_27 = vector.shape_cast %swap3A_26 : vector<16xi32> to vector<16xi32>
      %swap3A_28 = vector.shape_cast %add3A_25 : vector<16xi32> to vector<16xi32>
      tpu.vector_store %arg10[%swap3A], %swap3A_28 {strides = array<i32>} : memref<128xi32, #tpu.memory_space<vmem>>, vector<16xi32>,
      %get3A_29 = arith.constant 0 : index
      %get3A_30 = tpu.vector_load %arg9[%get3A_29] {strides = array<i32>} : memref<128xi32, #tpu.memory_space<vmem>>, vector<16xi32>,
      %get3A_31 = vector.shape_cast %get3A_30 : vector<16xi32> to vector<16xi32>
      %add3A_32 = vector.broadcast %mul3A_0 : i32 to vector<16xi32>
      %add3A_33 = arith.addi %get3A_31, %add3A_32 : vector<16xi32>
      %swap3A_34 = arith.constant 0 : index
      %swap3A_35 = tpu.vector_load %arg11[%swap3A_34] {strides = array<i32>} : memref<128xi32, #tpu.memory_space<vmem>>, vector<16xi32>,
      %swap3A_36 = vector.shape_cast %swap3A_35 : vector<16xi32> to vector<16xi32>
      %swap3A_37 = vector.shape_cast %add3A_33 : vector<16xi32> to vector<16xi32>
      tpu.vector_store %arg11[%swap3A_34], %swap3A_37 {strides = array<i32>} : memref<128xi32, #tpu.memory_space<vmem>>, vector<16xi32>,
      %get3A_38 = arith.constant 16 : index
      %get3A_39 = tpu.vector_load %arg8[%get3A_38] {strides = array<i32>} : memref<128xi32, #tpu.memory_space<vmem>>, vector<16xi32>,
      %get3A_40 = vector.shape_cast %get3A_39 : vector<16xi32> to vector<16xi32>
      %add3A_41 = vector.broadcast %mul3A_0 : i32 to vector<16xi32>
      %add3A_42 = arith.addi %get3A_40, %add3A_41 : vector<16xi32>
      %swap3A_43 = arith.constant 16 : index
      %swap3A_44 = tpu.vector_load %arg10[%swap3A_43] {strides = array<i32>} : memref<128xi32, #tpu.memory_space<vmem>>, vector<16xi32>,
      %swap3A_45 = vector.shape_cast %swap3A_44 : vector<16xi32> to vector<16xi32>
      %swap3A_46 = vector.shape_cast %add3A_42 : vector<16xi32> to vector<16xi32>
      tpu.vector_store %arg10[%swap3A_43], %swap3A_46 {strides = array<i32>} : memref<128xi32, #tpu.memory_space<vmem>>, vector<16xi32>,
      %get3A_47 = arith.constant 16 : index
      %get3A_48 = tpu.vector_load %arg9[%get3A_47] {strides = array<i32>} : memref<128xi32, #tpu.memory_space<vmem>>, vector<16xi32>,
      %get3A_49 = vector.shape_cast %get3A_48 : vector<16xi32> to vector<16xi32>
      %add3A_50 = vector.broadcast %mul3A_0 : i32 to vector<16xi32>
      %add3A_51 = arith.addi %get3A_49, %add3A_50 : vector<16xi32>
      %swap3A_52 = arith.constant 16 : index
      %swap3A_53 = tpu.vector_load %arg11[%swap3A_52] {strides = array<i32>} : memref<128xi32, #tpu.memory_space<vmem>>, vector<16xi32>,
      %swap3A_54 = vector.shape_cast %swap3A_53 : vector<16xi32> to vector<16xi32>
      %swap3A_55 = vector.shape_cast %add3A_51 : vector<16xi32> to vector<16xi32>
      tpu.vector_store %arg11[%swap3A_52], %swap3A_55 {strides = array<i32>} : memref<128xi32, #tpu.memory_space<vmem>>, vector<16xi32>,
      %get3A_56 = arith.constant 32 : index
      %get3A_57 = tpu.vector_load %arg8[%get3A_56] {strides = array<i32>} : memref<128xi32, #tpu.memory_space<vmem>>, vector<16xi32>,
      %get3A_58 = vector.shape_cast %get3A_57 : vector<16xi32> to vector<16xi32>
      %add3A_59 = vector.broadcast %mul3A_0 : i32 to vector<16xi32>
      %add3A_60 = arith.addi %get3A_58, %add3A_59 : vector<16xi32>
      %swap3A_61 = arith.constant 32 : index
      %swap3A_62 = tpu.vector_load %arg10[%swap3A_61] {strides = array<i32>} : memref<128xi32, #tpu.memory_space<vmem>>, vector<16xi32>,
      %swap3A_63 = vector.shape_cast %swap3A_62 : vector<16xi32> to vector<16xi32>
      %swap3A_64 = vector.shape_cast %add3A_60 : vector<16xi32> to vector<16xi32>
      tpu.vector_store %arg10[%swap3A_61], %swap3A_64 {strides = array<i32>} : memref<128xi32, #tpu.memory_space<vmem>>, vector<16xi32>,
      %get3A_65 = arith.constant 32 : index
      %get3A_66 = tpu.vector_load %arg9[%get3A_65] {strides = array<i32>} : memref<128xi32, #tpu.memory_space<vmem>>, vector<16xi32>,
      %get3A_67 = vector.shape_cast %get3A_66 : vector<16xi32> to vector<16xi32>
      %add3A_68 = vector.broadcast %mul3A_0 : i32 to vector<16xi32>
      %add3A_69 = arith.addi %get3A_67, %add3A_68 : vector<16xi32>
      %swap3A_70 = arith.constant 32 : index
      %swap3A_71 = tpu.vector_load %arg11[%swap3A_70] {strides = array<i32>} : memref<128xi32, #tpu.memory_space<vmem>>, vector<16xi32>,
      %swap3A_72 = vector.shape_cast %swap3A_71 : vector<16xi32> to vector<16xi32>
      %swap3A_73 = vector.shape_cast %add3A_69 : vector<16xi32> to vector<16xi32>
      tpu.vector_store %arg11[%swap3A_70], %swap3A_73 {strides = array<i32>} : memref<128xi32, #tpu.memory_space<vmem>>, vector<16xi32>,
      %get3A_74 = arith.constant 48 : index
      %get3A_75 = tpu.vector_load %arg8[%get3A_74] {strides = array<i32>} : memref<128xi32, #tpu.memory_space<vmem>>, vector<16xi32>,
      %get3A_76 = vector.shape_cast %get3A_75 : vector<16xi32> to vector<16xi32>
      %add3A_77 = vector.broadcast %mul3A_0 : i32 to vector<16xi32>
      %add3A_78 = arith.addi %get3A_76, %add3A_77 : vector<16xi32>
      %swap3A_79 = arith.constant 48 : index
      %swap3A_80 = tpu.vector_load %arg10[%swap3A_79] {strides = array<i32>} : memref<128xi32, #tpu.memory_space<vmem>>, vector<16xi32>,
      %swap3A_81 = vector.shape_cast %swap3A_80 : vector<16xi32> to vector<16xi32>
      %swap3A_82 = vector.shape_cast %add3A_78 : vector<16xi32> to vector<16xi32>
      tpu.vector_store %arg10[%swap3A_79], %swap3A_82 {strides = array<i32>} : memref<128xi32, #tpu.memory_space<vmem>>, vector<16xi32>,
      %get3A_83 = arith.constant 48 : index
      %get3A_84 = tpu.vector_load %arg9[%get3A_83] {strides = array<i32>} : memref<128xi32, #tpu.memory_space<vmem>>, vector<16xi32>,
      %get3A_85 = vector.shape_cast %get3A_84 : vector<16xi32> to vector<16xi32>
      %add3A_86 = vector.broadcast %mul3A_0 : i32 to vector<16xi32>
      %add3A_87 = arith.addi %get3A_85, %add3A_86 : vector<16xi32>
      %swap3A_88 = arith.constant 48 : index
      %swap3A_89 = tpu.vector_load %arg11[%swap3A_88] {strides = array<i32>} : memref<128xi32, #tpu.memory_space<vmem>>, vector<16xi32>,
      %swap3A_90 = vector.shape_cast %swap3A_89 : vector<16xi32> to vector<16xi32>
      %swap3A_91 = vector.shape_cast %add3A_87 : vector<16xi32> to vector<16xi32>
      tpu.vector_store %arg11[%swap3A_88], %swap3A_91 {strides = array<i32>} : memref<128xi32, #tpu.memory_space<vmem>>, vector<16xi32>,
      %get3A_92 = arith.constant 64 : index
      %get3A_93 = tpu.vector_load %arg8[%get3A_92] {strides = array<i32>} : memref<128xi32, #tpu.memory_space<vmem>>, vector<16xi32>,
      %get3A_94 = vector.shape_cast %get3A_93 : vector<16xi32> to vector<16xi32>
      %add3A_95 = vector.broadcast %mul3A_0 : i32 to vector<16xi32>
      %add3A_96 = arith.addi %get3A_94, %add3A_95 : vector<16xi32>
      %swap3A_97 = arith.constant 64 : index
      %swap3A_98 = tpu.vector_load %arg10[%swap3A_97] {strides = array<i32>} : memref<128xi32, #tpu.memory_space<vmem>>, vector<16xi32>,
      %swap3A_99 = vector.shape_cast %swap3A_98 : vector<16xi32> to vector<16xi32>
      %swap3A_100 = vector.shape_cast %add3A_96 : vector<16xi32> to vector<16xi32>
      tpu.vector_store %arg10[%swap3A_97], %swap3A_100 {strides = array<i32>} : memref<128xi32, #tpu.memory_space<vmem>>, vector<16xi32>,
      %get3A_101 = arith.constant 64 : index
      %get3A_102 = tpu.vector_load %arg9[%get3A_101] {strides = array<i32>} : memref<128xi32, #tpu.memory_space<vmem>>, vector<16xi32>,
      %get3A_103 = vector.shape_cast %get3A_102 : vector<16xi32> to vector<16xi32>
      %add3A_104 = vector.broadcast %mul3A_0 : i32 to vector<16xi32>
      %add3A_105 = arith.addi %get3A_103, %add3A_104 : vector<16xi32>
      %swap3A_106 = arith.constant 64 : index
      %swap3A_107 = tpu.vector_load %arg11[%swap3A_106] {strides = array<i32>} : memref<128xi32, #tpu.memory_space<vmem>>, vector<16xi32>,
      %swap3A_108 = vector.shape_cast %swap3A_107 : vector<16xi32> to vector<16xi32>
      %swap3A_109 = vector.shape_cast %add3A_105 : vector<16xi32> to vector<16xi32>
      tpu.vector_store %arg11[%swap3A_106], %swap3A_109 {strides = array<i32>} : memref<128xi32, #tpu.memory_space<vmem>>, vector<16xi32>,
      %get3A_110 = arith.constant 80 : index
      %get3A_111 = tpu.vector_load %arg8[%get3A_110] {strides = array<i32>} : memref<128xi32, #tpu.memory_space<vmem>>, vector<16xi32>,
      %get3A_112 = vector.shape_cast %get3A_111 : vector<16xi32> to vector<16xi32>
      %add3A_113 = vector.broadcast %mul3A_0 : i32 to vector<16xi32>
      %add3A_114 = arith.addi %get3A_112, %add3A_113 : vector<16xi32>
      %swap3A_115 = arith.constant 80 : index
      %swap3A_116 = tpu.vector_load %arg10[%swap3A_115] {strides = array<i32>} : memref<128xi32, #tpu.memory_space<vmem>>, vector<16xi32>,
      %swap3A_117 = vector.shape_cast %swap3A_116 : vector<16xi32> to vector<16xi32>
      %swap3A_118 = vector.shape_cast %add3A_114 : vector<16xi32> to vector<16xi32>
      tpu.vector_store %arg10[%swap3A_115], %swap3A_118 {strides = array<i32>} : memref<128xi32, #tpu.memory_space<vmem>>, vector<16xi32>,
      %get3A_119 = arith.constant 80 : index
      %get3A_120 = tpu.vector_load %arg9[%get3A_119] {strides = array<i32>} : memref<128xi32, #tpu.memory_space<vmem>>, vector<16xi32>,
      %get3A_121 = vector.shape_cast %get3A_120 : vector<16xi32> to vector<16xi32>
      %add3A_122 = vector.broadcast %mul3A_0 : i32 to vector<16xi32>
      %add3A_123 = arith.addi %get3A_121, %add3A_122 : vector<16xi32>
      %swap3A_124 = arith.constant 80 : index
      %swap3A_125 = tpu.vector_load %arg11[%swap3A_124] {strides = array<i32>} : memref<128xi32, #tpu.memory_space<vmem>>, vector<16xi32>,
      %swap3A_126 = vector.shape_cast %swap3A_125 : vector<16xi32> to vector<16xi32>
      %swap3A_127 = vector.shape_cast %add3A_123 : vector<16xi32> to vector<16xi32>
      tpu.vector_store %arg11[%swap3A_124], %swap3A_127 {strides = array<i32>} : memref<128xi32, #tpu.memory_space<vmem>>, vector<16xi32>,
      %get3A_128 = arith.constant 96 : index
      %get3A_129 = tpu.vector_load %arg8[%get3A_128] {strides = array<i32>} : memref<128xi32, #tpu.memory_space<vmem>>, vector<16xi32>,
      %get3A_130 = vector.shape_cast %get3A_129 : vector<16xi32> to vector<16xi32>
      %add3A_131 = vector.broadcast %mul3A_0 : i32 to vector<16xi32>
      %add3A_132 = arith.addi %get3A_130, %add3A_131 : vector<16xi32>
      %swap3A_133 = arith.constant 96 : index
      %swap3A_134 = tpu.vector_load %arg10[%swap3A_133] {strides = array<i32>} : memref<128xi32, #tpu.memory_space<vmem>>, vector<16xi32>,
      %swap3A_135 = vector.shape_cast %swap3A_134 : vector<16xi32> to vector<16xi32>
      %swap3A_136 = vector.shape_cast %add3A_132 : vector<16xi32> to vector<16xi32>
      tpu.vector_store %arg10[%swap3A_133], %swap3A_136 {strides = array<i32>} : memref<128xi32, #tpu.memory_space<vmem>>, vector<16xi32>,
      %get3A_137 = arith.constant 96 : index
      %get3A_138 = tpu.vector_load %arg9[%get3A_137] {strides = array<i32>} : memref<128xi32, #tpu.memory_space<vmem>>, vector<16xi32>,
      %get3A_139 = vector.shape_cast %get3A_138 : vector<16xi32> to vector<16xi32>
      %add3A_140 = vector.broadcast %mul3A_0 : i32 to vector<16xi32>
      %add3A_141 = arith.addi %get3A_139, %add3A_140 : vector<16xi32>
      %swap3A_142 = arith.constant 96 : index
      %swap3A_143 = tpu.vector_load %arg11[%swap3A_142] {strides = array<i32>} : memref<128xi32, #tpu.memory_space<vmem>>, vector<16xi32>,
      %swap3A_144 = vector.shape_cast %swap3A_143 : vector<16xi32> to vector<16xi32>
      %swap3A_145 = vector.shape_cast %add3A_141 : vector<16xi32> to vector<16xi32>
      tpu.vector_store %arg11[%swap3A_142], %swap3A_145 {strides = array<i32>} : memref<128xi32, #tpu.memory_space<vmem>>, vector<16xi32>,
      %get3A_146 = arith.constant 112 : index
      %get3A_147 = tpu.vector_load %arg8[%get3A_146] {strides = array<i32>} : memref<128xi32, #tpu.memory_space<vmem>>, vector<16xi32>,
      %get3A_148 = vector.shape_cast %get3A_147 : vector<16xi32> to vector<16xi32>
      %add3A_149 = vector.broadcast %mul3A_0 : i32 to vector<16xi32>
      %add3A_150 = arith.addi %get3A_148, %add3A_149 : vector<16xi32>
      %swap3A_151 = arith.constant 112 : index
      %swap3A_152 = tpu.vector_load %arg10[%swap3A_151] {strides = array<i32>} : memref<128xi32, #tpu.memory_space<vmem>>, vector<16xi32>,
      %swap3A_153 = vector.shape_cast %swap3A_152 : vector<16xi32> to vector<16xi32>
      %swap3A_154 = vector.shape_cast %add3A_150 : vector<16xi32> to vector<16xi32>
      tpu.vector_store %arg10[%swap3A_151], %swap3A_154 {strides = array<i32>} : memref<128xi32, #tpu.memory_space<vmem>>, vector<16xi32>,
      %get3A_155 = arith.constant 112 : index
      %get3A_156 = tpu.vector_load %arg9[%get3A_155] {strides = array<i32>} : memref<128xi32, #tpu.memory_space<vmem>>, vector<16xi32>,
      %get3A_157 = vector.shape_cast %get3A_156 : vector<16xi32> to vector<16xi32>
      %add3A_158 = vector.broadcast %mul3A_0 : i32 to vector<16xi32>
      %add3A_159 = arith.addi %get3A_157, %add3A_158 : vector<16xi32>
      %swap3A_160 = arith.constant 112 : index
      %swap3A_161 = tpu.vector_load %arg11[%swap3A_160] {strides = array<i32>} : memref<128xi32, #tpu.memory_space<vmem>>, vector<16xi32>,
      %swap3A_162 = vector.shape_cast %swap3A_161 : vector<16xi32> to vector<16xi32>
      %swap3A_163 = vector.shape_cast %add3A_159 : vector<16xi32> to vector<16xi32>
      tpu.vector_store %arg11[%swap3A_160], %swap3A_163 {strides = array<i32>} : memref<128xi32, #tpu.memory_space<vmem>>, vector<16xi32>,
      %dma_start3A = arith.constant 0 : i32
      %dma_start3A_164 = arith.constant 0 : i32
      %dma_start3A_165 = tpu.memref_slice %arg2[%dma_start3A, %dma_start3A_164] : memref<20000x128xf32, #tpu.memory_space<hbm>> -> memref<20000x128xf32, #tpu.memory_space<hbm>>
      tpu.enqueue_indirect_dma source(%dma_start3A_165 : memref<20000x128xf32, #tpu.memory_space<hbm>>) target(%arg12 : memref<128x128xf32, #tpu.memory_space<vmem>>) offsets(%arg10 : memref<128xi32, #tpu.memory_space<vmem>>) semaphore(%arg16 : memref<!tpu.dma_semaphore, #tpu.memory_space<semaphore_mem>>)
      %dma_start3A_166 = arith.constant 0 : i32
      %dma_start3A_167 = arith.constant 0 : i32
      %dma_start3A_168 = tpu.memref_slice %arg3[%dma_start3A_166, %dma_start3A_167] : memref<20000x64xf32, #tpu.memory_space<hbm>> -> memref<20000x64xf32, #tpu.memory_space<hbm>>
      tpu.enqueue_indirect_dma source(%dma_start3A_168 : memref<20000x64xf32, #tpu.memory_space<hbm>>) target(%arg13 : memref<128x64xf32, #tpu.memory_space<vmem>>) offsets(%arg11 : memref<128xi32, #tpu.memory_space<vmem>>) semaphore(%arg17 : memref<!tpu.dma_semaphore, #tpu.memory_space<semaphore_mem>>)
      %dma_wait3A = arith.constant 0 : i32
      %dma_wait3A_169 = arith.constant 0 : i32
      %dma_wait3A_170 = tpu.memref_slice %arg2[%dma_wait3A, %dma_wait3A_169] : memref<20000x128xf32, #tpu.memory_space<hbm>> -> memref<20000x128xf32, #tpu.memory_space<hbm>>
      tpu.wait_indirect_dma semaphore(%arg16 : memref<!tpu.dma_semaphore, #tpu.memory_space<semaphore_mem>>) src(%dma_wait3A_170 : memref<20000x128xf32, #tpu.memory_space<hbm>>) dst(%arg12 : memref<128x128xf32, #tpu.memory_space<vmem>>)
      %dma_wait3A_171 = arith.constant 0 : i32
      %dma_wait3A_172 = arith.constant 0 : i32
      %dma_wait3A_173 = tpu.memref_slice %arg3[%dma_wait3A_171, %dma_wait3A_172] : memref<20000x64xf32, #tpu.memory_space<hbm>> -> memref<20000x64xf32, #tpu.memory_space<hbm>>
      tpu.wait_indirect_dma semaphore(%arg17 : memref<!tpu.dma_semaphore, #tpu.memory_space<semaphore_mem>>) src(%dma_wait3A_173 : memref<20000x64xf32, #tpu.memory_space<hbm>>) dst(%arg13 : memref<128x64xf32, #tpu.memory_space<vmem>>)
      %scan3A_174 = arith.constant 0 : i32
      %scan3A_175 = arith.constant 0 : i32
      %scan3A_176 = arith.constant 128 : i32
      %scan3A_177 = arith.addi %scan3A_175, %scan3A_176 : i32
      %scan3A_178 = arith.constant 2 : i32
      scf.for %scan3A_180 = %scan3A_175 to %scan3A_177 step %scan3A_178  : i32 {
        %get3A_181 = arith.index_cast %scan3A_180 : i32 to index
        %get3A_182 = arith.constant 0 : index
        %get3A_183 = tpu.vector_load %arg12[%get3A_181, %get3A_182] {strides = array<i32>} : memref<128x128xf32, #tpu.memory_space<vmem>>, vector<1x16xf32>,
        %get3A_184 = vector.shape_cast %get3A_183 : vector<1x16xf32> to vector<16xf32>
        %get3A_185 = arith.index_cast %scan3A_180 : i32 to index
        %get3A_186 = arith.constant 0 : index
        %get3A_187 = tpu.vector_load %arg13[%get3A_185, %get3A_186] {strides = array<i32>} : memref<128x64xf32, #tpu.memory_space<vmem>>, vector<1x16xf32>,
        %get3A_188 = vector.shape_cast %get3A_187 : vector<1x16xf32> to vector<16xf32>
        %add3A_189 = arith.addf %get3A_184, %get3A_188 : vector<16xf32>
        %mul3A_190 = arith.constant 2.000000e-01 : f32
        %mul3A_191 = vector.broadcast %mul3A_190 : f32 to vector<16xf32>
        %mul3A_192 = arith.mulf %mul3A_191, %add3A_189 : vector<16xf32>
        %max3A = arith.maximumf %add3A_189, %mul3A_192 : vector<16xf32>
        %exp3A = math.exp %max3A : vector<16xf32>
        %get3A_193 = arith.index_cast %scan3A_180 : i32 to index
        %get3A_194 = arith.constant 64 : index
        %get3A_195 = tpu.vector_load %arg12[%get3A_193, %get3A_194] {strides = array<i32>} : memref<128x128xf32, #tpu.memory_space<vmem>>, vector<1x16xf32>,
        %get3A_196 = vector.shape_cast %get3A_195 : vector<1x16xf32> to vector<16xf32>
        %mul3A_197 = arith.mulf %get3A_196, %exp3A : vector<16xf32>
        %swap3A_198 = arith.index_cast %scan3A_180 : i32 to index
        %swap3A_199 = arith.constant 0 : index
        %swap3A_200 = tpu.vector_load %arg14[%swap3A_198, %swap3A_199] {strides = array<i32>} : memref<128x128xf32, #tpu.memory_space<vmem>>, vector<1x16xf32>,
        %swap3A_201 = vector.shape_cast %swap3A_200 : vector<1x16xf32> to vector<16xf32>
        %swap3A_202 = vector.shape_cast %mul3A_197 : vector<16xf32> to vector<1x16xf32>
        tpu.vector_store %arg14[%swap3A_198, %swap3A_199], %swap3A_202 {strides = array<i32>} : memref<128x128xf32, #tpu.memory_space<vmem>>, vector<1x16xf32>,
        %swap3A_203 = arith.index_cast %scan3A_180 : i32 to index
        %swap3A_204 = arith.constant 64 : index
        %swap3A_205 = tpu.vector_load %arg14[%swap3A_203, %swap3A_204] {strides = array<i32>} : memref<128x128xf32, #tpu.memory_space<vmem>>, vector<1x16xf32>,
        %swap3A_206 = vector.shape_cast %swap3A_205 : vector<1x16xf32> to vector<16xf32>
        %swap3A_207 = vector.shape_cast %exp3A : vector<16xf32> to vector<1x16xf32>
        tpu.vector_store %arg14[%swap3A_203, %swap3A_204], %swap3A_207 {strides = array<i32>} : memref<128x128xf32, #tpu.memory_space<vmem>>, vector<1x16xf32>,
        %get3A_208 = arith.index_cast %scan3A_180 : i32 to index
        %get3A_209 = arith.constant 16 : index
        %get3A_210 = tpu.vector_load %arg12[%get3A_208, %get3A_209] {strides = array<i32>} : memref<128x128xf32, #tpu.memory_space<vmem>>, vector<1x16xf32>,
        %get3A_211 = vector.shape_cast %get3A_210 : vector<1x16xf32> to vector<16xf32>
        %get3A_212 = arith.index_cast %scan3A_180 : i32 to index
        %get3A_213 = arith.constant 16 : index
        %get3A_214 = tpu.vector_load %arg13[%get3A_212, %get3A_213] {strides = array<i32>} : memref<128x64xf32, #tpu.memory_space<vmem>>, vector<1x16xf32>,
        %get3A_215 = vector.shape_cast %get3A_214 : vector<1x16xf32> to vector<16xf32>
        %add3A_216 = arith.addf %get3A_211, %get3A_215 : vector<16xf32>
        %mul3A_217 = arith.constant 2.000000e-01 : f32
        %mul3A_218 = vector.broadcast %mul3A_217 : f32 to vector<16xf32>
        %mul3A_219 = arith.mulf %mul3A_218, %add3A_216 : vector<16xf32>
        %max3A_220 = arith.maximumf %add3A_216, %mul3A_219 : vector<16xf32>
        %exp3A_221 = math.exp %max3A_220 : vector<16xf32>
        %get3A_222 = arith.index_cast %scan3A_180 : i32 to index
        %get3A_223 = arith.constant 80 : index
        %get3A_224 = tpu.vector_load %arg12[%get3A_222, %get3A_223] {strides = array<i32>} : memref<128x128xf32, #tpu.memory_space<vmem>>, vector<1x16xf32>,
        %get3A_225 = vector.shape_cast %get3A_224 : vector<1x16xf32> to vector<16xf32>
        %mul3A_226 = arith.mulf %get3A_225, %exp3A_221 : vector<16xf32>
        %swap3A_227 = arith.index_cast %scan3A_180 : i32 to index
        %swap3A_228 = arith.constant 16 : index
        %swap3A_229 = tpu.vector_load %arg14[%swap3A_227, %swap3A_228] {strides = array<i32>} : memref<128x128xf32, #tpu.memory_space<vmem>>, vector<1x16xf32>,
        %swap3A_230 = vector.shape_cast %swap3A_229 : vector<1x16xf32> to vector<16xf32>
        %swap3A_231 = vector.shape_cast %mul3A_226 : vector<16xf32> to vector<1x16xf32>
        tpu.vector_store %arg14[%swap3A_227, %swap3A_228], %swap3A_231 {strides = array<i32>} : memref<128x128xf32, #tpu.memory_space<vmem>>, vector<1x16xf32>,
        %swap3A_232 = arith.index_cast %scan3A_180 : i32 to index
        %swap3A_233 = arith.constant 80 : index
        %swap3A_234 = tpu.vector_load %arg14[%swap3A_232, %swap3A_233] {strides = array<i32>} : memref<128x128xf32, #tpu.memory_space<vmem>>, vector<1x16xf32>,
        %swap3A_235 = vector.shape_cast %swap3A_234 : vector<1x16xf32> to vector<16xf32>
        %swap3A_236 = vector.shape_cast %exp3A_221 : vector<16xf32> to vector<1x16xf32>
        tpu.vector_store %arg14[%swap3A_232, %swap3A_233], %swap3A_236 {strides = array<i32>} : memref<128x128xf32, #tpu.memory_space<vmem>>, vector<1x16xf32>,
        %get3A_237 = arith.index_cast %scan3A_180 : i32 to index
        %get3A_238 = arith.constant 32 : index
        %get3A_239 = tpu.vector_load %arg12[%get3A_237, %get3A_238] {strides = array<i32>} : memref<128x128xf32, #tpu.memory_space<vmem>>, vector<1x16xf32>,
        %get3A_240 = vector.shape_cast %get3A_239 : vector<1x16xf32> to vector<16xf32>
        %get3A_241 = arith.index_cast %scan3A_180 : i32 to index
        %get3A_242 = arith.constant 32 : index
        %get3A_243 = tpu.vector_load %arg13[%get3A_241, %get3A_242] {strides = array<i32>} : memref<128x64xf32, #tpu.memory_space<vmem>>, vector<1x16xf32>,
        %get3A_244 = vector.shape_cast %get3A_243 : vector<1x16xf32> to vector<16xf32>
        %add3A_245 = arith.addf %get3A_240, %get3A_244 : vector<16xf32>
        %mul3A_246 = arith.constant 2.000000e-01 : f32
        %mul3A_247 = vector.broadcast %mul3A_246 : f32 to vector<16xf32>
        %mul3A_248 = arith.mulf %mul3A_247, %add3A_245 : vector<16xf32>
        %max3A_249 = arith.maximumf %add3A_245, %mul3A_248 : vector<16xf32>
        %exp3A_250 = math.exp %max3A_249 : vector<16xf32>
        %get3A_251 = arith.index_cast %scan3A_180 : i32 to index
        %get3A_252 = arith.constant 96 : index
        %get3A_253 = tpu.vector_load %arg12[%get3A_251, %get3A_252] {strides = array<i32>} : memref<128x128xf32, #tpu.memory_space<vmem>>, vector<1x16xf32>,
        %get3A_254 = vector.shape_cast %get3A_253 : vector<1x16xf32> to vector<16xf32>
        %mul3A_255 = arith.mulf %get3A_254, %exp3A_250 : vector<16xf32>
        %swap3A_256 = arith.index_cast %scan3A_180 : i32 to index
        %swap3A_257 = arith.constant 32 : index
        %swap3A_258 = tpu.vector_load %arg14[%swap3A_256, %swap3A_257] {strides = array<i32>} : memref<128x128xf32, #tpu.memory_space<vmem>>, vector<1x16xf32>,
        %swap3A_259 = vector.shape_cast %swap3A_258 : vector<1x16xf32> to vector<16xf32>
        %swap3A_260 = vector.shape_cast %mul3A_255 : vector<16xf32> to vector<1x16xf32>
        tpu.vector_store %arg14[%swap3A_256, %swap3A_257], %swap3A_260 {strides = array<i32>} : memref<128x128xf32, #tpu.memory_space<vmem>>, vector<1x16xf32>,
        %swap3A_261 = arith.index_cast %scan3A_180 : i32 to index
        %swap3A_262 = arith.constant 96 : index
        %swap3A_263 = tpu.vector_load %arg14[%swap3A_261, %swap3A_262] {strides = array<i32>} : memref<128x128xf32, #tpu.memory_space<vmem>>, vector<1x16xf32>,
        %swap3A_264 = vector.shape_cast %swap3A_263 : vector<1x16xf32> to vector<16xf32>
        %swap3A_265 = vector.shape_cast %exp3A_250 : vector<16xf32> to vector<1x16xf32>
        tpu.vector_store %arg14[%swap3A_261, %swap3A_262], %swap3A_265 {strides = array<i32>} : memref<128x128xf32, #tpu.memory_space<vmem>>, vector<1x16xf32>,
        %get3A_266 = arith.index_cast %scan3A_180 : i32 to index
        %get3A_267 = arith.constant 48 : index
        %get3A_268 = tpu.vector_load %arg12[%get3A_266, %get3A_267] {strides = array<i32>} : memref<128x128xf32, #tpu.memory_space<vmem>>, vector<1x16xf32>,
        %get3A_269 = vector.shape_cast %get3A_268 : vector<1x16xf32> to vector<16xf32>
        %get3A_270 = arith.index_cast %scan3A_180 : i32 to index
        %get3A_271 = arith.constant 48 : index
        %get3A_272 = tpu.vector_load %arg13[%get3A_270, %get3A_271] {strides = array<i32>} : memref<128x64xf32, #tpu.memory_space<vmem>>, vector<1x16xf32>,
        %get3A_273 = vector.shape_cast %get3A_272 : vector<1x16xf32> to vector<16xf32>
        %add3A_274 = arith.addf %get3A_269, %get3A_273 : vector<16xf32>
        %mul3A_275 = arith.constant 2.000000e-01 : f32
        %mul3A_276 = vector.broadcast %mul3A_275 : f32 to vector<16xf32>
        %mul3A_277 = arith.mulf %mul3A_276, %add3A_274 : vector<16xf32>
        %max3A_278 = arith.maximumf %add3A_274, %mul3A_277 : vector<16xf32>
        %exp3A_279 = math.exp %max3A_278 : vector<16xf32>
        %get3A_280 = arith.index_cast %scan3A_180 : i32 to index
        %get3A_281 = arith.constant 112 : index
        %get3A_282 = tpu.vector_load %arg12[%get3A_280, %get3A_281] {strides = array<i32>} : memref<128x128xf32, #tpu.memory_space<vmem>>, vector<1x16xf32>,
        %get3A_283 = vector.shape_cast %get3A_282 : vector<1x16xf32> to vector<16xf32>
        %mul3A_284 = arith.mulf %get3A_283, %exp3A_279 : vector<16xf32>
        %swap3A_285 = arith.index_cast %scan3A_180 : i32 to index
        %swap3A_286 = arith.constant 48 : index
        %swap3A_287 = tpu.vector_load %arg14[%swap3A_285, %swap3A_286] {strides = array<i32>} : memref<128x128xf32, #tpu.memory_space<vmem>>, vector<1x16xf32>,
        %swap3A_288 = vector.shape_cast %swap3A_287 : vector<1x16xf32> to vector<16xf32>
        %swap3A_289 = vector.shape_cast %mul3A_284 : vector<16xf32> to vector<1x16xf32>
        tpu.vector_store %arg14[%swap3A_285, %swap3A_286], %swap3A_289 {strides = array<i32>} : memref<128x128xf32, #tpu.memory_space<vmem>>, vector<1x16xf32>,
        %swap3A_290 = arith.index_cast %scan3A_180 : i32 to index
        %swap3A_291 = arith.constant 112 : index
        %swap3A_292 = tpu.vector_load %arg14[%swap3A_290, %swap3A_291] {strides = array<i32>} : memref<128x128xf32, #tpu.memory_space<vmem>>, vector<1x16xf32>,
        %swap3A_293 = vector.shape_cast %swap3A_292 : vector<1x16xf32> to vector<16xf32>
        %swap3A_294 = vector.shape_cast %exp3A_279 : vector<16xf32> to vector<1x16xf32>
        tpu.vector_store %arg14[%swap3A_290, %swap3A_291], %swap3A_294 {strides = array<i32>} : memref<128x128xf32, #tpu.memory_space<vmem>>, vector<1x16xf32>,
        %scan3A_295 = arith.constant 1 : i32
        %scan3A_296 = arith.addi %scan3A_180, %scan3A_295 : i32
        %get3A_297 = arith.index_cast %scan3A_296 : i32 to index
        %get3A_298 = arith.constant 0 : index
        %get3A_299 = tpu.vector_load %arg12[%get3A_297, %get3A_298] {strides = array<i32>} : memref<128x128xf32, #tpu.memory_space<vmem>>, vector<1x16xf32>,
        %get3A_300 = vector.shape_cast %get3A_299 : vector<1x16xf32> to vector<16xf32>
        %get3A_301 = arith.index_cast %scan3A_296 : i32 to index
        %get3A_302 = arith.constant 0 : index
        %get3A_303 = tpu.vector_load %arg13[%get3A_301, %get3A_302] {strides = array<i32>} : memref<128x64xf32, #tpu.memory_space<vmem>>, vector<1x16xf32>,
        %get3A_304 = vector.shape_cast %get3A_303 : vector<1x16xf32> to vector<16xf32>
        %add3A_305 = arith.addf %get3A_300, %get3A_304 : vector<16xf32>
        %mul3A_306 = arith.constant 2.000000e-01 : f32
        %mul3A_307 = vector.broadcast %mul3A_306 : f32 to vector<16xf32>
        %mul3A_308 = arith.mulf %mul3A_307, %add3A_305 : vector<16xf32>
        %max3A_309 = arith.maximumf %add3A_305, %mul3A_308 : vector<16xf32>
        %exp3A_310 = math.exp %max3A_309 : vector<16xf32>
        %get3A_311 = arith.index_cast %scan3A_296 : i32 to index
        %get3A_312 = arith.constant 64 : index
        %get3A_313 = tpu.vector_load %arg12[%get3A_311, %get3A_312] {strides = array<i32>} : memref<128x128xf32, #tpu.memory_space<vmem>>, vector<1x16xf32>,
        %get3A_314 = vector.shape_cast %get3A_313 : vector<1x16xf32> to vector<16xf32>
        %mul3A_315 = arith.mulf %get3A_314, %exp3A_310 : vector<16xf32>
        %swap3A_316 = arith.index_cast %scan3A_296 : i32 to index
        %swap3A_317 = arith.constant 0 : index
        %swap3A_318 = tpu.vector_load %arg14[%swap3A_316, %swap3A_317] {strides = array<i32>} : memref<128x128xf32, #tpu.memory_space<vmem>>, vector<1x16xf32>,
        %swap3A_319 = vector.shape_cast %swap3A_318 : vector<1x16xf32> to vector<16xf32>
        %swap3A_320 = vector.shape_cast %mul3A_315 : vector<16xf32> to vector<1x16xf32>
        tpu.vector_store %arg14[%swap3A_316, %swap3A_317], %swap3A_320 {strides = array<i32>} : memref<128x128xf32, #tpu.memory_space<vmem>>, vector<1x16xf32>,
        %swap3A_321 = arith.index_cast %scan3A_296 : i32 to index
        %swap3A_322 = arith.constant 64 : index
        %swap3A_323 = tpu.vector_load %arg14[%swap3A_321, %swap3A_322] {strides = array<i32>} : memref<128x128xf32, #tpu.memory_space<vmem>>, vector<1x16xf32>,
        %swap3A_324 = vector.shape_cast %swap3A_323 : vector<1x16xf32> to vector<16xf32>
        %swap3A_325 = vector.shape_cast %exp3A_310 : vector<16xf32> to vector<1x16xf32>
        tpu.vector_store %arg14[%swap3A_321, %swap3A_322], %swap3A_325 {strides = array<i32>} : memref<128x128xf32, #tpu.memory_space<vmem>>, vector<1x16xf32>,
        %get3A_326 = arith.index_cast %scan3A_296 : i32 to index
        %get3A_327 = arith.constant 16 : index
        %get3A_328 = tpu.vector_load %arg12[%get3A_326, %get3A_327] {strides = array<i32>} : memref<128x128xf32, #tpu.memory_space<vmem>>, vector<1x16xf32>,
        %get3A_329 = vector.shape_cast %get3A_328 : vector<1x16xf32> to vector<16xf32>
        %get3A_330 = arith.index_cast %scan3A_296 : i32 to index
        %get3A_331 = arith.constant 16 : index
        %get3A_332 = tpu.vector_load %arg13[%get3A_330, %get3A_331] {strides = array<i32>} : memref<128x64xf32, #tpu.memory_space<vmem>>, vector<1x16xf32>,
        %get3A_333 = vector.shape_cast %get3A_332 : vector<1x16xf32> to vector<16xf32>
        %add3A_334 = arith.addf %get3A_329, %get3A_333 : vector<16xf32>
        %mul3A_335 = arith.constant 2.000000e-01 : f32
        %mul3A_336 = vector.broadcast %mul3A_335 : f32 to vector<16xf32>
        %mul3A_337 = arith.mulf %mul3A_336, %add3A_334 : vector<16xf32>
        %max3A_338 = arith.maximumf %add3A_334, %mul3A_337 : vector<16xf32>
        %exp3A_339 = math.exp %max3A_338 : vector<16xf32>
        %get3A_340 = arith.index_cast %scan3A_296 : i32 to index
        %get3A_341 = arith.constant 80 : index
        %get3A_342 = tpu.vector_load %arg12[%get3A_340, %get3A_341] {strides = array<i32>} : memref<128x128xf32, #tpu.memory_space<vmem>>, vector<1x16xf32>,
        %get3A_343 = vector.shape_cast %get3A_342 : vector<1x16xf32> to vector<16xf32>
        %mul3A_344 = arith.mulf %get3A_343, %exp3A_339 : vector<16xf32>
        %swap3A_345 = arith.index_cast %scan3A_296 : i32 to index
        %swap3A_346 = arith.constant 16 : index
        %swap3A_347 = tpu.vector_load %arg14[%swap3A_345, %swap3A_346] {strides = array<i32>} : memref<128x128xf32, #tpu.memory_space<vmem>>, vector<1x16xf32>,
        %swap3A_348 = vector.shape_cast %swap3A_347 : vector<1x16xf32> to vector<16xf32>
        %swap3A_349 = vector.shape_cast %mul3A_344 : vector<16xf32> to vector<1x16xf32>
        tpu.vector_store %arg14[%swap3A_345, %swap3A_346], %swap3A_349 {strides = array<i32>} : memref<128x128xf32, #tpu.memory_space<vmem>>, vector<1x16xf32>,
        %swap3A_350 = arith.index_cast %scan3A_296 : i32 to index
        %swap3A_351 = arith.constant 80 : index
        %swap3A_352 = tpu.vector_load %arg14[%swap3A_350, %swap3A_351] {strides = array<i32>} : memref<128x128xf32, #tpu.memory_space<vmem>>, vector<1x16xf32>,
        %swap3A_353 = vector.shape_cast %swap3A_352 : vector<1x16xf32> to vector<16xf32>
        %swap3A_354 = vector.shape_cast %exp3A_339 : vector<16xf32> to vector<1x16xf32>
        tpu.vector_store %arg14[%swap3A_350, %swap3A_351], %swap3A_354 {strides = array<i32>} : memref<128x128xf32, #tpu.memory_space<vmem>>, vector<1x16xf32>,
        %get3A_355 = arith.index_cast %scan3A_296 : i32 to index
        %get3A_356 = arith.constant 32 : index
        %get3A_357 = tpu.vector_load %arg12[%get3A_355, %get3A_356] {strides = array<i32>} : memref<128x128xf32, #tpu.memory_space<vmem>>, vector<1x16xf32>,
        %get3A_358 = vector.shape_cast %get3A_357 : vector<1x16xf32> to vector<16xf32>
        %get3A_359 = arith.index_cast %scan3A_296 : i32 to index
        %get3A_360 = arith.constant 32 : index
        %get3A_361 = tpu.vector_load %arg13[%get3A_359, %get3A_360] {strides = array<i32>} : memref<128x64xf32, #tpu.memory_space<vmem>>, vector<1x16xf32>,
        %get3A_362 = vector.shape_cast %get3A_361 : vector<1x16xf32> to vector<16xf32>
        %add3A_363 = arith.addf %get3A_358, %get3A_362 : vector<16xf32>
        %mul3A_364 = arith.constant 2.000000e-01 : f32
        %mul3A_365 = vector.broadcast %mul3A_364 : f32 to vector<16xf32>
        %mul3A_366 = arith.mulf %mul3A_365, %add3A_363 : vector<16xf32>
        %max3A_367 = arith.maximumf %add3A_363, %mul3A_366 : vector<16xf32>
        %exp3A_368 = math.exp %max3A_367 : vector<16xf32>
        %get3A_369 = arith.index_cast %scan3A_296 : i32 to index
        %get3A_370 = arith.constant 96 : index
        %get3A_371 = tpu.vector_load %arg12[%get3A_369, %get3A_370] {strides = array<i32>} : memref<128x128xf32, #tpu.memory_space<vmem>>, vector<1x16xf32>,
        %get3A_372 = vector.shape_cast %get3A_371 : vector<1x16xf32> to vector<16xf32>
        %mul3A_373 = arith.mulf %get3A_372, %exp3A_368 : vector<16xf32>
        %swap3A_374 = arith.index_cast %scan3A_296 : i32 to index
        %swap3A_375 = arith.constant 32 : index
        %swap3A_376 = tpu.vector_load %arg14[%swap3A_374, %swap3A_375] {strides = array<i32>} : memref<128x128xf32, #tpu.memory_space<vmem>>, vector<1x16xf32>,
        %swap3A_377 = vector.shape_cast %swap3A_376 : vector<1x16xf32> to vector<16xf32>
        %swap3A_378 = vector.shape_cast %mul3A_373 : vector<16xf32> to vector<1x16xf32>
        tpu.vector_store %arg14[%swap3A_374, %swap3A_375], %swap3A_378 {strides = array<i32>} : memref<128x128xf32, #tpu.memory_space<vmem>>, vector<1x16xf32>,
        %swap3A_379 = arith.index_cast %scan3A_296 : i32 to index
        %swap3A_380 = arith.constant 96 : index
        %swap3A_381 = tpu.vector_load %arg14[%swap3A_379, %swap3A_380] {strides = array<i32>} : memref<128x128xf32, #tpu.memory_space<vmem>>, vector<1x16xf32>,
        %swap3A_382 = vector.shape_cast %swap3A_381 : vector<1x16xf32> to vector<16xf32>
        %swap3A_383 = vector.shape_cast %exp3A_368 : vector<16xf32> to vector<1x16xf32>
        tpu.vector_store %arg14[%swap3A_379, %swap3A_380], %swap3A_383 {strides = array<i32>} : memref<128x128xf32, #tpu.memory_space<vmem>>, vector<1x16xf32>,
        %get3A_384 = arith.index_cast %scan3A_296 : i32 to index
        %get3A_385 = arith.constant 48 : index
        %get3A_386 = tpu.vector_load %arg12[%get3A_384, %get3A_385] {strides = array<i32>} : memref<128x128xf32, #tpu.memory_space<vmem>>, vector<1x16xf32>,
        %get3A_387 = vector.shape_cast %get3A_386 : vector<1x16xf32> to vector<16xf32>
        %get3A_388 = arith.index_cast %scan3A_296 : i32 to index
        %get3A_389 = arith.constant 48 : index
        %get3A_390 = tpu.vector_load %arg13[%get3A_388, %get3A_389] {strides = array<i32>} : memref<128x64xf32, #tpu.memory_space<vmem>>, vector<1x16xf32>,
        %get3A_391 = vector.shape_cast %get3A_390 : vector<1x16xf32> to vector<16xf32>
        %add3A_392 = arith.addf %get3A_387, %get3A_391 : vector<16xf32>
        %mul3A_393 = arith.constant 2.000000e-01 : f32
        %mul3A_394 = vector.broadcast %mul3A_393 : f32 to vector<16xf32>
        %mul3A_395 = arith.mulf %mul3A_394, %add3A_392 : vector<16xf32>
        %max3A_396 = arith.maximumf %add3A_392, %mul3A_395 : vector<16xf32>
        %exp3A_397 = math.exp %max3A_396 : vector<16xf32>
        %get3A_398 = arith.index_cast %scan3A_296 : i32 to index
        %get3A_399 = arith.constant 112 : index
        %get3A_400 = tpu.vector_load %arg12[%get3A_398, %get3A_399] {strides = array<i32>} : memref<128x128xf32, #tpu.memory_space<vmem>>, vector<1x16xf32>,
        %get3A_401 = vector.shape_cast %get3A_400 : vector<1x16xf32> to vector<16xf32>
        %mul3A_402 = arith.mulf %get3A_401, %exp3A_397 : vector<16xf32>
        %swap3A_403 = arith.index_cast %scan3A_296 : i32 to index
        %swap3A_404 = arith.constant 48 : index
        %swap3A_405 = tpu.vector_load %arg14[%swap3A_403, %swap3A_404] {strides = array<i32>} : memref<128x128xf32, #tpu.memory_space<vmem>>, vector<1x16xf32>,
        %swap3A_406 = vector.shape_cast %swap3A_405 : vector<1x16xf32> to vector<16xf32>
        %swap3A_407 = vector.shape_cast %mul3A_402 : vector<16xf32> to vector<1x16xf32>
        tpu.vector_store %arg14[%swap3A_403, %swap3A_404], %swap3A_407 {strides = array<i32>} : memref<128x128xf32, #tpu.memory_space<vmem>>, vector<1x16xf32>,
        %swap3A_408 = arith.index_cast %scan3A_296 : i32 to index
        %swap3A_409 = arith.constant 112 : index
        %swap3A_410 = tpu.vector_load %arg14[%swap3A_408, %swap3A_409] {strides = array<i32>} : memref<128x128xf32, #tpu.memory_space<vmem>>, vector<1x16xf32>,
        %swap3A_411 = vector.shape_cast %swap3A_410 : vector<1x16xf32> to vector<16xf32>
        %swap3A_412 = vector.shape_cast %exp3A_397 : vector<16xf32> to vector<1x16xf32>
        tpu.vector_store %arg14[%swap3A_408, %swap3A_409], %swap3A_412 {strides = array<i32>} : memref<128x128xf32, #tpu.memory_space<vmem>>, vector<1x16xf32>,
      }
      %scan3A_179 = arith.constant 128 : i32
      "tpu.region"() ({
        %run_scoped3A = tpu.sem_alloc : memref<!tpu.dma_semaphore, #tpu.memory_space<semaphore_mem>>
        %dma_start3A_180 = arith.constant 0 : i32
        %dma_start3A_181 = arith.constant 0 : i32
        %dma_start3A_182 = tpu.memref_slice %arg15[%dma_start3A_180, %dma_start3A_181] : memref<10240x128xf32, #tpu.memory_space<vmem_shared>> -> memref<10240x128xf32, #tpu.memory_space<vmem_shared>>
        tpu.enqueue_indirect_dma source(%arg14 : memref<128x128xf32, #tpu.memory_space<vmem>>) target(%dma_start3A_182 : memref<10240x128xf32, #tpu.memory_space<vmem_shared>>) offsets(%arg9 : memref<128xi32, #tpu.memory_space<vmem>>) semaphore(%run_scoped3A : memref<!tpu.dma_semaphore, #tpu.memory_space<semaphore_mem>>) {add = true}
        %dma_wait3A_183 = arith.constant 0 : i32
        %dma_wait3A_184 = arith.constant 0 : i32
        %dma_wait3A_185 = tpu.memref_slice %arg15[%dma_wait3A_183, %dma_wait3A_184] : memref<10240x128xf32, #tpu.memory_space<vmem_shared>> -> memref<10240x128xf32, #tpu.memory_space<vmem_shared>>
        tpu.wait_indirect_dma semaphore(%run_scoped3A : memref<!tpu.dma_semaphore, #tpu.memory_space<semaphore_mem>>) src(%arg14 : memref<128x128xf32, #tpu.memory_space<vmem>>) dst(%dma_wait3A_185 : memref<10240x128xf32, #tpu.memory_space<vmem_shared>>)
        tpu.yield
      }) : () -> ()
    }
    %scan3A_7 = arith.constant 312 : i32
    %lt3A = arith.constant 8 : i32
    %lt3A_8 = arith.cmpi slt, %arg1, %lt3A : i32
    %convert_element_type3A = arith.extui %lt3A_8 : i1 to i32
    %cond3A = arith.constant 0 : i32
    %cond3A_9 = arith.cmpi ne, %convert_element_type3A, %cond3A : i32
    scf.if %cond3A_9 {
      %add3A = arith.constant 4992 : i32
      %add3A_17 = arith.addi %add3A, %arg1 : i32
      %mul3A_18 = arith.constant 128 : i32
      %mul3A_19 = arith.muli %add3A_17, %mul3A_18 : i32
      %multiple_of3A = tpu.assume_multiple %mul3A_19, 128 : i32
      "tpu.region"() ({
        %run_scoped3A = tpu.sem_alloc : memref<!tpu.dma_semaphore, #tpu.memory_space<semaphore_mem>>
        %dma_start3A_178 = tpu.memref_slice %arg4[%multiple_of3A] : memref<640000xi32, #tpu.memory_space<hbm>> -> memref<128xi32, #tpu.memory_space<hbm>>
        %dma_start3A_179 = tpu.memref_slice %arg4[%multiple_of3A] : memref<640000xi32, #tpu.memory_space<hbm>> -> memref<128xi32, #tpu.memory_space<hbm>>
        tpu.enqueue_dma source(%dma_start3A_179 : memref<128xi32, #tpu.memory_space<hbm>>) target(%arg8 : memref<128xi32, #tpu.memory_space<vmem>>) target_semaphore(%run_scoped3A : memref<!tpu.dma_semaphore, #tpu.memory_space<semaphore_mem>>)
        %dma_wait3A_180 = tpu.memref_slice %arg4[%multiple_of3A] : memref<640000xi32, #tpu.memory_space<hbm>> -> memref<128xi32, #tpu.memory_space<hbm>>
        %dma_wait3A_181 = tpu.memref_slice %arg4[%multiple_of3A] : memref<640000xi32, #tpu.memory_space<hbm>> -> memref<128xi32, #tpu.memory_space<hbm>>
        tpu.wait_dma2 semaphore(%run_scoped3A : memref<!tpu.dma_semaphore, #tpu.memory_space<semaphore_mem>>) src(%dma_wait3A_181 : memref<128xi32, #tpu.memory_space<hbm>>) dst(%arg8 : memref<128xi32, #tpu.memory_space<vmem>>)
        tpu.yield
      }) : () -> ()
      "tpu.region"() ({
        %run_scoped3A = tpu.sem_alloc : memref<!tpu.dma_semaphore, #tpu.memory_space<semaphore_mem>>
        %dma_start3A_178 = tpu.memref_slice %arg5[%multiple_of3A] : memref<640000xi32, #tpu.memory_space<hbm>> -> memref<128xi32, #tpu.memory_space<hbm>>
        %dma_start3A_179 = tpu.memref_slice %arg5[%multiple_of3A] : memref<640000xi32, #tpu.memory_space<hbm>> -> memref<128xi32, #tpu.memory_space<hbm>>
        tpu.enqueue_dma source(%dma_start3A_179 : memref<128xi32, #tpu.memory_space<hbm>>) target(%arg9 : memref<128xi32, #tpu.memory_space<vmem>>) target_semaphore(%run_scoped3A : memref<!tpu.dma_semaphore, #tpu.memory_space<semaphore_mem>>)
        %dma_wait3A_180 = tpu.memref_slice %arg5[%multiple_of3A] : memref<640000xi32, #tpu.memory_space<hbm>> -> memref<128xi32, #tpu.memory_space<hbm>>
        %dma_wait3A_181 = tpu.memref_slice %arg5[%multiple_of3A] : memref<640000xi32, #tpu.memory_space<hbm>> -> memref<128xi32, #tpu.memory_space<hbm>>
        tpu.wait_dma2 semaphore(%run_scoped3A : memref<!tpu.dma_semaphore, #tpu.memory_space<semaphore_mem>>) src(%dma_wait3A_181 : memref<128xi32, #tpu.memory_space<hbm>>) dst(%arg9 : memref<128xi32, #tpu.memory_space<vmem>>)
        tpu.yield
      }) : () -> ()
      %get3A = arith.constant 0 : index
      %get3A_20 = tpu.vector_load %arg8[%get3A] {strides = array<i32>} : memref<128xi32, #tpu.memory_space<vmem>>, vector<16xi32>,
      %get3A_21 = vector.shape_cast %get3A_20 : vector<16xi32> to vector<16xi32>
      %add3A_22 = vector.broadcast %mul3A_0 : i32 to vector<16xi32>
      %add3A_23 = arith.addi %get3A_21, %add3A_22 : vector<16xi32>
      %swap3A = arith.constant 0 : index
      %swap3A_24 = tpu.vector_load %arg10[%swap3A] {strides = array<i32>} : memref<128xi32, #tpu.memory_space<vmem>>, vector<16xi32>,
      %swap3A_25 = vector.shape_cast %swap3A_24 : vector<16xi32> to vector<16xi32>
      %swap3A_26 = vector.shape_cast %add3A_23 : vector<16xi32> to vector<16xi32>
      tpu.vector_store %arg10[%swap3A], %swap3A_26 {strides = array<i32>} : memref<128xi32, #tpu.memory_space<vmem>>, vector<16xi32>,
      %get3A_27 = arith.constant 0 : index
      %get3A_28 = tpu.vector_load %arg9[%get3A_27] {strides = array<i32>} : memref<128xi32, #tpu.memory_space<vmem>>, vector<16xi32>,
      %get3A_29 = vector.shape_cast %get3A_28 : vector<16xi32> to vector<16xi32>
      %add3A_30 = vector.broadcast %mul3A_0 : i32 to vector<16xi32>
      %add3A_31 = arith.addi %get3A_29, %add3A_30 : vector<16xi32>
      %swap3A_32 = arith.constant 0 : index
      %swap3A_33 = tpu.vector_load %arg11[%swap3A_32] {strides = array<i32>} : memref<128xi32, #tpu.memory_space<vmem>>, vector<16xi32>,
      %swap3A_34 = vector.shape_cast %swap3A_33 : vector<16xi32> to vector<16xi32>
      %swap3A_35 = vector.shape_cast %add3A_31 : vector<16xi32> to vector<16xi32>
      tpu.vector_store %arg11[%swap3A_32], %swap3A_35 {strides = array<i32>} : memref<128xi32, #tpu.memory_space<vmem>>, vector<16xi32>,
      %get3A_36 = arith.constant 16 : index
      %get3A_37 = tpu.vector_load %arg8[%get3A_36] {strides = array<i32>} : memref<128xi32, #tpu.memory_space<vmem>>, vector<16xi32>,
      %get3A_38 = vector.shape_cast %get3A_37 : vector<16xi32> to vector<16xi32>
      %add3A_39 = vector.broadcast %mul3A_0 : i32 to vector<16xi32>
      %add3A_40 = arith.addi %get3A_38, %add3A_39 : vector<16xi32>
      %swap3A_41 = arith.constant 16 : index
      %swap3A_42 = tpu.vector_load %arg10[%swap3A_41] {strides = array<i32>} : memref<128xi32, #tpu.memory_space<vmem>>, vector<16xi32>,
      %swap3A_43 = vector.shape_cast %swap3A_42 : vector<16xi32> to vector<16xi32>
      %swap3A_44 = vector.shape_cast %add3A_40 : vector<16xi32> to vector<16xi32>
      tpu.vector_store %arg10[%swap3A_41], %swap3A_44 {strides = array<i32>} : memref<128xi32, #tpu.memory_space<vmem>>, vector<16xi32>,
      %get3A_45 = arith.constant 16 : index
      %get3A_46 = tpu.vector_load %arg9[%get3A_45] {strides = array<i32>} : memref<128xi32, #tpu.memory_space<vmem>>, vector<16xi32>,
      %get3A_47 = vector.shape_cast %get3A_46 : vector<16xi32> to vector<16xi32>
      %add3A_48 = vector.broadcast %mul3A_0 : i32 to vector<16xi32>
      %add3A_49 = arith.addi %get3A_47, %add3A_48 : vector<16xi32>
      %swap3A_50 = arith.constant 16 : index
      %swap3A_51 = tpu.vector_load %arg11[%swap3A_50] {strides = array<i32>} : memref<128xi32, #tpu.memory_space<vmem>>, vector<16xi32>,
      %swap3A_52 = vector.shape_cast %swap3A_51 : vector<16xi32> to vector<16xi32>
      %swap3A_53 = vector.shape_cast %add3A_49 : vector<16xi32> to vector<16xi32>
      tpu.vector_store %arg11[%swap3A_50], %swap3A_53 {strides = array<i32>} : memref<128xi32, #tpu.memory_space<vmem>>, vector<16xi32>,
      %get3A_54 = arith.constant 32 : index
      %get3A_55 = tpu.vector_load %arg8[%get3A_54] {strides = array<i32>} : memref<128xi32, #tpu.memory_space<vmem>>, vector<16xi32>,
      %get3A_56 = vector.shape_cast %get3A_55 : vector<16xi32> to vector<16xi32>
      %add3A_57 = vector.broadcast %mul3A_0 : i32 to vector<16xi32>
      %add3A_58 = arith.addi %get3A_56, %add3A_57 : vector<16xi32>
      %swap3A_59 = arith.constant 32 : index
      %swap3A_60 = tpu.vector_load %arg10[%swap3A_59] {strides = array<i32>} : memref<128xi32, #tpu.memory_space<vmem>>, vector<16xi32>,
      %swap3A_61 = vector.shape_cast %swap3A_60 : vector<16xi32> to vector<16xi32>
      %swap3A_62 = vector.shape_cast %add3A_58 : vector<16xi32> to vector<16xi32>
      tpu.vector_store %arg10[%swap3A_59], %swap3A_62 {strides = array<i32>} : memref<128xi32, #tpu.memory_space<vmem>>, vector<16xi32>,
      %get3A_63 = arith.constant 32 : index
      %get3A_64 = tpu.vector_load %arg9[%get3A_63] {strides = array<i32>} : memref<128xi32, #tpu.memory_space<vmem>>, vector<16xi32>,
      %get3A_65 = vector.shape_cast %get3A_64 : vector<16xi32> to vector<16xi32>
      %add3A_66 = vector.broadcast %mul3A_0 : i32 to vector<16xi32>
      %add3A_67 = arith.addi %get3A_65, %add3A_66 : vector<16xi32>
      %swap3A_68 = arith.constant 32 : index
      %swap3A_69 = tpu.vector_load %arg11[%swap3A_68] {strides = array<i32>} : memref<128xi32, #tpu.memory_space<vmem>>, vector<16xi32>,
      %swap3A_70 = vector.shape_cast %swap3A_69 : vector<16xi32> to vector<16xi32>
      %swap3A_71 = vector.shape_cast %add3A_67 : vector<16xi32> to vector<16xi32>
      tpu.vector_store %arg11[%swap3A_68], %swap3A_71 {strides = array<i32>} : memref<128xi32, #tpu.memory_space<vmem>>, vector<16xi32>,
      %get3A_72 = arith.constant 48 : index
      %get3A_73 = tpu.vector_load %arg8[%get3A_72] {strides = array<i32>} : memref<128xi32, #tpu.memory_space<vmem>>, vector<16xi32>,
      %get3A_74 = vector.shape_cast %get3A_73 : vector<16xi32> to vector<16xi32>
      %add3A_75 = vector.broadcast %mul3A_0 : i32 to vector<16xi32>
      %add3A_76 = arith.addi %get3A_74, %add3A_75 : vector<16xi32>
      %swap3A_77 = arith.constant 48 : index
      %swap3A_78 = tpu.vector_load %arg10[%swap3A_77] {strides = array<i32>} : memref<128xi32, #tpu.memory_space<vmem>>, vector<16xi32>,
      %swap3A_79 = vector.shape_cast %swap3A_78 : vector<16xi32> to vector<16xi32>
      %swap3A_80 = vector.shape_cast %add3A_76 : vector<16xi32> to vector<16xi32>
      tpu.vector_store %arg10[%swap3A_77], %swap3A_80 {strides = array<i32>} : memref<128xi32, #tpu.memory_space<vmem>>, vector<16xi32>,
      %get3A_81 = arith.constant 48 : index
      %get3A_82 = tpu.vector_load %arg9[%get3A_81] {strides = array<i32>} : memref<128xi32, #tpu.memory_space<vmem>>, vector<16xi32>,
      %get3A_83 = vector.shape_cast %get3A_82 : vector<16xi32> to vector<16xi32>
      %add3A_84 = vector.broadcast %mul3A_0 : i32 to vector<16xi32>
      %add3A_85 = arith.addi %get3A_83, %add3A_84 : vector<16xi32>
      %swap3A_86 = arith.constant 48 : index
      %swap3A_87 = tpu.vector_load %arg11[%swap3A_86] {strides = array<i32>} : memref<128xi32, #tpu.memory_space<vmem>>, vector<16xi32>,
      %swap3A_88 = vector.shape_cast %swap3A_87 : vector<16xi32> to vector<16xi32>
      %swap3A_89 = vector.shape_cast %add3A_85 : vector<16xi32> to vector<16xi32>
      tpu.vector_store %arg11[%swap3A_86], %swap3A_89 {strides = array<i32>} : memref<128xi32, #tpu.memory_space<vmem>>, vector<16xi32>,
      %get3A_90 = arith.constant 64 : index
      %get3A_91 = tpu.vector_load %arg8[%get3A_90] {strides = array<i32>} : memref<128xi32, #tpu.memory_space<vmem>>, vector<16xi32>,
      %get3A_92 = vector.shape_cast %get3A_91 : vector<16xi32> to vector<16xi32>
      %add3A_93 = vector.broadcast %mul3A_0 : i32 to vector<16xi32>
      %add3A_94 = arith.addi %get3A_92, %add3A_93 : vector<16xi32>
      %swap3A_95 = arith.constant 64 : index
      %swap3A_96 = tpu.vector_load %arg10[%swap3A_95] {strides = array<i32>} : memref<128xi32, #tpu.memory_space<vmem>>, vector<16xi32>,
      %swap3A_97 = vector.shape_cast %swap3A_96 : vector<16xi32> to vector<16xi32>
      %swap3A_98 = vector.shape_cast %add3A_94 : vector<16xi32> to vector<16xi32>
      tpu.vector_store %arg10[%swap3A_95], %swap3A_98 {strides = array<i32>} : memref<128xi32, #tpu.memory_space<vmem>>, vector<16xi32>,
      %get3A_99 = arith.constant 64 : index
      %get3A_100 = tpu.vector_load %arg9[%get3A_99] {strides = array<i32>} : memref<128xi32, #tpu.memory_space<vmem>>, vector<16xi32>,
      %get3A_101 = vector.shape_cast %get3A_100 : vector<16xi32> to vector<16xi32>
      %add3A_102 = vector.broadcast %mul3A_0 : i32 to vector<16xi32>
      %add3A_103 = arith.addi %get3A_101, %add3A_102 : vector<16xi32>
      %swap3A_104 = arith.constant 64 : index
      %swap3A_105 = tpu.vector_load %arg11[%swap3A_104] {strides = array<i32>} : memref<128xi32, #tpu.memory_space<vmem>>, vector<16xi32>,
      %swap3A_106 = vector.shape_cast %swap3A_105 : vector<16xi32> to vector<16xi32>
      %swap3A_107 = vector.shape_cast %add3A_103 : vector<16xi32> to vector<16xi32>
      tpu.vector_store %arg11[%swap3A_104], %swap3A_107 {strides = array<i32>} : memref<128xi32, #tpu.memory_space<vmem>>, vector<16xi32>,
      %get3A_108 = arith.constant 80 : index
      %get3A_109 = tpu.vector_load %arg8[%get3A_108] {strides = array<i32>} : memref<128xi32, #tpu.memory_space<vmem>>, vector<16xi32>,
      %get3A_110 = vector.shape_cast %get3A_109 : vector<16xi32> to vector<16xi32>
      %add3A_111 = vector.broadcast %mul3A_0 : i32 to vector<16xi32>
      %add3A_112 = arith.addi %get3A_110, %add3A_111 : vector<16xi32>
      %swap3A_113 = arith.constant 80 : index
      %swap3A_114 = tpu.vector_load %arg10[%swap3A_113] {strides = array<i32>} : memref<128xi32, #tpu.memory_space<vmem>>, vector<16xi32>,
      %swap3A_115 = vector.shape_cast %swap3A_114 : vector<16xi32> to vector<16xi32>
      %swap3A_116 = vector.shape_cast %add3A_112 : vector<16xi32> to vector<16xi32>
      tpu.vector_store %arg10[%swap3A_113], %swap3A_116 {strides = array<i32>} : memref<128xi32, #tpu.memory_space<vmem>>, vector<16xi32>,
      %get3A_117 = arith.constant 80 : index
      %get3A_118 = tpu.vector_load %arg9[%get3A_117] {strides = array<i32>} : memref<128xi32, #tpu.memory_space<vmem>>, vector<16xi32>,
      %get3A_119 = vector.shape_cast %get3A_118 : vector<16xi32> to vector<16xi32>
      %add3A_120 = vector.broadcast %mul3A_0 : i32 to vector<16xi32>
      %add3A_121 = arith.addi %get3A_119, %add3A_120 : vector<16xi32>
      %swap3A_122 = arith.constant 80 : index
      %swap3A_123 = tpu.vector_load %arg11[%swap3A_122] {strides = array<i32>} : memref<128xi32, #tpu.memory_space<vmem>>, vector<16xi32>,
      %swap3A_124 = vector.shape_cast %swap3A_123 : vector<16xi32> to vector<16xi32>
      %swap3A_125 = vector.shape_cast %add3A_121 : vector<16xi32> to vector<16xi32>
      tpu.vector_store %arg11[%swap3A_122], %swap3A_125 {strides = array<i32>} : memref<128xi32, #tpu.memory_space<vmem>>, vector<16xi32>,
      %get3A_126 = arith.constant 96 : index
      %get3A_127 = tpu.vector_load %arg8[%get3A_126] {strides = array<i32>} : memref<128xi32, #tpu.memory_space<vmem>>, vector<16xi32>,
      %get3A_128 = vector.shape_cast %get3A_127 : vector<16xi32> to vector<16xi32>
      %add3A_129 = vector.broadcast %mul3A_0 : i32 to vector<16xi32>
      %add3A_130 = arith.addi %get3A_128, %add3A_129 : vector<16xi32>
      %swap3A_131 = arith.constant 96 : index
      %swap3A_132 = tpu.vector_load %arg10[%swap3A_131] {strides = array<i32>} : memref<128xi32, #tpu.memory_space<vmem>>, vector<16xi32>,
      %swap3A_133 = vector.shape_cast %swap3A_132 : vector<16xi32> to vector<16xi32>
      %swap3A_134 = vector.shape_cast %add3A_130 : vector<16xi32> to vector<16xi32>
      tpu.vector_store %arg10[%swap3A_131], %swap3A_134 {strides = array<i32>} : memref<128xi32, #tpu.memory_space<vmem>>, vector<16xi32>,
      %get3A_135 = arith.constant 96 : index
      %get3A_136 = tpu.vector_load %arg9[%get3A_135] {strides = array<i32>} : memref<128xi32, #tpu.memory_space<vmem>>, vector<16xi32>,
      %get3A_137 = vector.shape_cast %get3A_136 : vector<16xi32> to vector<16xi32>
      %add3A_138 = vector.broadcast %mul3A_0 : i32 to vector<16xi32>
      %add3A_139 = arith.addi %get3A_137, %add3A_138 : vector<16xi32>
      %swap3A_140 = arith.constant 96 : index
      %swap3A_141 = tpu.vector_load %arg11[%swap3A_140] {strides = array<i32>} : memref<128xi32, #tpu.memory_space<vmem>>, vector<16xi32>,
      %swap3A_142 = vector.shape_cast %swap3A_141 : vector<16xi32> to vector<16xi32>
      %swap3A_143 = vector.shape_cast %add3A_139 : vector<16xi32> to vector<16xi32>
      tpu.vector_store %arg11[%swap3A_140], %swap3A_143 {strides = array<i32>} : memref<128xi32, #tpu.memory_space<vmem>>, vector<16xi32>,
      %get3A_144 = arith.constant 112 : index
      %get3A_145 = tpu.vector_load %arg8[%get3A_144] {strides = array<i32>} : memref<128xi32, #tpu.memory_space<vmem>>, vector<16xi32>,
      %get3A_146 = vector.shape_cast %get3A_145 : vector<16xi32> to vector<16xi32>
      %add3A_147 = vector.broadcast %mul3A_0 : i32 to vector<16xi32>
      %add3A_148 = arith.addi %get3A_146, %add3A_147 : vector<16xi32>
      %swap3A_149 = arith.constant 112 : index
      %swap3A_150 = tpu.vector_load %arg10[%swap3A_149] {strides = array<i32>} : memref<128xi32, #tpu.memory_space<vmem>>, vector<16xi32>,
      %swap3A_151 = vector.shape_cast %swap3A_150 : vector<16xi32> to vector<16xi32>
      %swap3A_152 = vector.shape_cast %add3A_148 : vector<16xi32> to vector<16xi32>
      tpu.vector_store %arg10[%swap3A_149], %swap3A_152 {strides = array<i32>} : memref<128xi32, #tpu.memory_space<vmem>>, vector<16xi32>,
      %get3A_153 = arith.constant 112 : index
      %get3A_154 = tpu.vector_load %arg9[%get3A_153] {strides = array<i32>} : memref<128xi32, #tpu.memory_space<vmem>>, vector<16xi32>,
      %get3A_155 = vector.shape_cast %get3A_154 : vector<16xi32> to vector<16xi32>
      %add3A_156 = vector.broadcast %mul3A_0 : i32 to vector<16xi32>
      %add3A_157 = arith.addi %get3A_155, %add3A_156 : vector<16xi32>
      %swap3A_158 = arith.constant 112 : index
      %swap3A_159 = tpu.vector_load %arg11[%swap3A_158] {strides = array<i32>} : memref<128xi32, #tpu.memory_space<vmem>>, vector<16xi32>,
      %swap3A_160 = vector.shape_cast %swap3A_159 : vector<16xi32> to vector<16xi32>
      %swap3A_161 = vector.shape_cast %add3A_157 : vector<16xi32> to vector<16xi32>
      tpu.vector_store %arg11[%swap3A_158], %swap3A_161 {strides = array<i32>} : memref<128xi32, #tpu.memory_space<vmem>>, vector<16xi32>,
      %dma_start3A = arith.constant 0 : i32
      %dma_start3A_162 = arith.constant 0 : i32
      %dma_start3A_163 = tpu.memref_slice %arg2[%dma_start3A, %dma_start3A_162] : memref<20000x128xf32, #tpu.memory_space<hbm>> -> memref<20000x128xf32, #tpu.memory_space<hbm>>
      tpu.enqueue_indirect_dma source(%dma_start3A_163 : memref<20000x128xf32, #tpu.memory_space<hbm>>) target(%arg12 : memref<128x128xf32, #tpu.memory_space<vmem>>) offsets(%arg10 : memref<128xi32, #tpu.memory_space<vmem>>) semaphore(%arg16 : memref<!tpu.dma_semaphore, #tpu.memory_space<semaphore_mem>>)
      %dma_start3A_164 = arith.constant 0 : i32
      %dma_start3A_165 = arith.constant 0 : i32
      %dma_start3A_166 = tpu.memref_slice %arg3[%dma_start3A_164, %dma_start3A_165] : memref<20000x64xf32, #tpu.memory_space<hbm>> -> memref<20000x64xf32, #tpu.memory_space<hbm>>
      tpu.enqueue_indirect_dma source(%dma_start3A_166 : memref<20000x64xf32, #tpu.memory_space<hbm>>) target(%arg13 : memref<128x64xf32, #tpu.memory_space<vmem>>) offsets(%arg11 : memref<128xi32, #tpu.memory_space<vmem>>) semaphore(%arg17 : memref<!tpu.dma_semaphore, #tpu.memory_space<semaphore_mem>>)
      %dma_wait3A = arith.constant 0 : i32
      %dma_wait3A_167 = arith.constant 0 : i32
      %dma_wait3A_168 = tpu.memref_slice %arg2[%dma_wait3A, %dma_wait3A_167] : memref<20000x128xf32, #tpu.memory_space<hbm>> -> memref<20000x128xf32, #tpu.memory_space<hbm>>
      tpu.wait_indirect_dma semaphore(%arg16 : memref<!tpu.dma_semaphore, #tpu.memory_space<semaphore_mem>>) src(%dma_wait3A_168 : memref<20000x128xf32, #tpu.memory_space<hbm>>) dst(%arg12 : memref<128x128xf32, #tpu.memory_space<vmem>>)
      %dma_wait3A_169 = arith.constant 0 : i32
      %dma_wait3A_170 = arith.constant 0 : i32
      %dma_wait3A_171 = tpu.memref_slice %arg3[%dma_wait3A_169, %dma_wait3A_170] : memref<20000x64xf32, #tpu.memory_space<hbm>> -> memref<20000x64xf32, #tpu.memory_space<hbm>>
      tpu.wait_indirect_dma semaphore(%arg17 : memref<!tpu.dma_semaphore, #tpu.memory_space<semaphore_mem>>) src(%dma_wait3A_171 : memref<20000x64xf32, #tpu.memory_space<hbm>>) dst(%arg13 : memref<128x64xf32, #tpu.memory_space<vmem>>)
      %scan3A_172 = arith.constant 0 : i32
      %scan3A_173 = arith.constant 0 : i32
      %scan3A_174 = arith.constant 128 : i32
      %scan3A_175 = arith.addi %scan3A_173, %scan3A_174 : i32
      %scan3A_176 = arith.constant 2 : i32
      scf.for %scan3A_178 = %scan3A_173 to %scan3A_175 step %scan3A_176  : i32 {
        %get3A_179 = arith.index_cast %scan3A_178 : i32 to index
        %get3A_180 = arith.constant 0 : index
        %get3A_181 = tpu.vector_load %arg12[%get3A_179, %get3A_180] {strides = array<i32>} : memref<128x128xf32, #tpu.memory_space<vmem>>, vector<1x16xf32>,
        %get3A_182 = vector.shape_cast %get3A_181 : vector<1x16xf32> to vector<16xf32>
        %get3A_183 = arith.index_cast %scan3A_178 : i32 to index
        %get3A_184 = arith.constant 0 : index
        %get3A_185 = tpu.vector_load %arg13[%get3A_183, %get3A_184] {strides = array<i32>} : memref<128x64xf32, #tpu.memory_space<vmem>>, vector<1x16xf32>,
        %get3A_186 = vector.shape_cast %get3A_185 : vector<1x16xf32> to vector<16xf32>
        %add3A_187 = arith.addf %get3A_182, %get3A_186 : vector<16xf32>
        %mul3A_188 = arith.constant 2.000000e-01 : f32
        %mul3A_189 = vector.broadcast %mul3A_188 : f32 to vector<16xf32>
        %mul3A_190 = arith.mulf %mul3A_189, %add3A_187 : vector<16xf32>
        %max3A = arith.maximumf %add3A_187, %mul3A_190 : vector<16xf32>
        %exp3A = math.exp %max3A : vector<16xf32>
        %get3A_191 = arith.index_cast %scan3A_178 : i32 to index
        %get3A_192 = arith.constant 64 : index
        %get3A_193 = tpu.vector_load %arg12[%get3A_191, %get3A_192] {strides = array<i32>} : memref<128x128xf32, #tpu.memory_space<vmem>>, vector<1x16xf32>,
        %get3A_194 = vector.shape_cast %get3A_193 : vector<1x16xf32> to vector<16xf32>
        %mul3A_195 = arith.mulf %get3A_194, %exp3A : vector<16xf32>
        %swap3A_196 = arith.index_cast %scan3A_178 : i32 to index
        %swap3A_197 = arith.constant 0 : index
        %swap3A_198 = tpu.vector_load %arg14[%swap3A_196, %swap3A_197] {strides = array<i32>} : memref<128x128xf32, #tpu.memory_space<vmem>>, vector<1x16xf32>,
        %swap3A_199 = vector.shape_cast %swap3A_198 : vector<1x16xf32> to vector<16xf32>
        %swap3A_200 = vector.shape_cast %mul3A_195 : vector<16xf32> to vector<1x16xf32>
        tpu.vector_store %arg14[%swap3A_196, %swap3A_197], %swap3A_200 {strides = array<i32>} : memref<128x128xf32, #tpu.memory_space<vmem>>, vector<1x16xf32>,
        %swap3A_201 = arith.index_cast %scan3A_178 : i32 to index
        %swap3A_202 = arith.constant 64 : index
        %swap3A_203 = tpu.vector_load %arg14[%swap3A_201, %swap3A_202] {strides = array<i32>} : memref<128x128xf32, #tpu.memory_space<vmem>>, vector<1x16xf32>,
        %swap3A_204 = vector.shape_cast %swap3A_203 : vector<1x16xf32> to vector<16xf32>
        %swap3A_205 = vector.shape_cast %exp3A : vector<16xf32> to vector<1x16xf32>
        tpu.vector_store %arg14[%swap3A_201, %swap3A_202], %swap3A_205 {strides = array<i32>} : memref<128x128xf32, #tpu.memory_space<vmem>>, vector<1x16xf32>,
        %get3A_206 = arith.index_cast %scan3A_178 : i32 to index
        %get3A_207 = arith.constant 16 : index
        %get3A_208 = tpu.vector_load %arg12[%get3A_206, %get3A_207] {strides = array<i32>} : memref<128x128xf32, #tpu.memory_space<vmem>>, vector<1x16xf32>,
        %get3A_209 = vector.shape_cast %get3A_208 : vector<1x16xf32> to vector<16xf32>
        %get3A_210 = arith.index_cast %scan3A_178 : i32 to index
        %get3A_211 = arith.constant 16 : index
        %get3A_212 = tpu.vector_load %arg13[%get3A_210, %get3A_211] {strides = array<i32>} : memref<128x64xf32, #tpu.memory_space<vmem>>, vector<1x16xf32>,
        %get3A_213 = vector.shape_cast %get3A_212 : vector<1x16xf32> to vector<16xf32>
        %add3A_214 = arith.addf %get3A_209, %get3A_213 : vector<16xf32>
        %mul3A_215 = arith.constant 2.000000e-01 : f32
        %mul3A_216 = vector.broadcast %mul3A_215 : f32 to vector<16xf32>
        %mul3A_217 = arith.mulf %mul3A_216, %add3A_214 : vector<16xf32>
        %max3A_218 = arith.maximumf %add3A_214, %mul3A_217 : vector<16xf32>
        %exp3A_219 = math.exp %max3A_218 : vector<16xf32>
        %get3A_220 = arith.index_cast %scan3A_178 : i32 to index
        %get3A_221 = arith.constant 80 : index
        %get3A_222 = tpu.vector_load %arg12[%get3A_220, %get3A_221] {strides = array<i32>} : memref<128x128xf32, #tpu.memory_space<vmem>>, vector<1x16xf32>,
        %get3A_223 = vector.shape_cast %get3A_222 : vector<1x16xf32> to vector<16xf32>
        %mul3A_224 = arith.mulf %get3A_223, %exp3A_219 : vector<16xf32>
        %swap3A_225 = arith.index_cast %scan3A_178 : i32 to index
        %swap3A_226 = arith.constant 16 : index
        %swap3A_227 = tpu.vector_load %arg14[%swap3A_225, %swap3A_226] {strides = array<i32>} : memref<128x128xf32, #tpu.memory_space<vmem>>, vector<1x16xf32>,
        %swap3A_228 = vector.shape_cast %swap3A_227 : vector<1x16xf32> to vector<16xf32>
        %swap3A_229 = vector.shape_cast %mul3A_224 : vector<16xf32> to vector<1x16xf32>
        tpu.vector_store %arg14[%swap3A_225, %swap3A_226], %swap3A_229 {strides = array<i32>} : memref<128x128xf32, #tpu.memory_space<vmem>>, vector<1x16xf32>,
        %swap3A_230 = arith.index_cast %scan3A_178 : i32 to index
        %swap3A_231 = arith.constant 80 : index
        %swap3A_232 = tpu.vector_load %arg14[%swap3A_230, %swap3A_231] {strides = array<i32>} : memref<128x128xf32, #tpu.memory_space<vmem>>, vector<1x16xf32>,
        %swap3A_233 = vector.shape_cast %swap3A_232 : vector<1x16xf32> to vector<16xf32>
        %swap3A_234 = vector.shape_cast %exp3A_219 : vector<16xf32> to vector<1x16xf32>
        tpu.vector_store %arg14[%swap3A_230, %swap3A_231], %swap3A_234 {strides = array<i32>} : memref<128x128xf32, #tpu.memory_space<vmem>>, vector<1x16xf32>,
        %get3A_235 = arith.index_cast %scan3A_178 : i32 to index
        %get3A_236 = arith.constant 32 : index
        %get3A_237 = tpu.vector_load %arg12[%get3A_235, %get3A_236] {strides = array<i32>} : memref<128x128xf32, #tpu.memory_space<vmem>>, vector<1x16xf32>,
        %get3A_238 = vector.shape_cast %get3A_237 : vector<1x16xf32> to vector<16xf32>
        %get3A_239 = arith.index_cast %scan3A_178 : i32 to index
        %get3A_240 = arith.constant 32 : index
        %get3A_241 = tpu.vector_load %arg13[%get3A_239, %get3A_240] {strides = array<i32>} : memref<128x64xf32, #tpu.memory_space<vmem>>, vector<1x16xf32>,
        %get3A_242 = vector.shape_cast %get3A_241 : vector<1x16xf32> to vector<16xf32>
        %add3A_243 = arith.addf %get3A_238, %get3A_242 : vector<16xf32>
        %mul3A_244 = arith.constant 2.000000e-01 : f32
        %mul3A_245 = vector.broadcast %mul3A_244 : f32 to vector<16xf32>
        %mul3A_246 = arith.mulf %mul3A_245, %add3A_243 : vector<16xf32>
        %max3A_247 = arith.maximumf %add3A_243, %mul3A_246 : vector<16xf32>
        %exp3A_248 = math.exp %max3A_247 : vector<16xf32>
        %get3A_249 = arith.index_cast %scan3A_178 : i32 to index
        %get3A_250 = arith.constant 96 : index
        %get3A_251 = tpu.vector_load %arg12[%get3A_249, %get3A_250] {strides = array<i32>} : memref<128x128xf32, #tpu.memory_space<vmem>>, vector<1x16xf32>,
        %get3A_252 = vector.shape_cast %get3A_251 : vector<1x16xf32> to vector<16xf32>
        %mul3A_253 = arith.mulf %get3A_252, %exp3A_248 : vector<16xf32>
        %swap3A_254 = arith.index_cast %scan3A_178 : i32 to index
        %swap3A_255 = arith.constant 32 : index
        %swap3A_256 = tpu.vector_load %arg14[%swap3A_254, %swap3A_255] {strides = array<i32>} : memref<128x128xf32, #tpu.memory_space<vmem>>, vector<1x16xf32>,
        %swap3A_257 = vector.shape_cast %swap3A_256 : vector<1x16xf32> to vector<16xf32>
        %swap3A_258 = vector.shape_cast %mul3A_253 : vector<16xf32> to vector<1x16xf32>
        tpu.vector_store %arg14[%swap3A_254, %swap3A_255], %swap3A_258 {strides = array<i32>} : memref<128x128xf32, #tpu.memory_space<vmem>>, vector<1x16xf32>,
        %swap3A_259 = arith.index_cast %scan3A_178 : i32 to index
        %swap3A_260 = arith.constant 96 : index
        %swap3A_261 = tpu.vector_load %arg14[%swap3A_259, %swap3A_260] {strides = array<i32>} : memref<128x128xf32, #tpu.memory_space<vmem>>, vector<1x16xf32>,
        %swap3A_262 = vector.shape_cast %swap3A_261 : vector<1x16xf32> to vector<16xf32>
        %swap3A_263 = vector.shape_cast %exp3A_248 : vector<16xf32> to vector<1x16xf32>
        tpu.vector_store %arg14[%swap3A_259, %swap3A_260], %swap3A_263 {strides = array<i32>} : memref<128x128xf32, #tpu.memory_space<vmem>>, vector<1x16xf32>,
        %get3A_264 = arith.index_cast %scan3A_178 : i32 to index
        %get3A_265 = arith.constant 48 : index
        %get3A_266 = tpu.vector_load %arg12[%get3A_264, %get3A_265] {strides = array<i32>} : memref<128x128xf32, #tpu.memory_space<vmem>>, vector<1x16xf32>,
        %get3A_267 = vector.shape_cast %get3A_266 : vector<1x16xf32> to vector<16xf32>
        %get3A_268 = arith.index_cast %scan3A_178 : i32 to index
        %get3A_269 = arith.constant 48 : index
        %get3A_270 = tpu.vector_load %arg13[%get3A_268, %get3A_269] {strides = array<i32>} : memref<128x64xf32, #tpu.memory_space<vmem>>, vector<1x16xf32>,
        %get3A_271 = vector.shape_cast %get3A_270 : vector<1x16xf32> to vector<16xf32>
        %add3A_272 = arith.addf %get3A_267, %get3A_271 : vector<16xf32>
        %mul3A_273 = arith.constant 2.000000e-01 : f32
        %mul3A_274 = vector.broadcast %mul3A_273 : f32 to vector<16xf32>
        %mul3A_275 = arith.mulf %mul3A_274, %add3A_272 : vector<16xf32>
        %max3A_276 = arith.maximumf %add3A_272, %mul3A_275 : vector<16xf32>
        %exp3A_277 = math.exp %max3A_276 : vector<16xf32>
        %get3A_278 = arith.index_cast %scan3A_178 : i32 to index
        %get3A_279 = arith.constant 112 : index
        %get3A_280 = tpu.vector_load %arg12[%get3A_278, %get3A_279] {strides = array<i32>} : memref<128x128xf32, #tpu.memory_space<vmem>>, vector<1x16xf32>,
        %get3A_281 = vector.shape_cast %get3A_280 : vector<1x16xf32> to vector<16xf32>
        %mul3A_282 = arith.mulf %get3A_281, %exp3A_277 : vector<16xf32>
        %swap3A_283 = arith.index_cast %scan3A_178 : i32 to index
        %swap3A_284 = arith.constant 48 : index
        %swap3A_285 = tpu.vector_load %arg14[%swap3A_283, %swap3A_284] {strides = array<i32>} : memref<128x128xf32, #tpu.memory_space<vmem>>, vector<1x16xf32>,
        %swap3A_286 = vector.shape_cast %swap3A_285 : vector<1x16xf32> to vector<16xf32>
        %swap3A_287 = vector.shape_cast %mul3A_282 : vector<16xf32> to vector<1x16xf32>
        tpu.vector_store %arg14[%swap3A_283, %swap3A_284], %swap3A_287 {strides = array<i32>} : memref<128x128xf32, #tpu.memory_space<vmem>>, vector<1x16xf32>,
        %swap3A_288 = arith.index_cast %scan3A_178 : i32 to index
        %swap3A_289 = arith.constant 112 : index
        %swap3A_290 = tpu.vector_load %arg14[%swap3A_288, %swap3A_289] {strides = array<i32>} : memref<128x128xf32, #tpu.memory_space<vmem>>, vector<1x16xf32>,
        %swap3A_291 = vector.shape_cast %swap3A_290 : vector<1x16xf32> to vector<16xf32>
        %swap3A_292 = vector.shape_cast %exp3A_277 : vector<16xf32> to vector<1x16xf32>
        tpu.vector_store %arg14[%swap3A_288, %swap3A_289], %swap3A_292 {strides = array<i32>} : memref<128x128xf32, #tpu.memory_space<vmem>>, vector<1x16xf32>,
        %scan3A_293 = arith.constant 1 : i32
        %scan3A_294 = arith.addi %scan3A_178, %scan3A_293 : i32
        %get3A_295 = arith.index_cast %scan3A_294 : i32 to index
        %get3A_296 = arith.constant 0 : index
        %get3A_297 = tpu.vector_load %arg12[%get3A_295, %get3A_296] {strides = array<i32>} : memref<128x128xf32, #tpu.memory_space<vmem>>, vector<1x16xf32>,
        %get3A_298 = vector.shape_cast %get3A_297 : vector<1x16xf32> to vector<16xf32>
        %get3A_299 = arith.index_cast %scan3A_294 : i32 to index
        %get3A_300 = arith.constant 0 : index
        %get3A_301 = tpu.vector_load %arg13[%get3A_299, %get3A_300] {strides = array<i32>} : memref<128x64xf32, #tpu.memory_space<vmem>>, vector<1x16xf32>,
        %get3A_302 = vector.shape_cast %get3A_301 : vector<1x16xf32> to vector<16xf32>
        %add3A_303 = arith.addf %get3A_298, %get3A_302 : vector<16xf32>
        %mul3A_304 = arith.constant 2.000000e-01 : f32
        %mul3A_305 = vector.broadcast %mul3A_304 : f32 to vector<16xf32>
        %mul3A_306 = arith.mulf %mul3A_305, %add3A_303 : vector<16xf32>
        %max3A_307 = arith.maximumf %add3A_303, %mul3A_306 : vector<16xf32>
        %exp3A_308 = math.exp %max3A_307 : vector<16xf32>
        %get3A_309 = arith.index_cast %scan3A_294 : i32 to index
        %get3A_310 = arith.constant 64 : index
        %get3A_311 = tpu.vector_load %arg12[%get3A_309, %get3A_310] {strides = array<i32>} : memref<128x128xf32, #tpu.memory_space<vmem>>, vector<1x16xf32>,
        %get3A_312 = vector.shape_cast %get3A_311 : vector<1x16xf32> to vector<16xf32>
        %mul3A_313 = arith.mulf %get3A_312, %exp3A_308 : vector<16xf32>
        %swap3A_314 = arith.index_cast %scan3A_294 : i32 to index
        %swap3A_315 = arith.constant 0 : index
        %swap3A_316 = tpu.vector_load %arg14[%swap3A_314, %swap3A_315] {strides = array<i32>} : memref<128x128xf32, #tpu.memory_space<vmem>>, vector<1x16xf32>,
        %swap3A_317 = vector.shape_cast %swap3A_316 : vector<1x16xf32> to vector<16xf32>
        %swap3A_318 = vector.shape_cast %mul3A_313 : vector<16xf32> to vector<1x16xf32>
        tpu.vector_store %arg14[%swap3A_314, %swap3A_315], %swap3A_318 {strides = array<i32>} : memref<128x128xf32, #tpu.memory_space<vmem>>, vector<1x16xf32>,
        %swap3A_319 = arith.index_cast %scan3A_294 : i32 to index
        %swap3A_320 = arith.constant 64 : index
        %swap3A_321 = tpu.vector_load %arg14[%swap3A_319, %swap3A_320] {strides = array<i32>} : memref<128x128xf32, #tpu.memory_space<vmem>>, vector<1x16xf32>,
        %swap3A_322 = vector.shape_cast %swap3A_321 : vector<1x16xf32> to vector<16xf32>
        %swap3A_323 = vector.shape_cast %exp3A_308 : vector<16xf32> to vector<1x16xf32>
        tpu.vector_store %arg14[%swap3A_319, %swap3A_320], %swap3A_323 {strides = array<i32>} : memref<128x128xf32, #tpu.memory_space<vmem>>, vector<1x16xf32>,
        %get3A_324 = arith.index_cast %scan3A_294 : i32 to index
        %get3A_325 = arith.constant 16 : index
        %get3A_326 = tpu.vector_load %arg12[%get3A_324, %get3A_325] {strides = array<i32>} : memref<128x128xf32, #tpu.memory_space<vmem>>, vector<1x16xf32>,
        %get3A_327 = vector.shape_cast %get3A_326 : vector<1x16xf32> to vector<16xf32>
        %get3A_328 = arith.index_cast %scan3A_294 : i32 to index
        %get3A_329 = arith.constant 16 : index
        %get3A_330 = tpu.vector_load %arg13[%get3A_328, %get3A_329] {strides = array<i32>} : memref<128x64xf32, #tpu.memory_space<vmem>>, vector<1x16xf32>,
        %get3A_331 = vector.shape_cast %get3A_330 : vector<1x16xf32> to vector<16xf32>
        %add3A_332 = arith.addf %get3A_327, %get3A_331 : vector<16xf32>
        %mul3A_333 = arith.constant 2.000000e-01 : f32
        %mul3A_334 = vector.broadcast %mul3A_333 : f32 to vector<16xf32>
        %mul3A_335 = arith.mulf %mul3A_334, %add3A_332 : vector<16xf32>
        %max3A_336 = arith.maximumf %add3A_332, %mul3A_335 : vector<16xf32>
        %exp3A_337 = math.exp %max3A_336 : vector<16xf32>
        %get3A_338 = arith.index_cast %scan3A_294 : i32 to index
        %get3A_339 = arith.constant 80 : index
        %get3A_340 = tpu.vector_load %arg12[%get3A_338, %get3A_339] {strides = array<i32>} : memref<128x128xf32, #tpu.memory_space<vmem>>, vector<1x16xf32>,
        %get3A_341 = vector.shape_cast %get3A_340 : vector<1x16xf32> to vector<16xf32>
        %mul3A_342 = arith.mulf %get3A_341, %exp3A_337 : vector<16xf32>
        %swap3A_343 = arith.index_cast %scan3A_294 : i32 to index
        %swap3A_344 = arith.constant 16 : index
        %swap3A_345 = tpu.vector_load %arg14[%swap3A_343, %swap3A_344] {strides = array<i32>} : memref<128x128xf32, #tpu.memory_space<vmem>>, vector<1x16xf32>,
        %swap3A_346 = vector.shape_cast %swap3A_345 : vector<1x16xf32> to vector<16xf32>
        %swap3A_347 = vector.shape_cast %mul3A_342 : vector<16xf32> to vector<1x16xf32>
        tpu.vector_store %arg14[%swap3A_343, %swap3A_344], %swap3A_347 {strides = array<i32>} : memref<128x128xf32, #tpu.memory_space<vmem>>, vector<1x16xf32>,
        %swap3A_348 = arith.index_cast %scan3A_294 : i32 to index
        %swap3A_349 = arith.constant 80 : index
        %swap3A_350 = tpu.vector_load %arg14[%swap3A_348, %swap3A_349] {strides = array<i32>} : memref<128x128xf32, #tpu.memory_space<vmem>>, vector<1x16xf32>,
        %swap3A_351 = vector.shape_cast %swap3A_350 : vector<1x16xf32> to vector<16xf32>
        %swap3A_352 = vector.shape_cast %exp3A_337 : vector<16xf32> to vector<1x16xf32>
        tpu.vector_store %arg14[%swap3A_348, %swap3A_349], %swap3A_352 {strides = array<i32>} : memref<128x128xf32, #tpu.memory_space<vmem>>, vector<1x16xf32>,
        %get3A_353 = arith.index_cast %scan3A_294 : i32 to index
        %get3A_354 = arith.constant 32 : index
        %get3A_355 = tpu.vector_load %arg12[%get3A_353, %get3A_354] {strides = array<i32>} : memref<128x128xf32, #tpu.memory_space<vmem>>, vector<1x16xf32>,
        %get3A_356 = vector.shape_cast %get3A_355 : vector<1x16xf32> to vector<16xf32>
        %get3A_357 = arith.index_cast %scan3A_294 : i32 to index
        %get3A_358 = arith.constant 32 : index
        %get3A_359 = tpu.vector_load %arg13[%get3A_357, %get3A_358] {strides = array<i32>} : memref<128x64xf32, #tpu.memory_space<vmem>>, vector<1x16xf32>,
        %get3A_360 = vector.shape_cast %get3A_359 : vector<1x16xf32> to vector<16xf32>
        %add3A_361 = arith.addf %get3A_356, %get3A_360 : vector<16xf32>
        %mul3A_362 = arith.constant 2.000000e-01 : f32
        %mul3A_363 = vector.broadcast %mul3A_362 : f32 to vector<16xf32>
        %mul3A_364 = arith.mulf %mul3A_363, %add3A_361 : vector<16xf32>
        %max3A_365 = arith.maximumf %add3A_361, %mul3A_364 : vector<16xf32>
        %exp3A_366 = math.exp %max3A_365 : vector<16xf32>
        %get3A_367 = arith.index_cast %scan3A_294 : i32 to index
        %get3A_368 = arith.constant 96 : index
        %get3A_369 = tpu.vector_load %arg12[%get3A_367, %get3A_368] {strides = array<i32>} : memref<128x128xf32, #tpu.memory_space<vmem>>, vector<1x16xf32>,
        %get3A_370 = vector.shape_cast %get3A_369 : vector<1x16xf32> to vector<16xf32>
        %mul3A_371 = arith.mulf %get3A_370, %exp3A_366 : vector<16xf32>
        %swap3A_372 = arith.index_cast %scan3A_294 : i32 to index
        %swap3A_373 = arith.constant 32 : index
        %swap3A_374 = tpu.vector_load %arg14[%swap3A_372, %swap3A_373] {strides = array<i32>} : memref<128x128xf32, #tpu.memory_space<vmem>>, vector<1x16xf32>,
        %swap3A_375 = vector.shape_cast %swap3A_374 : vector<1x16xf32> to vector<16xf32>
        %swap3A_376 = vector.shape_cast %mul3A_371 : vector<16xf32> to vector<1x16xf32>
        tpu.vector_store %arg14[%swap3A_372, %swap3A_373], %swap3A_376 {strides = array<i32>} : memref<128x128xf32, #tpu.memory_space<vmem>>, vector<1x16xf32>,
        %swap3A_377 = arith.index_cast %scan3A_294 : i32 to index
        %swap3A_378 = arith.constant 96 : index
        %swap3A_379 = tpu.vector_load %arg14[%swap3A_377, %swap3A_378] {strides = array<i32>} : memref<128x128xf32, #tpu.memory_space<vmem>>, vector<1x16xf32>,
        %swap3A_380 = vector.shape_cast %swap3A_379 : vector<1x16xf32> to vector<16xf32>
        %swap3A_381 = vector.shape_cast %exp3A_366 : vector<16xf32> to vector<1x16xf32>
        tpu.vector_store %arg14[%swap3A_377, %swap3A_378], %swap3A_381 {strides = array<i32>} : memref<128x128xf32, #tpu.memory_space<vmem>>, vector<1x16xf32>,
        %get3A_382 = arith.index_cast %scan3A_294 : i32 to index
        %get3A_383 = arith.constant 48 : index
        %get3A_384 = tpu.vector_load %arg12[%get3A_382, %get3A_383] {strides = array<i32>} : memref<128x128xf32, #tpu.memory_space<vmem>>, vector<1x16xf32>,
        %get3A_385 = vector.shape_cast %get3A_384 : vector<1x16xf32> to vector<16xf32>
        %get3A_386 = arith.index_cast %scan3A_294 : i32 to index
        %get3A_387 = arith.constant 48 : index
        %get3A_388 = tpu.vector_load %arg13[%get3A_386, %get3A_387] {strides = array<i32>} : memref<128x64xf32, #tpu.memory_space<vmem>>, vector<1x16xf32>,
        %get3A_389 = vector.shape_cast %get3A_388 : vector<1x16xf32> to vector<16xf32>
        %add3A_390 = arith.addf %get3A_385, %get3A_389 : vector<16xf32>
        %mul3A_391 = arith.constant 2.000000e-01 : f32
        %mul3A_392 = vector.broadcast %mul3A_391 : f32 to vector<16xf32>
        %mul3A_393 = arith.mulf %mul3A_392, %add3A_390 : vector<16xf32>
        %max3A_394 = arith.maximumf %add3A_390, %mul3A_393 : vector<16xf32>
        %exp3A_395 = math.exp %max3A_394 : vector<16xf32>
        %get3A_396 = arith.index_cast %scan3A_294 : i32 to index
        %get3A_397 = arith.constant 112 : index
        %get3A_398 = tpu.vector_load %arg12[%get3A_396, %get3A_397] {strides = array<i32>} : memref<128x128xf32, #tpu.memory_space<vmem>>, vector<1x16xf32>,
        %get3A_399 = vector.shape_cast %get3A_398 : vector<1x16xf32> to vector<16xf32>
        %mul3A_400 = arith.mulf %get3A_399, %exp3A_395 : vector<16xf32>
        %swap3A_401 = arith.index_cast %scan3A_294 : i32 to index
        %swap3A_402 = arith.constant 48 : index
        %swap3A_403 = tpu.vector_load %arg14[%swap3A_401, %swap3A_402] {strides = array<i32>} : memref<128x128xf32, #tpu.memory_space<vmem>>, vector<1x16xf32>,
        %swap3A_404 = vector.shape_cast %swap3A_403 : vector<1x16xf32> to vector<16xf32>
        %swap3A_405 = vector.shape_cast %mul3A_400 : vector<16xf32> to vector<1x16xf32>
        tpu.vector_store %arg14[%swap3A_401, %swap3A_402], %swap3A_405 {strides = array<i32>} : memref<128x128xf32, #tpu.memory_space<vmem>>, vector<1x16xf32>,
        %swap3A_406 = arith.index_cast %scan3A_294 : i32 to index
        %swap3A_407 = arith.constant 112 : index
        %swap3A_408 = tpu.vector_load %arg14[%swap3A_406, %swap3A_407] {strides = array<i32>} : memref<128x128xf32, #tpu.memory_space<vmem>>, vector<1x16xf32>,
        %swap3A_409 = vector.shape_cast %swap3A_408 : vector<1x16xf32> to vector<16xf32>
        %swap3A_410 = vector.shape_cast %exp3A_395 : vector<16xf32> to vector<1x16xf32>
        tpu.vector_store %arg14[%swap3A_406, %swap3A_407], %swap3A_410 {strides = array<i32>} : memref<128x128xf32, #tpu.memory_space<vmem>>, vector<1x16xf32>,
      }
      %scan3A_177 = arith.constant 128 : i32
      "tpu.region"() ({
        %run_scoped3A = tpu.sem_alloc : memref<!tpu.dma_semaphore, #tpu.memory_space<semaphore_mem>>
        %dma_start3A_178 = arith.constant 0 : i32
        %dma_start3A_179 = arith.constant 0 : i32
        %dma_start3A_180 = tpu.memref_slice %arg15[%dma_start3A_178, %dma_start3A_179] : memref<10240x128xf32, #tpu.memory_space<vmem_shared>> -> memref<10240x128xf32, #tpu.memory_space<vmem_shared>>
        tpu.enqueue_indirect_dma source(%arg14 : memref<128x128xf32, #tpu.memory_space<vmem>>) target(%dma_start3A_180 : memref<10240x128xf32, #tpu.memory_space<vmem_shared>>) offsets(%arg9 : memref<128xi32, #tpu.memory_space<vmem>>) semaphore(%run_scoped3A : memref<!tpu.dma_semaphore, #tpu.memory_space<semaphore_mem>>) {add = true}
        %dma_wait3A_181 = arith.constant 0 : i32
        %dma_wait3A_182 = arith.constant 0 : i32
        %dma_wait3A_183 = tpu.memref_slice %arg15[%dma_wait3A_181, %dma_wait3A_182] : memref<10240x128xf32, #tpu.memory_space<vmem_shared>> -> memref<10240x128xf32, #tpu.memory_space<vmem_shared>>
        tpu.wait_indirect_dma semaphore(%run_scoped3A : memref<!tpu.dma_semaphore, #tpu.memory_space<semaphore_mem>>) src(%arg14 : memref<128x128xf32, #tpu.memory_space<vmem>>) dst(%dma_wait3A_183 : memref<10240x128xf32, #tpu.memory_space<vmem_shared>>)
        tpu.yield
      }) : () -> ()
    } else {
    }
    %barrier3A_10 = arith.constant 0 : index
    tpu.barrier barrier_id(%barrier3A_10)
    %scan3A_11 = arith.constant 0 : i32
    %scan3A_12 = arith.constant 0 : i32
    %scan3A_13 = arith.constant 8 : i32
    %scan3A_14 = arith.addi %scan3A_12, %scan3A_13 : i32
    %scan3A_15 = arith.constant 1 : i32
    scf.for %scan3A_17 = %scan3A_12 to %scan3A_14 step %scan3A_15  : i32 {
      %mul3A_18 = arith.constant 640 : i32
      %mul3A_19 = arith.muli %arg1, %mul3A_18 : i32
      %mul3A_20 = arith.constant 80 : i32
      %mul3A_21 = arith.muli %scan3A_17, %mul3A_20 : i32
      %add3A = arith.addi %mul3A_19, %mul3A_21 : i32
      %lt3A_22 = arith.constant 10000 : i32
      %lt3A_23 = arith.cmpi slt, %add3A, %lt3A_22 : i32
      %convert_element_type3A_24 = arith.extui %lt3A_23 : i1 to i32
      %cond3A_25 = arith.constant 0 : i32
      %cond3A_26 = arith.cmpi ne, %convert_element_type3A_24, %cond3A_25 : i32
      scf.if %cond3A_26 {
        "tpu.region"() ({
          %run_scoped3A = tpu.sem_alloc : memref<!tpu.dma_semaphore, #tpu.memory_space<semaphore_mem>>
          %dma_start3A = arith.constant 0 : i32
          %dma_start3A_33 = arith.constant 0 : i32
          %dma_start3A_34 = tpu.memref_slice %arg12[%dma_start3A, %dma_start3A_33] : memref<128x128xf32, #tpu.memory_space<vmem>> -> memref<80x128xf32, #tpu.memory_space<vmem>>
          %dma_start3A_35 = arith.constant 0 : i32
          %dma_start3A_36 = tpu.memref_slice %arg15[%add3A, %dma_start3A_35] : memref<10240x128xf32, #tpu.memory_space<vmem_shared>> -> memref<80x128xf32, #tpu.memory_space<vmem_shared>>
          %dma_start3A_37 = arith.constant 0 : i32
          %dma_start3A_38 = arith.constant 0 : i32
          %dma_start3A_39 = tpu.memref_slice %arg12[%dma_start3A_37, %dma_start3A_38] : memref<128x128xf32, #tpu.memory_space<vmem>> -> memref<80x128xf32, #tpu.memory_space<vmem>>
          %dma_start3A_40 = arith.constant 0 : i32
          %dma_start3A_41 = tpu.memref_slice %arg15[%add3A, %dma_start3A_40] : memref<10240x128xf32, #tpu.memory_space<vmem_shared>> -> memref<80x128xf32, #tpu.memory_space<vmem_shared>>
          tpu.enqueue_dma source(%dma_start3A_41 : memref<80x128xf32, #tpu.memory_space<vmem_shared>>) target(%dma_start3A_39 : memref<80x128xf32, #tpu.memory_space<vmem>>) target_semaphore(%run_scoped3A : memref<!tpu.dma_semaphore, #tpu.memory_space<semaphore_mem>>)
          %dma_wait3A = arith.constant 0 : i32
          %dma_wait3A_42 = arith.constant 0 : i32
          %dma_wait3A_43 = tpu.memref_slice %arg12[%dma_wait3A, %dma_wait3A_42] : memref<128x128xf32, #tpu.memory_space<vmem>> -> memref<80x128xf32, #tpu.memory_space<vmem>>
          %dma_wait3A_44 = arith.constant 0 : i32
          %dma_wait3A_45 = tpu.memref_slice %arg15[%add3A, %dma_wait3A_44] : memref<10240x128xf32, #tpu.memory_space<vmem_shared>> -> memref<80x128xf32, #tpu.memory_space<vmem_shared>>
          %dma_wait3A_46 = arith.constant 0 : i32
          %dma_wait3A_47 = arith.constant 0 : i32
          %dma_wait3A_48 = tpu.memref_slice %arg12[%dma_wait3A_46, %dma_wait3A_47] : memref<128x128xf32, #tpu.memory_space<vmem>> -> memref<80x128xf32, #tpu.memory_space<vmem>>
          %dma_wait3A_49 = arith.constant 0 : i32
          %dma_wait3A_50 = tpu.memref_slice %arg15[%add3A, %dma_wait3A_49] : memref<10240x128xf32, #tpu.memory_space<vmem_shared>> -> memref<80x128xf32, #tpu.memory_space<vmem_shared>>
          tpu.wait_dma2 semaphore(%run_scoped3A : memref<!tpu.dma_semaphore, #tpu.memory_space<semaphore_mem>>) src(%dma_wait3A_50 : memref<80x128xf32, #tpu.memory_space<vmem_shared>>) dst(%dma_wait3A_48 : memref<80x128xf32, #tpu.memory_space<vmem>>)
          tpu.yield
        }) : () -> ()
        %scan3A_27 = arith.constant 0 : i32
        %scan3A_28 = arith.constant 0 : i32
        %scan3A_29 = arith.constant 80 : i32
        %scan3A_30 = arith.addi %scan3A_28, %scan3A_29 : i32
        %scan3A_31 = arith.constant 2 : i32
        scf.for %scan3A_33 = %scan3A_28 to %scan3A_30 step %scan3A_31  : i32 {
          %get3A = arith.index_cast %scan3A_33 : i32 to index
          %get3A_34 = arith.constant 0 : index
          %get3A_35 = tpu.vector_load %arg12[%get3A, %get3A_34] {strides = array<i32>} : memref<128x128xf32, #tpu.memory_space<vmem>>, vector<1x16xf32>,
          %get3A_36 = vector.shape_cast %get3A_35 : vector<1x16xf32> to vector<16xf32>
          %get3A_37 = arith.index_cast %scan3A_33 : i32 to index
          %get3A_38 = arith.constant 64 : index
          %get3A_39 = tpu.vector_load %arg12[%get3A_37, %get3A_38] {strides = array<i32>} : memref<128x128xf32, #tpu.memory_space<vmem>>, vector<1x16xf32>,
          %get3A_40 = vector.shape_cast %get3A_39 : vector<1x16xf32> to vector<16xf32>
          %add3A_41 = arith.constant 1.000000e-16 : f32
          %add3A_42 = vector.broadcast %add3A_41 : f32 to vector<16xf32>
          %add3A_43 = arith.addf %get3A_40, %add3A_42 : vector<16xf32>
          %div3A = arith.divf %get3A_36, %add3A_43 : vector<16xf32>
          %swap3A = arith.index_cast %scan3A_33 : i32 to index
          %swap3A_44 = arith.constant 0 : index
          %swap3A_45 = tpu.vector_load %arg14[%swap3A, %swap3A_44] {strides = array<i32>} : memref<128x128xf32, #tpu.memory_space<vmem>>, vector<1x16xf32>,
          %swap3A_46 = vector.shape_cast %swap3A_45 : vector<1x16xf32> to vector<16xf32>
          %swap3A_47 = vector.shape_cast %div3A : vector<16xf32> to vector<1x16xf32>
          tpu.vector_store %arg14[%swap3A, %swap3A_44], %swap3A_47 {strides = array<i32>} : memref<128x128xf32, #tpu.memory_space<vmem>>, vector<1x16xf32>,
          %get3A_48 = arith.index_cast %scan3A_33 : i32 to index
          %get3A_49 = arith.constant 16 : index
          %get3A_50 = tpu.vector_load %arg12[%get3A_48, %get3A_49] {strides = array<i32>} : memref<128x128xf32, #tpu.memory_space<vmem>>, vector<1x16xf32>,
          %get3A_51 = vector.shape_cast %get3A_50 : vector<1x16xf32> to vector<16xf32>
          %get3A_52 = arith.index_cast %scan3A_33 : i32 to index
          %get3A_53 = arith.constant 80 : index
          %get3A_54 = tpu.vector_load %arg12[%get3A_52, %get3A_53] {strides = array<i32>} : memref<128x128xf32, #tpu.memory_space<vmem>>, vector<1x16xf32>,
          %get3A_55 = vector.shape_cast %get3A_54 : vector<1x16xf32> to vector<16xf32>
          %add3A_56 = arith.constant 1.000000e-16 : f32
          %add3A_57 = vector.broadcast %add3A_56 : f32 to vector<16xf32>
          %add3A_58 = arith.addf %get3A_55, %add3A_57 : vector<16xf32>
          %div3A_59 = arith.divf %get3A_51, %add3A_58 : vector<16xf32>
          %swap3A_60 = arith.index_cast %scan3A_33 : i32 to index
          %swap3A_61 = arith.constant 16 : index
          %swap3A_62 = tpu.vector_load %arg14[%swap3A_60, %swap3A_61] {strides = array<i32>} : memref<128x128xf32, #tpu.memory_space<vmem>>, vector<1x16xf32>,
          %swap3A_63 = vector.shape_cast %swap3A_62 : vector<1x16xf32> to vector<16xf32>
          %swap3A_64 = vector.shape_cast %div3A_59 : vector<16xf32> to vector<1x16xf32>
          tpu.vector_store %arg14[%swap3A_60, %swap3A_61], %swap3A_64 {strides = array<i32>} : memref<128x128xf32, #tpu.memory_space<vmem>>, vector<1x16xf32>,
          %get3A_65 = arith.index_cast %scan3A_33 : i32 to index
          %get3A_66 = arith.constant 32 : index
          %get3A_67 = tpu.vector_load %arg12[%get3A_65, %get3A_66] {strides = array<i32>} : memref<128x128xf32, #tpu.memory_space<vmem>>, vector<1x16xf32>,
          %get3A_68 = vector.shape_cast %get3A_67 : vector<1x16xf32> to vector<16xf32>
          %get3A_69 = arith.index_cast %scan3A_33 : i32 to index
          %get3A_70 = arith.constant 96 : index
          %get3A_71 = tpu.vector_load %arg12[%get3A_69, %get3A_70] {strides = array<i32>} : memref<128x128xf32, #tpu.memory_space<vmem>>, vector<1x16xf32>,
          %get3A_72 = vector.shape_cast %get3A_71 : vector<1x16xf32> to vector<16xf32>
          %add3A_73 = arith.constant 1.000000e-16 : f32
          %add3A_74 = vector.broadcast %add3A_73 : f32 to vector<16xf32>
          %add3A_75 = arith.addf %get3A_72, %add3A_74 : vector<16xf32>
          %div3A_76 = arith.divf %get3A_68, %add3A_75 : vector<16xf32>
          %swap3A_77 = arith.index_cast %scan3A_33 : i32 to index
          %swap3A_78 = arith.constant 32 : index
          %swap3A_79 = tpu.vector_load %arg14[%swap3A_77, %swap3A_78] {strides = array<i32>} : memref<128x128xf32, #tpu.memory_space<vmem>>, vector<1x16xf32>,
          %swap3A_80 = vector.shape_cast %swap3A_79 : vector<1x16xf32> to vector<16xf32>
          %swap3A_81 = vector.shape_cast %div3A_76 : vector<16xf32> to vector<1x16xf32>
          tpu.vector_store %arg14[%swap3A_77, %swap3A_78], %swap3A_81 {strides = array<i32>} : memref<128x128xf32, #tpu.memory_space<vmem>>, vector<1x16xf32>,
          %get3A_82 = arith.index_cast %scan3A_33 : i32 to index
          %get3A_83 = arith.constant 48 : index
          %get3A_84 = tpu.vector_load %arg12[%get3A_82, %get3A_83] {strides = array<i32>} : memref<128x128xf32, #tpu.memory_space<vmem>>, vector<1x16xf32>,
          %get3A_85 = vector.shape_cast %get3A_84 : vector<1x16xf32> to vector<16xf32>
          %get3A_86 = arith.index_cast %scan3A_33 : i32 to index
          %get3A_87 = arith.constant 112 : index
          %get3A_88 = tpu.vector_load %arg12[%get3A_86, %get3A_87] {strides = array<i32>} : memref<128x128xf32, #tpu.memory_space<vmem>>, vector<1x16xf32>,
          %get3A_89 = vector.shape_cast %get3A_88 : vector<1x16xf32> to vector<16xf32>
          %add3A_90 = arith.constant 1.000000e-16 : f32
          %add3A_91 = vector.broadcast %add3A_90 : f32 to vector<16xf32>
          %add3A_92 = arith.addf %get3A_89, %add3A_91 : vector<16xf32>
          %div3A_93 = arith.divf %get3A_85, %add3A_92 : vector<16xf32>
          %swap3A_94 = arith.index_cast %scan3A_33 : i32 to index
          %swap3A_95 = arith.constant 48 : index
          %swap3A_96 = tpu.vector_load %arg14[%swap3A_94, %swap3A_95] {strides = array<i32>} : memref<128x128xf32, #tpu.memory_space<vmem>>, vector<1x16xf32>,
          %swap3A_97 = vector.shape_cast %swap3A_96 : vector<1x16xf32> to vector<16xf32>
          %swap3A_98 = vector.shape_cast %div3A_93 : vector<16xf32> to vector<1x16xf32>
          tpu.vector_store %arg14[%swap3A_94, %swap3A_95], %swap3A_98 {strides = array<i32>} : memref<128x128xf32, #tpu.memory_space<vmem>>, vector<1x16xf32>,
          %scan3A_99 = arith.constant 1 : i32
          %scan3A_100 = arith.addi %scan3A_33, %scan3A_99 : i32
          %get3A_101 = arith.index_cast %scan3A_100 : i32 to index
          %get3A_102 = arith.constant 0 : index
          %get3A_103 = tpu.vector_load %arg12[%get3A_101, %get3A_102] {strides = array<i32>} : memref<128x128xf32, #tpu.memory_space<vmem>>, vector<1x16xf32>,
          %get3A_104 = vector.shape_cast %get3A_103 : vector<1x16xf32> to vector<16xf32>
          %get3A_105 = arith.index_cast %scan3A_100 : i32 to index
          %get3A_106 = arith.constant 64 : index
          %get3A_107 = tpu.vector_load %arg12[%get3A_105, %get3A_106] {strides = array<i32>} : memref<128x128xf32, #tpu.memory_space<vmem>>, vector<1x16xf32>,
          %get3A_108 = vector.shape_cast %get3A_107 : vector<1x16xf32> to vector<16xf32>
          %add3A_109 = arith.constant 1.000000e-16 : f32
          %add3A_110 = vector.broadcast %add3A_109 : f32 to vector<16xf32>
          %add3A_111 = arith.addf %get3A_108, %add3A_110 : vector<16xf32>
          %div3A_112 = arith.divf %get3A_104, %add3A_111 : vector<16xf32>
          %swap3A_113 = arith.index_cast %scan3A_100 : i32 to index
          %swap3A_114 = arith.constant 0 : index
          %swap3A_115 = tpu.vector_load %arg14[%swap3A_113, %swap3A_114] {strides = array<i32>} : memref<128x128xf32, #tpu.memory_space<vmem>>, vector<1x16xf32>,
          %swap3A_116 = vector.shape_cast %swap3A_115 : vector<1x16xf32> to vector<16xf32>
          %swap3A_117 = vector.shape_cast %div3A_112 : vector<16xf32> to vector<1x16xf32>
          tpu.vector_store %arg14[%swap3A_113, %swap3A_114], %swap3A_117 {strides = array<i32>} : memref<128x128xf32, #tpu.memory_space<vmem>>, vector<1x16xf32>,
          %get3A_118 = arith.index_cast %scan3A_100 : i32 to index
          %get3A_119 = arith.constant 16 : index
          %get3A_120 = tpu.vector_load %arg12[%get3A_118, %get3A_119] {strides = array<i32>} : memref<128x128xf32, #tpu.memory_space<vmem>>, vector<1x16xf32>,
          %get3A_121 = vector.shape_cast %get3A_120 : vector<1x16xf32> to vector<16xf32>
          %get3A_122 = arith.index_cast %scan3A_100 : i32 to index
          %get3A_123 = arith.constant 80 : index
          %get3A_124 = tpu.vector_load %arg12[%get3A_122, %get3A_123] {strides = array<i32>} : memref<128x128xf32, #tpu.memory_space<vmem>>, vector<1x16xf32>,
          %get3A_125 = vector.shape_cast %get3A_124 : vector<1x16xf32> to vector<16xf32>
          %add3A_126 = arith.constant 1.000000e-16 : f32
          %add3A_127 = vector.broadcast %add3A_126 : f32 to vector<16xf32>
          %add3A_128 = arith.addf %get3A_125, %add3A_127 : vector<16xf32>
          %div3A_129 = arith.divf %get3A_121, %add3A_128 : vector<16xf32>
          %swap3A_130 = arith.index_cast %scan3A_100 : i32 to index
          %swap3A_131 = arith.constant 16 : index
          %swap3A_132 = tpu.vector_load %arg14[%swap3A_130, %swap3A_131] {strides = array<i32>} : memref<128x128xf32, #tpu.memory_space<vmem>>, vector<1x16xf32>,
          %swap3A_133 = vector.shape_cast %swap3A_132 : vector<1x16xf32> to vector<16xf32>
          %swap3A_134 = vector.shape_cast %div3A_129 : vector<16xf32> to vector<1x16xf32>
          tpu.vector_store %arg14[%swap3A_130, %swap3A_131], %swap3A_134 {strides = array<i32>} : memref<128x128xf32, #tpu.memory_space<vmem>>, vector<1x16xf32>,
          %get3A_135 = arith.index_cast %scan3A_100 : i32 to index
          %get3A_136 = arith.constant 32 : index
          %get3A_137 = tpu.vector_load %arg12[%get3A_135, %get3A_136] {strides = array<i32>} : memref<128x128xf32, #tpu.memory_space<vmem>>, vector<1x16xf32>,
          %get3A_138 = vector.shape_cast %get3A_137 : vector<1x16xf32> to vector<16xf32>
          %get3A_139 = arith.index_cast %scan3A_100 : i32 to index
          %get3A_140 = arith.constant 96 : index
          %get3A_141 = tpu.vector_load %arg12[%get3A_139, %get3A_140] {strides = array<i32>} : memref<128x128xf32, #tpu.memory_space<vmem>>, vector<1x16xf32>,
          %get3A_142 = vector.shape_cast %get3A_141 : vector<1x16xf32> to vector<16xf32>
          %add3A_143 = arith.constant 1.000000e-16 : f32
          %add3A_144 = vector.broadcast %add3A_143 : f32 to vector<16xf32>
          %add3A_145 = arith.addf %get3A_142, %add3A_144 : vector<16xf32>
          %div3A_146 = arith.divf %get3A_138, %add3A_145 : vector<16xf32>
          %swap3A_147 = arith.index_cast %scan3A_100 : i32 to index
          %swap3A_148 = arith.constant 32 : index
          %swap3A_149 = tpu.vector_load %arg14[%swap3A_147, %swap3A_148] {strides = array<i32>} : memref<128x128xf32, #tpu.memory_space<vmem>>, vector<1x16xf32>,
          %swap3A_150 = vector.shape_cast %swap3A_149 : vector<1x16xf32> to vector<16xf32>
          %swap3A_151 = vector.shape_cast %div3A_146 : vector<16xf32> to vector<1x16xf32>
          tpu.vector_store %arg14[%swap3A_147, %swap3A_148], %swap3A_151 {strides = array<i32>} : memref<128x128xf32, #tpu.memory_space<vmem>>, vector<1x16xf32>,
          %get3A_152 = arith.index_cast %scan3A_100 : i32 to index
          %get3A_153 = arith.constant 48 : index
          %get3A_154 = tpu.vector_load %arg12[%get3A_152, %get3A_153] {strides = array<i32>} : memref<128x128xf32, #tpu.memory_space<vmem>>, vector<1x16xf32>,
          %get3A_155 = vector.shape_cast %get3A_154 : vector<1x16xf32> to vector<16xf32>
          %get3A_156 = arith.index_cast %scan3A_100 : i32 to index
          %get3A_157 = arith.constant 112 : index
          %get3A_158 = tpu.vector_load %arg12[%get3A_156, %get3A_157] {strides = array<i32>} : memref<128x128xf32, #tpu.memory_space<vmem>>, vector<1x16xf32>,
          %get3A_159 = vector.shape_cast %get3A_158 : vector<1x16xf32> to vector<16xf32>
          %add3A_160 = arith.constant 1.000000e-16 : f32
          %add3A_161 = vector.broadcast %add3A_160 : f32 to vector<16xf32>
          %add3A_162 = arith.addf %get3A_159, %add3A_161 : vector<16xf32>
          %div3A_163 = arith.divf %get3A_155, %add3A_162 : vector<16xf32>
          %swap3A_164 = arith.index_cast %scan3A_100 : i32 to index
          %swap3A_165 = arith.constant 48 : index
          %swap3A_166 = tpu.vector_load %arg14[%swap3A_164, %swap3A_165] {strides = array<i32>} : memref<128x128xf32, #tpu.memory_space<vmem>>, vector<1x16xf32>,
          %swap3A_167 = vector.shape_cast %swap3A_166 : vector<1x16xf32> to vector<16xf32>
          %swap3A_168 = vector.shape_cast %div3A_163 : vector<16xf32> to vector<1x16xf32>
          tpu.vector_store %arg14[%swap3A_164, %swap3A_165], %swap3A_168 {strides = array<i32>} : memref<128x128xf32, #tpu.memory_space<vmem>>, vector<1x16xf32>,
        }
        %scan3A_32 = arith.constant 80 : i32
        "tpu.region"() ({
          %run_scoped3A = tpu.sem_alloc : memref<!tpu.dma_semaphore, #tpu.memory_space<semaphore_mem>>
          %dma_start3A = arith.constant 0 : i32
          %dma_start3A_33 = arith.constant 0 : i32
          %dma_start3A_34 = tpu.memref_slice %arg14[%dma_start3A, %dma_start3A_33] : memref<128x128xf32, #tpu.memory_space<vmem>> -> memref<80x64xf32, #tpu.memory_space<vmem>>
          %dma_start3A_35 = arith.constant 0 : i32
          %dma_start3A_36 = tpu.memref_slice %arg7[%arg0, %add3A, %dma_start3A_35] : memref<2x10000x64xf32, #tpu.memory_space<hbm>> -> memref<1x80x64xf32, #tpu.memory_space<hbm>>
          %dma_start3A_37 = tpu.memref_squeeze %dma_start3A_36 : memref<1x80x64xf32, #tpu.memory_space<hbm>> -> memref<80x64xf32, #tpu.memory_space<hbm>>
          %dma_start3A_38 = arith.constant 0 : i32
          %dma_start3A_39 = tpu.memref_slice %arg7[%arg0, %add3A, %dma_start3A_38] : memref<2x10000x64xf32, #tpu.memory_space<hbm>> -> memref<1x80x64xf32, #tpu.memory_space<hbm>>
          %dma_start3A_40 = tpu.memref_squeeze %dma_start3A_39 : memref<1x80x64xf32, #tpu.memory_space<hbm>> -> memref<80x64xf32, #tpu.memory_space<hbm>>
          %dma_start3A_41 = arith.constant 0 : i32
          %dma_start3A_42 = arith.constant 0 : i32
          %dma_start3A_43 = tpu.memref_slice %arg14[%dma_start3A_41, %dma_start3A_42] : memref<128x128xf32, #tpu.memory_space<vmem>> -> memref<80x64xf32, #tpu.memory_space<vmem>>
          tpu.enqueue_dma source(%dma_start3A_43 : memref<80x64xf32, #tpu.memory_space<vmem>>) target(%dma_start3A_40 : memref<80x64xf32, #tpu.memory_space<hbm>>) target_semaphore(%run_scoped3A : memref<!tpu.dma_semaphore, #tpu.memory_space<semaphore_mem>>)
          %dma_wait3A = arith.constant 0 : i32
          %dma_wait3A_44 = arith.constant 0 : i32
          %dma_wait3A_45 = tpu.memref_slice %arg14[%dma_wait3A, %dma_wait3A_44] : memref<128x128xf32, #tpu.memory_space<vmem>> -> memref<80x64xf32, #tpu.memory_space<vmem>>
          %dma_wait3A_46 = arith.constant 0 : i32
          %dma_wait3A_47 = tpu.memref_slice %arg7[%arg0, %add3A, %dma_wait3A_46] : memref<2x10000x64xf32, #tpu.memory_space<hbm>> -> memref<1x80x64xf32, #tpu.memory_space<hbm>>
          %dma_wait3A_48 = tpu.memref_squeeze %dma_wait3A_47 : memref<1x80x64xf32, #tpu.memory_space<hbm>> -> memref<80x64xf32, #tpu.memory_space<hbm>>
          %dma_wait3A_49 = arith.constant 0 : i32
          %dma_wait3A_50 = tpu.memref_slice %arg7[%arg0, %add3A, %dma_wait3A_49] : memref<2x10000x64xf32, #tpu.memory_space<hbm>> -> memref<1x80x64xf32, #tpu.memory_space<hbm>>
          %dma_wait3A_51 = tpu.memref_squeeze %dma_wait3A_50 : memref<1x80x64xf32, #tpu.memory_space<hbm>> -> memref<80x64xf32, #tpu.memory_space<hbm>>
          %dma_wait3A_52 = arith.constant 0 : i32
          %dma_wait3A_53 = arith.constant 0 : i32
          %dma_wait3A_54 = tpu.memref_slice %arg14[%dma_wait3A_52, %dma_wait3A_53] : memref<128x128xf32, #tpu.memory_space<vmem>> -> memref<80x64xf32, #tpu.memory_space<vmem>>
          tpu.wait_dma2 semaphore(%run_scoped3A : memref<!tpu.dma_semaphore, #tpu.memory_space<semaphore_mem>>) src(%dma_wait3A_54 : memref<80x64xf32, #tpu.memory_space<vmem>>) dst(%dma_wait3A_51 : memref<80x64xf32, #tpu.memory_space<hbm>>)
          tpu.yield
        }) : () -> ()
      } else {
      }
    }
    %scan3A_16 = arith.constant 8 : i32
    return
  }
}

module attributes {stable_mosaic.version = 14 : i64} {
  func.func @_prep_body(%arg0: i32, %arg1: i32, %arg2: memref<400x64xf32, #tpu.memory_space<vmem>>, %arg3: memref<400x64xf32, #tpu.memory_space<vmem>>, %arg4: memref<128x128xf32, #tpu.memory_space<vmem>>, %arg5: memref<1x128xf32, #tpu.memory_space<vmem>>, %arg6: memref<1x128xf32, #tpu.memory_space<vmem>>, %arg7: memref<1x128xf32, #tpu.memory_space<vmem>>, %arg8: memref<400x128xf32, #tpu.memory_space<vmem>>, %arg9: memref<400x64xf32, #tpu.memory_space<vmem>>) attributes {dimension_semantics = [#tpu.dimension_semantics<arbitrary>, #tpu.dimension_semantics<arbitrary>], iteration_bounds = array<i64: 2, 25>, scalar_prefetch = 0 : i64, scratch_operands = 0 : i64, tpu.core_type = #tpu.core_type<tc>, window_params = [{transform_indices = @transform_0, window_bounds = array<i64: 400, 64>}, {transform_indices = @transform_1, window_bounds = array<i64: 400, 64>}, {pipeline_mode = #tpu.pipeline_mode<synchronous>, transform_indices = @transform_2, window_bounds = array<i64: 128, 128>}, {pipeline_mode = #tpu.pipeline_mode<synchronous>, transform_indices = @transform_3, window_bounds = array<i64: 1, 128>}, {pipeline_mode = #tpu.pipeline_mode<synchronous>, transform_indices = @transform_4, window_bounds = array<i64: 1, 128>}, {pipeline_mode = #tpu.pipeline_mode<synchronous>, transform_indices = @transform_5, window_bounds = array<i64: 1, 128>}, {transform_indices = @transform_6, window_bounds = array<i64: 400, 128>}, {transform_indices = @transform_7, window_bounds = array<i64: 400, 64>}]} {
    %get3A = arith.constant 0 : index
    %get3A_0 = arith.constant 0 : index
    %get3A_1 = vector.load %arg2[%get3A, %get3A_0] : memref<400x64xf32, #tpu.memory_space<vmem>>, vector<400x64xf32>
    %get3A_2 = arith.constant 0 : index
    %get3A_3 = arith.constant 0 : index
    %get3A_4 = vector.load %arg3[%get3A_2, %get3A_3] : memref<400x64xf32, #tpu.memory_space<vmem>>, vector<400x64xf32>
    %concatenate3A = tpu.concatenate %get3A_1, %get3A_4 in 1 : vector<400x64xf32>, vector<400x64xf32> -> vector<400x128xf32>
    %get3A_5 = arith.constant 0 : index
    %get3A_6 = arith.constant 0 : index
    %get3A_7 = vector.load %arg4[%get3A_5, %get3A_6] : memref<128x128xf32, #tpu.memory_space<vmem>>, vector<128x128xf32>
    %dot_general3A = arith.constant dense<0.000000e+00> : vector<400x128xf32>
    %dot_general3A_8 = tpu.matmul %concatenate3A, %get3A_7, %dot_general3A {dimension_numbers = #tpu.dot_dimension_numbers<[1], [0], [0], [1], [0, 0, 1, 1], [], []>, transpose_lhs_hint = false} : vector<400x128xf32>, vector<128x128xf32>, vector<400x128xf32> -> vector<400x128xf32>
    %get3A_9 = arith.constant 0 : index
    %get3A_10 = arith.constant 0 : index
    %get3A_11 = vector.load %arg5[%get3A_9, %get3A_10] : memref<1x128xf32, #tpu.memory_space<vmem>>, vector<1x128xf32>
    %add3A = vector.broadcast %get3A_11 : vector<1x128xf32> to vector<400x128xf32>
    %add3A_12 = arith.addf %dot_general3A_8, %add3A : vector<400x128xf32>
    %get3A_13 = arith.constant 0 : index
    %get3A_14 = arith.constant 0 : index
    %get3A_15 = vector.load %arg6[%get3A_13, %get3A_14] : memref<1x128xf32, #tpu.memory_space<vmem>>, vector<1x128xf32>
    %mul3A = vector.broadcast %get3A_15 : vector<1x128xf32> to vector<400x128xf32>
    %mul3A_16 = arith.mulf %mul3A, %add3A_12 : vector<400x128xf32>
    %get3A_17 = arith.constant 0 : index
    %get3A_18 = arith.constant 0 : index
    %get3A_19 = vector.load %arg7[%get3A_17, %get3A_18] : memref<1x128xf32, #tpu.memory_space<vmem>>, vector<1x128xf32>
    %mul3A_20 = vector.broadcast %get3A_19 : vector<1x128xf32> to vector<400x128xf32>
    %mul3A_21 = arith.mulf %mul3A_20, %add3A_12 : vector<400x128xf32>
    %eq3A = arith.constant 0 : i32
    %eq3A_22 = arith.cmpi eq, %arg0, %eq3A : i32
    %slice3A = vector.extract_strided_slice %mul3A_16 {offsets = [0, 0], sizes = [400, 64], strides = [1, 1]} : vector<400x128xf32> to vector<400x64xf32>
    %slice3A_23 = vector.extract_strided_slice %mul3A_16 {offsets = [0, 64], sizes = [400, 64], strides = [1, 1]} : vector<400x128xf32> to vector<400x64xf32>
    %select_n3A = arith.select %eq3A_22, %slice3A, %slice3A_23 : vector<400x64xf32>
    %eq3A_24 = arith.constant 0 : i32
    %eq3A_25 = arith.cmpi eq, %arg0, %eq3A_24 : i32
    %slice3A_26 = vector.extract_strided_slice %add3A_12 {offsets = [0, 0], sizes = [400, 64], strides = [1, 1]} : vector<400x128xf32> to vector<400x64xf32>
    %slice3A_27 = vector.extract_strided_slice %add3A_12 {offsets = [0, 64], sizes = [400, 64], strides = [1, 1]} : vector<400x128xf32> to vector<400x64xf32>
    %select_n3A_28 = arith.select %eq3A_25, %slice3A_26, %slice3A_27 : vector<400x64xf32>
    %eq3A_29 = arith.constant 0 : i32
    %eq3A_30 = arith.cmpi eq, %arg0, %eq3A_29 : i32
    %slice3A_31 = vector.extract_strided_slice %mul3A_21 {offsets = [0, 0], sizes = [400, 64], strides = [1, 1]} : vector<400x128xf32> to vector<400x64xf32>
    %slice3A_32 = vector.extract_strided_slice %mul3A_21 {offsets = [0, 64], sizes = [400, 64], strides = [1, 1]} : vector<400x128xf32> to vector<400x64xf32>
    %select_n3A_33 = arith.select %eq3A_30, %slice3A_31, %slice3A_32 : vector<400x64xf32>
    %concatenate3A_34 = tpu.concatenate %select_n3A, %select_n3A_28 in 1 : vector<400x64xf32>, vector<400x64xf32> -> vector<400x128xf32>
    %swap3A = arith.constant 0 : index
    %swap3A_35 = arith.constant 0 : index
    %swap3A_36 = vector.load %arg8[%swap3A, %swap3A_35] : memref<400x128xf32, #tpu.memory_space<vmem>>, vector<400x128xf32>
    tpu.vector_store %arg8[%swap3A, %swap3A_35], %concatenate3A_34 {strides = array<i32>} : memref<400x128xf32, #tpu.memory_space<vmem>>, vector<400x128xf32>,
    %swap3A_37 = arith.constant 0 : index
    %swap3A_38 = arith.constant 0 : index
    %swap3A_39 = vector.load %arg9[%swap3A_37, %swap3A_38] : memref<400x64xf32, #tpu.memory_space<vmem>>, vector<400x64xf32>
    tpu.vector_store %arg9[%swap3A_37, %swap3A_38], %select_n3A_33 {strides = array<i32>} : memref<400x64xf32, #tpu.memory_space<vmem>>, vector<400x64xf32>,
    return
  }
  func.func @transform_0(%arg0: i32, %arg1: i32) -> (i32, i32) {
    %c0_i32 = arith.constant 0 : i32
    %c0_i32_0 = arith.constant 0 : i32
    return %arg1, %c0_i32 : i32, i32
  }
  func.func @transform_1(%arg0: i32, %arg1: i32) -> (i32, i32) {
    %c0_i32 = arith.constant 0 : i32
    %c0_i32_0 = arith.constant 0 : i32
    return %arg1, %c0_i32 : i32, i32
  }
  func.func @transform_2(%arg0: i32, %arg1: i32) -> (i32, i32) {
    %c0_i32 = arith.constant 0 : i32
    %c0_i32_0 = arith.constant 0 : i32
    %c0_i32_1 = arith.constant 0 : i32
    return %c0_i32, %c0_i32_0 : i32, i32
  }
  func.func @transform_3(%arg0: i32, %arg1: i32) -> (i32, i32) {
    %c0_i32 = arith.constant 0 : i32
    %c0_i32_0 = arith.constant 0 : i32
    %c0_i32_1 = arith.constant 0 : i32
    return %c0_i32, %c0_i32_0 : i32, i32
  }
  func.func @transform_4(%arg0: i32, %arg1: i32) -> (i32, i32) {
    %c0_i32 = arith.constant 0 : i32
    %c0_i32_0 = arith.constant 0 : i32
    %c0_i32_1 = arith.constant 0 : i32
    return %c0_i32, %c0_i32_0 : i32, i32
  }
  func.func @transform_5(%arg0: i32, %arg1: i32) -> (i32, i32) {
    %c0_i32 = arith.constant 0 : i32
    %c0_i32_0 = arith.constant 0 : i32
    %c0_i32_1 = arith.constant 0 : i32
    return %c0_i32, %c0_i32_0 : i32, i32
  }
  func.func @transform_6(%arg0: i32, %arg1: i32) -> (i32, i32) {
    %mul3A = arith.constant 25 : i32
    %mul3A_0 = arith.muli %arg0, %mul3A : i32
    %add3A = arith.addi %mul3A_0, %arg1 : i32
    %c0_i32 = arith.constant 0 : i32
    %c0_i32_1 = arith.constant 0 : i32
    return %add3A, %c0_i32 : i32, i32
  }
  func.func @transform_7(%arg0: i32, %arg1: i32) -> (i32, i32) {
    %mul3A = arith.constant 25 : i32
    %mul3A_0 = arith.muli %arg0, %mul3A : i32
    %add3A = arith.addi %mul3A_0, %arg1 : i32
    %c0_i32 = arith.constant 0 : i32
    %c0_i32_1 = arith.constant 0 : i32
    return %add3A, %c0_i32 : i32, i32
  }
}

module attributes {stable_mosaic.version = 14 : i64} {
  func.func @_prep_body(%arg0: i32, %arg1: i32, %arg2: memref<400x64xf32, #tpu.memory_space<vmem>>, %arg3: memref<400x64xf32, #tpu.memory_space<vmem>>, %arg4: memref<128x128xf32, #tpu.memory_space<vmem>>, %arg5: memref<1x128xf32, #tpu.memory_space<vmem>>, %arg6: memref<1x128xf32, #tpu.memory_space<vmem>>, %arg7: memref<1x128xf32, #tpu.memory_space<vmem>>, %arg8: memref<400x128xf32, #tpu.memory_space<vmem>>, %arg9: memref<400x64xf32, #tpu.memory_space<vmem>>) attributes {dimension_semantics = [#tpu.dimension_semantics<arbitrary>, #tpu.dimension_semantics<arbitrary>], iteration_bounds = array<i64: 2, 25>, scalar_prefetch = 0 : i64, scratch_operands = 0 : i64, tpu.core_type = #tpu.core_type<tc>, window_params = [{transform_indices = @transform_0, window_bounds = array<i64: 400, 64>}, {transform_indices = @transform_1, window_bounds = array<i64: 400, 64>}, {pipeline_mode = #tpu.pipeline_mode<synchronous>, transform_indices = @transform_2, window_bounds = array<i64: 128, 128>}, {pipeline_mode = #tpu.pipeline_mode<synchronous>, transform_indices = @transform_3, window_bounds = array<i64: 1, 128>}, {pipeline_mode = #tpu.pipeline_mode<synchronous>, transform_indices = @transform_4, window_bounds = array<i64: 1, 128>}, {pipeline_mode = #tpu.pipeline_mode<synchronous>, transform_indices = @transform_5, window_bounds = array<i64: 1, 128>}, {transform_indices = @transform_6, window_bounds = array<i64: 400, 128>}, {transform_indices = @transform_7, window_bounds = array<i64: 400, 64>}]} {
    %get3A = arith.constant 0 : index
    %get3A_0 = arith.constant 0 : index
    %get3A_1 = vector.load %arg2[%get3A, %get3A_0] : memref<400x64xf32, #tpu.memory_space<vmem>>, vector<400x64xf32>
    %get3A_2 = arith.constant 0 : index
    %get3A_3 = arith.constant 0 : index
    %get3A_4 = vector.load %arg3[%get3A_2, %get3A_3] : memref<400x64xf32, #tpu.memory_space<vmem>>, vector<400x64xf32>
    %concatenate3A = tpu.concatenate %get3A_1, %get3A_4 in 1 : vector<400x64xf32>, vector<400x64xf32> -> vector<400x128xf32>
    %max3A = arith.constant 0.000000e+00 : f32
    %max3A_5 = vector.broadcast %max3A : f32 to vector<400x128xf32>
    %max3A_6 = arith.maximumf %concatenate3A, %max3A_5 : vector<400x128xf32>
    %get3A_7 = arith.constant 0 : index
    %get3A_8 = arith.constant 0 : index
    %get3A_9 = vector.load %arg4[%get3A_7, %get3A_8] : memref<128x128xf32, #tpu.memory_space<vmem>>, vector<128x128xf32>
    %dot_general3A = arith.constant dense<0.000000e+00> : vector<400x128xf32>
    %dot_general3A_10 = tpu.matmul %max3A_6, %get3A_9, %dot_general3A {dimension_numbers = #tpu.dot_dimension_numbers<[1], [0], [0], [1], [0, 0, 1, 1], [], []>, transpose_lhs_hint = false} : vector<400x128xf32>, vector<128x128xf32>, vector<400x128xf32> -> vector<400x128xf32>
    %get3A_11 = arith.constant 0 : index
    %get3A_12 = arith.constant 0 : index
    %get3A_13 = vector.load %arg5[%get3A_11, %get3A_12] : memref<1x128xf32, #tpu.memory_space<vmem>>, vector<1x128xf32>
    %add3A = vector.broadcast %get3A_13 : vector<1x128xf32> to vector<400x128xf32>
    %add3A_14 = arith.addf %dot_general3A_10, %add3A : vector<400x128xf32>
    %get3A_15 = arith.constant 0 : index
    %get3A_16 = arith.constant 0 : index
    %get3A_17 = vector.load %arg6[%get3A_15, %get3A_16] : memref<1x128xf32, #tpu.memory_space<vmem>>, vector<1x128xf32>
    %mul3A = vector.broadcast %get3A_17 : vector<1x128xf32> to vector<400x128xf32>
    %mul3A_18 = arith.mulf %mul3A, %add3A_14 : vector<400x128xf32>
    %get3A_19 = arith.constant 0 : index
    %get3A_20 = arith.constant 0 : index
    %get3A_21 = vector.load %arg7[%get3A_19, %get3A_20] : memref<1x128xf32, #tpu.memory_space<vmem>>, vector<1x128xf32>
    %mul3A_22 = vector.broadcast %get3A_21 : vector<1x128xf32> to vector<400x128xf32>
    %mul3A_23 = arith.mulf %mul3A_22, %add3A_14 : vector<400x128xf32>
    %eq3A = arith.constant 0 : i32
    %eq3A_24 = arith.cmpi eq, %arg0, %eq3A : i32
    %slice3A = vector.extract_strided_slice %mul3A_18 {offsets = [0, 0], sizes = [400, 64], strides = [1, 1]} : vector<400x128xf32> to vector<400x64xf32>
    %slice3A_25 = vector.extract_strided_slice %mul3A_18 {offsets = [0, 64], sizes = [400, 64], strides = [1, 1]} : vector<400x128xf32> to vector<400x64xf32>
    %select_n3A = arith.select %eq3A_24, %slice3A, %slice3A_25 : vector<400x64xf32>
    %eq3A_26 = arith.constant 0 : i32
    %eq3A_27 = arith.cmpi eq, %arg0, %eq3A_26 : i32
    %slice3A_28 = vector.extract_strided_slice %add3A_14 {offsets = [0, 0], sizes = [400, 64], strides = [1, 1]} : vector<400x128xf32> to vector<400x64xf32>
    %slice3A_29 = vector.extract_strided_slice %add3A_14 {offsets = [0, 64], sizes = [400, 64], strides = [1, 1]} : vector<400x128xf32> to vector<400x64xf32>
    %select_n3A_30 = arith.select %eq3A_27, %slice3A_28, %slice3A_29 : vector<400x64xf32>
    %eq3A_31 = arith.constant 0 : i32
    %eq3A_32 = arith.cmpi eq, %arg0, %eq3A_31 : i32
    %slice3A_33 = vector.extract_strided_slice %mul3A_23 {offsets = [0, 0], sizes = [400, 64], strides = [1, 1]} : vector<400x128xf32> to vector<400x64xf32>
    %slice3A_34 = vector.extract_strided_slice %mul3A_23 {offsets = [0, 64], sizes = [400, 64], strides = [1, 1]} : vector<400x128xf32> to vector<400x64xf32>
    %select_n3A_35 = arith.select %eq3A_32, %slice3A_33, %slice3A_34 : vector<400x64xf32>
    %concatenate3A_36 = tpu.concatenate %select_n3A, %select_n3A_30 in 1 : vector<400x64xf32>, vector<400x64xf32> -> vector<400x128xf32>
    %swap3A = arith.constant 0 : index
    %swap3A_37 = arith.constant 0 : index
    %swap3A_38 = vector.load %arg8[%swap3A, %swap3A_37] : memref<400x128xf32, #tpu.memory_space<vmem>>, vector<400x128xf32>
    tpu.vector_store %arg8[%swap3A, %swap3A_37], %concatenate3A_36 {strides = array<i32>} : memref<400x128xf32, #tpu.memory_space<vmem>>, vector<400x128xf32>,
    %swap3A_39 = arith.constant 0 : index
    %swap3A_40 = arith.constant 0 : index
    %swap3A_41 = vector.load %arg9[%swap3A_39, %swap3A_40] : memref<400x64xf32, #tpu.memory_space<vmem>>, vector<400x64xf32>
    tpu.vector_store %arg9[%swap3A_39, %swap3A_40], %select_n3A_35 {strides = array<i32>} : memref<400x64xf32, #tpu.memory_space<vmem>>, vector<400x64xf32>,
    return
  }
  func.func @transform_0(%arg0: i32, %arg1: i32) -> (i32, i32) {
    %c0_i32 = arith.constant 0 : i32
    %c0_i32_0 = arith.constant 0 : i32
    return %arg1, %c0_i32 : i32, i32
  }
  func.func @transform_1(%arg0: i32, %arg1: i32) -> (i32, i32) {
    %c0_i32 = arith.constant 0 : i32
    %c0_i32_0 = arith.constant 0 : i32
    return %arg1, %c0_i32 : i32, i32
  }
  func.func @transform_2(%arg0: i32, %arg1: i32) -> (i32, i32) {
    %c0_i32 = arith.constant 0 : i32
    %c0_i32_0 = arith.constant 0 : i32
    %c0_i32_1 = arith.constant 0 : i32
    return %c0_i32, %c0_i32_0 : i32, i32
  }
  func.func @transform_3(%arg0: i32, %arg1: i32) -> (i32, i32) {
    %c0_i32 = arith.constant 0 : i32
    %c0_i32_0 = arith.constant 0 : i32
    %c0_i32_1 = arith.constant 0 : i32
    return %c0_i32, %c0_i32_0 : i32, i32
  }
  func.func @transform_4(%arg0: i32, %arg1: i32) -> (i32, i32) {
    %c0_i32 = arith.constant 0 : i32
    %c0_i32_0 = arith.constant 0 : i32
    %c0_i32_1 = arith.constant 0 : i32
    return %c0_i32, %c0_i32_0 : i32, i32
  }
  func.func @transform_5(%arg0: i32, %arg1: i32) -> (i32, i32) {
    %c0_i32 = arith.constant 0 : i32
    %c0_i32_0 = arith.constant 0 : i32
    %c0_i32_1 = arith.constant 0 : i32
    return %c0_i32, %c0_i32_0 : i32, i32
  }
  func.func @transform_6(%arg0: i32, %arg1: i32) -> (i32, i32) {
    %mul3A = arith.constant 25 : i32
    %mul3A_0 = arith.muli %arg0, %mul3A : i32
    %add3A = arith.addi %mul3A_0, %arg1 : i32
    %c0_i32 = arith.constant 0 : i32
    %c0_i32_1 = arith.constant 0 : i32
    return %add3A, %c0_i32 : i32, i32
  }
  func.func @transform_7(%arg0: i32, %arg1: i32) -> (i32, i32) {
    %mul3A = arith.constant 25 : i32
    %mul3A_0 = arith.muli %arg0, %mul3A : i32
    %add3A = arith.addi %mul3A_0, %arg1 : i32
    %c0_i32 = arith.constant 0 : i32
    %c0_i32_1 = arith.constant 0 : i32
    return %add3A, %c0_i32 : i32, i32
  }
}

module attributes {stable_mosaic.version = 14 : i64} {
  func.func @_head_body(%arg0: i32, %arg1: memref<400x64xf32, #tpu.memory_space<vmem>>, %arg2: memref<400x64xf32, #tpu.memory_space<vmem>>, %arg3: memref<128x64xf32, #tpu.memory_space<vmem>>, %arg4: memref<1x64xf32, #tpu.memory_space<vmem>>, %arg5: memref<64x128xf32, #tpu.memory_space<vmem>>, %arg6: memref<1x128xf32, #tpu.memory_space<vmem>>, %arg7: memref<400x128xf32, #tpu.memory_space<vmem>>) attributes {dimension_semantics = [#tpu.dimension_semantics<arbitrary>], iteration_bounds = array<i64: 25>, scalar_prefetch = 0 : i64, scratch_operands = 0 : i64, tpu.core_type = #tpu.core_type<tc>, window_params = [{transform_indices = @transform_0, window_bounds = array<i64: 400, 64>}, {transform_indices = @transform_1, window_bounds = array<i64: 400, 64>}, {pipeline_mode = #tpu.pipeline_mode<synchronous>, transform_indices = @transform_2, window_bounds = array<i64: 128, 64>}, {pipeline_mode = #tpu.pipeline_mode<synchronous>, transform_indices = @transform_3, window_bounds = array<i64: 1, 64>}, {pipeline_mode = #tpu.pipeline_mode<synchronous>, transform_indices = @transform_4, window_bounds = array<i64: 64, 128>}, {pipeline_mode = #tpu.pipeline_mode<synchronous>, transform_indices = @transform_5, window_bounds = array<i64: 1, 128>}, {transform_indices = @transform_6, window_bounds = array<i64: 400, 128>}]} {
    %get3A = arith.constant 0 : index
    %get3A_0 = arith.constant 0 : index
    %get3A_1 = vector.load %arg1[%get3A, %get3A_0] : memref<400x64xf32, #tpu.memory_space<vmem>>, vector<400x64xf32>
    %get3A_2 = arith.constant 0 : index
    %get3A_3 = arith.constant 0 : index
    %get3A_4 = vector.load %arg2[%get3A_2, %get3A_3] : memref<400x64xf32, #tpu.memory_space<vmem>>, vector<400x64xf32>
    %concatenate3A = tpu.concatenate %get3A_1, %get3A_4 in 1 : vector<400x64xf32>, vector<400x64xf32> -> vector<400x128xf32>
    %max3A = arith.constant 0.000000e+00 : f32
    %max3A_5 = vector.broadcast %max3A : f32 to vector<400x128xf32>
    %max3A_6 = arith.maximumf %concatenate3A, %max3A_5 : vector<400x128xf32>
    %get3A_7 = arith.constant 0 : index
    %get3A_8 = arith.constant 0 : index
    %get3A_9 = vector.load %arg3[%get3A_7, %get3A_8] : memref<128x64xf32, #tpu.memory_space<vmem>>, vector<128x64xf32>
    %dot_general3A = arith.constant dense<0.000000e+00> : vector<400x64xf32>
    %dot_general3A_10 = tpu.matmul %max3A_6, %get3A_9, %dot_general3A {dimension_numbers = #tpu.dot_dimension_numbers<[1], [0], [0], [1], [0, 0, 1, 1], [], []>, transpose_lhs_hint = false} : vector<400x128xf32>, vector<128x64xf32>, vector<400x64xf32> -> vector<400x64xf32>
    %get3A_11 = arith.constant 0 : index
    %get3A_12 = arith.constant 0 : index
    %get3A_13 = vector.load %arg4[%get3A_11, %get3A_12] : memref<1x64xf32, #tpu.memory_space<vmem>>, vector<1x64xf32>
    %add3A = vector.broadcast %get3A_13 : vector<1x64xf32> to vector<400x64xf32>
    %add3A_14 = arith.addf %dot_general3A_10, %add3A : vector<400x64xf32>
    %get3A_15 = arith.constant 0 : index
    %get3A_16 = arith.constant 0 : index
    %get3A_17 = vector.load %arg5[%get3A_15, %get3A_16] : memref<64x128xf32, #tpu.memory_space<vmem>>, vector<64x128xf32>
    %dot_general3A_18 = arith.constant dense<0.000000e+00> : vector<400x128xf32>
    %dot_general3A_19 = tpu.matmul %add3A_14, %get3A_17, %dot_general3A_18 {dimension_numbers = #tpu.dot_dimension_numbers<[1], [0], [0], [1], [0, 0, 1, 1], [], []>, transpose_lhs_hint = false} : vector<400x64xf32>, vector<64x128xf32>, vector<400x128xf32> -> vector<400x128xf32>
    %get3A_20 = arith.constant 0 : index
    %get3A_21 = arith.constant 0 : index
    %get3A_22 = vector.load %arg6[%get3A_20, %get3A_21] : memref<1x128xf32, #tpu.memory_space<vmem>>, vector<1x128xf32>
    %add3A_23 = vector.broadcast %get3A_22 : vector<1x128xf32> to vector<400x128xf32>
    %add3A_24 = arith.addf %dot_general3A_19, %add3A_23 : vector<400x128xf32>
    %reduce_max3A = arith.constant dense<0xFF800000> : vector<400xf32>
    %reduce_max3A_25 = vector.multi_reduction <maximumf>, %add3A_24, %reduce_max3A [1] : vector<400x128xf32> to vector<400xf32>
    %broadcast_in_dim3A = vector.shape_cast %reduce_max3A_25 : vector<400xf32> to vector<400x1xf32>
    %sub3A = vector.broadcast %broadcast_in_dim3A : vector<400x1xf32> to vector<400x128xf32>
    %sub3A_26 = arith.subf %add3A_24, %sub3A : vector<400x128xf32>
    %exp3A = math.exp %sub3A_26 : vector<400x128xf32>
    %reduce_sum3A = arith.constant dense<0.000000e+00> : vector<400xf32>
    %reduce_sum3A_27 = vector.multi_reduction <add>, %exp3A, %reduce_sum3A [1] : vector<400x128xf32> to vector<400xf32>
    %broadcast_in_dim3A_28 = vector.shape_cast %reduce_sum3A_27 : vector<400xf32> to vector<400x1xf32>
    %log3A = math.log %broadcast_in_dim3A_28 : vector<400x1xf32>
    %sub3A_29 = vector.broadcast %log3A : vector<400x1xf32> to vector<400x128xf32>
    %sub3A_30 = arith.subf %sub3A_26, %sub3A_29 : vector<400x128xf32>
    %swap3A = arith.constant 0 : index
    %swap3A_31 = arith.constant 0 : index
    %swap3A_32 = vector.load %arg7[%swap3A, %swap3A_31] : memref<400x128xf32, #tpu.memory_space<vmem>>, vector<400x128xf32>
    tpu.vector_store %arg7[%swap3A, %swap3A_31], %sub3A_30 {strides = array<i32>} : memref<400x128xf32, #tpu.memory_space<vmem>>, vector<400x128xf32>,
    return
  }
  func.func @transform_0(%arg0: i32) -> (i32, i32) {
    %c0_i32 = arith.constant 0 : i32
    %c0_i32_0 = arith.constant 0 : i32
    return %arg0, %c0_i32 : i32, i32
  }
  func.func @transform_1(%arg0: i32) -> (i32, i32) {
    %c0_i32 = arith.constant 0 : i32
    %c0_i32_0 = arith.constant 0 : i32
    return %arg0, %c0_i32 : i32, i32
  }
  func.func @transform_2(%arg0: i32) -> (i32, i32) {
    %c0_i32 = arith.constant 0 : i32
    %c0_i32_0 = arith.constant 0 : i32
    %c0_i32_1 = arith.constant 0 : i32
    return %c0_i32, %c0_i32_0 : i32, i32
  }
  func.func @transform_3(%arg0: i32) -> (i32, i32) {
    %c0_i32 = arith.constant 0 : i32
    %c0_i32_0 = arith.constant 0 : i32
    %c0_i32_1 = arith.constant 0 : i32
    return %c0_i32, %c0_i32_0 : i32, i32
  }
  func.func @transform_4(%arg0: i32) -> (i32, i32) {
    %c0_i32 = arith.constant 0 : i32
    %c0_i32_0 = arith.constant 0 : i32
    %c0_i32_1 = arith.constant 0 : i32
    return %c0_i32, %c0_i32_0 : i32, i32
  }
  func.func @transform_5(%arg0: i32) -> (i32, i32) {
    %c0_i32 = arith.constant 0 : i32
    %c0_i32_0 = arith.constant 0 : i32
    %c0_i32_1 = arith.constant 0 : i32
    return %c0_i32, %c0_i32_0 : i32, i32
  }
  func.func @transform_6(%arg0: i32) -> (i32, i32) {
    %c0_i32 = arith.constant 0 : i32
    %c0_i32_0 = arith.constant 0 : i32
    return %arg0, %c0_i32 : i32, i32
  }
}

</mosaic_0001>

<sc_bundles>
// kernel: kernel.10.cloned.1.call-start
scs
__scs_entry_jumppad:
0x0: {  	(pc) =	sbr.rel $0x88, $3  }
0x1: {  	(tag) =	ssettag $0x0;
	lr =	simm.s32 $0x1  }
0x2: {  	[smem:$0x3F93] =	sst lr;
	_ =	strace $0xD0000000  }
0x3: {  	_ = 	snop  }
0x4: {  	_ = 	snop  }
0x5: {  	_ = 	snop  }
0x6: {  	_ = 	snop  }
0x7: {  	_ = 	snop  }
__scs_overlays_trampoline_lowered:
0x8: {  	[smem:$0x3FA2] =	sst s0  }
0x9: {  	[smem:$0x3FA3] =	sst s1  }
0xa: {  	[smem:$0x3FA4] =	sst s2  }
0xb: {  	[smem:$0x3FA5] =	sst s3  }
0xc: {  	[smem:$0x3FA6] =	sst s4  }
0xd: {  	[smem:$0x3FA7] =	sst s5  }
0xe: {  	[smem:$0x3FA8] =	sst s6  }
0xf: {  	[smem:$0x3FA9] =	sst s7  }
0x10: {  	[smem:$0x3FAA] =	sst s8  }
0x11: {  	[smem:$0x3FAB] =	sst s9;
	s0 =	simm.s32 @!p0 $0x0  }
0x12: {  	s1 =	sld [smem:$0x3F91];
	s0 =	simm.s32 @p0 $0x1  }
0x13: {  	[smem:$0x3FAC] =	sst s0;
	s0 =	simm.s32 @!p1 $0x0  }
0x14: {  	s2 =	sld [smem:$0x3F90];
	s0 =	simm.s32 @p1 $0x1  }
0x15: {  	[smem:$0x3FAD] =	sst s0;
	s0 =	simm.s32 @!p2 $0x0  }
0x16: {  	s3 =	sld [smem:$0x3FDB];
	s0 =	simm.s32 @p2 $0x1  }
0x17: {  	s4 =	simm.s32 $0x1BF5;
	[smem:$0x3FAF] =	sst s0  }
0x18: {  	s0 =	sld [smem:$0x3F92];
	_ =	swait.ge [sflag:s4], $0x0  }
0x19: {  	s7 =	sld [smem:$0x3F93]  }
0x1a: {  	s8 =	sadd.s32 $0xFFFFE003, lr  }
0x1b: {  	s9 =	sadd.s32 $0xFFFFFEF7, lr;
	s5 =	simm.s32 $0xFFFFFFFF;
	p2 =	slt.u32 s8, $0xFFFFF086  }
0x1c: {  	p1 =	slt.u32 s9, $0xF7A;
	s5 =	simm.s32 @!p2 $0x0  }
0x1d: {  	s5 =	simm.s32 @p1 $0x1;
	p0 =	seq.s32 s7, s2  }
0x1e: {  	s7 =	smul.u32 @!p0 $0xF7A, s2;
	p2 =	seq.s32 @!p0 s5, $0x0  }
0x1f: {  	s9 =	smul.u32 $0xF7A, s1;
	s8 =	simm.s32 @!p0 $0x1BF5;
	p2 =	por !p2, p0  }
0x20: {  	[sflag:s8] =	ssyncset.s32 @!p0 $0xFFFFF086;
	s6 =	sadd.s32 @!p0 s3, s7;
	s7 =	simm.s32 @!p0 $0x108  }
0x21: {  	s3 =	sadd.s32 s3, s9;
	s6 =	sadd.s32 @!p0 $0x88, s6;
	s7 =	simm.s32 @p2 $0x1082  }
0x22: {  	[simem:s7], [sflag:s8] =	dma.local @!p0 [hbm:s6], $0xF7A  }
0x23: {  	s9 =	sor.u32 $0xD0000000, s2;
	s6 =	simm.s32 $0x108;
	_ =	swait.ge @!p0 [sflag:s8], $0x0  }
0x24: {  	s3 =	sadd.s32 $0x88, s3;
	s6 =	simm.s32 @!p1 $0x1082;
	[sflag:s4] =	ssyncset.s32 $0xFFFFF086  }
0x25: {  	[simem:s6], [sflag:s4] =	dma.local [hbm:s3], $0xF7A  }
0x26: {  	[smem:$0x3F93] =	sst s1;
	(tag) =	ssettag s2;
	_ =	strace s9  }
0x27: {  	s1 =	sld [smem:$0x3FA3]  }
0x28: {  	s2 =	sld [smem:$0x3FA4]  }
0x29: {  	s4 =	sld [smem:$0x3FA6]  }
0x2a: {  	p0 =	seq.s32 s5, $0x0;
	s5 =	sld [smem:$0x3FA7]  }
0x2b: {  	s6 =	sld [smem:$0x3FA8]  }
0x2c: {  	s7 =	sld [smem:$0x3FA9]  }
0x2d: {  	s3 =	simm.s32 $0x108;
	s8 =	sld [smem:$0x3FAA]  }
0x2e: {  	s3 =	simm.s32 @!p0 $0x1082;
	s9 =	sld [smem:$0x3FAB]  }
0x2f: {  	lr =	sadd.s32 s0, s3;
	s0 =	sld [smem:$0x3FA2]  }
0x30: {  	s3 =	sld [smem:$0x3FA5]  }
0x31: {  	[smem:$0x3FAE] =	sst s10  }
0x32: {  	s10 =	sld [smem:$0x3FAC];
	_ =	sdelay $0x3  }
0x33: {  	p0 =	seq.s32 s10, $0x1;
	s10 =	sld [smem:$0x3FAE];
	_ =	sdelay $0x3  }
0x34: {  	[smem:$0x3FAE] =	sst s10  }
0x35: {  	s10 =	sld [smem:$0x3FAD];
	_ =	sdelay $0x3  }
0x36: {  	p1 =	seq.s32 s10, $0x1;
	s10 =	sld [smem:$0x3FAE];
	_ =	sdelay $0x3  }
0x37: {  	[smem:$0x3FAE] =	sst s10  }
0x38: {  	s10 =	sld [smem:$0x3FAF]  }
0x39: {  	_ = 	snop;
	(pc) =	sbr.ind lr, $3  }
0x3a: {  	_ = 	snop  }
0x3b: {  	_ = 	snop  }
0x3c: {  	p2 =	seq.s32 s10, $0x1;
	s10 =	sld [smem:$0x3FAE]  }
0x3d: {  	_ =	shalt  }
0x3e: {  	_ =	shalt  }
0x3f: {  	_ =	shalt  }
0x40: {  	_ =	shalt  }
0x41: {  	_ =	shalt  }
0x42: {  	_ =	shalt  }
0x43: {  	_ =	shalt  }
0x44: {  	_ =	shalt  }
0x45: {  	_ =	shalt  }
0x46: {  	_ =	shalt  }
0x47: {  	_ =	shalt  }
0x48: {  	_ =	shalt  }
0x49: {  	_ =	shalt  }
0x4a: {  	_ =	shalt  }
0x4b: {  	_ =	shalt  }
0x4c: {  	_ =	shalt  }
0x4d: {  	_ =	shalt  }
0x4e: {  	_ =	shalt  }
0x4f: {  	_ =	shalt  }
0x50: {  	_ =	shalt  }
0x51: {  	_ =	shalt  }
0x52: {  	_ =	shalt  }
0x53: {  	_ =	shalt  }
0x54: {  	_ =	shalt  }
0x55: {  	_ =	shalt  }
0x56: {  	_ =	shalt  }
0x57: {  	_ =	shalt  }
0x58: {  	_ =	shalt  }
0x59: {  	_ =	shalt  }
0x5a: {  	_ =	shalt  }
0x5b: {  	_ =	shalt  }
0x5c: {  	_ =	shalt  }
0x5d: {  	_ =	shalt  }
0x5e: {  	_ =	shalt  }
0x5f: {  	_ =	shalt  }
0x60: {  	_ =	shalt  }
0x61: {  	_ =	shalt  }
0x62: {  	_ =	shalt  }
0x63: {  	_ =	shalt  }
0x64: {  	_ =	shalt  }
0x65: {  	_ =	shalt  }
0x66: {  	_ =	shalt  }
0x67: {  	_ =	shalt  }
0x68: {  	_ =	shalt  }
0x69: {  	_ =	shalt  }
0x6a: {  	_ =	shalt  }
0x6b: {  	_ =	shalt  }
0x6c: {  	_ =	shalt  }
0x6d: {  	_ =	shalt  }
0x6e: {  	_ =	shalt  }
0x6f: {  	_ =	shalt  }
0x70: {  	_ =	shalt  }
0x71: {  	_ =	shalt  }
0x72: {  	_ =	shalt  }
0x73: {  	_ =	shalt  }
0x74: {  	_ =	shalt  }
0x75: {  	_ =	shalt  }
0x76: {  	_ =	shalt  }
0x77: {  	_ =	shalt  }
0x78: {  	_ =	shalt  }
0x79: {  	_ =	shalt  }
0x7a: {  	_ =	shalt  }
0x7b: {  	_ =	shalt  }
0x7c: {  	_ =	shalt  }
0x7d: {  	_ =	shalt  }
0x7e: {  	_ =	shalt  }
0x7f: {  	_ =	shalt  }
0x80: {  	_ =	shalt  }
0x81: {  	_ =	shalt  }
0x82: {  	_ =	shalt  }
0x83: {  	_ =	shalt  }
0x84: {  	_ =	shalt  }
0x85: {  	_ =	shalt  }
0x86: {  	_ =	shalt  }
0x87: {  	_ =	shalt  }
.Lfunc_end0:
.L_simem_size_0:
called_computation.1_lowered:
.L_overlay_start_0:
0x88: {  	s2 =	sld [smem:$0x3FD9]  }
0x89: {  	s3 =	sld [smem:$0x3FFE];
	_ =	sdelay $0x1  }
0x8a: {  	s1 =	srdreg.scid  }
0x8b: {  	s0 =	sand.u32 $0x1, s1  }
0x8c: {  	s17 =	sshll.u32 s0, $0xA;
	s2 =	sadd.s32 s3, s2  }
0x8d: {  	s2 =	sadd.s32 s2, s17  }
0x8e: {  	[smem:$0x3FBA] =	sst s2  }
0x8f: {  	_ = 	snop  }
0x90: {  	s2 =	sld [smem:$0x3FD0];
	(tm) =	ssettm $0x1  }
0x91: {  	s18 =	sld [smem:$0x3FFB];
	_ =	sdelay $0x3  }
0x92: {  	_ =	strace s18  }
0x93: {  	s3 =	sld [smem:$0x3FFC];
	_ =	sdelay $0x3  }
0x94: {  	_ =	strace s3  }
0x95: {  	s3 =	sld [smem:$0x3FFD];
	_ =	sdelay $0x3  }
0x96: {  	_ =	strace s3  }
0x97: {  	_ =	strace $0x8FFFFFFF  }
0x98: {  	s19 =	sld [smem:$0x3FDB];
	_ =	sdelay $0x1  }
0x99: {  	s4 =	simm.s32 $_scs_section_size  }
0x9a: {  	s5 =	simm.s32 $_size__tile_overlayer_lowered;
	s6 =	simm.s32 $_tile_overlayer_lowered  }
0x9b: {  	s22 =	simm.s32 $0x1BFF;
	s21 =	sshll.u32 s6, $0x1;
	s3 =	sadd.s32 s4, s19  }
0x9c: {  	s7 =	simm.s32 $0x0;
	s20 =	sshll.u32 s5, $0x1;
	s5 =	sadd.s32 s21, s3  }
0x9d: {  	[timem:s7], [sflag:s22] =	dma.local [hbm:s5], s20  }
0x9e: {  	_ =	swait.ge [sflag:s22], s20  }
0x9f: {  	s4 =	ssub.s32 $0x0, s20;
	[sflag:s22] =	ssyncset.done $0x0  }
0xa0: {  	[sflag:s22] =	ssyncadd.s32 s4;
	_ =	sdelay $0x1  }
0xa1: {  	s23 =	simm.s32 $0x1B8B  }
0xa2: {  	_ =	swait.ge [sflag:s23], $0x1  }
0xa3: {  	[sflag:s23] =	ssyncset.done $0x0  }
0xa4: {  	s25 =	simm.s32 $0x1B8E;
	s24 =	sld [smem:$0x3FFE];
	[sflag:s23] =	ssyncadd.s32 $0xFFFFFFFF  }
0xa5: {  	s26 =	simm.s32 $execute0_lowered;
	[smem:$0x3FD2] =	sst s25  }
0xa6: {  	s5 =	sshll.u32 s26, $0x1;
	_ =	strace $0x80000049;
	[dreg:$0x1] =	wrdreg $0xFFFFFFFF  }
0xa7: {  	s28 =	simm.s32 $_size_execute0_lowered;
	s3 =	sadd.s32 s3, s5;
	[dreg:$0x0] =	wrdreg $0x0  }
0xa8: {  	s5 =	sshll.u32 s28, $0x1;
	[dreg:$0x2] =	wrdreg s3  }
0xa9: {  	[dreg:$0x3] =	wrdreg s5  }
0xaa: {  	[dreg:$0x4] =	wrdreg $0xC0  }
0xab: {  	_ =	task [dreg:s7], $0x5FFFF  }
0xac: {  	[dreg:$0x1] =	wrdreg $0xFFFFFFFF  }
0xad: {  	[dreg:$0x0] =	wrdreg $0x60  }
0xae: {  	[dreg:$0x2] =	wrdreg s24  }
0xaf: {  	[dreg:$0x3] =	wrdreg s2  }
0xb0: {  	[dreg:$0x4] =	wrdreg $0xA2000  }
0xb1: {  	[dreg:$0x5] =	wrdreg $0x9  }
0xb2: {  	_ =	task.clear_ibuf [dreg:s7], $0x6FFFF;
	_ =	strace $0x90000049  }
0xb3: {  	s29 =	simm.s32 $0x9;
	_ =	strace $0x8000004B  }
0xb4: {  	_ =	swait.ge [sflag:s29], $0x1  }
0xb5: {  	[sflag:s29] =	ssyncadd.s32 $0xFFFFFFFF  }
0xb6: {  	_ =	strace $0x9000004B  }
0xb7: {  	_ =	sfence  }
0xb8: {  	s30 =	sld [smem:$0x0];
	_ =	sdelay $0x2  }
0xb9: {  	s31 =	sshll.u32 s1, $0xD;
	s1 =	sshrl.u32 s1, $0x2  }
0xba: {  	s3 =	sand.u32 $0x4000, s31;
	s1 =	sadd.s32 s1, s30  }
0xbb: {  	s0 =	sor.u32 s3, s0;
	s1 =	sshll.u32 s1, $0x11  }
0xbc: {  	s0 =	sor.u32 s1, s0  }
0xbd: {  	s0 =	sadd.s32 $0x8F2B, s0  }
0xbe: {  	[sflag:s0] =	ssyncadd.remote.s32 $0x1  }
0xbf: {  	_ =	sfence.sel $0xFFFF  }
0xc0: {  	[dreg:$0x0] =	wrdreg $0xFFFFFFFF;
	(pc) =	sbr.abs _section_cstart, $3  }
0xc1: {  	[dreg:$0x1] =	wrdreg $0xFFFFFFFF  }
0xc2: {  	_ =	task.clear_ibuf [dreg:s7], $0x2FFFF;
	_ =	strace $0x9FFFFFFF  }
0xc3: {  	(tm) =	ssettm $0x7FFFFFFF  }
tec
execute0_lowered:
.L_overlay_start_1:
0x0: {  	(tag) =	ssettag $0x1  }
0x1: {  	s0 =	rddreg [dreg:$0x0]  }
0x2: {  	s1 =	rddreg [dreg:$0x1]  }
0x3: {  	s2 =	rddreg [dreg:$0x2];
	s3 =	simm.s32 $0x0  }
0x4: {  	s4 =	srdreg.scid;
	s25 =	stileid.u32;
	s18 =	simm.s32 $0x3  }
0x5: {  	s19 =	simm.s32 $0x80;
	s20 =	simm.s32 $0x100;
	s21 =	simm.s32 $0x200  }
0x6: {  	s22 =	simm.s32 $0x180;
	s23 =	simm.s32 $0x4200;
	s24 =	simm.s32 $0x1  }
0x7: {  	s26 =	simm.s32 $0x6200;
	s28 =	simm.s32 $0x4;
	s29 =	simm.s32 $0x0  }
0x8: {  	[smem:$0x7FF] =	sst s3;
	s5 =	sadd.s32 $0x7B600, s0;
	s6 =	sadd.s32 $0x17200, s0  }
0x9: {  	s4 =	sand.u32 $0x1, s4;
	s7 =	sadd.s32 $0x3800, s0;
	s8 =	sadd.s32 $0x2AC00, s0  }
0xa: {  	s12 =	smul.u32 $0x50000, s25;
	s9 =	sadd.s32 $0x2D400, s0;
	s31 =	sshll.u32 s25, $0x6  }
0xb: {  	p0 =	sgt.u32 s25, $0x7;
	_ =	strace $0x8000004A;
	s10 =	ssub.s32 $0x2, s4  }
0xc: {  	s13 =	smul.u32 $0x2710, s4;
	s11 =	sshrl.u32 s10, $0x1;
	s12 =	sshrl.u32 s12, $0x2  }
.Ltmp0:
0xd: {  	s30 =	ssub.s32 s10, s11;
	s11 =	sshll.u32 s25, $0x4;
	(pc) =	sbr.rel .LBB2_1-.Ltmp0, $4  }
0xe: {  	s10 =	smul.u32 $0x280, s25;
	s14 =	sadd.s32 s12, s2;
	s15 =	sor.u32 $0x13800, s11  }
0xf: {  	s12 =	sor.u32 $0x1C03, s31;
	s25 =	simm.s32 $0x2;
	s16 =	sadd.s32 s6, s15  }
0x10: {  	s17 =	sshrl.u32 s14, $0x3;
	s15 =	sadd.s32 s7, s15;
	[dreg:$0x4] =	wrdreg s16  }
0x11: {  	v0 =	vmov s13;
	[dreg:$0x5] =	wrdreg s15;
	s15 =	smul.u32 $0x9C400, s4;
	s16 =	smax.u32 s30, $0x1  }
.LBB2_17:
0x12: {  	s29 =	sadd.s32 $0x1, s29  }
0x13: {  	p1 =	sne.s32 s29, s16  }
.Ltmp1:
0x14: {  	_ = 	snop;
	(pc) =	sbr.rel @!p1 .LBB2_18-.Ltmp1, $1  }
0x15: {  	_ =	sdelay $0x3  }
.LBB2_1:
0x16: {  	[spmem:s17], [sflag:s12] =	dma.local [hbm:s8], $0x2800  }
0x17: {  	_ =	swait.ge [sflag:s18], $0x2800  }
0x18: {  	[sflag:s18] =	ssyncset.done $0x0  }
0x19: {  	[sflag:s18] =	ssyncadd.s32 $0xFFFFD800  }
0x1a: {  	s30 =	simm.s32 $0x0;
	[bflag:$0x0] =	sbarrier.arrive $0xFFFF  }
.LBB2_2:
0x1b: {  	s0 =	sshll.u32 s30, $0x8  }
0x1c: {  	s0 =	sor.u32 s11, s0  }
0x1d: {  	s4 =	sadd.s32 s6, s0  }
0x1e: {  	[tilespmem:s3], [sflag:$0x3] =	stream.linear.gather [hbm4b:s4+s3], $0x80, $0x38;
	[tilespmem:$0x1E200] =	vst v63  }
0x1f: {  	_ =	swait.ge [sflag:s18], $0x80  }
0x20: {  	[sflag:s18] =	ssyncset.done $0x0  }
0x21: {  	s0 =	sadd.s32 s7, s0;
	[sflag:s18] =	ssyncadd.s32 $0xFFFFFF80  }
0x22: {  	[tilespmem:s19], [sflag:$0x3] =	stream.linear.gather [hbm4b:s0+s3], $0x80, $0x38;
	[tilespmem:$0x1E200] =	vst v63  }
0x23: {  	_ =	swait.ge [sflag:s18], $0x80  }
0x24: {  	[sflag:s18] =	ssyncset.done $0x0  }
0x25: {  	[sflag:s18] =	ssyncadd.s32 $0xFFFFFF80  }
0x26: {  	v1 =	vld [tilespmem:$0x0]  }
0x27: {  	v2 =	vld [tilespmem:$0x80]  }
0x28: {  	v3 =	vld [tilespmem:$0x10]  }
0x29: {  	v4 =	vld [tilespmem:$0x90]  }
0x2a: {  	v5 =	vld [tilespmem:$0x20]  }
0x2b: {  	v6 =	vld [tilespmem:$0xA0];
	v1 =	vadd.s32 v0, v1  }
0x2c: {  	[tilespmem:$0x100] =	vst v1;
	v1 =	vadd.s32 v0, v2;
	v2 =	vld [tilespmem:$0x30]  }
0x2d: {  	[tilespmem:$0x180] =	vst v1;
	v1 =	vadd.s32 v0, v3;
	v3 =	vld [tilespmem:$0xB0]  }
0x2e: {  	v58 =	vld [tilespmem:$0x40];
	[tilespmem:$0x110] =	vst v1;
	v1 =	vadd.s32 v0, v4  }
0x2f: {  	v59 =	vld [tilespmem:$0xC0];
	[tilespmem:$0x190] =	vst v1;
	v1 =	vadd.s32 v0, v5  }
0x30: {  	v60 =	vld [tilespmem:$0x50];
	[tilespmem:$0x120] =	vst v1;
	v1 =	vadd.s32 v0, v6  }
0x31: {  	[tilespmem:$0x1A0] =	vst v1;
	v1 =	vadd.s32 v0, v2;
	v2 =	vld [tilespmem:$0xD0]  }
0x32: {  	[tilespmem:$0x130] =	vst v1;
	v1 =	vadd.s32 v0, v3;
	v3 =	vld [tilespmem:$0x60]  }
0x33: {  	v61 =	vld [tilespmem:$0xE0];
	[tilespmem:$0x1B0] =	vst v1;
	v1 =	vadd.s32 v0, v58  }
0x34: {  	v62 =	vld [tilespmem:$0x70];
	[tilespmem:$0x140] =	vst v1;
	v1 =	vadd.s32 v0, v59  }
0x35: {  	v63 =	vld [tilespmem:$0xF0];
	[tilespmem:$0x1C0] =	vst v1;
	v1 =	vadd.s32 v0, v60  }
0x36: {  	[tilespmem:$0x150] =	vst v1;
	v1 =	vadd.s32 v0, v2  }
0x37: {  	[tilespmem:$0x1D0] =	vst v1;
	v1 =	vadd.s32 v0, v3  }
0x38: {  	[tilespmem:$0x160] =	vst v1;
	v1 =	vadd.s32 v0, v61  }
0x39: {  	[tilespmem:$0x1E0] =	vst v1;
	v1 =	vadd.s32 v0, v62  }
0x3a: {  	[tilespmem:$0x170] =	vst v1;
	v1 =	vadd.s32 v0, v63  }
0x3b: {  	[tilespmem:$0x1F0] =	vst v1  }
0x3c: {  	[tilespmem:s21], [sflag:$0x1] =	stream.indirect.gather [hbm4b:s5+s19], $0x80, s20, s19, $0xb8;
	[tilespmem:$0x1E200] =	vst v63  }
0x3d: {  	_ = 	snop  }
0x3e: {  	[tilespmem:s23], [sflag:$0x2] =	stream.indirect.gather [hbm4b:s1+s19], $0x40, s22, s19, $0xb8;
	[tilespmem:$0x1E200] =	vst v63  }
0x3f: {  	_ =	swait.ge [sflag:s24], $0x4000  }
0x40: {  	[sflag:s24] =	ssyncset.done $0x0  }
0x41: {  	[sflag:s24] =	ssyncadd.s32 $0xFFFFC000  }
0x42: {  	_ =	swait.ge [sflag:s25], $0x2000  }
0x43: {  	[sflag:s25] =	ssyncset.done $0x0  }
0x44: {  	s31 =	simm.s32 $0x280;
	[sflag:s25] =	ssyncadd.s32 $0xFFFFE000  }
0x45: {  	s14 =	simm.s32 $0x4240;
	v1 =	vld [tilespmem:s31+$0xFFFFFF80]  }
0x46: {  	v2 =	vld [tilespmem:s14+$0xFFFFFFC0];
	_ =	sdelay $0x4  }
0x47: {  	v1 =	vadd.f32 v2, v1;
	_ =	sdelay $0x1  }
0x48: {  	v2 =	vmul.f32 $2.000000030e-01, v1;
	_ =	sdelay $0x1  }
0x49: {  	v1 =	vmax.f32 v1, v2  }
0x4a: {  	v1 =	vmul.f32 $1.442695020e+00, v1;
	_ =	sdelay $0x1  }
0x4b: {  	(erf) = vpow2.f32 v1;
	_ =	sdelay $0x4  }
0x4c: {  	v1 =	vld [tilespmem:s31+$0xFFFFFFC0];
	_ =	sdelay $0x3  }
0x4d: {  	v2 =	vpop (erf)  }
0x4e: {  	s0 =	simm.s32 $0x6280;
	v1 =	vmul.f32 v2, v1  }
0x4f: {  	[tilespmem:s0+$0xFFFFFFC0] =	vst v2  }
0x50: {  	[tilespmem:s0+$0xFFFFFF80] =	vst v1  }
0x51: {  	v1 =	vld [tilespmem:s31+$0xFFFFFF90]  }
0x52: {  	v2 =	vld [tilespmem:s14+$0xFFFFFFD0];
	_ =	sdelay $0x4  }
0x53: {  	v1 =	vadd.f32 v2, v1;
	_ =	sdelay $0x1  }
0x54: {  	v2 =	vmul.f32 $2.000000030e-01, v1;
	_ =	sdelay $0x1  }
0x55: {  	v1 =	vmax.f32 v1, v2  }
0x56: {  	v1 =	vmul.f32 $1.442695020e+00, v1;
	_ =	sdelay $0x1  }
0x57: {  	(erf) = vpow2.f32 v1;
	_ =	sdelay $0x4  }
0x58: {  	v1 =	vld [tilespmem:s31+$0xFFFFFFD0];
	_ =	sdelay $0x3  }
0x59: {  	v2 =	vpop (erf)  }
0x5a: {  	v1 =	vmul.f32 v2, v1  }
0x5b: {  	[tilespmem:s0+$0xFFFFFFD0] =	vst v2  }
0x5c: {  	[tilespmem:s0+$0xFFFFFF90] =	vst v1  }
0x5d: {  	v1 =	vld [tilespmem:s31+$0xFFFFFFA0]  }
0x5e: {  	v2 =	vld [tilespmem:s14+$0xFFFFFFE0];
	_ =	sdelay $0x4  }
0x5f: {  	v1 =	vadd.f32 v2, v1;
	_ =	sdelay $0x1  }
0x60: {  	v2 =	vmul.f32 $2.000000030e-01, v1;
	_ =	sdelay $0x1  }
0x61: {  	v1 =	vmax.f32 v1, v2  }
0x62: {  	v1 =	vmul.f32 $1.442695020e+00, v1;
	_ =	sdelay $0x1  }
0x63: {  	(erf) = vpow2.f32 v1;
	_ =	sdelay $0x4  }
0x64: {  	v1 =	vld [tilespmem:s31+$0xFFFFFFE0];
	_ =	sdelay $0x3  }
0x65: {  	v2 =	vpop (erf)  }
0x66: {  	v1 =	vmul.f32 v2, v1  }
0x67: {  	[tilespmem:s0+$0xFFFFFFE0] =	vst v2  }
0x68: {  	[tilespmem:s0+$0xFFFFFFA0] =	vst v1  }
0x69: {  	v1 =	vld [tilespmem:s31+$0xFFFFFFB0]  }
0x6a: {  	v2 =	vld [tilespmem:s14+$0xFFFFFFF0];
	_ =	sdelay $0x4  }
0x6b: {  	v1 =	vadd.f32 v2, v1;
	_ =	sdelay $0x1  }
0x6c: {  	v2 =	vmul.f32 $2.000000030e-01, v1;
	_ =	sdelay $0x1  }
0x6d: {  	v1 =	vmax.f32 v1, v2  }
0x6e: {  	v1 =	vmul.f32 $1.442695020e+00, v1;
	_ =	sdelay $0x1  }
0x6f: {  	(erf) = vpow2.f32 v1;
	_ =	sdelay $0x4  }
0x70: {  	v1 =	vld [tilespmem:s31+$0xFFFFFFF0];
	_ =	sdelay $0x3  }
0x71: {  	v2 =	vpop (erf)  }
0x72: {  	v1 =	vmul.f32 v2, v1  }
0x73: {  	[tilespmem:s0+$0xFFFFFFF0] =	vst v2  }
0x74: {  	[tilespmem:s0+$0xFFFFFFB0] =	vst v1  }
0x75: {  	v1 =	vld [tilespmem:s31+$0x0]  }
0x76: {  	v2 =	vld [tilespmem:s14+$0x0];
	_ =	sdelay $0x4  }
0x77: {  	v1 =	vadd.f32 v2, v1;
	_ =	sdelay $0x1  }
0x78: {  	v2 =	vmul.f32 $2.000000030e-01, v1;
	_ =	sdelay $0x1  }
0x79: {  	v1 =	vmax.f32 v1, v2  }
0x7a: {  	v1 =	vmul.f32 $1.442695020e+00, v1;
	_ =	sdelay $0x1  }
0x7b: {  	(erf) = vpow2.f32 v1;
	_ =	sdelay $0x4  }
0x7c: {  	v1 =	vld [tilespmem:s31+$0x40];
	_ =	sdelay $0x3  }
0x7d: {  	v2 =	vpop (erf)  }
0x7e: {  	v1 =	vmul.f32 v2, v1  }
0x7f: {  	[tilespmem:s0+$0x40] =	vst v2  }
0x80: {  	[tilespmem:s0+$0x0] =	vst v1  }
0x81: {  	v1 =	vld [tilespmem:s31+$0x10]  }
0x82: {  	v2 =	vld [tilespmem:s14+$0x10];
	_ =	sdelay $0x4  }
0x83: {  	v1 =	vadd.f32 v2, v1;
	_ =	sdelay $0x1  }
0x84: {  	v2 =	vmul.f32 $2.000000030e-01, v1;
	_ =	sdelay $0x1  }
0x85: {  	v1 =	vmax.f32 v1, v2  }
0x86: {  	v1 =	vmul.f32 $1.442695020e+00, v1;
	_ =	sdelay $0x1  }
0x87: {  	(erf) = vpow2.f32 v1;
	_ =	sdelay $0x4  }
0x88: {  	v1 =	vld [tilespmem:s31+$0x50];
	_ =	sdelay $0x3  }
0x89: {  	v2 =	vpop (erf)  }
0x8a: {  	v1 =	vmul.f32 v2, v1  }
0x8b: {  	[tilespmem:s0+$0x50] =	vst v2  }
0x8c: {  	[tilespmem:s0+$0x10] =	vst v1  }
0x8d: {  	v1 =	vld [tilespmem:s31+$0x20]  }
0x8e: {  	v2 =	vld [tilespmem:s14+$0x20];
	_ =	sdelay $0x4  }
0x8f: {  	v1 =	vadd.f32 v2, v1;
	_ =	sdelay $0x1  }
0x90: {  	v2 =	vmul.f32 $2.000000030e-01, v1;
	_ =	sdelay $0x1  }
0x91: {  	v1 =	vmax.f32 v1, v2  }
0x92: {  	v1 =	vmul.f32 $1.442695020e+00, v1;
	_ =	sdelay $0x1  }
0x93: {  	(erf) = vpow2.f32 v1;
	_ =	sdelay $0x4  }
0x94: {  	v1 =	vld [tilespmem:s31+$0x60];
	_ =	sdelay $0x3  }
0x95: {  	v2 =	vpop (erf)  }
0x96: {  	v1 =	vmul.f32 v2, v1  }
0x97: {  	[tilespmem:s0+$0x60] =	vst v2  }
0x98: {  	[tilespmem:s0+$0x20] =	vst v1  }
0x99: {  	v1 =	vld [tilespmem:s31+$0x30]  }
0x9a: {  	v2 =	vld [tilespmem:s14+$0x30];
	_ =	sdelay $0x4  }
0x9b: {  	v1 =	vadd.f32 v2, v1;
	_ =	sdelay $0x1  }
0x9c: {  	v2 =	vmul.f32 $2.000000030e-01, v1;
	_ =	sdelay $0x1  }
0x9d: {  	v1 =	vmax.f32 v1, v2  }
0x9e: {  	v2 =	vmul.f32 $1.442695020e+00, v1;
	_ =	sdelay $0x1  }
0x9f: {  	(erf) = vpow2.f32 v2;
	_ =	sdelay $0x3  }
0xa0: {  	s13 =	simm.s32 $0x6280;
	s4 =	simm.s32 $0x0;
	s14 =	simm.s32 $0x42C0;
	v1 =	vld [tilespmem:s31+$0x70]  }
.LBB2_3:
0xa1: {  	s4 =	sadd.s32 $0x2, s4;
	s0 =	sadd.s32 $0x100, s0;
	s31 =	sadd.s32 $0x100, s31  }
0xa2: {  	p1 =	slt.u32 s4, $0x7E;
	_ =	sdelay $0x2  }
0xa3: {  	v2 =	vpop (erf)  }
0xa4: {  	v1 =	vmul.f32 v2, v1;
	[tilespmem:s13+$0x70] =	vst v2;
	_ =	sdelay $0x1  }
0xa5: {  	[tilespmem:s13+$0x30] =	vst v1;
	s13 =	smov.u32 s0  }
0xa6: {  	v1 =	vld [tilespmem:s31+$0xFFFFFF80]  }
0xa7: {  	v2 =	vld [tilespmem:s14+$0xFFFFFFC0];
	_ =	sdelay $0x4  }
0xa8: {  	v1 =	vadd.f32 v2, v1;
	_ =	sdelay $0x1  }
0xa9: {  	v2 =	vmul.f32 $2.000000030e-01, v1;
	_ =	sdelay $0x1  }
0xaa: {  	v1 =	vmax.f32 v1, v2  }
0xab: {  	v1 =	vmul.f32 $1.442695020e+00, v1;
	_ =	sdelay $0x1  }
0xac: {  	(erf) = vpow2.f32 v1;
	_ =	sdelay $0x4  }
0xad: {  	v1 =	vld [tilespmem:s31+$0xFFFFFFC0];
	_ =	sdelay $0x3  }
0xae: {  	v2 =	vpop (erf)  }
0xaf: {  	v1 =	vmul.f32 v2, v1  }
0xb0: {  	[tilespmem:s0+$0xFFFFFFC0] =	vst v2  }
0xb1: {  	[tilespmem:s0+$0xFFFFFF80] =	vst v1  }
0xb2: {  	v1 =	vld [tilespmem:s31+$0xFFFFFF90]  }
0xb3: {  	v2 =	vld [tilespmem:s14+$0xFFFFFFD0];
	_ =	sdelay $0x4  }
0xb4: {  	v1 =	vadd.f32 v2, v1;
	_ =	sdelay $0x1  }
0xb5: {  	v2 =	vmul.f32 $2.000000030e-01, v1;
	_ =	sdelay $0x1  }
0xb6: {  	v1 =	vmax.f32 v1, v2  }
0xb7: {  	v1 =	vmul.f32 $1.442695020e+00, v1;
	_ =	sdelay $0x1  }
0xb8: {  	(erf) = vpow2.f32 v1;
	_ =	sdelay $0x4  }
0xb9: {  	v1 =	vld [tilespmem:s31+$0xFFFFFFD0];
	_ =	sdelay $0x3  }
0xba: {  	v2 =	vpop (erf)  }
0xbb: {  	v1 =	vmul.f32 v2, v1  }
0xbc: {  	[tilespmem:s0+$0xFFFFFFD0] =	vst v2  }
0xbd: {  	[tilespmem:s0+$0xFFFFFF90] =	vst v1  }
0xbe: {  	v1 =	vld [tilespmem:s31+$0xFFFFFFA0]  }
0xbf: {  	v2 =	vld [tilespmem:s14+$0xFFFFFFE0];
	_ =	sdelay $0x4  }
0xc0: {  	v1 =	vadd.f32 v2, v1;
	_ =	sdelay $0x1  }
0xc1: {  	v2 =	vmul.f32 $2.000000030e-01, v1;
	_ =	sdelay $0x1  }
0xc2: {  	v1 =	vmax.f32 v1, v2  }
0xc3: {  	v1 =	vmul.f32 $1.442695020e+00, v1;
	_ =	sdelay $0x1  }
0xc4: {  	(erf) = vpow2.f32 v1;
	_ =	sdelay $0x2  }
0xc5: {  	v1 =	vld [tilespmem:s31+$0xFFFFFFE0];
	_ =	sdelay $0x5  }
0xc6: {  	v2 =	vpop (erf)  }
0xc7: {  	v1 =	vmul.f32 v2, v1;
	[tilespmem:s0+$0xFFFFFFE0] =	vst v2;
	_ =	sdelay $0x1  }
0xc8: {  	[tilespmem:s0+$0xFFFFFFA0] =	vst v1  }
0xc9: {  	v1 =	vld [tilespmem:s31+$0xFFFFFFB0]  }
0xca: {  	v2 =	vld [tilespmem:s14+$0xFFFFFFF0];
	_ =	sdelay $0x4  }
0xcb: {  	v1 =	vadd.f32 v2, v1;
	_ =	sdelay $0x1  }
0xcc: {  	v2 =	vmul.f32 $2.000000030e-01, v1;
	_ =	sdelay $0x1  }
0xcd: {  	v1 =	vmax.f32 v1, v2  }
0xce: {  	v1 =	vmul.f32 $1.442695020e+00, v1;
	_ =	sdelay $0x1  }
0xcf: {  	(erf) = vpow2.f32 v1;
	_ =	sdelay $0x1  }
0xd0: {  	v1 =	vld [tilespmem:s31+$0xFFFFFFF0];
	_ =	sdelay $0x6  }
0xd1: {  	v2 =	vpop (erf)  }
0xd2: {  	v1 =	vmul.f32 v2, v1;
	[tilespmem:s0+$0xFFFFFFF0] =	vst v2;
	_ =	sdelay $0x1  }
0xd3: {  	[tilespmem:s0+$0xFFFFFFB0] =	vst v1  }
0xd4: {  	v1 =	vld [tilespmem:s31+$0x0]  }
0xd5: {  	v2 =	vld [tilespmem:s14+$0x0];
	_ =	sdelay $0x4  }
0xd6: {  	v1 =	vadd.f32 v2, v1;
	_ =	sdelay $0x1  }
0xd7: {  	v2 =	vmul.f32 $2.000000030e-01, v1;
	_ =	sdelay $0x1  }
0xd8: {  	v1 =	vmax.f32 v1, v2  }
0xd9: {  	v1 =	vmul.f32 $1.442695020e+00, v1;
	_ =	sdelay $0x1  }
0xda: {  	(erf) = vpow2.f32 v1  }
0xdb: {  	v1 =	vld [tilespmem:s31+$0x40];
	_ =	sdelay $0x7  }
0xdc: {  	v2 =	vpop (erf)  }
0xdd: {  	v1 =	vmul.f32 v2, v1;
	[tilespmem:s0+$0x40] =	vst v2;
	_ =	sdelay $0x1  }
0xde: {  	[tilespmem:s0+$0x0] =	vst v1  }
0xdf: {  	v1 =	vld [tilespmem:s31+$0x10]  }
0xe0: {  	v2 =	vld [tilespmem:s14+$0x10]  }
0xe1: {  	v3 =	vld [tilespmem:s31+$0x50];
	_ =	sdelay $0x3  }
0xe2: {  	v1 =	vadd.f32 v2, v1;
	_ =	sdelay $0x1  }
0xe3: {  	v2 =	vmul.f32 $2.000000030e-01, v1;
	_ =	sdelay $0x1  }
0xe4: {  	v1 =	vmax.f32 v1, v2  }
0xe5: {  	v1 =	vmul.f32 $1.442695020e+00, v1;
	_ =	sdelay $0x1  }
0xe6: {  	(erf) = vpow2.f32 v1;
	_ =	sdelay $0x8  }
0xe7: {  	v1 =	vpop (erf)  }
0xe8: {  	v2 =	vmul.f32 v1, v3;
	[tilespmem:s0+$0x50] =	vst v1;
	_ =	sdelay $0x1  }
0xe9: {  	[tilespmem:s0+$0x10] =	vst v2  }
0xea: {  	v1 =	vld [tilespmem:s31+$0x20]  }
0xeb: {  	v2 =	vld [tilespmem:s14+$0x20]  }
0xec: {  	v3 =	vld [tilespmem:s31+$0x60];
	_ =	sdelay $0x3  }
0xed: {  	v1 =	vadd.f32 v2, v1;
	_ =	sdelay $0x1  }
0xee: {  	v2 =	vmul.f32 $2.000000030e-01, v1;
	_ =	sdelay $0x1  }
0xef: {  	v1 =	vmax.f32 v1, v2  }
0xf0: {  	v1 =	vmul.f32 $1.442695020e+00, v1;
	_ =	sdelay $0x1  }
0xf1: {  	(erf) = vpow2.f32 v1;
	_ =	sdelay $0x8  }
0xf2: {  	v1 =	vpop (erf)  }
0xf3: {  	v2 =	vmul.f32 v1, v3;
	[tilespmem:s0+$0x60] =	vst v1;
	_ =	sdelay $0x1  }
0xf4: {  	[tilespmem:s0+$0x20] =	vst v2  }
0xf5: {  	v2 =	vld [tilespmem:s31+$0x30]  }
0xf6: {  	v3 =	vld [tilespmem:s14+$0x30]  }
0xf7: {  	v1 =	vld [tilespmem:s31+$0x70];
	_ =	sdelay $0x3  }
0xf8: {  	v2 =	vadd.f32 v3, v2;
	_ =	sdelay $0x1  }
0xf9: {  	v3 =	vmul.f32 $2.000000030e-01, v2;
	_ =	sdelay $0x1  }
0xfa: {  	v2 =	vmax.f32 v2, v3  }
0xfb: {  	v2 =	vmul.f32 $1.442695020e+00, v2;
	_ =	sdelay $0x1  }
.Ltmp2:
0xfc: {  	(erf) = vpow2.f32 v2;
	(pc) =	sbr.rel @p1 .LBB2_3-.Ltmp2, $2  }
0xfd: {  	_ =	sdelay $0x2  }
0xfe: {  	s14 =	sadd.s32 $0x80, s14  }
0xff: {  	_ =	sdelay $0x3  }
0x100: {  	v2 =	vpop (erf)  }
0x101: {  	s30 =	sadd.s32 $0x1, s30;
	v1 =	vmul.f32 v2, v1  }
0x102: {  	p1 =	sne.s32 s30, $0x138;
	[tilespmem:s13+$0x70] =	vst v2  }
.Ltmp3:
0x103: {  	[tilespmem:s13+$0x30] =	vst v1;
	(pc) =	sbr.rel @p1 .LBB2_2-.Ltmp3, $4  }
0x104: {  	[spmem:s2] =	stream.indirect.scatter.add.f32 [tilespmem:s26], [sflag:$0x3], $0x80, s19, s19, $0xb8;
	[tilespmem:$0x1E200] =	vst v63  }
0x105: {  	_ =	swait.ge [sflag:s18], $0x4000  }
0x106: {  	[sflag:s18] =	ssyncset.done $0x0  }
0x107: {  	[sflag:s18] =	ssyncadd.s32 $0xFFFFC000  }
.Ltmp4:
0x108: {  	(pc) =	sbr.rel @p0 .LBB2_9-.Ltmp4, $1  }
0x109: {  	_ =	sdelay $0x3  }
0x10a: {  	s0 =	rddreg [dreg:$0x4]  }
0x10b: {  	[tilespmem:s3], [sflag:$0x3] =	stream.linear.gather [hbm4b:s0+s3], $0x80, $0x38;
	[tilespmem:$0x1E200] =	vst v63  }
0x10c: {  	_ =	swait.ge [sflag:s18], $0x80  }
0x10d: {  	[sflag:s18] =	ssyncset.done $0x0  }
0x10e: {  	s31 =	rddreg [dreg:$0x5];
	[sflag:s18] =	ssyncadd.s32 $0xFFFFFF80  }
0x10f: {  	[tilespmem:s19], [sflag:$0x3] =	stream.linear.gather [hbm4b:s31+s3], $0x80, $0x38;
	[tilespmem:$0x1E200] =	vst v63  }
0x110: {  	_ =	swait.ge [sflag:s18], $0x80  }
0x111: {  	[sflag:s18] =	ssyncset.done $0x0  }
0x112: {  	[sflag:s18] =	ssyncadd.s32 $0xFFFFFF80  }
0x113: {  	v1 =	vld [tilespmem:$0x0]  }
0x114: {  	v2 =	vld [tilespmem:$0x80]  }
0x115: {  	v3 =	vld [tilespmem:$0x10]  }
0x116: {  	v4 =	vld [tilespmem:$0x90]  }
0x117: {  	v5 =	vld [tilespmem:$0x20]  }
0x118: {  	v6 =	vld [tilespmem:$0xA0];
	v1 =	vadd.s32 v0, v1  }
0x119: {  	[tilespmem:$0x100] =	vst v1;
	v1 =	vadd.s32 v0, v2;
	v2 =	vld [tilespmem:$0x30]  }
0x11a: {  	[tilespmem:$0x180] =	vst v1;
	v1 =	vadd.s32 v0, v3;
	v3 =	vld [tilespmem:$0xB0]  }
0x11b: {  	v58 =	vld [tilespmem:$0x40];
	[tilespmem:$0x110] =	vst v1;
	v1 =	vadd.s32 v0, v4  }
0x11c: {  	v59 =	vld [tilespmem:$0xC0];
	[tilespmem:$0x190] =	vst v1;
	v1 =	vadd.s32 v0, v5  }
0x11d: {  	v60 =	vld [tilespmem:$0x50];
	[tilespmem:$0x120] =	vst v1;
	v1 =	vadd.s32 v0, v6  }
0x11e: {  	[tilespmem:$0x1A0] =	vst v1;
	v1 =	vadd.s32 v0, v2;
	v2 =	vld [tilespmem:$0xD0]  }
0x11f: {  	[tilespmem:$0x130] =	vst v1;
	v1 =	vadd.s32 v0, v3;
	v3 =	vld [tilespmem:$0x60]  }
0x120: {  	v61 =	vld [tilespmem:$0xE0];
	[tilespmem:$0x1B0] =	vst v1;
	v1 =	vadd.s32 v0, v58  }
0x121: {  	v62 =	vld [tilespmem:$0x70];
	[tilespmem:$0x140] =	vst v1;
	v1 =	vadd.s32 v0, v59  }
0x122: {  	v63 =	vld [tilespmem:$0xF0];
	[tilespmem:$0x1C0] =	vst v1;
	v1 =	vadd.s32 v0, v60  }
0x123: {  	[tilespmem:$0x150] =	vst v1;
	v1 =	vadd.s32 v0, v2  }
0x124: {  	[tilespmem:$0x1D0] =	vst v1;
	v1 =	vadd.s32 v0, v3  }
0x125: {  	[tilespmem:$0x160] =	vst v1;
	v1 =	vadd.s32 v0, v61  }
0x126: {  	[tilespmem:$0x1E0] =	vst v1;
	v1 =	vadd.s32 v0, v62  }
0x127: {  	[tilespmem:$0x170] =	vst v1;
	v1 =	vadd.s32 v0, v63  }
0x128: {  	[tilespmem:$0x1F0] =	vst v1  }
0x129: {  	[tilespmem:s21], [sflag:$0x1] =	stream.indirect.gather [hbm4b:s5+s19], $0x80, s20, s19, $0xb8;
	[tilespmem:$0x1E200] =	vst v63  }
0x12a: {  	_ = 	snop  }
0x12b: {  	[tilespmem:s23], [sflag:$0x2] =	stream.indirect.gather [hbm4b:s1+s19], $0x40, s22, s19, $0xb8;
	[tilespmem:$0x1E200] =	vst v63  }
0x12c: {  	_ =	swait.ge [sflag:s24], $0x4000  }
0x12d: {  	[sflag:s24] =	ssyncset.done $0x0  }
0x12e: {  	[sflag:s24] =	ssyncadd.s32 $0xFFFFC000  }
0x12f: {  	_ =	swait.ge [sflag:s25], $0x2000  }
0x130: {  	[sflag:s25] =	ssyncset.done $0x0  }
0x131: {  	s30 =	simm.s32 $0x280;
	[sflag:s25] =	ssyncadd.s32 $0xFFFFE000  }
0x132: {  	s4 =	simm.s32 $0x4240;
	v1 =	vld [tilespmem:s30+$0xFFFFFF80]  }
0x133: {  	v2 =	vld [tilespmem:s4+$0xFFFFFFC0];
	_ =	sdelay $0x4  }
0x134: {  	v1 =	vadd.f32 v2, v1;
	_ =	sdelay $0x1  }
0x135: {  	v2 =	vmul.f32 $2.000000030e-01, v1;
	_ =	sdelay $0x1  }
0x136: {  	v1 =	vmax.f32 v1, v2  }
0x137: {  	v1 =	vmul.f32 $1.442695020e+00, v1;
	_ =	sdelay $0x1  }
0x138: {  	(erf) = vpow2.f32 v1;
	_ =	sdelay $0x4  }
0x139: {  	v1 =	vld [tilespmem:s30+$0xFFFFFFC0];
	_ =	sdelay $0x3  }
0x13a: {  	v2 =	vpop (erf)  }
0x13b: {  	s0 =	simm.s32 $0x6280;
	v1 =	vmul.f32 v2, v1  }
0x13c: {  	[tilespmem:s0+$0xFFFFFFC0] =	vst v2  }
0x13d: {  	[tilespmem:s0+$0xFFFFFF80] =	vst v1  }
0x13e: {  	v1 =	vld [tilespmem:s30+$0xFFFFFF90]  }
0x13f: {  	v2 =	vld [tilespmem:s4+$0xFFFFFFD0];
	_ =	sdelay $0x4  }
0x140: {  	v1 =	vadd.f32 v2, v1;
	_ =	sdelay $0x1  }
0x141: {  	v2 =	vmul.f32 $2.000000030e-01, v1;
	_ =	sdelay $0x1  }
0x142: {  	v1 =	vmax.f32 v1, v2  }
0x143: {  	v1 =	vmul.f32 $1.442695020e+00, v1;
	_ =	sdelay $0x1  }
0x144: {  	(erf) = vpow2.f32 v1;
	_ =	sdelay $0x4  }
0x145: {  	v1 =	vld [tilespmem:s30+$0xFFFFFFD0];
	_ =	sdelay $0x3  }
0x146: {  	v2 =	vpop (erf)  }
0x147: {  	v1 =	vmul.f32 v2, v1  }
0x148: {  	[tilespmem:s0+$0xFFFFFFD0] =	vst v2  }
0x149: {  	[tilespmem:s0+$0xFFFFFF90] =	vst v1  }
0x14a: {  	v1 =	vld [tilespmem:s30+$0xFFFFFFA0]  }
0x14b: {  	v2 =	vld [tilespmem:s4+$0xFFFFFFE0];
	_ =	sdelay $0x4  }
0x14c: {  	v1 =	vadd.f32 v2, v1;
	_ =	sdelay $0x1  }
0x14d: {  	v2 =	vmul.f32 $2.000000030e-01, v1;
	_ =	sdelay $0x1  }
0x14e: {  	v1 =	vmax.f32 v1, v2  }
0x14f: {  	v1 =	vmul.f32 $1.442695020e+00, v1;
	_ =	sdelay $0x1  }
0x150: {  	(erf) = vpow2.f32 v1;
	_ =	sdelay $0x4  }
0x151: {  	v1 =	vld [tilespmem:s30+$0xFFFFFFE0];
	_ =	sdelay $0x3  }
0x152: {  	v2 =	vpop (erf)  }
0x153: {  	v1 =	vmul.f32 v2, v1  }
0x154: {  	[tilespmem:s0+$0xFFFFFFE0] =	vst v2  }
0x155: {  	[tilespmem:s0+$0xFFFFFFA0] =	vst v1  }
0x156: {  	v1 =	vld [tilespmem:s30+$0xFFFFFFB0]  }
0x157: {  	v2 =	vld [tilespmem:s4+$0xFFFFFFF0];
	_ =	sdelay $0x4  }
0x158: {  	v1 =	vadd.f32 v2, v1;
	_ =	sdelay $0x1  }
0x159: {  	v2 =	vmul.f32 $2.000000030e-01, v1;
	_ =	sdelay $0x1  }
0x15a: {  	v1 =	vmax.f32 v1, v2  }
0x15b: {  	v1 =	vmul.f32 $1.442695020e+00, v1;
	_ =	sdelay $0x1  }
0x15c: {  	(erf) = vpow2.f32 v1;
	_ =	sdelay $0x4  }
0x15d: {  	v1 =	vld [tilespmem:s30+$0xFFFFFFF0];
	_ =	sdelay $0x3  }
0x15e: {  	v2 =	vpop (erf)  }
0x15f: {  	v1 =	vmul.f32 v2, v1  }
0x160: {  	[tilespmem:s0+$0xFFFFFFF0] =	vst v2  }
0x161: {  	[tilespmem:s0+$0xFFFFFFB0] =	vst v1  }
0x162: {  	v1 =	vld [tilespmem:s30+$0x0]  }
0x163: {  	v2 =	vld [tilespmem:s4+$0x0];
	_ =	sdelay $0x4  }
0x164: {  	v1 =	vadd.f32 v2, v1;
	_ =	sdelay $0x1  }
0x165: {  	v2 =	vmul.f32 $2.000000030e-01, v1;
	_ =	sdelay $0x1  }
0x166: {  	v1 =	vmax.f32 v1, v2  }
0x167: {  	v1 =	vmul.f32 $1.442695020e+00, v1;
	_ =	sdelay $0x1  }
0x168: {  	(erf) = vpow2.f32 v1;
	_ =	sdelay $0x4  }
0x169: {  	v1 =	vld [tilespmem:s30+$0x40];
	_ =	sdelay $0x3  }
0x16a: {  	v2 =	vpop (erf)  }
0x16b: {  	v1 =	vmul.f32 v2, v1  }
0x16c: {  	[tilespmem:s0+$0x40] =	vst v2  }
0x16d: {  	[tilespmem:s0+$0x0] =	vst v1  }
0x16e: {  	v1 =	vld [tilespmem:s30+$0x10]  }
0x16f: {  	v2 =	vld [tilespmem:s4+$0x10];
	_ =	sdelay $0x4  }
0x170: {  	v1 =	vadd.f32 v2, v1;
	_ =	sdelay $0x1  }
0x171: {  	v2 =	vmul.f32 $2.000000030e-01, v1;
	_ =	sdelay $0x1  }
0x172: {  	v1 =	vmax.f32 v1, v2  }
0x173: {  	v1 =	vmul.f32 $1.442695020e+00, v1;
	_ =	sdelay $0x1  }
0x174: {  	(erf) = vpow2.f32 v1;
	_ =	sdelay $0x4  }
0x175: {  	v1 =	vld [tilespmem:s30+$0x50];
	_ =	sdelay $0x3  }
0x176: {  	v2 =	vpop (erf)  }
0x177: {  	v1 =	vmul.f32 v2, v1  }
0x178: {  	[tilespmem:s0+$0x50] =	vst v2  }
0x179: {  	[tilespmem:s0+$0x10] =	vst v1  }
0x17a: {  	v1 =	vld [tilespmem:s30+$0x20]  }
0x17b: {  	v2 =	vld [tilespmem:s4+$0x20];
	_ =	sdelay $0x4  }
0x17c: {  	v1 =	vadd.f32 v2, v1;
	_ =	sdelay $0x1  }
0x17d: {  	v2 =	vmul.f32 $2.000000030e-01, v1;
	_ =	sdelay $0x1  }
0x17e: {  	v1 =	vmax.f32 v1, v2  }
0x17f: {  	v1 =	vmul.f32 $1.442695020e+00, v1;
	_ =	sdelay $0x1  }
0x180: {  	(erf) = vpow2.f32 v1;
	_ =	sdelay $0x4  }
0x181: {  	v1 =	vld [tilespmem:s30+$0x60];
	_ =	sdelay $0x3  }
0x182: {  	v2 =	vpop (erf)  }
0x183: {  	v1 =	vmul.f32 v2, v1  }
0x184: {  	[tilespmem:s0+$0x60] =	vst v2  }
0x185: {  	[tilespmem:s0+$0x20] =	vst v1  }
0x186: {  	v1 =	vld [tilespmem:s30+$0x30]  }
0x187: {  	v2 =	vld [tilespmem:s4+$0x30];
	_ =	sdelay $0x4  }
0x188: {  	v1 =	vadd.f32 v2, v1;
	_ =	sdelay $0x1  }
0x189: {  	v2 =	vmul.f32 $2.000000030e-01, v1;
	_ =	sdelay $0x1  }
0x18a: {  	v1 =	vmax.f32 v1, v2  }
0x18b: {  	v2 =	vmul.f32 $1.442695020e+00, v1;
	_ =	sdelay $0x1  }
0x18c: {  	(erf) = vpow2.f32 v2;
	_ =	sdelay $0x3  }
0x18d: {  	s14 =	simm.s32 $0x42C0;
	s13 =	simm.s32 $0x6280;
	s4 =	simm.s32 $0x0;
	v1 =	vld [tilespmem:s30+$0x70]  }
.LBB2_7:
0x18e: {  	s4 =	sadd.s32 $0x2, s4;
	s0 =	sadd.s32 $0x100, s0;
	s30 =	sadd.s32 $0x100, s30  }
0x18f: {  	p1 =	slt.u32 s4, $0x7E;
	_ =	sdelay $0x2  }
0x190: {  	v2 =	vpop (erf)  }
0x191: {  	v1 =	vmul.f32 v2, v1;
	[tilespmem:s13+$0x70] =	vst v2;
	_ =	sdelay $0x1  }
0x192: {  	[tilespmem:s13+$0x30] =	vst v1;
	s13 =	smov.u32 s0  }
0x193: {  	v1 =	vld [tilespmem:s30+$0xFFFFFF80]  }
0x194: {  	v2 =	vld [tilespmem:s14+$0xFFFFFFC0];
	_ =	sdelay $0x4  }
0x195: {  	v1 =	vadd.f32 v2, v1;
	_ =	sdelay $0x1  }
0x196: {  	v2 =	vmul.f32 $2.000000030e-01, v1;
	_ =	sdelay $0x1  }
0x197: {  	v1 =	vmax.f32 v1, v2  }
0x198: {  	v1 =	vmul.f32 $1.442695020e+00, v1;
	_ =	sdelay $0x1  }
0x199: {  	(erf) = vpow2.f32 v1;
	_ =	sdelay $0x4  }
0x19a: {  	v1 =	vld [tilespmem:s30+$0xFFFFFFC0];
	_ =	sdelay $0x3  }
0x19b: {  	v2 =	vpop (erf)  }
0x19c: {  	v1 =	vmul.f32 v2, v1  }
0x19d: {  	[tilespmem:s0+$0xFFFFFFC0] =	vst v2  }
0x19e: {  	[tilespmem:s0+$0xFFFFFF80] =	vst v1  }
0x19f: {  	v1 =	vld [tilespmem:s30+$0xFFFFFF90]  }
0x1a0: {  	v2 =	vld [tilespmem:s14+$0xFFFFFFD0];
	_ =	sdelay $0x4  }
0x1a1: {  	v1 =	vadd.f32 v2, v1;
	_ =	sdelay $0x1  }
0x1a2: {  	v2 =	vmul.f32 $2.000000030e-01, v1;
	_ =	sdelay $0x1  }
0x1a3: {  	v1 =	vmax.f32 v1, v2  }
0x1a4: {  	v1 =	vmul.f32 $1.442695020e+00, v1;
	_ =	sdelay $0x1  }
0x1a5: {  	(erf) = vpow2.f32 v1;
	_ =	sdelay $0x4  }
0x1a6: {  	v1 =	vld [tilespmem:s30+$0xFFFFFFD0];
	_ =	sdelay $0x3  }
0x1a7: {  	v2 =	vpop (erf)  }
0x1a8: {  	v1 =	vmul.f32 v2, v1  }
0x1a9: {  	[tilespmem:s0+$0xFFFFFFD0] =	vst v2  }
0x1aa: {  	[tilespmem:s0+$0xFFFFFF90] =	vst v1  }
0x1ab: {  	v1 =	vld [tilespmem:s30+$0xFFFFFFA0]  }
0x1ac: {  	v2 =	vld [tilespmem:s14+$0xFFFFFFE0];
	_ =	sdelay $0x4  }
0x1ad: {  	v1 =	vadd.f32 v2, v1;
	_ =	sdelay $0x1  }
0x1ae: {  	v2 =	vmul.f32 $2.000000030e-01, v1;
	_ =	sdelay $0x1  }
0x1af: {  	v1 =	vmax.f32 v1, v2  }
0x1b0: {  	v1 =	vmul.f32 $1.442695020e+00, v1;
	_ =	sdelay $0x1  }
0x1b1: {  	(erf) = vpow2.f32 v1;
	_ =	sdelay $0x2  }
0x1b2: {  	v1 =	vld [tilespmem:s30+$0xFFFFFFE0];
	_ =	sdelay $0x5  }
0x1b3: {  	v2 =	vpop (erf)  }
0x1b4: {  	v1 =	vmul.f32 v2, v1;
	[tilespmem:s0+$0xFFFFFFE0] =	vst v2;
	_ =	sdelay $0x1  }
0x1b5: {  	[tilespmem:s0+$0xFFFFFFA0] =	vst v1  }
0x1b6: {  	v1 =	vld [tilespmem:s30+$0xFFFFFFB0]  }
0x1b7: {  	v2 =	vld [tilespmem:s14+$0xFFFFFFF0];
	_ =	sdelay $0x4  }
0x1b8: {  	v1 =	vadd.f32 v2, v1;
	_ =	sdelay $0x1  }
0x1b9: {  	v2 =	vmul.f32 $2.000000030e-01, v1;
	_ =	sdelay $0x1  }
0x1ba: {  	v1 =	vmax.f32 v1, v2  }
0x1bb: {  	v1 =	vmul.f32 $1.442695020e+00, v1;
	_ =	sdelay $0x1  }
0x1bc: {  	(erf) = vpow2.f32 v1;
	_ =	sdelay $0x1  }
0x1bd: {  	v1 =	vld [tilespmem:s30+$0xFFFFFFF0];
	_ =	sdelay $0x6  }
0x1be: {  	v2 =	vpop (erf)  }
0x1bf: {  	v1 =	vmul.f32 v2, v1;
	[tilespmem:s0+$0xFFFFFFF0] =	vst v2;
	_ =	sdelay $0x1  }
0x1c0: {  	[tilespmem:s0+$0xFFFFFFB0] =	vst v1  }
0x1c1: {  	v1 =	vld [tilespmem:s30+$0x0]  }
0x1c2: {  	v2 =	vld [tilespmem:s14+$0x0];
	_ =	sdelay $0x4  }
0x1c3: {  	v1 =	vadd.f32 v2, v1;
	_ =	sdelay $0x1  }
0x1c4: {  	v2 =	vmul.f32 $2.000000030e-01, v1;
	_ =	sdelay $0x1  }
0x1c5: {  	v1 =	vmax.f32 v1, v2  }
0x1c6: {  	v1 =	vmul.f32 $1.442695020e+00, v1;
	_ =	sdelay $0x1  }
0x1c7: {  	(erf) = vpow2.f32 v1  }
0x1c8: {  	v1 =	vld [tilespmem:s30+$0x40];
	_ =	sdelay $0x7  }
0x1c9: {  	v2 =	vpop (erf)  }
0x1ca: {  	v1 =	vmul.f32 v2, v1;
	[tilespmem:s0+$0x40] =	vst v2;
	_ =	sdelay $0x1  }
0x1cb: {  	[tilespmem:s0+$0x0] =	vst v1  }
0x1cc: {  	v1 =	vld [tilespmem:s30+$0x10]  }
0x1cd: {  	v2 =	vld [tilespmem:s14+$0x10]  }
0x1ce: {  	v3 =	vld [tilespmem:s30+$0x50];
	_ =	sdelay $0x3  }
0x1cf: {  	v1 =	vadd.f32 v2, v1;
	_ =	sdelay $0x1  }
0x1d0: {  	v2 =	vmul.f32 $2.000000030e-01, v1;
	_ =	sdelay $0x1  }
0x1d1: {  	v1 =	vmax.f32 v1, v2  }
0x1d2: {  	v1 =	vmul.f32 $1.442695020e+00, v1;
	_ =	sdelay $0x1  }
0x1d3: {  	(erf) = vpow2.f32 v1;
	_ =	sdelay $0x8  }
0x1d4: {  	v1 =	vpop (erf)  }
0x1d5: {  	v2 =	vmul.f32 v1, v3;
	[tilespmem:s0+$0x50] =	vst v1;
	_ =	sdelay $0x1  }
0x1d6: {  	[tilespmem:s0+$0x10] =	vst v2  }
0x1d7: {  	v1 =	vld [tilespmem:s30+$0x20]  }
0x1d8: {  	v2 =	vld [tilespmem:s14+$0x20]  }
0x1d9: {  	v3 =	vld [tilespmem:s30+$0x60];
	_ =	sdelay $0x3  }
0x1da: {  	v1 =	vadd.f32 v2, v1;
	_ =	sdelay $0x1  }
0x1db: {  	v2 =	vmul.f32 $2.000000030e-01, v1;
	_ =	sdelay $0x1  }
0x1dc: {  	v1 =	vmax.f32 v1, v2  }
0x1dd: {  	v1 =	vmul.f32 $1.442695020e+00, v1;
	_ =	sdelay $0x1  }
0x1de: {  	(erf) = vpow2.f32 v1;
	_ =	sdelay $0x8  }
0x1df: {  	v1 =	vpop (erf)  }
0x1e0: {  	v2 =	vmul.f32 v1, v3;
	[tilespmem:s0+$0x60] =	vst v1;
	_ =	sdelay $0x1  }
0x1e1: {  	[tilespmem:s0+$0x20] =	vst v2  }
0x1e2: {  	v2 =	vld [tilespmem:s30+$0x30]  }
0x1e3: {  	v3 =	vld [tilespmem:s14+$0x30]  }
0x1e4: {  	v1 =	vld [tilespmem:s30+$0x70];
	_ =	sdelay $0x3  }
0x1e5: {  	v2 =	vadd.f32 v3, v2;
	_ =	sdelay $0x1  }
0x1e6: {  	v3 =	vmul.f32 $2.000000030e-01, v2;
	_ =	sdelay $0x1  }
0x1e7: {  	v2 =	vmax.f32 v2, v3  }
0x1e8: {  	v2 =	vmul.f32 $1.442695020e+00, v2;
	_ =	sdelay $0x1  }
.Ltmp5:
0x1e9: {  	(erf) = vpow2.f32 v2;
	(pc) =	sbr.rel @p1 .LBB2_7-.Ltmp5, $2  }
0x1ea: {  	_ =	sdelay $0x2  }
0x1eb: {  	s14 =	sadd.s32 $0x80, s14  }
0x1ec: {  	_ =	sdelay $0x3  }
0x1ed: {  	v2 =	vpop (erf)  }
0x1ee: {  	v1 =	vmul.f32 v2, v1  }
0x1ef: {  	[tilespmem:s13+$0x70] =	vst v2  }
0x1f0: {  	[tilespmem:s13+$0x30] =	vst v1  }
0x1f1: {  	[spmem:s2] =	stream.indirect.scatter.add.f32 [tilespmem:s26], [sflag:$0x3], $0x80, s19, s19, $0xb8;
	[tilespmem:$0x1E200] =	vst v63  }
0x1f2: {  	_ =	swait.ge [sflag:s18], $0x4000  }
0x1f3: {  	[sflag:s18] =	ssyncset.done $0x0  }
0x1f4: {  	[sflag:s18] =	ssyncadd.s32 $0xFFFFC000  }
.LBB2_9:
.Ltmp6:
0x1f5: {  	(pc) =	sbr.rel .LBB2_10-.Ltmp6, $3  }
0x1f6: {  	_ =	sdelay $0x1  }
0x1f7: {  	[bflag:$0x0] =	sbarrier.arrive $0xFFFF  }
0x1f8: {  	s0 =	simm.s32 $0x0  }
.LBB2_16:
0x1f9: {  	s0 =	sadd.s32 $0x1, s0  }
0x1fa: {  	p1 =	sne.s32 s0, $0x8  }
.Ltmp7:
0x1fb: {  	_ = 	snop;
	(pc) =	sbr.rel @!p1 .LBB2_17-.Ltmp7, $1  }
0x1fc: {  	_ =	sdelay $0x3  }
.LBB2_10:
0x1fd: {  	s4 =	smul.u32 $0x50, s0;
	_ =	sdelay $0x1  }
0x1fe: {  	s4 =	sadd.s32 s10, s4  }
0x1ff: {  	p1 =	sgt.u32 s4, $0x270F  }
.Ltmp8:
0x200: {  	_ = 	snop;
	(pc) =	sbr.rel @p1 .LBB2_16-.Ltmp8, $1  }
0x201: {  	_ =	sdelay $0x3  }
0x202: {  	s13 =	sshll.u32 s4, $0x7  }
0x203: {  	s13 =	sand.u32 $0x3FFFFF80, s13  }
0x204: {  	s13 =	sadd.s32 s13, s2  }
0x205: {  	[tilespmem:s21], [sflag:$0x4] =	stream.linear.gather [spmem:s13], $0x2800, $0x38;
	[tilespmem:$0x1E200] =	vst v63  }
0x206: {  	_ =	swait.ge [sflag:s28], $0x2800  }
0x207: {  	[sflag:s28] =	ssyncset.done $0x0  }
0x208: {  	s13 =	simm.s32 $0x280;
	[sflag:s28] =	ssyncadd.s32 $0xFFFFD800  }
0x209: {  	v1 =	vld [tilespmem:s13+$0xFFFFFFC0];
	_ =	sdelay $0x4  }
0x20a: {  	v1 =	vadd.f32 $1.000000020e-16, v1;
	_ =	sdelay $0x1  }
0x20b: {  	(erf) = vrcp.f32 v1;
	_ =	sdelay $0x4  }
0x20c: {  	v1 =	vld [tilespmem:s13+$0xFFFFFF80];
	_ =	sdelay $0x3  }
0x20d: {  	v2 =	vpop (erf)  }
0x20e: {  	v1 =	vmul.f32 v2, v1  }
0x20f: {  	s14 =	simm.s32 $0x6280  }
0x210: {  	[tilespmem:s14+$0xFFFFFF80] =	vst v1  }
0x211: {  	v1 =	vld [tilespmem:s13+$0xFFFFFFD0];
	_ =	sdelay $0x4  }
0x212: {  	v1 =	vadd.f32 $1.000000020e-16, v1;
	_ =	sdelay $0x1  }
0x213: {  	(erf) = vrcp.f32 v1;
	_ =	sdelay $0x4  }
0x214: {  	v1 =	vld [tilespmem:s13+$0xFFFFFF90];
	_ =	sdelay $0x3  }
0x215: {  	v2 =	vpop (erf)  }
0x216: {  	v1 =	vmul.f32 v2, v1;
	_ =	sdelay $0x1  }
0x217: {  	[tilespmem:s14+$0xFFFFFF90] =	vst v1  }
0x218: {  	v1 =	vld [tilespmem:s13+$0xFFFFFFE0];
	_ =	sdelay $0x4  }
0x219: {  	v1 =	vadd.f32 $1.000000020e-16, v1;
	_ =	sdelay $0x1  }
0x21a: {  	(erf) = vrcp.f32 v1;
	_ =	sdelay $0x4  }
0x21b: {  	v1 =	vld [tilespmem:s13+$0xFFFFFFA0];
	_ =	sdelay $0x3  }
0x21c: {  	v2 =	vpop (erf)  }
0x21d: {  	v1 =	vmul.f32 v2, v1;
	_ =	sdelay $0x1  }
0x21e: {  	[tilespmem:s14+$0xFFFFFFA0] =	vst v1  }
0x21f: {  	v1 =	vld [tilespmem:s13+$0xFFFFFFF0];
	_ =	sdelay $0x4  }
0x220: {  	v1 =	vadd.f32 $1.000000020e-16, v1;
	_ =	sdelay $0x1  }
0x221: {  	(erf) = vrcp.f32 v1;
	_ =	sdelay $0x4  }
0x222: {  	v1 =	vld [tilespmem:s13+$0xFFFFFFB0];
	_ =	sdelay $0x3  }
0x223: {  	v2 =	vpop (erf)  }
0x224: {  	v1 =	vmul.f32 v2, v1;
	_ =	sdelay $0x1  }
0x225: {  	[tilespmem:s14+$0xFFFFFFB0] =	vst v1  }
0x226: {  	v1 =	vld [tilespmem:s13+$0x40];
	_ =	sdelay $0x4  }
0x227: {  	v1 =	vadd.f32 $1.000000020e-16, v1;
	_ =	sdelay $0x1  }
0x228: {  	(erf) = vrcp.f32 v1;
	_ =	sdelay $0x4  }
0x229: {  	v1 =	vld [tilespmem:s13+$0x0];
	_ =	sdelay $0x3  }
0x22a: {  	v2 =	vpop (erf)  }
0x22b: {  	v1 =	vmul.f32 v2, v1;
	_ =	sdelay $0x1  }
0x22c: {  	[tilespmem:s14+$0x0] =	vst v1  }
0x22d: {  	v1 =	vld [tilespmem:s13+$0x50];
	_ =	sdelay $0x4  }
0x22e: {  	v1 =	vadd.f32 $1.000000020e-16, v1;
	_ =	sdelay $0x1  }
0x22f: {  	(erf) = vrcp.f32 v1;
	_ =	sdelay $0x4  }
0x230: {  	v1 =	vld [tilespmem:s13+$0x10];
	_ =	sdelay $0x3  }
0x231: {  	v2 =	vpop (erf)  }
0x232: {  	v1 =	vmul.f32 v2, v1;
	_ =	sdelay $0x1  }
0x233: {  	[tilespmem:s14+$0x10] =	vst v1  }
0x234: {  	v1 =	vld [tilespmem:s13+$0x60];
	_ =	sdelay $0x4  }
0x235: {  	v1 =	vadd.f32 $1.000000020e-16, v1;
	_ =	sdelay $0x1  }
0x236: {  	(erf) = vrcp.f32 v1;
	_ =	sdelay $0x4  }
0x237: {  	v1 =	vld [tilespmem:s13+$0x20];
	_ =	sdelay $0x3  }
0x238: {  	v2 =	vpop (erf)  }
0x239: {  	v1 =	vmul.f32 v2, v1;
	_ =	sdelay $0x1  }
0x23a: {  	[tilespmem:s14+$0x20] =	vst v1  }
0x23b: {  	v1 =	vld [tilespmem:s13+$0x70];
	_ =	sdelay $0x4  }
0x23c: {  	v1 =	vadd.f32 $1.000000020e-16, v1;
	_ =	sdelay $0x1  }
0x23d: {  	(erf) = vrcp.f32 v1;
	_ =	sdelay $0x4  }
0x23e: {  	v1 =	vld [tilespmem:s13+$0x30];
	_ =	sdelay $0x3  }
0x23f: {  	v2 =	vpop (erf)  }
0x240: {  	s30 =	simm.s32 $0x0;
	v1 =	vmul.f32 v2, v1  }
.LBB2_12:
0x241: {  	_ = 	snop  }
0x242: {  	s30 =	sadd.s32 $0x2, s30;
	s13 =	sadd.s32 $0x100, s13;
	[tilespmem:s14+$0x30] =	vst v1;
	s14 =	sadd.s32 $0x100, s14  }
0x243: {  	p1 =	slt.u32 s30, $0x4E;
	v1 =	vld [tilespmem:s13+$0xFFFFFFC0];
	_ =	sdelay $0x4  }
0x244: {  	v1 =	vadd.f32 $1.000000020e-16, v1;
	_ =	sdelay $0x1  }
0x245: {  	(erf) = vrcp.f32 v1;
	_ =	sdelay $0x4  }
0x246: {  	v1 =	vld [tilespmem:s13+$0xFFFFFF80];
	_ =	sdelay $0x3  }
0x247: {  	v2 =	vpop (erf)  }
0x248: {  	v1 =	vmul.f32 v2, v1;
	_ =	sdelay $0x1  }
0x249: {  	[tilespmem:s14+$0xFFFFFF80] =	vst v1  }
0x24a: {  	v1 =	vld [tilespmem:s13+$0xFFFFFFD0];
	_ =	sdelay $0x4  }
0x24b: {  	v1 =	vadd.f32 $1.000000020e-16, v1;
	_ =	sdelay $0x1  }
0x24c: {  	(erf) = vrcp.f32 v1;
	_ =	sdelay $0x4  }
0x24d: {  	v1 =	vld [tilespmem:s13+$0xFFFFFF90];
	_ =	sdelay $0x3  }
0x24e: {  	v2 =	vpop (erf)  }
0x24f: {  	v1 =	vmul.f32 v2, v1;
	_ =	sdelay $0x1  }
0x250: {  	[tilespmem:s14+$0xFFFFFF90] =	vst v1  }
0x251: {  	v1 =	vld [tilespmem:s13+$0xFFFFFFE0];
	_ =	sdelay $0x4  }
0x252: {  	v1 =	vadd.f32 $1.000000020e-16, v1;
	_ =	sdelay $0x1  }
0x253: {  	(erf) = vrcp.f32 v1;
	_ =	sdelay $0x4  }
0x254: {  	v1 =	vld [tilespmem:s13+$0xFFFFFFA0];
	_ =	sdelay $0x3  }
0x255: {  	v2 =	vpop (erf)  }
0x256: {  	v1 =	vmul.f32 v2, v1;
	_ =	sdelay $0x1  }
0x257: {  	[tilespmem:s14+$0xFFFFFFA0] =	vst v1  }
0x258: {  	v1 =	vld [tilespmem:s13+$0xFFFFFFF0];
	_ =	sdelay $0x4  }
0x259: {  	v1 =	vadd.f32 $1.000000020e-16, v1;
	_ =	sdelay $0x1  }
0x25a: {  	(erf) = vrcp.f32 v1;
	_ =	sdelay $0x4  }
0x25b: {  	v1 =	vld [tilespmem:s13+$0xFFFFFFB0];
	_ =	sdelay $0x3  }
0x25c: {  	v2 =	vpop (erf)  }
0x25d: {  	v1 =	vmul.f32 v2, v1;
	_ =	sdelay $0x1  }
0x25e: {  	[tilespmem:s14+$0xFFFFFFB0] =	vst v1  }
0x25f: {  	v1 =	vld [tilespmem:s13+$0x40];
	_ =	sdelay $0x4  }
0x260: {  	v1 =	vadd.f32 $1.000000020e-16, v1;
	_ =	sdelay $0x1  }
0x261: {  	(erf) = vrcp.f32 v1;
	_ =	sdelay $0x4  }
0x262: {  	v1 =	vld [tilespmem:s13+$0x0];
	_ =	sdelay $0x3  }
0x263: {  	v2 =	vpop (erf)  }
0x264: {  	v1 =	vmul.f32 v2, v1;
	_ =	sdelay $0x1  }
0x265: {  	[tilespmem:s14+$0x0] =	vst v1  }
0x266: {  	v1 =	vld [tilespmem:s13+$0x50]  }
0x267: {  	v2 =	vld [tilespmem:s13+$0x10];
	_ =	sdelay $0x3  }
0x268: {  	v1 =	vadd.f32 $1.000000020e-16, v1;
	_ =	sdelay $0x1  }
0x269: {  	(erf) = vrcp.f32 v1;
	_ =	sdelay $0x8  }
0x26a: {  	v1 =	vpop (erf)  }
0x26b: {  	v1 =	vmul.f32 v1, v2;
	_ =	sdelay $0x1  }
0x26c: {  	[tilespmem:s14+$0x10] =	vst v1  }
0x26d: {  	v1 =	vld [tilespmem:s13+$0x60]  }
0x26e: {  	v2 =	vld [tilespmem:s13+$0x20];
	_ =	sdelay $0x3  }
0x26f: {  	v1 =	vadd.f32 $1.000000020e-16, v1;
	_ =	sdelay $0x1  }
0x270: {  	(erf) = vrcp.f32 v1;
	_ =	sdelay $0x8  }
0x271: {  	v1 =	vpop (erf)  }
0x272: {  	v1 =	vmul.f32 v1, v2;
	_ =	sdelay $0x1  }
0x273: {  	[tilespmem:s14+$0x20] =	vst v1  }
0x274: {  	v1 =	vld [tilespmem:s13+$0x70]  }
0x275: {  	v2 =	vld [tilespmem:s13+$0x30];
	_ =	sdelay $0x3  }
0x276: {  	v1 =	vadd.f32 $1.000000020e-16, v1;
	_ =	sdelay $0x1  }
0x277: {  	(erf) = vrcp.f32 v1;
	_ =	sdelay $0x5  }
.Ltmp9:
0x278: {  	(pc) =	sbr.rel @p1 .LBB2_12-.Ltmp9, $3  }
0x279: {  	_ =	sdelay $0x1  }
0x27a: {  	v1 =	vpop (erf)  }
0x27b: {  	v1 =	vmul.f32 v1, v2  }
0x27c: {  	s4 =	sshll.u32 s4, $0x6  }
0x27d: {  	s4 =	sadd.s32 s15, s4  }
0x27e: {  	s4 =	sshrl.u32 s4, $0x3  }
0x27f: {  	s13 =	simm.s32 $0x6200;
	s4 =	sadd.s32 s9, s4  }
0x280: {  	s30 =	simm.s32 $0x6280;
	[tilespmem:s14+$0x30] =	vst v1;
	s14 =	simm.s32 $0x8;
	s31 =	sadd.s32 $0x0, s4  }
.LBB2_14:
0x281: {  	[hbm4b:s31+s3] =	stream.linear.scatter [tilespmem:s13], [sflag:$0x3], $0x40, $0x38;
	[tilespmem:$0x1E200] =	vst v63  }
0x282: {  	s31 =	smov.u32 s14;
	s13 =	smov.u32 s30;
	p1 =	sne.s32 s14, $0x278  }
.Ltmp10:
0x283: {  	s14 =	sadd.s32 $0x8, s14;
	(pc) =	sbr.rel @p1 .LBB2_14-.Ltmp10, $2  }
0x284: {  	_ =	sdelay $0x2  }
0x285: {  	s30 =	sadd.s32 $0x80, s30;
	s31 =	sadd.s32 s31, s4  }
.Ltmp11:
0x286: {  	(pc) =	sbr.rel .LBB2_16-.Ltmp11, $4  }
0x287: {  	[hbm4b:s31+s3] =	stream.linear.scatter [tilespmem:s13], [sflag:$0x3], $0x40, $0x38;
	[tilespmem:$0x1E200] =	vst v63  }
0x288: {  	_ =	swait.ge [sflag:s18], $0x1400  }
0x289: {  	[sflag:s18] =	ssyncset.done $0x0  }
0x28a: {  	[sflag:s18] =	ssyncadd.s32 $0xFFFFEC00  }
.LBB2_18:
0x28b: {  	_ =	sfence.sel $0x180000  }
0x28c: {  	[bflag:$0x0] =	sbarrier.arrive $0xFFFF  }
0x28d: {  	_ =	strace $0x9000004A  }
0x28e: {  	s0 =	stileid.u32;
	[bflag:$0x2] =	sbarrier.arrive $0xFFFF  }
0x28f: {  	p0 =	sne.s32 s0, $0x0;
	s0 =	rddreg [dreg:$0x3]  }
0x290: {  	s0 =	sadd.s32 @!p0 $0x100000, s0  }
0x291: {  	[sflag:s0] =	ssyncadd.tile.s32 @!p0 $0x1;
	_ =	shalt  }
.Lfunc_end2:
_tile_overlayer_lowered:
.L_overlay_start_2:
0x292: {  	(tag) =	ssettag $0x2  }
0x293: {  	s0 =	rddreg [dreg:$0x0];
	s2 =	stileid.u32  }
0x294: {  	s1 =	rddreg [dreg:$0x1];
	p0 =	sne.s32 s2, $0x0  }
0x295: {  	s3 =	rddreg [dreg:$0x2];
	[bflag:$0x3] =	sbarrier.arrive $0xFFFF;
	s2 =	simm.s32 @!p0 $0x1C03  }
0x296: {  	[timem:s3], [sflag:s2] =	dma.local @!p0 [hbm:s0], s1  }
0x297: {  	s0 =	simm.s32 @!p0 $0x3  }
0x298: {  	_ =	swait.ge @!p0 [sflag:s0], s1  }
0x299: {  	s1 =	ssub.s32 @!p0 $0x0, s1;
	[sflag:s0] =	ssyncset.done @!p0 $0x0  }
0x29a: {  	[sflag:s0] =	ssyncadd.s32 @!p0 s1  }
0x29b: {  	[bflag:$0x3] =	sbarrier.arrive $0xFFFF  }
0x29c: {  	_ =	shalt  }

// kernel: kernel.7.cloned.1.call-start
scs
__scs_entry_jumppad:
0x0: {  	(pc) =	sbr.rel $0x88, $3  }
0x1: {  	(tag) =	ssettag $0x0;
	lr =	simm.s32 $0x1  }
0x2: {  	[smem:$0x3F93] =	sst lr;
	_ =	strace $0xD0000000  }
0x3: {  	_ = 	snop  }
0x4: {  	_ = 	snop  }
0x5: {  	_ = 	snop  }
0x6: {  	_ = 	snop  }
0x7: {  	_ = 	snop  }
__scs_overlays_trampoline_lowered:
0x8: {  	[smem:$0x3FA2] =	sst s0  }
0x9: {  	[smem:$0x3FA3] =	sst s1  }
0xa: {  	[smem:$0x3FA4] =	sst s2  }
0xb: {  	[smem:$0x3FA5] =	sst s3  }
0xc: {  	[smem:$0x3FA6] =	sst s4  }
0xd: {  	[smem:$0x3FA7] =	sst s5  }
0xe: {  	[smem:$0x3FA8] =	sst s6  }
0xf: {  	[smem:$0x3FA9] =	sst s7  }
0x10: {  	[smem:$0x3FAA] =	sst s8  }
0x11: {  	[smem:$0x3FAB] =	sst s9;
	s0 =	simm.s32 @!p0 $0x0  }
0x12: {  	s1 =	sld [smem:$0x3F91];
	s0 =	simm.s32 @p0 $0x1  }
0x13: {  	[smem:$0x3FAC] =	sst s0;
	s0 =	simm.s32 @!p1 $0x0  }
0x14: {  	s2 =	sld [smem:$0x3F90];
	s0 =	simm.s32 @p1 $0x1  }
0x15: {  	[smem:$0x3FAD] =	sst s0;
	s0 =	simm.s32 @!p2 $0x0  }
0x16: {  	s3 =	sld [smem:$0x3FDB];
	s0 =	simm.s32 @p2 $0x1  }
0x17: {  	s4 =	simm.s32 $0x1BF5;
	[smem:$0x3FAF] =	sst s0  }
0x18: {  	s0 =	sld [smem:$0x3F92];
	_ =	swait.ge [sflag:s4], $0x0  }
0x19: {  	s7 =	sld [smem:$0x3F93]  }
0x1a: {  	s8 =	sadd.s32 $0xFFFFE003, lr  }
0x1b: {  	s9 =	sadd.s32 $0xFFFFFEF7, lr;
	s5 =	simm.s32 $0xFFFFFFFF;
	p2 =	slt.u32 s8, $0xFFFFF086  }
0x1c: {  	p1 =	slt.u32 s9, $0xF7A;
	s5 =	simm.s32 @!p2 $0x0  }
0x1d: {  	s5 =	simm.s32 @p1 $0x1;
	p0 =	seq.s32 s7, s2  }
0x1e: {  	s7 =	smul.u32 @!p0 $0xF7A, s2;
	p2 =	seq.s32 @!p0 s5, $0x0  }
0x1f: {  	s9 =	smul.u32 $0xF7A, s1;
	s8 =	simm.s32 @!p0 $0x1BF5;
	p2 =	por !p2, p0  }
0x20: {  	[sflag:s8] =	ssyncset.s32 @!p0 $0xFFFFF086;
	s6 =	sadd.s32 @!p0 s3, s7;
	s7 =	simm.s32 @!p0 $0x108  }
0x21: {  	s3 =	sadd.s32 s3, s9;
	s6 =	sadd.s32 @!p0 $0x88, s6;
	s7 =	simm.s32 @p2 $0x1082  }
0x22: {  	[simem:s7], [sflag:s8] =	dma.local @!p0 [hbm:s6], $0xF7A  }
0x23: {  	s9 =	sor.u32 $0xD0000000, s2;
	s6 =	simm.s32 $0x108;
	_ =	swait.ge @!p0 [sflag:s8], $0x0  }
0x24: {  	s3 =	sadd.s32 $0x88, s3;
	s6 =	simm.s32 @!p1 $0x1082;
	[sflag:s4] =	ssyncset.s32 $0xFFFFF086  }
0x25: {  	[simem:s6], [sflag:s4] =	dma.local [hbm:s3], $0xF7A  }
0x26: {  	[smem:$0x3F93] =	sst s1;
	(tag) =	ssettag s2;
	_ =	strace s9  }
0x27: {  	s1 =	sld [smem:$0x3FA3]  }
0x28: {  	s2 =	sld [smem:$0x3FA4]  }
0x29: {  	s4 =	sld [smem:$0x3FA6]  }
0x2a: {  	p0 =	seq.s32 s5, $0x0;
	s5 =	sld [smem:$0x3FA7]  }
0x2b: {  	s6 =	sld [smem:$0x3FA8]  }
0x2c: {  	s7 =	sld [smem:$0x3FA9]  }
0x2d: {  	s3 =	simm.s32 $0x108;
	s8 =	sld [smem:$0x3FAA]  }
0x2e: {  	s3 =	simm.s32 @!p0 $0x1082;
	s9 =	sld [smem:$0x3FAB]  }
0x2f: {  	lr =	sadd.s32 s0, s3;
	s0 =	sld [smem:$0x3FA2]  }
0x30: {  	s3 =	sld [smem:$0x3FA5]  }
0x31: {  	[smem:$0x3FAE] =	sst s10  }
0x32: {  	s10 =	sld [smem:$0x3FAC];
	_ =	sdelay $0x3  }
0x33: {  	p0 =	seq.s32 s10, $0x1;
	s10 =	sld [smem:$0x3FAE];
	_ =	sdelay $0x3  }
0x34: {  	[smem:$0x3FAE] =	sst s10  }
0x35: {  	s10 =	sld [smem:$0x3FAD];
	_ =	sdelay $0x3  }
0x36: {  	p1 =	seq.s32 s10, $0x1;
	s10 =	sld [smem:$0x3FAE];
	_ =	sdelay $0x3  }
0x37: {  	[smem:$0x3FAE] =	sst s10  }
0x38: {  	s10 =	sld [smem:$0x3FAF]  }
0x39: {  	_ = 	snop;
	(pc) =	sbr.ind lr, $3  }
0x3a: {  	_ = 	snop  }
0x3b: {  	_ = 	snop  }
0x3c: {  	p2 =	seq.s32 s10, $0x1;
	s10 =	sld [smem:$0x3FAE]  }
0x3d: {  	_ =	shalt  }
0x3e: {  	_ =	shalt  }
0x3f: {  	_ =	shalt  }
0x40: {  	_ =	shalt  }
0x41: {  	_ =	shalt  }
0x42: {  	_ =	shalt  }
0x43: {  	_ =	shalt  }
0x44: {  	_ =	shalt  }
0x45: {  	_ =	shalt  }
0x46: {  	_ =	shalt  }
0x47: {  	_ =	shalt  }
0x48: {  	_ =	shalt  }
0x49: {  	_ =	shalt  }
0x4a: {  	_ =	shalt  }
0x4b: {  	_ =	shalt  }
0x4c: {  	_ =	shalt  }
0x4d: {  	_ =	shalt  }
0x4e: {  	_ =	shalt  }
0x4f: {  	_ =	shalt  }
0x50: {  	_ =	shalt  }
0x51: {  	_ =	shalt  }
0x52: {  	_ =	shalt  }
0x53: {  	_ =	shalt  }
0x54: {  	_ =	shalt  }
0x55: {  	_ =	shalt  }
0x56: {  	_ =	shalt  }
0x57: {  	_ =	shalt  }
0x58: {  	_ =	shalt  }
0x59: {  	_ =	shalt  }
0x5a: {  	_ =	shalt  }
0x5b: {  	_ =	shalt  }
0x5c: {  	_ =	shalt  }
0x5d: {  	_ =	shalt  }
0x5e: {  	_ =	shalt  }
0x5f: {  	_ =	shalt  }
0x60: {  	_ =	shalt  }
0x61: {  	_ =	shalt  }
0x62: {  	_ =	shalt  }
0x63: {  	_ =	shalt  }
0x64: {  	_ =	shalt  }
0x65: {  	_ =	shalt  }
0x66: {  	_ =	shalt  }
0x67: {  	_ =	shalt  }
0x68: {  	_ =	shalt  }
0x69: {  	_ =	shalt  }
0x6a: {  	_ =	shalt  }
0x6b: {  	_ =	shalt  }
0x6c: {  	_ =	shalt  }
0x6d: {  	_ =	shalt  }
0x6e: {  	_ =	shalt  }
0x6f: {  	_ =	shalt  }
0x70: {  	_ =	shalt  }
0x71: {  	_ =	shalt  }
0x72: {  	_ =	shalt  }
0x73: {  	_ =	shalt  }
0x74: {  	_ =	shalt  }
0x75: {  	_ =	shalt  }
0x76: {  	_ =	shalt  }
0x77: {  	_ =	shalt  }
0x78: {  	_ =	shalt  }
0x79: {  	_ =	shalt  }
0x7a: {  	_ =	shalt  }
0x7b: {  	_ =	shalt  }
0x7c: {  	_ =	shalt  }
0x7d: {  	_ =	shalt  }
0x7e: {  	_ =	shalt  }
0x7f: {  	_ =	shalt  }
0x80: {  	_ =	shalt  }
0x81: {  	_ =	shalt  }
0x82: {  	_ =	shalt  }
0x83: {  	_ =	shalt  }
0x84: {  	_ =	shalt  }
0x85: {  	_ =	shalt  }
0x86: {  	_ =	shalt  }
0x87: {  	_ =	shalt  }
.Lfunc_end0:
.L_simem_size_0:
called_computation_lowered:
.L_overlay_start_0:
0x88: {  	s2 =	sld [smem:$0x3FD9]  }
0x89: {  	s3 =	sld [smem:$0x3FFE];
	_ =	sdelay $0x1  }
0x8a: {  	s1 =	srdreg.scid  }
0x8b: {  	s0 =	sand.u32 $0x1, s1  }
0x8c: {  	s17 =	sshll.u32 s0, $0xA;
	s2 =	sadd.s32 s3, s2  }
0x8d: {  	s2 =	sadd.s32 s2, s17  }
0x8e: {  	[smem:$0x3FBA] =	sst s2  }
0x8f: {  	_ = 	snop  }
0x90: {  	s2 =	sld [smem:$0x3FD0];
	(tm) =	ssettm $0x1  }
0x91: {  	s18 =	sld [smem:$0x3FFB];
	_ =	sdelay $0x3  }
0x92: {  	_ =	strace s18  }
0x93: {  	s3 =	sld [smem:$0x3FFC];
	_ =	sdelay $0x3  }
0x94: {  	_ =	strace s3  }
0x95: {  	s3 =	sld [smem:$0x3FFD];
	_ =	sdelay $0x3  }
0x96: {  	_ =	strace s3  }
0x97: {  	_ =	strace $0x8FFFFFFF  }
0x98: {  	s19 =	sld [smem:$0x3FDB];
	_ =	sdelay $0x1  }
0x99: {  	s4 =	simm.s32 $_scs_section_size  }
0x9a: {  	s5 =	simm.s32 $_size__tile_overlayer_lowered;
	s6 =	simm.s32 $_tile_overlayer_lowered  }
0x9b: {  	s22 =	simm.s32 $0x1BFF;
	s21 =	sshll.u32 s6, $0x1;
	s3 =	sadd.s32 s4, s19  }
0x9c: {  	s7 =	simm.s32 $0x0;
	s20 =	sshll.u32 s5, $0x1;
	s5 =	sadd.s32 s21, s3  }
0x9d: {  	[timem:s7], [sflag:s22] =	dma.local [hbm:s5], s20  }
0x9e: {  	_ =	swait.ge [sflag:s22], s20  }
0x9f: {  	s4 =	ssub.s32 $0x0, s20;
	[sflag:s22] =	ssyncset.done $0x0  }
0xa0: {  	[sflag:s22] =	ssyncadd.s32 s4;
	_ =	sdelay $0x1  }
0xa1: {  	s23 =	simm.s32 $0x1B8B  }
0xa2: {  	_ =	swait.ge [sflag:s23], $0x1  }
0xa3: {  	[sflag:s23] =	ssyncset.done $0x0  }
0xa4: {  	s25 =	simm.s32 $0x1B8E;
	s24 =	sld [smem:$0x3FFE];
	[sflag:s23] =	ssyncadd.s32 $0xFFFFFFFF  }
0xa5: {  	s26 =	simm.s32 $execute0_lowered;
	[smem:$0x3FD2] =	sst s25  }
0xa6: {  	s5 =	sshll.u32 s26, $0x1;
	_ =	strace $0x80000046;
	[dreg:$0x1] =	wrdreg $0xFFFFFFFF  }
0xa7: {  	s28 =	simm.s32 $_size_execute0_lowered;
	s3 =	sadd.s32 s3, s5;
	[dreg:$0x0] =	wrdreg $0x0  }
0xa8: {  	s5 =	sshll.u32 s28, $0x1;
	[dreg:$0x2] =	wrdreg s3  }
0xa9: {  	[dreg:$0x3] =	wrdreg s5  }
0xaa: {  	[dreg:$0x4] =	wrdreg $0xC0  }
0xab: {  	_ =	task [dreg:s7], $0x5FFFF  }
0xac: {  	[dreg:$0x1] =	wrdreg $0xFFFFFFFF  }
0xad: {  	[dreg:$0x0] =	wrdreg $0x60  }
0xae: {  	[dreg:$0x2] =	wrdreg s24  }
0xaf: {  	[dreg:$0x3] =	wrdreg s2  }
0xb0: {  	[dreg:$0x4] =	wrdreg $0xA2000  }
0xb1: {  	[dreg:$0x5] =	wrdreg $0x9  }
0xb2: {  	_ =	task.clear_ibuf [dreg:s7], $0x6FFFF;
	_ =	strace $0x90000046  }
0xb3: {  	s29 =	simm.s32 $0x9;
	_ =	strace $0x80000048  }
0xb4: {  	_ =	swait.ge [sflag:s29], $0x1  }
0xb5: {  	[sflag:s29] =	ssyncadd.s32 $0xFFFFFFFF  }
0xb6: {  	_ =	strace $0x90000048  }
0xb7: {  	_ =	sfence  }
0xb8: {  	s30 =	sld [smem:$0x0];
	_ =	sdelay $0x2  }
0xb9: {  	s31 =	sshll.u32 s1, $0xD;
	s1 =	sshrl.u32 s1, $0x2  }
0xba: {  	s3 =	sand.u32 $0x4000, s31;
	s1 =	sadd.s32 s1, s30  }
0xbb: {  	s0 =	sor.u32 s3, s0;
	s1 =	sshll.u32 s1, $0x11  }
0xbc: {  	s0 =	sor.u32 s1, s0  }
0xbd: {  	s0 =	sadd.s32 $0x8F2B, s0  }
0xbe: {  	[sflag:s0] =	ssyncadd.remote.s32 $0x1  }
0xbf: {  	_ =	sfence.sel $0xFFFF  }
0xc0: {  	[dreg:$0x0] =	wrdreg $0xFFFFFFFF;
	(pc) =	sbr.abs _section_cstart, $3  }
0xc1: {  	[dreg:$0x1] =	wrdreg $0xFFFFFFFF  }
0xc2: {  	_ =	task.clear_ibuf [dreg:s7], $0x2FFFF;
	_ =	strace $0x9FFFFFFF  }
0xc3: {  	(tm) =	ssettm $0x7FFFFFFF  }
tec
execute0_lowered:
.L_overlay_start_1:
0x0: {  	(tag) =	ssettag $0x1  }
0x1: {  	s0 =	rddreg [dreg:$0x0]  }
0x2: {  	s1 =	rddreg [dreg:$0x1]  }
0x3: {  	s2 =	rddreg [dreg:$0x2];
	s3 =	simm.s32 $0x0  }
0x4: {  	s4 =	srdreg.scid;
	s25 =	stileid.u32;
	s18 =	simm.s32 $0x3  }
0x5: {  	s19 =	simm.s32 $0x80;
	s20 =	simm.s32 $0x100;
	s21 =	simm.s32 $0x200  }
0x6: {  	s22 =	simm.s32 $0x180;
	s23 =	simm.s32 $0x4200;
	s24 =	simm.s32 $0x1  }
0x7: {  	s26 =	simm.s32 $0x6200;
	s28 =	simm.s32 $0x4;
	s29 =	simm.s32 $0x0  }
0x8: {  	[smem:$0x7FF] =	sst s3;
	s5 =	sadd.s32 $0x51A00, s0;
	s6 =	sadd.s32 $0x17200, s0  }
0x9: {  	s4 =	sand.u32 $0x1, s4;
	s7 =	sadd.s32 $0x3800, s0;
	s8 =	sadd.s32 $0x2AC00, s0  }
0xa: {  	s12 =	smul.u32 $0x50000, s25;
	s9 =	sadd.s32 $0x9FC00, s0;
	s31 =	sshll.u32 s25, $0x6  }
0xb: {  	p0 =	sgt.u32 s25, $0x7;
	_ =	strace $0x80000047;
	s10 =	ssub.s32 $0x2, s4  }
0xc: {  	s13 =	smul.u32 $0x2710, s4;
	s11 =	sshrl.u32 s10, $0x1;
	s12 =	sshrl.u32 s12, $0x2  }
.Ltmp0:
0xd: {  	s30 =	ssub.s32 s10, s11;
	s11 =	sshll.u32 s25, $0x4;
	(pc) =	sbr.rel .LBB2_1-.Ltmp0, $4  }
0xe: {  	s10 =	smul.u32 $0x280, s25;
	s14 =	sadd.s32 s12, s2;
	s15 =	sor.u32 $0x13800, s11  }
0xf: {  	s12 =	sor.u32 $0x1C03, s31;
	s25 =	simm.s32 $0x2;
	s16 =	sadd.s32 s6, s15  }
0x10: {  	s17 =	sshrl.u32 s14, $0x3;
	s15 =	sadd.s32 s7, s15;
	[dreg:$0x4] =	wrdreg s16  }
0x11: {  	v0 =	vmov s13;
	[dreg:$0x5] =	wrdreg s15;
	s15 =	smul.u32 $0x9C400, s4;
	s16 =	smax.u32 s30, $0x1  }
.LBB2_17:
0x12: {  	s29 =	sadd.s32 $0x1, s29  }
0x13: {  	p1 =	sne.s32 s29, s16  }
.Ltmp1:
0x14: {  	_ = 	snop;
	(pc) =	sbr.rel @!p1 .LBB2_18-.Ltmp1, $1  }
0x15: {  	_ =	sdelay $0x3  }
.LBB2_1:
0x16: {  	[spmem:s17], [sflag:s12] =	dma.local [hbm:s8], $0x2800  }
0x17: {  	_ =	swait.ge [sflag:s18], $0x2800  }
0x18: {  	[sflag:s18] =	ssyncset.done $0x0  }
0x19: {  	[sflag:s18] =	ssyncadd.s32 $0xFFFFD800  }
0x1a: {  	s30 =	simm.s32 $0x0;
	[bflag:$0x0] =	sbarrier.arrive $0xFFFF  }
.LBB2_2:
0x1b: {  	s0 =	sshll.u32 s30, $0x8  }
0x1c: {  	s0 =	sor.u32 s11, s0  }
0x1d: {  	s4 =	sadd.s32 s6, s0  }
0x1e: {  	[tilespmem:s3], [sflag:$0x3] =	stream.linear.gather [hbm4b:s4+s3], $0x80, $0x38;
	[tilespmem:$0x1E200] =	vst v63  }
0x1f: {  	_ =	swait.ge [sflag:s18], $0x80  }
0x20: {  	[sflag:s18] =	ssyncset.done $0x0  }
0x21: {  	s0 =	sadd.s32 s7, s0;
	[sflag:s18] =	ssyncadd.s32 $0xFFFFFF80  }
0x22: {  	[tilespmem:s19], [sflag:$0x3] =	stream.linear.gather [hbm4b:s0+s3], $0x80, $0x38;
	[tilespmem:$0x1E200] =	vst v63  }
0x23: {  	_ =	swait.ge [sflag:s18], $0x80  }
0x24: {  	[sflag:s18] =	ssyncset.done $0x0  }
0x25: {  	[sflag:s18] =	ssyncadd.s32 $0xFFFFFF80  }
0x26: {  	v1 =	vld [tilespmem:$0x0]  }
0x27: {  	v2 =	vld [tilespmem:$0x80]  }
0x28: {  	v3 =	vld [tilespmem:$0x10]  }
0x29: {  	v4 =	vld [tilespmem:$0x90]  }
0x2a: {  	v5 =	vld [tilespmem:$0x20]  }
0x2b: {  	v6 =	vld [tilespmem:$0xA0];
	v1 =	vadd.s32 v0, v1  }
0x2c: {  	[tilespmem:$0x100] =	vst v1;
	v1 =	vadd.s32 v0, v2;
	v2 =	vld [tilespmem:$0x30]  }
0x2d: {  	[tilespmem:$0x180] =	vst v1;
	v1 =	vadd.s32 v0, v3;
	v3 =	vld [tilespmem:$0xB0]  }
0x2e: {  	v58 =	vld [tilespmem:$0x40];
	[tilespmem:$0x110] =	vst v1;
	v1 =	vadd.s32 v0, v4  }
0x2f: {  	v59 =	vld [tilespmem:$0xC0];
	[tilespmem:$0x190] =	vst v1;
	v1 =	vadd.s32 v0, v5  }
0x30: {  	v60 =	vld [tilespmem:$0x50];
	[tilespmem:$0x120] =	vst v1;
	v1 =	vadd.s32 v0, v6  }
0x31: {  	[tilespmem:$0x1A0] =	vst v1;
	v1 =	vadd.s32 v0, v2;
	v2 =	vld [tilespmem:$0xD0]  }
0x32: {  	[tilespmem:$0x130] =	vst v1;
	v1 =	vadd.s32 v0, v3;
	v3 =	vld [tilespmem:$0x60]  }
0x33: {  	v61 =	vld [tilespmem:$0xE0];
	[tilespmem:$0x1B0] =	vst v1;
	v1 =	vadd.s32 v0, v58  }
0x34: {  	v62 =	vld [tilespmem:$0x70];
	[tilespmem:$0x140] =	vst v1;
	v1 =	vadd.s32 v0, v59  }
0x35: {  	v63 =	vld [tilespmem:$0xF0];
	[tilespmem:$0x1C0] =	vst v1;
	v1 =	vadd.s32 v0, v60  }
0x36: {  	[tilespmem:$0x150] =	vst v1;
	v1 =	vadd.s32 v0, v2  }
0x37: {  	[tilespmem:$0x1D0] =	vst v1;
	v1 =	vadd.s32 v0, v3  }
0x38: {  	[tilespmem:$0x160] =	vst v1;
	v1 =	vadd.s32 v0, v61  }
0x39: {  	[tilespmem:$0x1E0] =	vst v1;
	v1 =	vadd.s32 v0, v62  }
0x3a: {  	[tilespmem:$0x170] =	vst v1;
	v1 =	vadd.s32 v0, v63  }
0x3b: {  	[tilespmem:$0x1F0] =	vst v1  }
0x3c: {  	[tilespmem:s21], [sflag:$0x1] =	stream.indirect.gather [hbm4b:s5+s19], $0x80, s20, s19, $0xb8;
	[tilespmem:$0x1E200] =	vst v63  }
0x3d: {  	_ = 	snop  }
0x3e: {  	[tilespmem:s23], [sflag:$0x2] =	stream.indirect.gather [hbm4b:s1+s19], $0x40, s22, s19, $0xb8;
	[tilespmem:$0x1E200] =	vst v63  }
0x3f: {  	_ =	swait.ge [sflag:s24], $0x4000  }
0x40: {  	[sflag:s24] =	ssyncset.done $0x0  }
0x41: {  	[sflag:s24] =	ssyncadd.s32 $0xFFFFC000  }
0x42: {  	_ =	swait.ge [sflag:s25], $0x2000  }
0x43: {  	[sflag:s25] =	ssyncset.done $0x0  }
0x44: {  	s31 =	simm.s32 $0x280;
	[sflag:s25] =	ssyncadd.s32 $0xFFFFE000  }
0x45: {  	s14 =	simm.s32 $0x4240;
	v1 =	vld [tilespmem:s31+$0xFFFFFF80]  }
0x46: {  	v2 =	vld [tilespmem:s14+$0xFFFFFFC0];
	_ =	sdelay $0x4  }
0x47: {  	v1 =	vadd.f32 v2, v1;
	_ =	sdelay $0x1  }
0x48: {  	v2 =	vmul.f32 $2.000000030e-01, v1;
	_ =	sdelay $0x1  }
0x49: {  	v1 =	vmax.f32 v1, v2  }
0x4a: {  	v1 =	vmul.f32 $1.442695020e+00, v1;
	_ =	sdelay $0x1  }
0x4b: {  	(erf) = vpow2.f32 v1;
	_ =	sdelay $0x4  }
0x4c: {  	v1 =	vld [tilespmem:s31+$0xFFFFFFC0];
	_ =	sdelay $0x3  }
0x4d: {  	v2 =	vpop (erf)  }
0x4e: {  	s0 =	simm.s32 $0x6280;
	v1 =	vmul.f32 v2, v1  }
0x4f: {  	[tilespmem:s0+$0xFFFFFFC0] =	vst v2  }
0x50: {  	[tilespmem:s0+$0xFFFFFF80] =	vst v1  }
0x51: {  	v1 =	vld [tilespmem:s31+$0xFFFFFF90]  }
0x52: {  	v2 =	vld [tilespmem:s14+$0xFFFFFFD0];
	_ =	sdelay $0x4  }
0x53: {  	v1 =	vadd.f32 v2, v1;
	_ =	sdelay $0x1  }
0x54: {  	v2 =	vmul.f32 $2.000000030e-01, v1;
	_ =	sdelay $0x1  }
0x55: {  	v1 =	vmax.f32 v1, v2  }
0x56: {  	v1 =	vmul.f32 $1.442695020e+00, v1;
	_ =	sdelay $0x1  }
0x57: {  	(erf) = vpow2.f32 v1;
	_ =	sdelay $0x4  }
0x58: {  	v1 =	vld [tilespmem:s31+$0xFFFFFFD0];
	_ =	sdelay $0x3  }
0x59: {  	v2 =	vpop (erf)  }
0x5a: {  	v1 =	vmul.f32 v2, v1  }
0x5b: {  	[tilespmem:s0+$0xFFFFFFD0] =	vst v2  }
0x5c: {  	[tilespmem:s0+$0xFFFFFF90] =	vst v1  }
0x5d: {  	v1 =	vld [tilespmem:s31+$0xFFFFFFA0]  }
0x5e: {  	v2 =	vld [tilespmem:s14+$0xFFFFFFE0];
	_ =	sdelay $0x4  }
0x5f: {  	v1 =	vadd.f32 v2, v1;
	_ =	sdelay $0x1  }
0x60: {  	v2 =	vmul.f32 $2.000000030e-01, v1;
	_ =	sdelay $0x1  }
0x61: {  	v1 =	vmax.f32 v1, v2  }
0x62: {  	v1 =	vmul.f32 $1.442695020e+00, v1;
	_ =	sdelay $0x1  }
0x63: {  	(erf) = vpow2.f32 v1;
	_ =	sdelay $0x4  }
0x64: {  	v1 =	vld [tilespmem:s31+$0xFFFFFFE0];
	_ =	sdelay $0x3  }
0x65: {  	v2 =	vpop (erf)  }
0x66: {  	v1 =	vmul.f32 v2, v1  }
0x67: {  	[tilespmem:s0+$0xFFFFFFE0] =	vst v2  }
0x68: {  	[tilespmem:s0+$0xFFFFFFA0] =	vst v1  }
0x69: {  	v1 =	vld [tilespmem:s31+$0xFFFFFFB0]  }
0x6a: {  	v2 =	vld [tilespmem:s14+$0xFFFFFFF0];
	_ =	sdelay $0x4  }
0x6b: {  	v1 =	vadd.f32 v2, v1;
	_ =	sdelay $0x1  }
0x6c: {  	v2 =	vmul.f32 $2.000000030e-01, v1;
	_ =	sdelay $0x1  }
0x6d: {  	v1 =	vmax.f32 v1, v2  }
0x6e: {  	v1 =	vmul.f32 $1.442695020e+00, v1;
	_ =	sdelay $0x1  }
0x6f: {  	(erf) = vpow2.f32 v1;
	_ =	sdelay $0x4  }
0x70: {  	v1 =	vld [tilespmem:s31+$0xFFFFFFF0];
	_ =	sdelay $0x3  }
0x71: {  	v2 =	vpop (erf)  }
0x72: {  	v1 =	vmul.f32 v2, v1  }
0x73: {  	[tilespmem:s0+$0xFFFFFFF0] =	vst v2  }
0x74: {  	[tilespmem:s0+$0xFFFFFFB0] =	vst v1  }
0x75: {  	v1 =	vld [tilespmem:s31+$0x0]  }
0x76: {  	v2 =	vld [tilespmem:s14+$0x0];
	_ =	sdelay $0x4  }
0x77: {  	v1 =	vadd.f32 v2, v1;
	_ =	sdelay $0x1  }
0x78: {  	v2 =	vmul.f32 $2.000000030e-01, v1;
	_ =	sdelay $0x1  }
0x79: {  	v1 =	vmax.f32 v1, v2  }
0x7a: {  	v1 =	vmul.f32 $1.442695020e+00, v1;
	_ =	sdelay $0x1  }
0x7b: {  	(erf) = vpow2.f32 v1;
	_ =	sdelay $0x4  }
0x7c: {  	v1 =	vld [tilespmem:s31+$0x40];
	_ =	sdelay $0x3  }
0x7d: {  	v2 =	vpop (erf)  }
0x7e: {  	v1 =	vmul.f32 v2, v1  }
0x7f: {  	[tilespmem:s0+$0x40] =	vst v2  }
0x80: {  	[tilespmem:s0+$0x0] =	vst v1  }
0x81: {  	v1 =	vld [tilespmem:s31+$0x10]  }
0x82: {  	v2 =	vld [tilespmem:s14+$0x10];
	_ =	sdelay $0x4  }
0x83: {  	v1 =	vadd.f32 v2, v1;
	_ =	sdelay $0x1  }
0x84: {  	v2 =	vmul.f32 $2.000000030e-01, v1;
	_ =	sdelay $0x1  }
0x85: {  	v1 =	vmax.f32 v1, v2  }
0x86: {  	v1 =	vmul.f32 $1.442695020e+00, v1;
	_ =	sdelay $0x1  }
0x87: {  	(erf) = vpow2.f32 v1;
	_ =	sdelay $0x4  }
0x88: {  	v1 =	vld [tilespmem:s31+$0x50];
	_ =	sdelay $0x3  }
0x89: {  	v2 =	vpop (erf)  }
0x8a: {  	v1 =	vmul.f32 v2, v1  }
0x8b: {  	[tilespmem:s0+$0x50] =	vst v2  }
0x8c: {  	[tilespmem:s0+$0x10] =	vst v1  }
0x8d: {  	v1 =	vld [tilespmem:s31+$0x20]  }
0x8e: {  	v2 =	vld [tilespmem:s14+$0x20];
	_ =	sdelay $0x4  }
0x8f: {  	v1 =	vadd.f32 v2, v1;
	_ =	sdelay $0x1  }
0x90: {  	v2 =	vmul.f32 $2.000000030e-01, v1;
	_ =	sdelay $0x1  }
0x91: {  	v1 =	vmax.f32 v1, v2  }
0x92: {  	v1 =	vmul.f32 $1.442695020e+00, v1;
	_ =	sdelay $0x1  }
0x93: {  	(erf) = vpow2.f32 v1;
	_ =	sdelay $0x4  }
0x94: {  	v1 =	vld [tilespmem:s31+$0x60];
	_ =	sdelay $0x3  }
0x95: {  	v2 =	vpop (erf)  }
0x96: {  	v1 =	vmul.f32 v2, v1  }
0x97: {  	[tilespmem:s0+$0x60] =	vst v2  }
0x98: {  	[tilespmem:s0+$0x20] =	vst v1  }
0x99: {  	v1 =	vld [tilespmem:s31+$0x30]  }
0x9a: {  	v2 =	vld [tilespmem:s14+$0x30];
	_ =	sdelay $0x4  }
0x9b: {  	v1 =	vadd.f32 v2, v1;
	_ =	sdelay $0x1  }
0x9c: {  	v2 =	vmul.f32 $2.000000030e-01, v1;
	_ =	sdelay $0x1  }
0x9d: {  	v1 =	vmax.f32 v1, v2  }
0x9e: {  	v2 =	vmul.f32 $1.442695020e+00, v1;
	_ =	sdelay $0x1  }
0x9f: {  	(erf) = vpow2.f32 v2;
	_ =	sdelay $0x3  }
0xa0: {  	s13 =	simm.s32 $0x6280;
	s4 =	simm.s32 $0x0;
	s14 =	simm.s32 $0x42C0;
	v1 =	vld [tilespmem:s31+$0x70]  }
.LBB2_3:
0xa1: {  	s4 =	sadd.s32 $0x2, s4;
	s0 =	sadd.s32 $0x100, s0;
	s31 =	sadd.s32 $0x100, s31  }
0xa2: {  	p1 =	slt.u32 s4, $0x7E;
	_ =	sdelay $0x2  }
0xa3: {  	v2 =	vpop (erf)  }
0xa4: {  	v1 =	vmul.f32 v2, v1;
	[tilespmem:s13+$0x70] =	vst v2;
	_ =	sdelay $0x1  }
0xa5: {  	[tilespmem:s13+$0x30] =	vst v1;
	s13 =	smov.u32 s0  }
0xa6: {  	v1 =	vld [tilespmem:s31+$0xFFFFFF80]  }
0xa7: {  	v2 =	vld [tilespmem:s14+$0xFFFFFFC0];
	_ =	sdelay $0x4  }
0xa8: {  	v1 =	vadd.f32 v2, v1;
	_ =	sdelay $0x1  }
0xa9: {  	v2 =	vmul.f32 $2.000000030e-01, v1;
	_ =	sdelay $0x1  }
0xaa: {  	v1 =	vmax.f32 v1, v2  }
0xab: {  	v1 =	vmul.f32 $1.442695020e+00, v1;
	_ =	sdelay $0x1  }
0xac: {  	(erf) = vpow2.f32 v1;
	_ =	sdelay $0x4  }
0xad: {  	v1 =	vld [tilespmem:s31+$0xFFFFFFC0];
	_ =	sdelay $0x3  }
0xae: {  	v2 =	vpop (erf)  }
0xaf: {  	v1 =	vmul.f32 v2, v1  }
0xb0: {  	[tilespmem:s0+$0xFFFFFFC0] =	vst v2  }
0xb1: {  	[tilespmem:s0+$0xFFFFFF80] =	vst v1  }
0xb2: {  	v1 =	vld [tilespmem:s31+$0xFFFFFF90]  }
0xb3: {  	v2 =	vld [tilespmem:s14+$0xFFFFFFD0];
	_ =	sdelay $0x4  }
0xb4: {  	v1 =	vadd.f32 v2, v1;
	_ =	sdelay $0x1  }
0xb5: {  	v2 =	vmul.f32 $2.000000030e-01, v1;
	_ =	sdelay $0x1  }
0xb6: {  	v1 =	vmax.f32 v1, v2  }
0xb7: {  	v1 =	vmul.f32 $1.442695020e+00, v1;
	_ =	sdelay $0x1  }
0xb8: {  	(erf) = vpow2.f32 v1;
	_ =	sdelay $0x4  }
0xb9: {  	v1 =	vld [tilespmem:s31+$0xFFFFFFD0];
	_ =	sdelay $0x3  }
0xba: {  	v2 =	vpop (erf)  }
0xbb: {  	v1 =	vmul.f32 v2, v1  }
0xbc: {  	[tilespmem:s0+$0xFFFFFFD0] =	vst v2  }
0xbd: {  	[tilespmem:s0+$0xFFFFFF90] =	vst v1  }
0xbe: {  	v1 =	vld [tilespmem:s31+$0xFFFFFFA0]  }
0xbf: {  	v2 =	vld [tilespmem:s14+$0xFFFFFFE0];
	_ =	sdelay $0x4  }
0xc0: {  	v1 =	vadd.f32 v2, v1;
	_ =	sdelay $0x1  }
0xc1: {  	v2 =	vmul.f32 $2.000000030e-01, v1;
	_ =	sdelay $0x1  }
0xc2: {  	v1 =	vmax.f32 v1, v2  }
0xc3: {  	v1 =	vmul.f32 $1.442695020e+00, v1;
	_ =	sdelay $0x1  }
0xc4: {  	(erf) = vpow2.f32 v1;
	_ =	sdelay $0x2  }
0xc5: {  	v1 =	vld [tilespmem:s31+$0xFFFFFFE0];
	_ =	sdelay $0x5  }
0xc6: {  	v2 =	vpop (erf)  }
0xc7: {  	v1 =	vmul.f32 v2, v1;
	[tilespmem:s0+$0xFFFFFFE0] =	vst v2;
	_ =	sdelay $0x1  }
0xc8: {  	[tilespmem:s0+$0xFFFFFFA0] =	vst v1  }
0xc9: {  	v1 =	vld [tilespmem:s31+$0xFFFFFFB0]  }
0xca: {  	v2 =	vld [tilespmem:s14+$0xFFFFFFF0];
	_ =	sdelay $0x4  }
0xcb: {  	v1 =	vadd.f32 v2, v1;
	_ =	sdelay $0x1  }
0xcc: {  	v2 =	vmul.f32 $2.000000030e-01, v1;
	_ =	sdelay $0x1  }
0xcd: {  	v1 =	vmax.f32 v1, v2  }
0xce: {  	v1 =	vmul.f32 $1.442695020e+00, v1;
	_ =	sdelay $0x1  }
0xcf: {  	(erf) = vpow2.f32 v1;
	_ =	sdelay $0x1  }
0xd0: {  	v1 =	vld [tilespmem:s31+$0xFFFFFFF0];
	_ =	sdelay $0x6  }
0xd1: {  	v2 =	vpop (erf)  }
0xd2: {  	v1 =	vmul.f32 v2, v1;
	[tilespmem:s0+$0xFFFFFFF0] =	vst v2;
	_ =	sdelay $0x1  }
0xd3: {  	[tilespmem:s0+$0xFFFFFFB0] =	vst v1  }
0xd4: {  	v1 =	vld [tilespmem:s31+$0x0]  }
0xd5: {  	v2 =	vld [tilespmem:s14+$0x0];
	_ =	sdelay $0x4  }
0xd6: {  	v1 =	vadd.f32 v2, v1;
	_ =	sdelay $0x1  }
0xd7: {  	v2 =	vmul.f32 $2.000000030e-01, v1;
	_ =	sdelay $0x1  }
0xd8: {  	v1 =	vmax.f32 v1, v2  }
0xd9: {  	v1 =	vmul.f32 $1.442695020e+00, v1;
	_ =	sdelay $0x1  }
0xda: {  	(erf) = vpow2.f32 v1  }
0xdb: {  	v1 =	vld [tilespmem:s31+$0x40];
	_ =	sdelay $0x7  }
0xdc: {  	v2 =	vpop (erf)  }
0xdd: {  	v1 =	vmul.f32 v2, v1;
	[tilespmem:s0+$0x40] =	vst v2;
	_ =	sdelay $0x1  }
0xde: {  	[tilespmem:s0+$0x0] =	vst v1  }
0xdf: {  	v1 =	vld [tilespmem:s31+$0x10]  }
0xe0: {  	v2 =	vld [tilespmem:s14+$0x10]  }
0xe1: {  	v3 =	vld [tilespmem:s31+$0x50];
	_ =	sdelay $0x3  }
0xe2: {  	v1 =	vadd.f32 v2, v1;
	_ =	sdelay $0x1  }
0xe3: {  	v2 =	vmul.f32 $2.000000030e-01, v1;
	_ =	sdelay $0x1  }
0xe4: {  	v1 =	vmax.f32 v1, v2  }
0xe5: {  	v1 =	vmul.f32 $1.442695020e+00, v1;
	_ =	sdelay $0x1  }
0xe6: {  	(erf) = vpow2.f32 v1;
	_ =	sdelay $0x8  }
0xe7: {  	v1 =	vpop (erf)  }
0xe8: {  	v2 =	vmul.f32 v1, v3;
	[tilespmem:s0+$0x50] =	vst v1;
	_ =	sdelay $0x1  }
0xe9: {  	[tilespmem:s0+$0x10] =	vst v2  }
0xea: {  	v1 =	vld [tilespmem:s31+$0x20]  }
0xeb: {  	v2 =	vld [tilespmem:s14+$0x20]  }
0xec: {  	v3 =	vld [tilespmem:s31+$0x60];
	_ =	sdelay $0x3  }
0xed: {  	v1 =	vadd.f32 v2, v1;
	_ =	sdelay $0x1  }
0xee: {  	v2 =	vmul.f32 $2.000000030e-01, v1;
	_ =	sdelay $0x1  }
0xef: {  	v1 =	vmax.f32 v1, v2  }
0xf0: {  	v1 =	vmul.f32 $1.442695020e+00, v1;
	_ =	sdelay $0x1  }
0xf1: {  	(erf) = vpow2.f32 v1;
	_ =	sdelay $0x8  }
0xf2: {  	v1 =	vpop (erf)  }
0xf3: {  	v2 =	vmul.f32 v1, v3;
	[tilespmem:s0+$0x60] =	vst v1;
	_ =	sdelay $0x1  }
0xf4: {  	[tilespmem:s0+$0x20] =	vst v2  }
0xf5: {  	v2 =	vld [tilespmem:s31+$0x30]  }
0xf6: {  	v3 =	vld [tilespmem:s14+$0x30]  }
0xf7: {  	v1 =	vld [tilespmem:s31+$0x70];
	_ =	sdelay $0x3  }
0xf8: {  	v2 =	vadd.f32 v3, v2;
	_ =	sdelay $0x1  }
0xf9: {  	v3 =	vmul.f32 $2.000000030e-01, v2;
	_ =	sdelay $0x1  }
0xfa: {  	v2 =	vmax.f32 v2, v3  }
0xfb: {  	v2 =	vmul.f32 $1.442695020e+00, v2;
	_ =	sdelay $0x1  }
.Ltmp2:
0xfc: {  	(erf) = vpow2.f32 v2;
	(pc) =	sbr.rel @p1 .LBB2_3-.Ltmp2, $2  }
0xfd: {  	_ =	sdelay $0x2  }
0xfe: {  	s14 =	sadd.s32 $0x80, s14  }
0xff: {  	_ =	sdelay $0x3  }
0x100: {  	v2 =	vpop (erf)  }
0x101: {  	s30 =	sadd.s32 $0x1, s30;
	v1 =	vmul.f32 v2, v1  }
0x102: {  	p1 =	sne.s32 s30, $0x138;
	[tilespmem:s13+$0x70] =	vst v2  }
.Ltmp3:
0x103: {  	[tilespmem:s13+$0x30] =	vst v1;
	(pc) =	sbr.rel @p1 .LBB2_2-.Ltmp3, $4  }
0x104: {  	[spmem:s2] =	stream.indirect.scatter.add.f32 [tilespmem:s26], [sflag:$0x3], $0x80, s19, s19, $0xb8;
	[tilespmem:$0x1E200] =	vst v63  }
0x105: {  	_ =	swait.ge [sflag:s18], $0x4000  }
0x106: {  	[sflag:s18] =	ssyncset.done $0x0  }
0x107: {  	[sflag:s18] =	ssyncadd.s32 $0xFFFFC000  }
.Ltmp4:
0x108: {  	(pc) =	sbr.rel @p0 .LBB2_9-.Ltmp4, $1  }
0x109: {  	_ =	sdelay $0x3  }
0x10a: {  	s0 =	rddreg [dreg:$0x4]  }
0x10b: {  	[tilespmem:s3], [sflag:$0x3] =	stream.linear.gather [hbm4b:s0+s3], $0x80, $0x38;
	[tilespmem:$0x1E200] =	vst v63  }
0x10c: {  	_ =	swait.ge [sflag:s18], $0x80  }
0x10d: {  	[sflag:s18] =	ssyncset.done $0x0  }
0x10e: {  	s31 =	rddreg [dreg:$0x5];
	[sflag:s18] =	ssyncadd.s32 $0xFFFFFF80  }
0x10f: {  	[tilespmem:s19], [sflag:$0x3] =	stream.linear.gather [hbm4b:s31+s3], $0x80, $0x38;
	[tilespmem:$0x1E200] =	vst v63  }
0x110: {  	_ =	swait.ge [sflag:s18], $0x80  }
0x111: {  	[sflag:s18] =	ssyncset.done $0x0  }
0x112: {  	[sflag:s18] =	ssyncadd.s32 $0xFFFFFF80  }
0x113: {  	v1 =	vld [tilespmem:$0x0]  }
0x114: {  	v2 =	vld [tilespmem:$0x80]  }
0x115: {  	v3 =	vld [tilespmem:$0x10]  }
0x116: {  	v4 =	vld [tilespmem:$0x90]  }
0x117: {  	v5 =	vld [tilespmem:$0x20]  }
0x118: {  	v6 =	vld [tilespmem:$0xA0];
	v1 =	vadd.s32 v0, v1  }
0x119: {  	[tilespmem:$0x100] =	vst v1;
	v1 =	vadd.s32 v0, v2;
	v2 =	vld [tilespmem:$0x30]  }
0x11a: {  	[tilespmem:$0x180] =	vst v1;
	v1 =	vadd.s32 v0, v3;
	v3 =	vld [tilespmem:$0xB0]  }
0x11b: {  	v58 =	vld [tilespmem:$0x40];
	[tilespmem:$0x110] =	vst v1;
	v1 =	vadd.s32 v0, v4  }
0x11c: {  	v59 =	vld [tilespmem:$0xC0];
	[tilespmem:$0x190] =	vst v1;
	v1 =	vadd.s32 v0, v5  }
0x11d: {  	v60 =	vld [tilespmem:$0x50];
	[tilespmem:$0x120] =	vst v1;
	v1 =	vadd.s32 v0, v6  }
0x11e: {  	[tilespmem:$0x1A0] =	vst v1;
	v1 =	vadd.s32 v0, v2;
	v2 =	vld [tilespmem:$0xD0]  }
0x11f: {  	[tilespmem:$0x130] =	vst v1;
	v1 =	vadd.s32 v0, v3;
	v3 =	vld [tilespmem:$0x60]  }
0x120: {  	v61 =	vld [tilespmem:$0xE0];
	[tilespmem:$0x1B0] =	vst v1;
	v1 =	vadd.s32 v0, v58  }
0x121: {  	v62 =	vld [tilespmem:$0x70];
	[tilespmem:$0x140] =	vst v1;
	v1 =	vadd.s32 v0, v59  }
0x122: {  	v63 =	vld [tilespmem:$0xF0];
	[tilespmem:$0x1C0] =	vst v1;
	v1 =	vadd.s32 v0, v60  }
0x123: {  	[tilespmem:$0x150] =	vst v1;
	v1 =	vadd.s32 v0, v2  }
0x124: {  	[tilespmem:$0x1D0] =	vst v1;
	v1 =	vadd.s32 v0, v3  }
0x125: {  	[tilespmem:$0x160] =	vst v1;
	v1 =	vadd.s32 v0, v61  }
0x126: {  	[tilespmem:$0x1E0] =	vst v1;
	v1 =	vadd.s32 v0, v62  }
0x127: {  	[tilespmem:$0x170] =	vst v1;
	v1 =	vadd.s32 v0, v63  }
0x128: {  	[tilespmem:$0x1F0] =	vst v1  }
0x129: {  	[tilespmem:s21], [sflag:$0x1] =	stream.indirect.gather [hbm4b:s5+s19], $0x80, s20, s19, $0xb8;
	[tilespmem:$0x1E200] =	vst v63  }
0x12a: {  	_ = 	snop  }
0x12b: {  	[tilespmem:s23], [sflag:$0x2] =	stream.indirect.gather [hbm4b:s1+s19], $0x40, s22, s19, $0xb8;
	[tilespmem:$0x1E200] =	vst v63  }
0x12c: {  	_ =	swait.ge [sflag:s24], $0x4000  }
0x12d: {  	[sflag:s24] =	ssyncset.done $0x0  }
0x12e: {  	[sflag:s24] =	ssyncadd.s32 $0xFFFFC000  }
0x12f: {  	_ =	swait.ge [sflag:s25], $0x2000  }
0x130: {  	[sflag:s25] =	ssyncset.done $0x0  }
0x131: {  	s30 =	simm.s32 $0x280;
	[sflag:s25] =	ssyncadd.s32 $0xFFFFE000  }
0x132: {  	s4 =	simm.s32 $0x4240;
	v1 =	vld [tilespmem:s30+$0xFFFFFF80]  }
0x133: {  	v2 =	vld [tilespmem:s4+$0xFFFFFFC0];
	_ =	sdelay $0x4  }
0x134: {  	v1 =	vadd.f32 v2, v1;
	_ =	sdelay $0x1  }
0x135: {  	v2 =	vmul.f32 $2.000000030e-01, v1;
	_ =	sdelay $0x1  }
0x136: {  	v1 =	vmax.f32 v1, v2  }
0x137: {  	v1 =	vmul.f32 $1.442695020e+00, v1;
	_ =	sdelay $0x1  }
0x138: {  	(erf) = vpow2.f32 v1;
	_ =	sdelay $0x4  }
0x139: {  	v1 =	vld [tilespmem:s30+$0xFFFFFFC0];
	_ =	sdelay $0x3  }
0x13a: {  	v2 =	vpop (erf)  }
0x13b: {  	s0 =	simm.s32 $0x6280;
	v1 =	vmul.f32 v2, v1  }
0x13c: {  	[tilespmem:s0+$0xFFFFFFC0] =	vst v2  }
0x13d: {  	[tilespmem:s0+$0xFFFFFF80] =	vst v1  }
0x13e: {  	v1 =	vld [tilespmem:s30+$0xFFFFFF90]  }
0x13f: {  	v2 =	vld [tilespmem:s4+$0xFFFFFFD0];
	_ =	sdelay $0x4  }
0x140: {  	v1 =	vadd.f32 v2, v1;
	_ =	sdelay $0x1  }
0x141: {  	v2 =	vmul.f32 $2.000000030e-01, v1;
	_ =	sdelay $0x1  }
0x142: {  	v1 =	vmax.f32 v1, v2  }
0x143: {  	v1 =	vmul.f32 $1.442695020e+00, v1;
	_ =	sdelay $0x1  }
0x144: {  	(erf) = vpow2.f32 v1;
	_ =	sdelay $0x4  }
0x145: {  	v1 =	vld [tilespmem:s30+$0xFFFFFFD0];
	_ =	sdelay $0x3  }
0x146: {  	v2 =	vpop (erf)  }
0x147: {  	v1 =	vmul.f32 v2, v1  }
0x148: {  	[tilespmem:s0+$0xFFFFFFD0] =	vst v2  }
0x149: {  	[tilespmem:s0+$0xFFFFFF90] =	vst v1  }
0x14a: {  	v1 =	vld [tilespmem:s30+$0xFFFFFFA0]  }
0x14b: {  	v2 =	vld [tilespmem:s4+$0xFFFFFFE0];
	_ =	sdelay $0x4  }
0x14c: {  	v1 =	vadd.f32 v2, v1;
	_ =	sdelay $0x1  }
0x14d: {  	v2 =	vmul.f32 $2.000000030e-01, v1;
	_ =	sdelay $0x1  }
0x14e: {  	v1 =	vmax.f32 v1, v2  }
0x14f: {  	v1 =	vmul.f32 $1.442695020e+00, v1;
	_ =	sdelay $0x1  }
0x150: {  	(erf) = vpow2.f32 v1;
	_ =	sdelay $0x4  }
0x151: {  	v1 =	vld [tilespmem:s30+$0xFFFFFFE0];
	_ =	sdelay $0x3  }
0x152: {  	v2 =	vpop (erf)  }
0x153: {  	v1 =	vmul.f32 v2, v1  }
0x154: {  	[tilespmem:s0+$0xFFFFFFE0] =	vst v2  }
0x155: {  	[tilespmem:s0+$0xFFFFFFA0] =	vst v1  }
0x156: {  	v1 =	vld [tilespmem:s30+$0xFFFFFFB0]  }
0x157: {  	v2 =	vld [tilespmem:s4+$0xFFFFFFF0];
	_ =	sdelay $0x4  }
0x158: {  	v1 =	vadd.f32 v2, v1;
	_ =	sdelay $0x1  }
0x159: {  	v2 =	vmul.f32 $2.000000030e-01, v1;
	_ =	sdelay $0x1  }
0x15a: {  	v1 =	vmax.f32 v1, v2  }
0x15b: {  	v1 =	vmul.f32 $1.442695020e+00, v1;
	_ =	sdelay $0x1  }
0x15c: {  	(erf) = vpow2.f32 v1;
	_ =	sdelay $0x4  }
0x15d: {  	v1 =	vld [tilespmem:s30+$0xFFFFFFF0];
	_ =	sdelay $0x3  }
0x15e: {  	v2 =	vpop (erf)  }
0x15f: {  	v1 =	vmul.f32 v2, v1  }
0x160: {  	[tilespmem:s0+$0xFFFFFFF0] =	vst v2  }
0x161: {  	[tilespmem:s0+$0xFFFFFFB0] =	vst v1  }
0x162: {  	v1 =	vld [tilespmem:s30+$0x0]  }
0x163: {  	v2 =	vld [tilespmem:s4+$0x0];
	_ =	sdelay $0x4  }
0x164: {  	v1 =	vadd.f32 v2, v1;
	_ =	sdelay $0x1  }
0x165: {  	v2 =	vmul.f32 $2.000000030e-01, v1;
	_ =	sdelay $0x1  }
0x166: {  	v1 =	vmax.f32 v1, v2  }
0x167: {  	v1 =	vmul.f32 $1.442695020e+00, v1;
	_ =	sdelay $0x1  }
0x168: {  	(erf) = vpow2.f32 v1;
	_ =	sdelay $0x4  }
0x169: {  	v1 =	vld [tilespmem:s30+$0x40];
	_ =	sdelay $0x3  }
0x16a: {  	v2 =	vpop (erf)  }
0x16b: {  	v1 =	vmul.f32 v2, v1  }
0x16c: {  	[tilespmem:s0+$0x40] =	vst v2  }
0x16d: {  	[tilespmem:s0+$0x0] =	vst v1  }
0x16e: {  	v1 =	vld [tilespmem:s30+$0x10]  }
0x16f: {  	v2 =	vld [tilespmem:s4+$0x10];
	_ =	sdelay $0x4  }
0x170: {  	v1 =	vadd.f32 v2, v1;
	_ =	sdelay $0x1  }
0x171: {  	v2 =	vmul.f32 $2.000000030e-01, v1;
	_ =	sdelay $0x1  }
0x172: {  	v1 =	vmax.f32 v1, v2  }
0x173: {  	v1 =	vmul.f32 $1.442695020e+00, v1;
	_ =	sdelay $0x1  }
0x174: {  	(erf) = vpow2.f32 v1;
	_ =	sdelay $0x4  }
0x175: {  	v1 =	vld [tilespmem:s30+$0x50];
	_ =	sdelay $0x3  }
0x176: {  	v2 =	vpop (erf)  }
0x177: {  	v1 =	vmul.f32 v2, v1  }
0x178: {  	[tilespmem:s0+$0x50] =	vst v2  }
0x179: {  	[tilespmem:s0+$0x10] =	vst v1  }
0x17a: {  	v1 =	vld [tilespmem:s30+$0x20]  }
0x17b: {  	v2 =	vld [tilespmem:s4+$0x20];
	_ =	sdelay $0x4  }
0x17c: {  	v1 =	vadd.f32 v2, v1;
	_ =	sdelay $0x1  }
0x17d: {  	v2 =	vmul.f32 $2.000000030e-01, v1;
	_ =	sdelay $0x1  }
0x17e: {  	v1 =	vmax.f32 v1, v2  }
0x17f: {  	v1 =	vmul.f32 $1.442695020e+00, v1;
	_ =	sdelay $0x1  }
0x180: {  	(erf) = vpow2.f32 v1;
	_ =	sdelay $0x4  }
0x181: {  	v1 =	vld [tilespmem:s30+$0x60];
	_ =	sdelay $0x3  }
0x182: {  	v2 =	vpop (erf)  }
0x183: {  	v1 =	vmul.f32 v2, v1  }
0x184: {  	[tilespmem:s0+$0x60] =	vst v2  }
0x185: {  	[tilespmem:s0+$0x20] =	vst v1  }
0x186: {  	v1 =	vld [tilespmem:s30+$0x30]  }
0x187: {  	v2 =	vld [tilespmem:s4+$0x30];
	_ =	sdelay $0x4  }
0x188: {  	v1 =	vadd.f32 v2, v1;
	_ =	sdelay $0x1  }
0x189: {  	v2 =	vmul.f32 $2.000000030e-01, v1;
	_ =	sdelay $0x1  }
0x18a: {  	v1 =	vmax.f32 v1, v2  }
0x18b: {  	v2 =	vmul.f32 $1.442695020e+00, v1;
	_ =	sdelay $0x1  }
0x18c: {  	(erf) = vpow2.f32 v2;
	_ =	sdelay $0x3  }
0x18d: {  	s14 =	simm.s32 $0x42C0;
	s13 =	simm.s32 $0x6280;
	s4 =	simm.s32 $0x0;
	v1 =	vld [tilespmem:s30+$0x70]  }
.LBB2_7:
0x18e: {  	s4 =	sadd.s32 $0x2, s4;
	s0 =	sadd.s32 $0x100, s0;
	s30 =	sadd.s32 $0x100, s30  }
0x18f: {  	p1 =	slt.u32 s4, $0x7E;
	_ =	sdelay $0x2  }
0x190: {  	v2 =	vpop (erf)  }
0x191: {  	v1 =	vmul.f32 v2, v1;
	[tilespmem:s13+$0x70] =	vst v2;
	_ =	sdelay $0x1  }
0x192: {  	[tilespmem:s13+$0x30] =	vst v1;
	s13 =	smov.u32 s0  }
0x193: {  	v1 =	vld [tilespmem:s30+$0xFFFFFF80]  }
0x194: {  	v2 =	vld [tilespmem:s14+$0xFFFFFFC0];
	_ =	sdelay $0x4  }
0x195: {  	v1 =	vadd.f32 v2, v1;
	_ =	sdelay $0x1  }
0x196: {  	v2 =	vmul.f32 $2.000000030e-01, v1;
	_ =	sdelay $0x1  }
0x197: {  	v1 =	vmax.f32 v1, v2  }
0x198: {  	v1 =	vmul.f32 $1.442695020e+00, v1;
	_ =	sdelay $0x1  }
0x199: {  	(erf) = vpow2.f32 v1;
	_ =	sdelay $0x4  }
0x19a: {  	v1 =	vld [tilespmem:s30+$0xFFFFFFC0];
	_ =	sdelay $0x3  }
0x19b: {  	v2 =	vpop (erf)  }
0x19c: {  	v1 =	vmul.f32 v2, v1  }
0x19d: {  	[tilespmem:s0+$0xFFFFFFC0] =	vst v2  }
0x19e: {  	[tilespmem:s0+$0xFFFFFF80] =	vst v1  }
0x19f: {  	v1 =	vld [tilespmem:s30+$0xFFFFFF90]  }
0x1a0: {  	v2 =	vld [tilespmem:s14+$0xFFFFFFD0];
	_ =	sdelay $0x4  }
0x1a1: {  	v1 =	vadd.f32 v2, v1;
	_ =	sdelay $0x1  }
0x1a2: {  	v2 =	vmul.f32 $2.000000030e-01, v1;
	_ =	sdelay $0x1  }
0x1a3: {  	v1 =	vmax.f32 v1, v2  }
0x1a4: {  	v1 =	vmul.f32 $1.442695020e+00, v1;
	_ =	sdelay $0x1  }
0x1a5: {  	(erf) = vpow2.f32 v1;
	_ =	sdelay $0x4  }
0x1a6: {  	v1 =	vld [tilespmem:s30+$0xFFFFFFD0];
	_ =	sdelay $0x3  }
0x1a7: {  	v2 =	vpop (erf)  }
0x1a8: {  	v1 =	vmul.f32 v2, v1  }
0x1a9: {  	[tilespmem:s0+$0xFFFFFFD0] =	vst v2  }
0x1aa: {  	[tilespmem:s0+$0xFFFFFF90] =	vst v1  }
0x1ab: {  	v1 =	vld [tilespmem:s30+$0xFFFFFFA0]  }
0x1ac: {  	v2 =	vld [tilespmem:s14+$0xFFFFFFE0];
	_ =	sdelay $0x4  }
0x1ad: {  	v1 =	vadd.f32 v2, v1;
	_ =	sdelay $0x1  }
0x1ae: {  	v2 =	vmul.f32 $2.000000030e-01, v1;
	_ =	sdelay $0x1  }
0x1af: {  	v1 =	vmax.f32 v1, v2  }
0x1b0: {  	v1 =	vmul.f32 $1.442695020e+00, v1;
	_ =	sdelay $0x1  }
0x1b1: {  	(erf) = vpow2.f32 v1;
	_ =	sdelay $0x2  }
0x1b2: {  	v1 =	vld [tilespmem:s30+$0xFFFFFFE0];
	_ =	sdelay $0x5  }
0x1b3: {  	v2 =	vpop (erf)  }
0x1b4: {  	v1 =	vmul.f32 v2, v1;
	[tilespmem:s0+$0xFFFFFFE0] =	vst v2;
	_ =	sdelay $0x1  }
0x1b5: {  	[tilespmem:s0+$0xFFFFFFA0] =	vst v1  }
0x1b6: {  	v1 =	vld [tilespmem:s30+$0xFFFFFFB0]  }
0x1b7: {  	v2 =	vld [tilespmem:s14+$0xFFFFFFF0];
	_ =	sdelay $0x4  }
0x1b8: {  	v1 =	vadd.f32 v2, v1;
	_ =	sdelay $0x1  }
0x1b9: {  	v2 =	vmul.f32 $2.000000030e-01, v1;
	_ =	sdelay $0x1  }
0x1ba: {  	v1 =	vmax.f32 v1, v2  }
0x1bb: {  	v1 =	vmul.f32 $1.442695020e+00, v1;
	_ =	sdelay $0x1  }
0x1bc: {  	(erf) = vpow2.f32 v1;
	_ =	sdelay $0x1  }
0x1bd: {  	v1 =	vld [tilespmem:s30+$0xFFFFFFF0];
	_ =	sdelay $0x6  }
0x1be: {  	v2 =	vpop (erf)  }
0x1bf: {  	v1 =	vmul.f32 v2, v1;
	[tilespmem:s0+$0xFFFFFFF0] =	vst v2;
	_ =	sdelay $0x1  }
0x1c0: {  	[tilespmem:s0+$0xFFFFFFB0] =	vst v1  }
0x1c1: {  	v1 =	vld [tilespmem:s30+$0x0]  }
0x1c2: {  	v2 =	vld [tilespmem:s14+$0x0];
	_ =	sdelay $0x4  }
0x1c3: {  	v1 =	vadd.f32 v2, v1;
	_ =	sdelay $0x1  }
0x1c4: {  	v2 =	vmul.f32 $2.000000030e-01, v1;
	_ =	sdelay $0x1  }
0x1c5: {  	v1 =	vmax.f32 v1, v2  }
0x1c6: {  	v1 =	vmul.f32 $1.442695020e+00, v1;
	_ =	sdelay $0x1  }
0x1c7: {  	(erf) = vpow2.f32 v1  }
0x1c8: {  	v1 =	vld [tilespmem:s30+$0x40];
	_ =	sdelay $0x7  }
0x1c9: {  	v2 =	vpop (erf)  }
0x1ca: {  	v1 =	vmul.f32 v2, v1;
	[tilespmem:s0+$0x40] =	vst v2;
	_ =	sdelay $0x1  }
0x1cb: {  	[tilespmem:s0+$0x0] =	vst v1  }
0x1cc: {  	v1 =	vld [tilespmem:s30+$0x10]  }
0x1cd: {  	v2 =	vld [tilespmem:s14+$0x10]  }
0x1ce: {  	v3 =	vld [tilespmem:s30+$0x50];
	_ =	sdelay $0x3  }
0x1cf: {  	v1 =	vadd.f32 v2, v1;
	_ =	sdelay $0x1  }
0x1d0: {  	v2 =	vmul.f32 $2.000000030e-01, v1;
	_ =	sdelay $0x1  }
0x1d1: {  	v1 =	vmax.f32 v1, v2  }
0x1d2: {  	v1 =	vmul.f32 $1.442695020e+00, v1;
	_ =	sdelay $0x1  }
0x1d3: {  	(erf) = vpow2.f32 v1;
	_ =	sdelay $0x8  }
0x1d4: {  	v1 =	vpop (erf)  }
0x1d5: {  	v2 =	vmul.f32 v1, v3;
	[tilespmem:s0+$0x50] =	vst v1;
	_ =	sdelay $0x1  }
0x1d6: {  	[tilespmem:s0+$0x10] =	vst v2  }
0x1d7: {  	v1 =	vld [tilespmem:s30+$0x20]  }
0x1d8: {  	v2 =	vld [tilespmem:s14+$0x20]  }
0x1d9: {  	v3 =	vld [tilespmem:s30+$0x60];
	_ =	sdelay $0x3  }
0x1da: {  	v1 =	vadd.f32 v2, v1;
	_ =	sdelay $0x1  }
0x1db: {  	v2 =	vmul.f32 $2.000000030e-01, v1;
	_ =	sdelay $0x1  }
0x1dc: {  	v1 =	vmax.f32 v1, v2  }
0x1dd: {  	v1 =	vmul.f32 $1.442695020e+00, v1;
	_ =	sdelay $0x1  }
0x1de: {  	(erf) = vpow2.f32 v1;
	_ =	sdelay $0x8  }
0x1df: {  	v1 =	vpop (erf)  }
0x1e0: {  	v2 =	vmul.f32 v1, v3;
	[tilespmem:s0+$0x60] =	vst v1;
	_ =	sdelay $0x1  }
0x1e1: {  	[tilespmem:s0+$0x20] =	vst v2  }
0x1e2: {  	v2 =	vld [tilespmem:s30+$0x30]  }
0x1e3: {  	v3 =	vld [tilespmem:s14+$0x30]  }
0x1e4: {  	v1 =	vld [tilespmem:s30+$0x70];
	_ =	sdelay $0x3  }
0x1e5: {  	v2 =	vadd.f32 v3, v2;
	_ =	sdelay $0x1  }
0x1e6: {  	v3 =	vmul.f32 $2.000000030e-01, v2;
	_ =	sdelay $0x1  }
0x1e7: {  	v2 =	vmax.f32 v2, v3  }
0x1e8: {  	v2 =	vmul.f32 $1.442695020e+00, v2;
	_ =	sdelay $0x1  }
.Ltmp5:
0x1e9: {  	(erf) = vpow2.f32 v2;
	(pc) =	sbr.rel @p1 .LBB2_7-.Ltmp5, $2  }
0x1ea: {  	_ =	sdelay $0x2  }
0x1eb: {  	s14 =	sadd.s32 $0x80, s14  }
0x1ec: {  	_ =	sdelay $0x3  }
0x1ed: {  	v2 =	vpop (erf)  }
0x1ee: {  	v1 =	vmul.f32 v2, v1  }
0x1ef: {  	[tilespmem:s13+$0x70] =	vst v2  }
0x1f0: {  	[tilespmem:s13+$0x30] =	vst v1  }
0x1f1: {  	[spmem:s2] =	stream.indirect.scatter.add.f32 [tilespmem:s26], [sflag:$0x3], $0x80, s19, s19, $0xb8;
	[tilespmem:$0x1E200] =	vst v63  }
0x1f2: {  	_ =	swait.ge [sflag:s18], $0x4000  }
0x1f3: {  	[sflag:s18] =	ssyncset.done $0x0  }
0x1f4: {  	[sflag:s18] =	ssyncadd.s32 $0xFFFFC000  }
.LBB2_9:
.Ltmp6:
0x1f5: {  	(pc) =	sbr.rel .LBB2_10-.Ltmp6, $3  }
0x1f6: {  	_ =	sdelay $0x1  }
0x1f7: {  	[bflag:$0x0] =	sbarrier.arrive $0xFFFF  }
0x1f8: {  	s0 =	simm.s32 $0x0  }
.LBB2_16:
0x1f9: {  	s0 =	sadd.s32 $0x1, s0  }
0x1fa: {  	p1 =	sne.s32 s0, $0x8  }
.Ltmp7:
0x1fb: {  	_ = 	snop;
	(pc) =	sbr.rel @!p1 .LBB2_17-.Ltmp7, $1  }
0x1fc: {  	_ =	sdelay $0x3  }
.LBB2_10:
0x1fd: {  	s4 =	smul.u32 $0x50, s0;
	_ =	sdelay $0x1  }
0x1fe: {  	s4 =	sadd.s32 s10, s4  }
0x1ff: {  	p1 =	sgt.u32 s4, $0x270F  }
.Ltmp8:
0x200: {  	_ = 	snop;
	(pc) =	sbr.rel @p1 .LBB2_16-.Ltmp8, $1  }
0x201: {  	_ =	sdelay $0x3  }
0x202: {  	s13 =	sshll.u32 s4, $0x7  }
0x203: {  	s13 =	sand.u32 $0x3FFFFF80, s13  }
0x204: {  	s13 =	sadd.s32 s13, s2  }
0x205: {  	[tilespmem:s21], [sflag:$0x4] =	stream.linear.gather [spmem:s13], $0x2800, $0x38;
	[tilespmem:$0x1E200] =	vst v63  }
0x206: {  	_ =	swait.ge [sflag:s28], $0x2800  }
0x207: {  	[sflag:s28] =	ssyncset.done $0x0  }
0x208: {  	s13 =	simm.s32 $0x280;
	[sflag:s28] =	ssyncadd.s32 $0xFFFFD800  }
0x209: {  	v1 =	vld [tilespmem:s13+$0xFFFFFFC0];
	_ =	sdelay $0x4  }
0x20a: {  	v1 =	vadd.f32 $1.000000020e-16, v1;
	_ =	sdelay $0x1  }
0x20b: {  	(erf) = vrcp.f32 v1;
	_ =	sdelay $0x4  }
0x20c: {  	v1 =	vld [tilespmem:s13+$0xFFFFFF80];
	_ =	sdelay $0x3  }
0x20d: {  	v2 =	vpop (erf)  }
0x20e: {  	v1 =	vmul.f32 v2, v1  }
0x20f: {  	s14 =	simm.s32 $0x6280  }
0x210: {  	[tilespmem:s14+$0xFFFFFF80] =	vst v1  }
0x211: {  	v1 =	vld [tilespmem:s13+$0xFFFFFFD0];
	_ =	sdelay $0x4  }
0x212: {  	v1 =	vadd.f32 $1.000000020e-16, v1;
	_ =	sdelay $0x1  }
0x213: {  	(erf) = vrcp.f32 v1;
	_ =	sdelay $0x4  }
0x214: {  	v1 =	vld [tilespmem:s13+$0xFFFFFF90];
	_ =	sdelay $0x3  }
0x215: {  	v2 =	vpop (erf)  }
0x216: {  	v1 =	vmul.f32 v2, v1;
	_ =	sdelay $0x1  }
0x217: {  	[tilespmem:s14+$0xFFFFFF90] =	vst v1  }
0x218: {  	v1 =	vld [tilespmem:s13+$0xFFFFFFE0];
	_ =	sdelay $0x4  }
0x219: {  	v1 =	vadd.f32 $1.000000020e-16, v1;
	_ =	sdelay $0x1  }
0x21a: {  	(erf) = vrcp.f32 v1;
	_ =	sdelay $0x4  }
0x21b: {  	v1 =	vld [tilespmem:s13+$0xFFFFFFA0];
	_ =	sdelay $0x3  }
0x21c: {  	v2 =	vpop (erf)  }
0x21d: {  	v1 =	vmul.f32 v2, v1;
	_ =	sdelay $0x1  }
0x21e: {  	[tilespmem:s14+$0xFFFFFFA0] =	vst v1  }
0x21f: {  	v1 =	vld [tilespmem:s13+$0xFFFFFFF0];
	_ =	sdelay $0x4  }
0x220: {  	v1 =	vadd.f32 $1.000000020e-16, v1;
	_ =	sdelay $0x1  }
0x221: {  	(erf) = vrcp.f32 v1;
	_ =	sdelay $0x4  }
0x222: {  	v1 =	vld [tilespmem:s13+$0xFFFFFFB0];
	_ =	sdelay $0x3  }
0x223: {  	v2 =	vpop (erf)  }
0x224: {  	v1 =	vmul.f32 v2, v1;
	_ =	sdelay $0x1  }
0x225: {  	[tilespmem:s14+$0xFFFFFFB0] =	vst v1  }
0x226: {  	v1 =	vld [tilespmem:s13+$0x40];
	_ =	sdelay $0x4  }
0x227: {  	v1 =	vadd.f32 $1.000000020e-16, v1;
	_ =	sdelay $0x1  }
0x228: {  	(erf) = vrcp.f32 v1;
	_ =	sdelay $0x4  }
0x229: {  	v1 =	vld [tilespmem:s13+$0x0];
	_ =	sdelay $0x3  }
0x22a: {  	v2 =	vpop (erf)  }
0x22b: {  	v1 =	vmul.f32 v2, v1;
	_ =	sdelay $0x1  }
0x22c: {  	[tilespmem:s14+$0x0] =	vst v1  }
0x22d: {  	v1 =	vld [tilespmem:s13+$0x50];
	_ =	sdelay $0x4  }
0x22e: {  	v1 =	vadd.f32 $1.000000020e-16, v1;
	_ =	sdelay $0x1  }
0x22f: {  	(erf) = vrcp.f32 v1;
	_ =	sdelay $0x4  }
0x230: {  	v1 =	vld [tilespmem:s13+$0x10];
	_ =	sdelay $0x3  }
0x231: {  	v2 =	vpop (erf)  }
0x232: {  	v1 =	vmul.f32 v2, v1;
	_ =	sdelay $0x1  }
0x233: {  	[tilespmem:s14+$0x10] =	vst v1  }
0x234: {  	v1 =	vld [tilespmem:s13+$0x60];
	_ =	sdelay $0x4  }
0x235: {  	v1 =	vadd.f32 $1.000000020e-16, v1;
	_ =	sdelay $0x1  }
0x236: {  	(erf) = vrcp.f32 v1;
	_ =	sdelay $0x4  }
0x237: {  	v1 =	vld [tilespmem:s13+$0x20];
	_ =	sdelay $0x3  }
0x238: {  	v2 =	vpop (erf)  }
0x239: {  	v1 =	vmul.f32 v2, v1;
	_ =	sdelay $0x1  }
0x23a: {  	[tilespmem:s14+$0x20] =	vst v1  }
0x23b: {  	v1 =	vld [tilespmem:s13+$0x70];
	_ =	sdelay $0x4  }
0x23c: {  	v1 =	vadd.f32 $1.000000020e-16, v1;
	_ =	sdelay $0x1  }
0x23d: {  	(erf) = vrcp.f32 v1;
	_ =	sdelay $0x4  }
0x23e: {  	v1 =	vld [tilespmem:s13+$0x30];
	_ =	sdelay $0x3  }
0x23f: {  	v2 =	vpop (erf)  }
0x240: {  	s30 =	simm.s32 $0x0;
	v1 =	vmul.f32 v2, v1  }
.LBB2_12:
0x241: {  	_ = 	snop  }
0x242: {  	s30 =	sadd.s32 $0x2, s30;
	s13 =	sadd.s32 $0x100, s13;
	[tilespmem:s14+$0x30] =	vst v1;
	s14 =	sadd.s32 $0x100, s14  }
0x243: {  	p1 =	slt.u32 s30, $0x4E;
	v1 =	vld [tilespmem:s13+$0xFFFFFFC0];
	_ =	sdelay $0x4  }
0x244: {  	v1 =	vadd.f32 $1.000000020e-16, v1;
	_ =	sdelay $0x1  }
0x245: {  	(erf) = vrcp.f32 v1;
	_ =	sdelay $0x4  }
0x246: {  	v1 =	vld [tilespmem:s13+$0xFFFFFF80];
	_ =	sdelay $0x3  }
0x247: {  	v2 =	vpop (erf)  }
0x248: {  	v1 =	vmul.f32 v2, v1;
	_ =	sdelay $0x1  }
0x249: {  	[tilespmem:s14+$0xFFFFFF80] =	vst v1  }
0x24a: {  	v1 =	vld [tilespmem:s13+$0xFFFFFFD0];
	_ =	sdelay $0x4  }
0x24b: {  	v1 =	vadd.f32 $1.000000020e-16, v1;
	_ =	sdelay $0x1  }
0x24c: {  	(erf) = vrcp.f32 v1;
	_ =	sdelay $0x4  }
0x24d: {  	v1 =	vld [tilespmem:s13+$0xFFFFFF90];
	_ =	sdelay $0x3  }
0x24e: {  	v2 =	vpop (erf)  }
0x24f: {  	v1 =	vmul.f32 v2, v1;
	_ =	sdelay $0x1  }
0x250: {  	[tilespmem:s14+$0xFFFFFF90] =	vst v1  }
0x251: {  	v1 =	vld [tilespmem:s13+$0xFFFFFFE0];
	_ =	sdelay $0x4  }
0x252: {  	v1 =	vadd.f32 $1.000000020e-16, v1;
	_ =	sdelay $0x1  }
0x253: {  	(erf) = vrcp.f32 v1;
	_ =	sdelay $0x4  }
0x254: {  	v1 =	vld [tilespmem:s13+$0xFFFFFFA0];
	_ =	sdelay $0x3  }
0x255: {  	v2 =	vpop (erf)  }
0x256: {  	v1 =	vmul.f32 v2, v1;
	_ =	sdelay $0x1  }
0x257: {  	[tilespmem:s14+$0xFFFFFFA0] =	vst v1  }
0x258: {  	v1 =	vld [tilespmem:s13+$0xFFFFFFF0];
	_ =	sdelay $0x4  }
0x259: {  	v1 =	vadd.f32 $1.000000020e-16, v1;
	_ =	sdelay $0x1  }
0x25a: {  	(erf) = vrcp.f32 v1;
	_ =	sdelay $0x4  }
0x25b: {  	v1 =	vld [tilespmem:s13+$0xFFFFFFB0];
	_ =	sdelay $0x3  }
0x25c: {  	v2 =	vpop (erf)  }
0x25d: {  	v1 =	vmul.f32 v2, v1;
	_ =	sdelay $0x1  }
0x25e: {  	[tilespmem:s14+$0xFFFFFFB0] =	vst v1  }
0x25f: {  	v1 =	vld [tilespmem:s13+$0x40];
	_ =	sdelay $0x4  }
0x260: {  	v1 =	vadd.f32 $1.000000020e-16, v1;
	_ =	sdelay $0x1  }
0x261: {  	(erf) = vrcp.f32 v1;
	_ =	sdelay $0x4  }
0x262: {  	v1 =	vld [tilespmem:s13+$0x0];
	_ =	sdelay $0x3  }
0x263: {  	v2 =	vpop (erf)  }
0x264: {  	v1 =	vmul.f32 v2, v1;
	_ =	sdelay $0x1  }
0x265: {  	[tilespmem:s14+$0x0] =	vst v1  }
0x266: {  	v1 =	vld [tilespmem:s13+$0x50]  }
0x267: {  	v2 =	vld [tilespmem:s13+$0x10];
	_ =	sdelay $0x3  }
0x268: {  	v1 =	vadd.f32 $1.000000020e-16, v1;
	_ =	sdelay $0x1  }
0x269: {  	(erf) = vrcp.f32 v1;
	_ =	sdelay $0x8  }
0x26a: {  	v1 =	vpop (erf)  }
0x26b: {  	v1 =	vmul.f32 v1, v2;
	_ =	sdelay $0x1  }
0x26c: {  	[tilespmem:s14+$0x10] =	vst v1  }
0x26d: {  	v1 =	vld [tilespmem:s13+$0x60]  }
0x26e: {  	v2 =	vld [tilespmem:s13+$0x20];
	_ =	sdelay $0x3  }
0x26f: {  	v1 =	vadd.f32 $1.000000020e-16, v1;
	_ =	sdelay $0x1  }
0x270: {  	(erf) = vrcp.f32 v1;
	_ =	sdelay $0x8  }
0x271: {  	v1 =	vpop (erf)  }
0x272: {  	v1 =	vmul.f32 v1, v2;
	_ =	sdelay $0x1  }
0x273: {  	[tilespmem:s14+$0x20] =	vst v1  }
0x274: {  	v1 =	vld [tilespmem:s13+$0x70]  }
0x275: {  	v2 =	vld [tilespmem:s13+$0x30];
	_ =	sdelay $0x3  }
0x276: {  	v1 =	vadd.f32 $1.000000020e-16, v1;
	_ =	sdelay $0x1  }
0x277: {  	(erf) = vrcp.f32 v1;
	_ =	sdelay $0x5  }
.Ltmp9:
0x278: {  	(pc) =	sbr.rel @p1 .LBB2_12-.Ltmp9, $3  }
0x279: {  	_ =	sdelay $0x1  }
0x27a: {  	v1 =	vpop (erf)  }
0x27b: {  	v1 =	vmul.f32 v1, v2  }
0x27c: {  	s4 =	sshll.u32 s4, $0x6  }
0x27d: {  	s4 =	sadd.s32 s15, s4  }
0x27e: {  	s4 =	sshrl.u32 s4, $0x3  }
0x27f: {  	s13 =	simm.s32 $0x6200;
	s4 =	sadd.s32 s9, s4  }
0x280: {  	s30 =	simm.s32 $0x6280;
	[tilespmem:s14+$0x30] =	vst v1;
	s14 =	simm.s32 $0x8;
	s31 =	sadd.s32 $0x0, s4  }
.LBB2_14:
0x281: {  	[hbm4b:s31+s3] =	stream.linear.scatter [tilespmem:s13], [sflag:$0x3], $0x40, $0x38;
	[tilespmem:$0x1E200] =	vst v63  }
0x282: {  	s31 =	smov.u32 s14;
	s13 =	smov.u32 s30;
	p1 =	sne.s32 s14, $0x278  }
.Ltmp10:
0x283: {  	s14 =	sadd.s32 $0x8, s14;
	(pc) =	sbr.rel @p1 .LBB2_14-.Ltmp10, $2  }
0x284: {  	_ =	sdelay $0x2  }
0x285: {  	s30 =	sadd.s32 $0x80, s30;
	s31 =	sadd.s32 s31, s4  }
.Ltmp11:
0x286: {  	(pc) =	sbr.rel .LBB2_16-.Ltmp11, $4  }
0x287: {  	[hbm4b:s31+s3] =	stream.linear.scatter [tilespmem:s13], [sflag:$0x3], $0x40, $0x38;
	[tilespmem:$0x1E200] =	vst v63  }
0x288: {  	_ =	swait.ge [sflag:s18], $0x1400  }
0x289: {  	[sflag:s18] =	ssyncset.done $0x0  }
0x28a: {  	[sflag:s18] =	ssyncadd.s32 $0xFFFFEC00  }
.LBB2_18:
0x28b: {  	_ =	sfence.sel $0x180000  }
0x28c: {  	[bflag:$0x0] =	sbarrier.arrive $0xFFFF  }
0x28d: {  	_ =	strace $0x90000047  }
0x28e: {  	s0 =	stileid.u32;
	[bflag:$0x2] =	sbarrier.arrive $0xFFFF  }
0x28f: {  	p0 =	sne.s32 s0, $0x0;
	s0 =	rddreg [dreg:$0x3]  }
0x290: {  	s0 =	sadd.s32 @!p0 $0x100000, s0  }
0x291: {  	[sflag:s0] =	ssyncadd.tile.s32 @!p0 $0x1;
	_ =	shalt  }
.Lfunc_end2:
_tile_overlayer_lowered:
.L_overlay_start_2:
0x292: {  	(tag) =	ssettag $0x2  }
0x293: {  	s0 =	rddreg [dreg:$0x0];
	s2 =	stileid.u32  }
0x294: {  	s1 =	rddreg [dreg:$0x1];
	p0 =	sne.s32 s2, $0x0  }
0x295: {  	s3 =	rddreg [dreg:$0x2];
	[bflag:$0x3] =	sbarrier.arrive $0xFFFF;
	s2 =	simm.s32 @!p0 $0x1C03  }
0x296: {  	[timem:s3], [sflag:s2] =	dma.local @!p0 [hbm:s0], s1  }
0x297: {  	s0 =	simm.s32 @!p0 $0x3  }
0x298: {  	_ =	swait.ge @!p0 [sflag:s0], s1  }
0x299: {  	s1 =	ssub.s32 @!p0 $0x0, s1;
	[sflag:s0] =	ssyncset.done @!p0 $0x0  }
0x29a: {  	[sflag:s0] =	ssyncadd.s32 @!p0 s1  }
0x29b: {  	[bflag:$0x3] =	sbarrier.arrive $0xFFFF  }
0x29c: {  	_ =	shalt  }

</sc_bundles>
